<compile_context>
chip_gen: v7x
topology: tpu7x:2x2x1
jax: 0.10.2.dev20260603
libtpu: 0.0.44.dev20260713+nightly
codegen_flags: <defaults>
</compile_context>

<pallas_src>
import functools

import jax
import jax.numpy as jnp
from jax import lax
from jax.experimental import pallas as pl
from jax.experimental.pallas import tpu as pltpu
from jax.experimental.pallas import tpu_sc as plsc

_N = 10000
_D = 256
_H = 256
_E = 160000

_NC = 2
_NS = 16
_NB = 80
_BW = 125
_NPH = 2
_NBP = _NB // _NPH
_ROWS_PT = 640
_NPD = 10240
_DEG_SL = _NPD // _NS
_RB = 1000
_GRID = _N // _RB

_mesh = plsc.VectorSubcoreMesh(core_axis_name="c", subcore_axis_name="s")



@functools.partial(
    pl.kernel,
    mesh=_mesh,
    out_type=(jax.ShapeDtypeStruct((_NPD,), jnp.float32),
              jax.ShapeDtypeStruct((_NPD,), jnp.float32)),
    scratch_types=[
        pltpu.VMEM((_NBP, _BW), jnp.int32),
        pltpu.VMEM((_DEG_SL,), jnp.float32),
        pltpu.VMEM_SHARED((_NPD,), jnp.float32),
    ],
)
def _deg_kernel(edges_hbm, dega_hbm, degb_hbm, didx_v, ones_v, deg_shared):
    c = lax.axis_index("c")
    s = lax.axis_index("s")
    sl = pl.ds(s * _DEG_SL, _DEG_SL)

    def count(init_one, phase, deg_hbm):
        def fill(v):
            def body(i, carry):
                ones_v[pl.ds(i * 16, 16)] = jnp.full((16,), v, jnp.float32)
                return carry
            lax.fori_loop(0, _DEG_SL // 16, body, 0)
        if not init_one:
            fill(0.0)
            pltpu.sync_copy(ones_v, deg_shared.at[sl])
        fill(1.0)
        if init_one:
            pltpu.sync_copy(ones_v, deg_shared.at[sl])
        pltpu.sync_copy(edges_hbm.at[1, s, phase], didx_v)
        plsc.subcore_barrier()

        def step(j, carry):
            pltpu.sync_copy(ones_v.at[pl.ds(0, _BW)],
                            deg_shared.at[didx_v.at[j]], add=True)
            return carry
        lax.fori_loop(0, _NBP, step, 0)
        plsc.subcore_barrier()
        pltpu.sync_copy(deg_shared.at[sl], deg_hbm.at[sl])

    @pl.when(c == 0)
    def _():
        count(True, 0, dega_hbm)

    @pl.when(c == 1)
    def _():
        count(False, 1, degb_hbm)


@functools.partial(
    pl.kernel,
    mesh=_mesh,
    out_type=(jax.ShapeDtypeStruct((_N, 128), jnp.float32),
              jax.ShapeDtypeStruct((_N, 128), jnp.float32)),
    scratch_types=[
        pltpu.VMEM((_NBP, _BW), jnp.int32),
        pltpu.VMEM((_NBP, _BW), jnp.int32),
        pltpu.VMEM((_BW, 128), jnp.float32),
        pltpu.VMEM((_BW, 128), jnp.float32),
        pltpu.SemaphoreType.DMA,
        pltpu.SemaphoreType.DMA,
        pltpu.SemaphoreType.DMA,
        pltpu.VMEM_SHARED((_N, 128), jnp.float32),
    ],
)
def _prop_kernel(ma_hbm, mb_hbm, edges_hbm, outa_hbm, outb_hbm,
                 sidx_v, didx_v, rows0_v, rows1_v, sem0, sem1, semi, acc_sh):
    c = lax.axis_index("c")
    s = lax.axis_index("s")

    def per_tile_rows(do):
        @pl.when(s < _NS - 1)
        def _():
            do(s * _ROWS_PT, _ROWS_PT)

        @pl.when(s == _NS - 1)
        def _():
            do((_NS - 1) * _ROWS_PT, _N - (_NS - 1) * _ROWS_PT)

    def flow(mref, oref):
        def init(b, n):
            pltpu.async_copy(mref.at[pl.ds(b, n)], acc_sh.at[pl.ds(b, n)],
                             semi)
        per_tile_rows(init)
        pltpu.sync_copy(edges_hbm.at[0, s, 0], sidx_v)
        pltpu.sync_copy(edges_hbm.at[1, s, 0], didx_v)
        pltpu.async_copy(mref.at[sidx_v.at[0]], rows0_v, sem0)
        pltpu.async_copy(mref.at[sidx_v.at[1]], rows1_v, sem1)

        def init_wait(b, n):
            pltpu.make_async_copy(mref.at[pl.ds(b, n)],
                                  acc_sh.at[pl.ds(b, n)], semi).wait()
        per_tile_rows(init_wait)
        plsc.subcore_barrier()

        def step(i, c2):
            j0 = 2 * i
            pltpu.make_async_copy(mref.at[sidx_v.at[j0]], rows0_v,
                                  sem0).wait()
            pltpu.sync_copy(rows0_v, acc_sh.at[didx_v.at[j0]], add=True)

            @pl.when(i < _NBP // 2 - 1)
            def _():
                pltpu.async_copy(mref.at[sidx_v.at[j0 + 2]], rows0_v, sem0)
            pltpu.make_async_copy(mref.at[sidx_v.at[j0 + 1]], rows1_v,
                                  sem1).wait()
            pltpu.sync_copy(rows1_v, acc_sh.at[didx_v.at[j0 + 1]], add=True)

            @pl.when(i < _NBP // 2 - 1)
            def _():
                pltpu.async_copy(mref.at[sidx_v.at[j0 + 3]], rows1_v, sem1)
            return c2

        for p in range(_NPH):
            lax.fori_loop(0, _NBP // 2, step, 0)
            if p + 1 < _NPH:
                pltpu.sync_copy(edges_hbm.at[0, s, p + 1], sidx_v)
                pltpu.sync_copy(edges_hbm.at[1, s, p + 1], didx_v)
                pltpu.async_copy(mref.at[sidx_v.at[0]], rows0_v, sem0)
                pltpu.async_copy(mref.at[sidx_v.at[1]], rows1_v, sem1)
        plsc.subcore_barrier()

        def writeback(b, n):
            pltpu.sync_copy(acc_sh.at[pl.ds(b, n)], oref.at[pl.ds(b, n)])
        per_tile_rows(writeback)

    @pl.when(c == 0)
    def _():
        flow(ma_hbm, outa_hbm)

    @pl.when(c == 1)
    def _():
        flow(mb_hbm, outb_hbm)



def _k0_body(x_ref, wfc_ref, bfc_ref, w1_ref, dega_ref, degb_ref,
             r0_ref, ma_ref, mb_ref):
    h = jnp.dot(x_ref[...], wfc_ref[...], preferred_element_type=jnp.float32)
    h = jnp.maximum(h + bfc_ref[...], 0.0)
    r0_ref[...] = h.astype(jnp.bfloat16)
    dinv = lax.rsqrt(dega_ref[...] + degb_ref[...])
    m = jnp.dot(h, w1_ref[...], preferred_element_type=jnp.float32) * dinv
    ma_ref[...] = m[:, :128]
    mb_ref[...] = m[:, 128:]


def _layer_body(acca_ref, accb_ref, dega_ref, degb_ref, b_ref, w_ref,
                rprev_ref, r_ref, ma_ref, mb_ref):
    dinv = lax.rsqrt(dega_ref[...] + degb_ref[...])
    a = jnp.concatenate([acca_ref[...], accb_ref[...]], axis=1)
    h = jnp.maximum(a * dinv + b_ref[...], 0.0)
    r_ref[...] = jnp.maximum(rprev_ref[...].astype(jnp.float32),
                             h).astype(jnp.bfloat16)
    m = jnp.dot(h, w_ref[...], preferred_element_type=jnp.float32) * dinv
    ma_ref[...] = m[:, :128]
    mb_ref[...] = m[:, 128:]


def _final_body(acca_ref, accb_ref, dega_ref, degb_ref, b_ref, rprev_ref,
                out_ref):
    dinv = lax.rsqrt(dega_ref[...] + degb_ref[...])
    a = jnp.concatenate([acca_ref[...], accb_ref[...]], axis=1)
    h3 = jnp.maximum(a * dinv + b_ref[...], 0.0)
    out_ref[...] = jnp.maximum(rprev_ref[...].astype(jnp.float32), h3)


_row = pl.BlockSpec((_RB, _H), lambda i: (i, 0))
_half = pl.BlockSpec((_RB, 128), lambda i: (i, 0))
_degs = pl.BlockSpec((_RB, 1), lambda i: (i, 0))
_full = pl.BlockSpec((_H, _H), lambda i: (0, 0))
_bias = pl.BlockSpec((1, _H), lambda i: (0, 0))

_k0 = pl.pallas_call(
    _k0_body,
    grid=(_GRID,),
    in_specs=[_row, _full, _bias, _full, _degs, _degs],
    out_specs=(_row, _half, _half),
    out_shape=(jax.ShapeDtypeStruct((_N, _H), jnp.bfloat16),
               jax.ShapeDtypeStruct((_N, 128), jnp.float32),
               jax.ShapeDtypeStruct((_N, 128), jnp.float32)),
)

_klayer = pl.pallas_call(
    _layer_body,
    grid=(_GRID,),
    in_specs=[_half, _half, _degs, _degs, _bias, _full, _row],
    out_specs=(_row, _half, _half),
    out_shape=(jax.ShapeDtypeStruct((_N, _H), jnp.bfloat16),
               jax.ShapeDtypeStruct((_N, 128), jnp.float32),
               jax.ShapeDtypeStruct((_N, 128), jnp.float32)),
)

_kfinal = pl.pallas_call(
    _final_body,
    grid=(_GRID,),
    in_specs=[_half, _half, _degs, _degs, _bias, _row],
    out_specs=_row,
    out_shape=jax.ShapeDtypeStruct((_N, _H), jnp.float32),
)


def kernel(x, edge_index, W_fc, b_fc, W1, b1, W2, b2, W3, b3):
    edges = edge_index.reshape(2, _NS, _NPH, _NBP, _BW)
    dega, degb = _deg_kernel(edges)
    dega = dega.reshape(_NPD, 1)
    degb = degb.reshape(_NPD, 1)
    r0, m1a, m1b = _k0(x, W_fc, b_fc.reshape(1, _H), W1, dega, degb)
    acc1a, acc1b = _prop_kernel(m1a, m1b, edges)
    r1, m2a, m2b = _klayer(acc1a, acc1b, dega, degb, b1.reshape(1, _H), W2,
                           r0)
    acc2a, acc2b = _prop_kernel(m2a, m2b, edges)
    r2, m3a, m3b = _klayer(acc2a, acc2b, dega, degb, b2.reshape(1, _H), W3,
                           r1)
    acc3a, acc3b = _prop_kernel(m3a, m3b, edges)
    return _kfinal(acc3a, acc3b, dega, degb, b3.reshape(1, _H), r2)

# --- scband reference (transcript-rebuilt; emitter-appended) ---
"""Pipeline reference for scband-jknet-18193481466253 (READ-ONLY COPY).

The authoritative reference and input builder live on the scoring server;
editing this copy changes nothing except your own understanding.
"""

import jax, jax.numpy as jnp
import numpy as np

N = 10000
D = 256
H = 256
E = 160000


def _gcn_conv(x, src, dst, W, b):
    # PyG GCNConv (improved=False): x' = D^-1/2 (A+I) D^-1/2 (x W) + b
    h = x @ W
    loop = jnp.arange(N, dtype=src.dtype)
    s = jnp.concatenate([src, loop])
    d = jnp.concatenate([dst, loop])
    deg = jnp.zeros((N,), dtype=x.dtype).at[d].add(1.0)
    dinv = jnp.where(deg > 0, jax.lax.rsqrt(deg), 0.0)
    norm = dinv[s] * dinv[d]
    msg = h[s] * norm[:, None]
    out = jax.ops.segment_sum(msg, d, num_segments=N)
    return out + b


def setup_inputs(seed: int = 0):
    key = jax.random.key(seed)
    ks = jax.random.split(key, 8)
    x = jax.random.normal(ks[0], (N, D), dtype=jnp.float32)
    edge_index = jax.random.randint(ks[1], (2, E), 0, N, dtype=jnp.int32)
    sc_in = 1.0 / np.sqrt(D)
    sc_h = 1.0 / np.sqrt(H)
    W_fc = jax.random.uniform(ks[2], (D, H), jnp.float32, -sc_in, sc_in)
    b_fc = jnp.zeros((H,), jnp.float32)
    W1 = jax.random.uniform(ks[3], (H, H), jnp.float32, -sc_h, sc_h)
    b1 = jnp.zeros((H,), jnp.float32)
    W2 = jax.random.uniform(ks[4], (H, H), jnp.float32, -sc_h, sc_h)
    b2 = jnp.zeros((H,), jnp.float32)
    W3 = jax.random.uniform(ks[5], (H, H), jnp.float32, -sc_h, sc_h)
    b3 = jnp.zeros((H,), jnp.float32)
    return {"x": x, "edge_index": edge_index, "W_fc": W_fc, "b_fc": b_fc,
            "W1": W1, "b1": b1, "W2": W2, "b2": b2, "W3": W3, "b3": b3}


def reference(x, edge_index, W_fc, b_fc, W1, b1, W2, b2, W3, b3):
    # eval mode: dropout is identity
    src = edge_index[0]
    dst = edge_index[1]
    h = jax.nn.relu(x @ W_fc + b_fc)
    layers = [h]
    for (W, b) in ((W1, b1), (W2, b2), (W3, b3)):
        h = jax.nn.relu(_gcn_conv(h, src, dst, W, b))
        layers.append(h)
    # mode == 'max': elementwise max over jumping-knowledge layers
    return jnp.max(jnp.stack(layers, axis=-1), axis=-1)

if __name__ == "__main__":
    import jax
    _d = setup_inputs()
    print(jax.jit(kernel)(*tuple(_d.values())))

</pallas_src>

<mosaic_0001>
#map = affine_map<(d0, d1) -> (0, 0, 0, 0, 0)>
#map1 = affine_map<(d0, d1) -> (0)>
module attributes {stable_mosaic.version = 14 : i64} {
  func.func @_deg_kernel(%arg0: i32, %arg1: i32, %arg2: memref<2x16x2x40x125xi32, #tpu.memory_space<hbm>>, %arg3: memref<10240xf32, #tpu.memory_space<hbm>>, %arg4: memref<10240xf32, #tpu.memory_space<hbm>>, %arg5: memref<40x125xi32, #tpu.memory_space<vmem>>, %arg6: memref<640xf32, #tpu.memory_space<vmem>>, %arg7: memref<10240xf32, #tpu.memory_space<vmem_shared>>) attributes {dimension_semantics = [#tpu.dimension_semantics<core_parallel>, #tpu.dimension_semantics<subcore_parallel>], iteration_bounds = array<i64: 2, 16>, scalar_prefetch = 0 : i64, scratch_operands = 3 : i64, tpu.core_type = #tpu.core_type<sc_vector_subcore>, window_params = [{transform_indices = #map}, {transform_indices = #map1}, {transform_indices = #map1}]} {
    %mul3A = arith.constant 640 : i32
    %mul3A_0 = arith.muli %arg1, %mul3A : i32
    %eq3A = arith.constant 0 : i32
    %eq3A_1 = arith.cmpi eq, %arg0, %eq3A : i32
    %convert_element_type3A = arith.extui %eq3A_1 : i1 to i32
    %cond3A = arith.constant 0 : i32
    %cond3A_2 = arith.cmpi ne, %convert_element_type3A, %cond3A : i32
    scf.if %cond3A_2 {
      %scan3A = arith.constant 0 : i32
      %scan3A_8 = arith.constant 0 : i32
      %scan3A_9 = arith.constant 40 : i32
      %scan3A_10 = arith.addi %scan3A_8, %scan3A_9 : i32
      %scan3A_11 = arith.constant 1 : i32
      scf.for %scan3A_21 = %scan3A_8 to %scan3A_10 step %scan3A_11  : i32 {
        %broadcast_in_dim3A = arith.constant 1.000000e+00 : f32
        %broadcast_in_dim3A_22 = vector.broadcast %broadcast_in_dim3A : f32 to vector<16xf32>
        %mul3A_23 = arith.constant 16 : i32
        %mul3A_24 = arith.muli %scan3A_21, %mul3A_23 : i32
        %swap3A = arith.index_cast %mul3A_24 : i32 to index
        %swap3A_25 = tpu.vector_load %arg6[%swap3A] {strides = array<i32>} : memref<640xf32, #tpu.memory_space<vmem>>, vector<16xf32>,
        %swap3A_26 = vector.shape_cast %swap3A_25 : vector<16xf32> to vector<16xf32>
        %swap3A_27 = vector.shape_cast %broadcast_in_dim3A_22 : vector<16xf32> to vector<16xf32>
        tpu.vector_store %arg6[%swap3A], %swap3A_27 {strides = array<i32>} : memref<640xf32, #tpu.memory_space<vmem>>, vector<16xf32>,
      }
      %scan3A_12 = arith.constant 40 : i32
      "tpu.region"() ({
        %run_scoped3A_21 = tpu.sem_alloc : memref<!tpu.dma_semaphore, #tpu.memory_space<semaphore_mem>>
        %dma_start3A = tpu.memref_slice %arg7[%mul3A_0] : memref<10240xf32, #tpu.memory_space<vmem_shared>> -> memref<640xf32, #tpu.memory_space<vmem_shared>>
        %dma_start3A_22 = tpu.memref_slice %arg7[%mul3A_0] : memref<10240xf32, #tpu.memory_space<vmem_shared>> -> memref<640xf32, #tpu.memory_space<vmem_shared>>
        tpu.enqueue_dma source(%arg6 : memref<640xf32, #tpu.memory_space<vmem>>) target(%dma_start3A_22 : memref<640xf32, #tpu.memory_space<vmem_shared>>) target_semaphore(%run_scoped3A_21 : memref<!tpu.dma_semaphore, #tpu.memory_space<semaphore_mem>>)
        %dma_wait3A = tpu.memref_slice %arg7[%mul3A_0] : memref<10240xf32, #tpu.memory_space<vmem_shared>> -> memref<640xf32, #tpu.memory_space<vmem_shared>>
        %dma_wait3A_23 = tpu.memref_slice %arg7[%mul3A_0] : memref<10240xf32, #tpu.memory_space<vmem_shared>> -> memref<640xf32, #tpu.memory_space<vmem_shared>>
        tpu.wait_dma2 semaphore(%run_scoped3A_21 : memref<!tpu.dma_semaphore, #tpu.memory_space<semaphore_mem>>) src(%arg6 : memref<640xf32, #tpu.memory_space<vmem>>) dst(%dma_wait3A_23 : memref<640xf32, #tpu.memory_space<vmem_shared>>)
        tpu.yield
      }) : () -> ()
      %run_scoped3A = arith.constant 1 : i32
      %run_scoped3A_13 = arith.constant 0 : i32
      "tpu.region"() ({
        %run_scoped3A_21 = tpu.sem_alloc : memref<!tpu.dma_semaphore, #tpu.memory_space<semaphore_mem>>
        %dma_start3A = arith.constant 0 : i32
        %dma_start3A_22 = arith.constant 0 : i32
        %dma_start3A_23 = tpu.memref_slice %arg2[%run_scoped3A, %arg1, %run_scoped3A_13, %dma_start3A, %dma_start3A_22] : memref<2x16x2x40x125xi32, #tpu.memory_space<hbm>> -> memref<1x1x1x40x125xi32, #tpu.memory_space<hbm>>
        %dma_start3A_24 = tpu.memref_squeeze %dma_start3A_23 : memref<1x1x1x40x125xi32, #tpu.memory_space<hbm>> -> memref<40x125xi32, #tpu.memory_space<hbm>>
        %dma_start3A_25 = arith.constant 0 : i32
        %dma_start3A_26 = arith.constant 0 : i32
        %dma_start3A_27 = tpu.memref_slice %arg2[%run_scoped3A, %arg1, %run_scoped3A_13, %dma_start3A_25, %dma_start3A_26] : memref<2x16x2x40x125xi32, #tpu.memory_space<hbm>> -> memref<1x1x1x40x125xi32, #tpu.memory_space<hbm>>
        %dma_start3A_28 = tpu.memref_squeeze %dma_start3A_27 : memref<1x1x1x40x125xi32, #tpu.memory_space<hbm>> -> memref<40x125xi32, #tpu.memory_space<hbm>>
        tpu.enqueue_dma source(%dma_start3A_28 : memref<40x125xi32, #tpu.memory_space<hbm>>) target(%arg5 : memref<40x125xi32, #tpu.memory_space<vmem>>) target_semaphore(%run_scoped3A_21 : memref<!tpu.dma_semaphore, #tpu.memory_space<semaphore_mem>>)
        %dma_wait3A = arith.constant 0 : i32
        %dma_wait3A_29 = arith.constant 0 : i32
        %dma_wait3A_30 = tpu.memref_slice %arg2[%run_scoped3A, %arg1, %run_scoped3A_13, %dma_wait3A, %dma_wait3A_29] : memref<2x16x2x40x125xi32, #tpu.memory_space<hbm>> -> memref<1x1x1x40x125xi32, #tpu.memory_space<hbm>>
        %dma_wait3A_31 = tpu.memref_squeeze %dma_wait3A_30 : memref<1x1x1x40x125xi32, #tpu.memory_space<hbm>> -> memref<40x125xi32, #tpu.memory_space<hbm>>
        %dma_wait3A_32 = arith.constant 0 : i32
        %dma_wait3A_33 = arith.constant 0 : i32
        %dma_wait3A_34 = tpu.memref_slice %arg2[%run_scoped3A, %arg1, %run_scoped3A_13, %dma_wait3A_32, %dma_wait3A_33] : memref<2x16x2x40x125xi32, #tpu.memory_space<hbm>> -> memref<1x1x1x40x125xi32, #tpu.memory_space<hbm>>
        %dma_wait3A_35 = tpu.memref_squeeze %dma_wait3A_34 : memref<1x1x1x40x125xi32, #tpu.memory_space<hbm>> -> memref<40x125xi32, #tpu.memory_space<hbm>>
        tpu.wait_dma2 semaphore(%run_scoped3A_21 : memref<!tpu.dma_semaphore, #tpu.memory_space<semaphore_mem>>) src(%dma_wait3A_35 : memref<40x125xi32, #tpu.memory_space<hbm>>) dst(%arg5 : memref<40x125xi32, #tpu.memory_space<vmem>>)
        tpu.yield
      }) : () -> ()
      %barrier3A = arith.constant 0 : index
      tpu.barrier barrier_id(%barrier3A)
      %scan3A_14 = arith.constant 0 : i32
      %scan3A_15 = arith.constant 0 : i32
      %scan3A_16 = arith.constant 40 : i32
      %scan3A_17 = arith.addi %scan3A_15, %scan3A_16 : i32
      %scan3A_18 = arith.constant 1 : i32
      scf.for %scan3A_21 = %scan3A_15 to %scan3A_17 step %scan3A_18  : i32 {
        "tpu.region"() ({
          %run_scoped3A_22 = tpu.sem_alloc : memref<!tpu.dma_semaphore, #tpu.memory_space<semaphore_mem>>
          %dma_start3A = arith.constant 0 : i32
          %dma_start3A_23 = tpu.memref_slice %arg6[%dma_start3A] : memref<640xf32, #tpu.memory_space<vmem>> -> memref<125xf32, #tpu.memory_space<vmem>>
          %dma_start3A_24 = arith.constant 0 : i32
          %dma_start3A_25 = tpu.memref_slice %arg5[%scan3A_21, %dma_start3A_24] : memref<40x125xi32, #tpu.memory_space<vmem>> -> memref<1x125xi32, #tpu.memory_space<vmem>>
          %dma_start3A_26 = tpu.memref_squeeze %dma_start3A_25 : memref<1x125xi32, #tpu.memory_space<vmem>> -> memref<125xi32, #tpu.memory_space<vmem>>
          %dma_start3A_27 = arith.constant 0 : i32
          %dma_start3A_28 = tpu.memref_slice %arg7[%dma_start3A_27] : memref<10240xf32, #tpu.memory_space<vmem_shared>> -> memref<10240xf32, #tpu.memory_space<vmem_shared>>
          tpu.enqueue_indirect_dma source(%dma_start3A_23 : memref<125xf32, #tpu.memory_space<vmem>>) target(%dma_start3A_28 : memref<10240xf32, #tpu.memory_space<vmem_shared>>) offsets(%dma_start3A_26 : memref<125xi32, #tpu.memory_space<vmem>>) semaphore(%run_scoped3A_22 : memref<!tpu.dma_semaphore, #tpu.memory_space<semaphore_mem>>) {add = true}
          %dma_wait3A = arith.constant 0 : i32
          %dma_wait3A_29 = tpu.memref_slice %arg6[%dma_wait3A] : memref<640xf32, #tpu.memory_space<vmem>> -> memref<125xf32, #tpu.memory_space<vmem>>
          %dma_wait3A_30 = arith.constant 0 : i32
          %dma_wait3A_31 = tpu.memref_slice %arg5[%scan3A_21, %dma_wait3A_30] : memref<40x125xi32, #tpu.memory_space<vmem>> -> memref<1x125xi32, #tpu.memory_space<vmem>>
          %dma_wait3A_32 = tpu.memref_squeeze %dma_wait3A_31 : memref<1x125xi32, #tpu.memory_space<vmem>> -> memref<125xi32, #tpu.memory_space<vmem>>
          %dma_wait3A_33 = arith.constant 0 : i32
          %dma_wait3A_34 = tpu.memref_slice %arg7[%dma_wait3A_33] : memref<10240xf32, #tpu.memory_space<vmem_shared>> -> memref<10240xf32, #tpu.memory_space<vmem_shared>>
          tpu.wait_indirect_dma semaphore(%run_scoped3A_22 : memref<!tpu.dma_semaphore, #tpu.memory_space<semaphore_mem>>) src(%dma_wait3A_29 : memref<125xf32, #tpu.memory_space<vmem>>) dst(%dma_wait3A_34 : memref<10240xf32, #tpu.memory_space<vmem_shared>>)
          tpu.yield
        }) : () -> ()
      }
      %scan3A_19 = arith.constant 40 : i32
      %barrier3A_20 = arith.constant 0 : index
      tpu.barrier barrier_id(%barrier3A_20)
      "tpu.region"() ({
        %run_scoped3A_21 = tpu.sem_alloc : memref<!tpu.dma_semaphore, #tpu.memory_space<semaphore_mem>>
        %dma_start3A = tpu.memref_slice %arg3[%mul3A_0] : memref<10240xf32, #tpu.memory_space<hbm>> -> memref<640xf32, #tpu.memory_space<hbm>>
        %dma_start3A_22 = tpu.memref_slice %arg7[%mul3A_0] : memref<10240xf32, #tpu.memory_space<vmem_shared>> -> memref<640xf32, #tpu.memory_space<vmem_shared>>
        tpu.enqueue_dma source(%dma_start3A_22 : memref<640xf32, #tpu.memory_space<vmem_shared>>) target(%dma_start3A : memref<640xf32, #tpu.memory_space<hbm>>) target_semaphore(%run_scoped3A_21 : memref<!tpu.dma_semaphore, #tpu.memory_space<semaphore_mem>>)
        %dma_wait3A = tpu.memref_slice %arg3[%mul3A_0] : memref<10240xf32, #tpu.memory_space<hbm>> -> memref<640xf32, #tpu.memory_space<hbm>>
        %dma_wait3A_23 = tpu.memref_slice %arg7[%mul3A_0] : memref<10240xf32, #tpu.memory_space<vmem_shared>> -> memref<640xf32, #tpu.memory_space<vmem_shared>>
        tpu.wait_dma2 semaphore(%run_scoped3A_21 : memref<!tpu.dma_semaphore, #tpu.memory_space<semaphore_mem>>) src(%dma_wait3A_23 : memref<640xf32, #tpu.memory_space<vmem_shared>>) dst(%dma_wait3A : memref<640xf32, #tpu.memory_space<hbm>>)
        tpu.yield
      }) : () -> ()
    } else {
    }
    %eq3A_3 = arith.constant 1 : i32
    %eq3A_4 = arith.cmpi eq, %arg0, %eq3A_3 : i32
    %convert_element_type3A_5 = arith.extui %eq3A_4 : i1 to i32
    %cond3A_6 = arith.constant 0 : i32
    %cond3A_7 = arith.cmpi ne, %convert_element_type3A_5, %cond3A_6 : i32
    scf.if %cond3A_7 {
      %scan3A = arith.constant 0 : i32
      %scan3A_8 = arith.constant 0 : i32
      %scan3A_9 = arith.constant 40 : i32
      %scan3A_10 = arith.addi %scan3A_8, %scan3A_9 : i32
      %scan3A_11 = arith.constant 1 : i32
      scf.for %scan3A_27 = %scan3A_8 to %scan3A_10 step %scan3A_11  : i32 {
        %broadcast_in_dim3A = arith.constant 0.000000e+00 : f32
        %broadcast_in_dim3A_28 = vector.broadcast %broadcast_in_dim3A : f32 to vector<16xf32>
        %mul3A_29 = arith.constant 16 : i32
        %mul3A_30 = arith.muli %scan3A_27, %mul3A_29 : i32
        %swap3A = arith.index_cast %mul3A_30 : i32 to index
        %swap3A_31 = tpu.vector_load %arg6[%swap3A] {strides = array<i32>} : memref<640xf32, #tpu.memory_space<vmem>>, vector<16xf32>,
        %swap3A_32 = vector.shape_cast %swap3A_31 : vector<16xf32> to vector<16xf32>
        %swap3A_33 = vector.shape_cast %broadcast_in_dim3A_28 : vector<16xf32> to vector<16xf32>
        tpu.vector_store %arg6[%swap3A], %swap3A_33 {strides = array<i32>} : memref<640xf32, #tpu.memory_space<vmem>>, vector<16xf32>,
      }
      %scan3A_12 = arith.constant 40 : i32
      "tpu.region"() ({
        %run_scoped3A_27 = tpu.sem_alloc : memref<!tpu.dma_semaphore, #tpu.memory_space<semaphore_mem>>
        %dma_start3A = tpu.memref_slice %arg7[%mul3A_0] : memref<10240xf32, #tpu.memory_space<vmem_shared>> -> memref<640xf32, #tpu.memory_space<vmem_shared>>
        %dma_start3A_28 = tpu.memref_slice %arg7[%mul3A_0] : memref<10240xf32, #tpu.memory_space<vmem_shared>> -> memref<640xf32, #tpu.memory_space<vmem_shared>>
        tpu.enqueue_dma source(%arg6 : memref<640xf32, #tpu.memory_space<vmem>>) target(%dma_start3A_28 : memref<640xf32, #tpu.memory_space<vmem_shared>>) target_semaphore(%run_scoped3A_27 : memref<!tpu.dma_semaphore, #tpu.memory_space<semaphore_mem>>)
        %dma_wait3A = tpu.memref_slice %arg7[%mul3A_0] : memref<10240xf32, #tpu.memory_space<vmem_shared>> -> memref<640xf32, #tpu.memory_space<vmem_shared>>
        %dma_wait3A_29 = tpu.memref_slice %arg7[%mul3A_0] : memref<10240xf32, #tpu.memory_space<vmem_shared>> -> memref<640xf32, #tpu.memory_space<vmem_shared>>
        tpu.wait_dma2 semaphore(%run_scoped3A_27 : memref<!tpu.dma_semaphore, #tpu.memory_space<semaphore_mem>>) src(%arg6 : memref<640xf32, #tpu.memory_space<vmem>>) dst(%dma_wait3A_29 : memref<640xf32, #tpu.memory_space<vmem_shared>>)
        tpu.yield
      }) : () -> ()
      %scan3A_13 = arith.constant 0 : i32
      %scan3A_14 = arith.constant 0 : i32
      %scan3A_15 = arith.constant 40 : i32
      %scan3A_16 = arith.addi %scan3A_14, %scan3A_15 : i32
      %scan3A_17 = arith.constant 1 : i32
      scf.for %scan3A_27 = %scan3A_14 to %scan3A_16 step %scan3A_17  : i32 {
        %broadcast_in_dim3A = arith.constant 1.000000e+00 : f32
        %broadcast_in_dim3A_28 = vector.broadcast %broadcast_in_dim3A : f32 to vector<16xf32>
        %mul3A_29 = arith.constant 16 : i32
        %mul3A_30 = arith.muli %scan3A_27, %mul3A_29 : i32
        %swap3A = arith.index_cast %mul3A_30 : i32 to index
        %swap3A_31 = tpu.vector_load %arg6[%swap3A] {strides = array<i32>} : memref<640xf32, #tpu.memory_space<vmem>>, vector<16xf32>,
        %swap3A_32 = vector.shape_cast %swap3A_31 : vector<16xf32> to vector<16xf32>
        %swap3A_33 = vector.shape_cast %broadcast_in_dim3A_28 : vector<16xf32> to vector<16xf32>
        tpu.vector_store %arg6[%swap3A], %swap3A_33 {strides = array<i32>} : memref<640xf32, #tpu.memory_space<vmem>>, vector<16xf32>,
      }
      %scan3A_18 = arith.constant 40 : i32
      %run_scoped3A = arith.constant 1 : i32
      %run_scoped3A_19 = arith.constant 1 : i32
      "tpu.region"() ({
        %run_scoped3A_27 = tpu.sem_alloc : memref<!tpu.dma_semaphore, #tpu.memory_space<semaphore_mem>>
        %dma_start3A = arith.constant 0 : i32
        %dma_start3A_28 = arith.constant 0 : i32
        %dma_start3A_29 = tpu.memref_slice %arg2[%run_scoped3A, %arg1, %run_scoped3A_19, %dma_start3A, %dma_start3A_28] : memref<2x16x2x40x125xi32, #tpu.memory_space<hbm>> -> memref<1x1x1x40x125xi32, #tpu.memory_space<hbm>>
        %dma_start3A_30 = tpu.memref_squeeze %dma_start3A_29 : memref<1x1x1x40x125xi32, #tpu.memory_space<hbm>> -> memref<40x125xi32, #tpu.memory_space<hbm>>
        %dma_start3A_31 = arith.constant 0 : i32
        %dma_start3A_32 = arith.constant 0 : i32
        %dma_start3A_33 = tpu.memref_slice %arg2[%run_scoped3A, %arg1, %run_scoped3A_19, %dma_start3A_31, %dma_start3A_32] : memref<2x16x2x40x125xi32, #tpu.memory_space<hbm>> -> memref<1x1x1x40x125xi32, #tpu.memory_space<hbm>>
        %dma_start3A_34 = tpu.memref_squeeze %dma_start3A_33 : memref<1x1x1x40x125xi32, #tpu.memory_space<hbm>> -> memref<40x125xi32, #tpu.memory_space<hbm>>
        tpu.enqueue_dma source(%dma_start3A_34 : memref<40x125xi32, #tpu.memory_space<hbm>>) target(%arg5 : memref<40x125xi32, #tpu.memory_space<vmem>>) target_semaphore(%run_scoped3A_27 : memref<!tpu.dma_semaphore, #tpu.memory_space<semaphore_mem>>)
        %dma_wait3A = arith.constant 0 : i32
        %dma_wait3A_35 = arith.constant 0 : i32
        %dma_wait3A_36 = tpu.memref_slice %arg2[%run_scoped3A, %arg1, %run_scoped3A_19, %dma_wait3A, %dma_wait3A_35] : memref<2x16x2x40x125xi32, #tpu.memory_space<hbm>> -> memref<1x1x1x40x125xi32, #tpu.memory_space<hbm>>
        %dma_wait3A_37 = tpu.memref_squeeze %dma_wait3A_36 : memref<1x1x1x40x125xi32, #tpu.memory_space<hbm>> -> memref<40x125xi32, #tpu.memory_space<hbm>>
        %dma_wait3A_38 = arith.constant 0 : i32
        %dma_wait3A_39 = arith.constant 0 : i32
        %dma_wait3A_40 = tpu.memref_slice %arg2[%run_scoped3A, %arg1, %run_scoped3A_19, %dma_wait3A_38, %dma_wait3A_39] : memref<2x16x2x40x125xi32, #tpu.memory_space<hbm>> -> memref<1x1x1x40x125xi32, #tpu.memory_space<hbm>>
        %dma_wait3A_41 = tpu.memref_squeeze %dma_wait3A_40 : memref<1x1x1x40x125xi32, #tpu.memory_space<hbm>> -> memref<40x125xi32, #tpu.memory_space<hbm>>
        tpu.wait_dma2 semaphore(%run_scoped3A_27 : memref<!tpu.dma_semaphore, #tpu.memory_space<semaphore_mem>>) src(%dma_wait3A_41 : memref<40x125xi32, #tpu.memory_space<hbm>>) dst(%arg5 : memref<40x125xi32, #tpu.memory_space<vmem>>)
        tpu.yield
      }) : () -> ()
      %barrier3A = arith.constant 0 : index
      tpu.barrier barrier_id(%barrier3A)
      %scan3A_20 = arith.constant 0 : i32
      %scan3A_21 = arith.constant 0 : i32
      %scan3A_22 = arith.constant 40 : i32
      %scan3A_23 = arith.addi %scan3A_21, %scan3A_22 : i32
      %scan3A_24 = arith.constant 1 : i32
      scf.for %scan3A_27 = %scan3A_21 to %scan3A_23 step %scan3A_24  : i32 {
        "tpu.region"() ({
          %run_scoped3A_28 = tpu.sem_alloc : memref<!tpu.dma_semaphore, #tpu.memory_space<semaphore_mem>>
          %dma_start3A = arith.constant 0 : i32
          %dma_start3A_29 = tpu.memref_slice %arg6[%dma_start3A] : memref<640xf32, #tpu.memory_space<vmem>> -> memref<125xf32, #tpu.memory_space<vmem>>
          %dma_start3A_30 = arith.constant 0 : i32
          %dma_start3A_31 = tpu.memref_slice %arg5[%scan3A_27, %dma_start3A_30] : memref<40x125xi32, #tpu.memory_space<vmem>> -> memref<1x125xi32, #tpu.memory_space<vmem>>
          %dma_start3A_32 = tpu.memref_squeeze %dma_start3A_31 : memref<1x125xi32, #tpu.memory_space<vmem>> -> memref<125xi32, #tpu.memory_space<vmem>>
          %dma_start3A_33 = arith.constant 0 : i32
          %dma_start3A_34 = tpu.memref_slice %arg7[%dma_start3A_33] : memref<10240xf32, #tpu.memory_space<vmem_shared>> -> memref<10240xf32, #tpu.memory_space<vmem_shared>>
          tpu.enqueue_indirect_dma source(%dma_start3A_29 : memref<125xf32, #tpu.memory_space<vmem>>) target(%dma_start3A_34 : memref<10240xf32, #tpu.memory_space<vmem_shared>>) offsets(%dma_start3A_32 : memref<125xi32, #tpu.memory_space<vmem>>) semaphore(%run_scoped3A_28 : memref<!tpu.dma_semaphore, #tpu.memory_space<semaphore_mem>>) {add = true}
          %dma_wait3A = arith.constant 0 : i32
          %dma_wait3A_35 = tpu.memref_slice %arg6[%dma_wait3A] : memref<640xf32, #tpu.memory_space<vmem>> -> memref<125xf32, #tpu.memory_space<vmem>>
          %dma_wait3A_36 = arith.constant 0 : i32
          %dma_wait3A_37 = tpu.memref_slice %arg5[%scan3A_27, %dma_wait3A_36] : memref<40x125xi32, #tpu.memory_space<vmem>> -> memref<1x125xi32, #tpu.memory_space<vmem>>
          %dma_wait3A_38 = tpu.memref_squeeze %dma_wait3A_37 : memref<1x125xi32, #tpu.memory_space<vmem>> -> memref<125xi32, #tpu.memory_space<vmem>>
          %dma_wait3A_39 = arith.constant 0 : i32
          %dma_wait3A_40 = tpu.memref_slice %arg7[%dma_wait3A_39] : memref<10240xf32, #tpu.memory_space<vmem_shared>> -> memref<10240xf32, #tpu.memory_space<vmem_shared>>
          tpu.wait_indirect_dma semaphore(%run_scoped3A_28 : memref<!tpu.dma_semaphore, #tpu.memory_space<semaphore_mem>>) src(%dma_wait3A_35 : memref<125xf32, #tpu.memory_space<vmem>>) dst(%dma_wait3A_40 : memref<10240xf32, #tpu.memory_space<vmem_shared>>)
          tpu.yield
        }) : () -> ()
      }
      %scan3A_25 = arith.constant 40 : i32
      %barrier3A_26 = arith.constant 0 : index
      tpu.barrier barrier_id(%barrier3A_26)
      "tpu.region"() ({
        %run_scoped3A_27 = tpu.sem_alloc : memref<!tpu.dma_semaphore, #tpu.memory_space<semaphore_mem>>
        %dma_start3A = tpu.memref_slice %arg4[%mul3A_0] : memref<10240xf32, #tpu.memory_space<hbm>> -> memref<640xf32, #tpu.memory_space<hbm>>
        %dma_start3A_28 = tpu.memref_slice %arg7[%mul3A_0] : memref<10240xf32, #tpu.memory_space<vmem_shared>> -> memref<640xf32, #tpu.memory_space<vmem_shared>>
        tpu.enqueue_dma source(%dma_start3A_28 : memref<640xf32, #tpu.memory_space<vmem_shared>>) target(%dma_start3A : memref<640xf32, #tpu.memory_space<hbm>>) target_semaphore(%run_scoped3A_27 : memref<!tpu.dma_semaphore, #tpu.memory_space<semaphore_mem>>)
        %dma_wait3A = tpu.memref_slice %arg4[%mul3A_0] : memref<10240xf32, #tpu.memory_space<hbm>> -> memref<640xf32, #tpu.memory_space<hbm>>
        %dma_wait3A_29 = tpu.memref_slice %arg7[%mul3A_0] : memref<10240xf32, #tpu.memory_space<vmem_shared>> -> memref<640xf32, #tpu.memory_space<vmem_shared>>
        tpu.wait_dma2 semaphore(%run_scoped3A_27 : memref<!tpu.dma_semaphore, #tpu.memory_space<semaphore_mem>>) src(%dma_wait3A_29 : memref<640xf32, #tpu.memory_space<vmem_shared>>) dst(%dma_wait3A : memref<640xf32, #tpu.memory_space<hbm>>)
        tpu.yield
      }) : () -> ()
    } else {
    }
    return
  }
}

#map = affine_map<(d0, d1) -> (0, 0)>
#map1 = affine_map<(d0, d1) -> (0, 0, 0, 0, 0)>
module attributes {stable_mosaic.version = 14 : i64} {
  func.func @_prop_kernel(%arg0: i32, %arg1: i32, %arg2: memref<10000x128xf32, #tpu.memory_space<hbm>>, %arg3: memref<10000x128xf32, #tpu.memory_space<hbm>>, %arg4: memref<2x16x2x40x125xi32, #tpu.memory_space<hbm>>, %arg5: memref<10000x128xf32, #tpu.memory_space<hbm>>, %arg6: memref<10000x128xf32, #tpu.memory_space<hbm>>, %arg7: memref<40x125xi32, #tpu.memory_space<vmem>>, %arg8: memref<40x125xi32, #tpu.memory_space<vmem>>, %arg9: memref<125x128xf32, #tpu.memory_space<vmem>>, %arg10: memref<125x128xf32, #tpu.memory_space<vmem>>, %arg11: memref<!tpu.dma_semaphore, #tpu.memory_space<semaphore_mem>>, %arg12: memref<!tpu.dma_semaphore, #tpu.memory_space<semaphore_mem>>, %arg13: memref<!tpu.dma_semaphore, #tpu.memory_space<semaphore_mem>>, %arg14: memref<10000x128xf32, #tpu.memory_space<vmem_shared>>) attributes {dimension_semantics = [#tpu.dimension_semantics<core_parallel>, #tpu.dimension_semantics<subcore_parallel>], iteration_bounds = array<i64: 2, 16>, scalar_prefetch = 0 : i64, scratch_operands = 8 : i64, tpu.core_type = #tpu.core_type<sc_vector_subcore>, window_params = [{transform_indices = #map}, {transform_indices = #map}, {transform_indices = #map1}, {transform_indices = #map}, {transform_indices = #map}]} {
    %eq3A = arith.constant 0 : i32
    %eq3A_0 = arith.cmpi eq, %arg0, %eq3A : i32
    %convert_element_type3A = arith.extui %eq3A_0 : i1 to i32
    %cond3A = arith.constant 0 : i32
    %cond3A_1 = arith.cmpi ne, %convert_element_type3A, %cond3A : i32
    scf.if %cond3A_1 {
      %lt3A = arith.constant 15 : i32
      %lt3A_7 = arith.cmpi slt, %arg1, %lt3A : i32
      %convert_element_type3A_8 = arith.extui %lt3A_7 : i1 to i32
      %cond3A_9 = arith.constant 0 : i32
      %cond3A_10 = arith.cmpi ne, %convert_element_type3A_8, %cond3A_9 : i32
      scf.if %cond3A_10 {
        %mul3A = arith.constant 640 : i32
        %mul3A_82 = arith.muli %arg1, %mul3A : i32
        %dma_start3A_83 = arith.constant 0 : i32
        %dma_start3A_84 = tpu.memref_slice %arg14[%mul3A_82, %dma_start3A_83] : memref<10000x128xf32, #tpu.memory_space<vmem_shared>> -> memref<640x128xf32, #tpu.memory_space<vmem_shared>>
        %dma_start3A_85 = arith.constant 0 : i32
        %dma_start3A_86 = tpu.memref_slice %arg2[%mul3A_82, %dma_start3A_85] : memref<10000x128xf32, #tpu.memory_space<hbm>> -> memref<640x128xf32, #tpu.memory_space<hbm>>
        tpu.enqueue_dma source(%dma_start3A_86 : memref<640x128xf32, #tpu.memory_space<hbm>>) target(%dma_start3A_84 : memref<640x128xf32, #tpu.memory_space<vmem_shared>>) target_semaphore(%arg13 : memref<!tpu.dma_semaphore, #tpu.memory_space<semaphore_mem>>)
      } else {
      }
      %eq3A_11 = arith.constant 15 : i32
      %eq3A_12 = arith.cmpi eq, %arg1, %eq3A_11 : i32
      %convert_element_type3A_13 = arith.extui %eq3A_12 : i1 to i32
      %cond3A_14 = arith.constant 0 : i32
      %cond3A_15 = arith.cmpi ne, %convert_element_type3A_13, %cond3A_14 : i32
      scf.if %cond3A_15 {
        %dma_start3A_82 = arith.constant 9600 : i32
        %dma_start3A_83 = arith.constant 0 : i32
        %dma_start3A_84 = tpu.memref_slice %arg14[%dma_start3A_82, %dma_start3A_83] : memref<10000x128xf32, #tpu.memory_space<vmem_shared>> -> memref<400x128xf32, #tpu.memory_space<vmem_shared>>
        %dma_start3A_85 = arith.constant 9600 : i32
        %dma_start3A_86 = arith.constant 0 : i32
        %dma_start3A_87 = tpu.memref_slice %arg2[%dma_start3A_85, %dma_start3A_86] : memref<10000x128xf32, #tpu.memory_space<hbm>> -> memref<400x128xf32, #tpu.memory_space<hbm>>
        tpu.enqueue_dma source(%dma_start3A_87 : memref<400x128xf32, #tpu.memory_space<hbm>>) target(%dma_start3A_84 : memref<400x128xf32, #tpu.memory_space<vmem_shared>>) target_semaphore(%arg13 : memref<!tpu.dma_semaphore, #tpu.memory_space<semaphore_mem>>)
      } else {
      }
      %run_scoped3A = arith.constant 0 : i32
      %run_scoped3A_16 = arith.constant 0 : i32
      "tpu.region"() ({
        %run_scoped3A_82 = tpu.sem_alloc : memref<!tpu.dma_semaphore, #tpu.memory_space<semaphore_mem>>
        %dma_start3A_83 = arith.constant 0 : i32
        %dma_start3A_84 = arith.constant 0 : i32
        %dma_start3A_85 = tpu.memref_slice %arg4[%run_scoped3A, %arg1, %run_scoped3A_16, %dma_start3A_83, %dma_start3A_84] : memref<2x16x2x40x125xi32, #tpu.memory_space<hbm>> -> memref<1x1x1x40x125xi32, #tpu.memory_space<hbm>>
        %dma_start3A_86 = tpu.memref_squeeze %dma_start3A_85 : memref<1x1x1x40x125xi32, #tpu.memory_space<hbm>> -> memref<40x125xi32, #tpu.memory_space<hbm>>
        %dma_start3A_87 = arith.constant 0 : i32
        %dma_start3A_88 = arith.constant 0 : i32
        %dma_start3A_89 = tpu.memref_slice %arg4[%run_scoped3A, %arg1, %run_scoped3A_16, %dma_start3A_87, %dma_start3A_88] : memref<2x16x2x40x125xi32, #tpu.memory_space<hbm>> -> memref<1x1x1x40x125xi32, #tpu.memory_space<hbm>>
        %dma_start3A_90 = tpu.memref_squeeze %dma_start3A_89 : memref<1x1x1x40x125xi32, #tpu.memory_space<hbm>> -> memref<40x125xi32, #tpu.memory_space<hbm>>
        tpu.enqueue_dma source(%dma_start3A_90 : memref<40x125xi32, #tpu.memory_space<hbm>>) target(%arg7 : memref<40x125xi32, #tpu.memory_space<vmem>>) target_semaphore(%run_scoped3A_82 : memref<!tpu.dma_semaphore, #tpu.memory_space<semaphore_mem>>)
        %dma_wait3A = arith.constant 0 : i32
        %dma_wait3A_91 = arith.constant 0 : i32
        %dma_wait3A_92 = tpu.memref_slice %arg4[%run_scoped3A, %arg1, %run_scoped3A_16, %dma_wait3A, %dma_wait3A_91] : memref<2x16x2x40x125xi32, #tpu.memory_space<hbm>> -> memref<1x1x1x40x125xi32, #tpu.memory_space<hbm>>
        %dma_wait3A_93 = tpu.memref_squeeze %dma_wait3A_92 : memref<1x1x1x40x125xi32, #tpu.memory_space<hbm>> -> memref<40x125xi32, #tpu.memory_space<hbm>>
        %dma_wait3A_94 = arith.constant 0 : i32
        %dma_wait3A_95 = arith.constant 0 : i32
        %dma_wait3A_96 = tpu.memref_slice %arg4[%run_scoped3A, %arg1, %run_scoped3A_16, %dma_wait3A_94, %dma_wait3A_95] : memref<2x16x2x40x125xi32, #tpu.memory_space<hbm>> -> memref<1x1x1x40x125xi32, #tpu.memory_space<hbm>>
        %dma_wait3A_97 = tpu.memref_squeeze %dma_wait3A_96 : memref<1x1x1x40x125xi32, #tpu.memory_space<hbm>> -> memref<40x125xi32, #tpu.memory_space<hbm>>
        tpu.wait_dma2 semaphore(%run_scoped3A_82 : memref<!tpu.dma_semaphore, #tpu.memory_space<semaphore_mem>>) src(%dma_wait3A_97 : memref<40x125xi32, #tpu.memory_space<hbm>>) dst(%arg7 : memref<40x125xi32, #tpu.memory_space<vmem>>)
        tpu.yield
      }) : () -> ()
      %run_scoped3A_17 = arith.constant 1 : i32
      %run_scoped3A_18 = arith.constant 0 : i32
      "tpu.region"() ({
        %run_scoped3A_82 = tpu.sem_alloc : memref<!tpu.dma_semaphore, #tpu.memory_space<semaphore_mem>>
        %dma_start3A_83 = arith.constant 0 : i32
        %dma_start3A_84 = arith.constant 0 : i32
        %dma_start3A_85 = tpu.memref_slice %arg4[%run_scoped3A_17, %arg1, %run_scoped3A_18, %dma_start3A_83, %dma_start3A_84] : memref<2x16x2x40x125xi32, #tpu.memory_space<hbm>> -> memref<1x1x1x40x125xi32, #tpu.memory_space<hbm>>
        %dma_start3A_86 = tpu.memref_squeeze %dma_start3A_85 : memref<1x1x1x40x125xi32, #tpu.memory_space<hbm>> -> memref<40x125xi32, #tpu.memory_space<hbm>>
        %dma_start3A_87 = arith.constant 0 : i32
        %dma_start3A_88 = arith.constant 0 : i32
        %dma_start3A_89 = tpu.memref_slice %arg4[%run_scoped3A_17, %arg1, %run_scoped3A_18, %dma_start3A_87, %dma_start3A_88] : memref<2x16x2x40x125xi32, #tpu.memory_space<hbm>> -> memref<1x1x1x40x125xi32, #tpu.memory_space<hbm>>
        %dma_start3A_90 = tpu.memref_squeeze %dma_start3A_89 : memref<1x1x1x40x125xi32, #tpu.memory_space<hbm>> -> memref<40x125xi32, #tpu.memory_space<hbm>>
        tpu.enqueue_dma source(%dma_start3A_90 : memref<40x125xi32, #tpu.memory_space<hbm>>) target(%arg8 : memref<40x125xi32, #tpu.memory_space<vmem>>) target_semaphore(%run_scoped3A_82 : memref<!tpu.dma_semaphore, #tpu.memory_space<semaphore_mem>>)
        %dma_wait3A = arith.constant 0 : i32
        %dma_wait3A_91 = arith.constant 0 : i32
        %dma_wait3A_92 = tpu.memref_slice %arg4[%run_scoped3A_17, %arg1, %run_scoped3A_18, %dma_wait3A, %dma_wait3A_91] : memref<2x16x2x40x125xi32, #tpu.memory_space<hbm>> -> memref<1x1x1x40x125xi32, #tpu.memory_space<hbm>>
        %dma_wait3A_93 = tpu.memref_squeeze %dma_wait3A_92 : memref<1x1x1x40x125xi32, #tpu.memory_space<hbm>> -> memref<40x125xi32, #tpu.memory_space<hbm>>
        %dma_wait3A_94 = arith.constant 0 : i32
        %dma_wait3A_95 = arith.constant 0 : i32
        %dma_wait3A_96 = tpu.memref_slice %arg4[%run_scoped3A_17, %arg1, %run_scoped3A_18, %dma_wait3A_94, %dma_wait3A_95] : memref<2x16x2x40x125xi32, #tpu.memory_space<hbm>> -> memref<1x1x1x40x125xi32, #tpu.memory_space<hbm>>
        %dma_wait3A_97 = tpu.memref_squeeze %dma_wait3A_96 : memref<1x1x1x40x125xi32, #tpu.memory_space<hbm>> -> memref<40x125xi32, #tpu.memory_space<hbm>>
        tpu.wait_dma2 semaphore(%run_scoped3A_82 : memref<!tpu.dma_semaphore, #tpu.memory_space<semaphore_mem>>) src(%dma_wait3A_97 : memref<40x125xi32, #tpu.memory_space<hbm>>) dst(%arg8 : memref<40x125xi32, #tpu.memory_space<vmem>>)
        tpu.yield
      }) : () -> ()
      %dma_start3A = arith.constant 0 : i32
      %dma_start3A_19 = arith.constant 0 : i32
      %dma_start3A_20 = tpu.memref_slice %arg7[%dma_start3A, %dma_start3A_19] : memref<40x125xi32, #tpu.memory_space<vmem>> -> memref<1x125xi32, #tpu.memory_space<vmem>>
      %dma_start3A_21 = tpu.memref_squeeze %dma_start3A_20 : memref<1x125xi32, #tpu.memory_space<vmem>> -> memref<125xi32, #tpu.memory_space<vmem>>
      %dma_start3A_22 = arith.constant 0 : i32
      %dma_start3A_23 = arith.constant 0 : i32
      %dma_start3A_24 = tpu.memref_slice %arg2[%dma_start3A_22, %dma_start3A_23] : memref<10000x128xf32, #tpu.memory_space<hbm>> -> memref<10000x128xf32, #tpu.memory_space<hbm>>
      tpu.enqueue_indirect_dma source(%dma_start3A_24 : memref<10000x128xf32, #tpu.memory_space<hbm>>) target(%arg9 : memref<125x128xf32, #tpu.memory_space<vmem>>) offsets(%dma_start3A_21 : memref<125xi32, #tpu.memory_space<vmem>>) semaphore(%arg11 : memref<!tpu.dma_semaphore, #tpu.memory_space<semaphore_mem>>)
      %dma_start3A_25 = arith.constant 1 : i32
      %dma_start3A_26 = arith.constant 0 : i32
      %dma_start3A_27 = tpu.memref_slice %arg7[%dma_start3A_25, %dma_start3A_26] : memref<40x125xi32, #tpu.memory_space<vmem>> -> memref<1x125xi32, #tpu.memory_space<vmem>>
      %dma_start3A_28 = tpu.memref_squeeze %dma_start3A_27 : memref<1x125xi32, #tpu.memory_space<vmem>> -> memref<125xi32, #tpu.memory_space<vmem>>
      %dma_start3A_29 = arith.constant 0 : i32
      %dma_start3A_30 = arith.constant 0 : i32
      %dma_start3A_31 = tpu.memref_slice %arg2[%dma_start3A_29, %dma_start3A_30] : memref<10000x128xf32, #tpu.memory_space<hbm>> -> memref<10000x128xf32, #tpu.memory_space<hbm>>
      tpu.enqueue_indirect_dma source(%dma_start3A_31 : memref<10000x128xf32, #tpu.memory_space<hbm>>) target(%arg10 : memref<125x128xf32, #tpu.memory_space<vmem>>) offsets(%dma_start3A_28 : memref<125xi32, #tpu.memory_space<vmem>>) semaphore(%arg12 : memref<!tpu.dma_semaphore, #tpu.memory_space<semaphore_mem>>)
      %lt3A_32 = arith.constant 15 : i32
      %lt3A_33 = arith.cmpi slt, %arg1, %lt3A_32 : i32
      %convert_element_type3A_34 = arith.extui %lt3A_33 : i1 to i32
      %cond3A_35 = arith.constant 0 : i32
      %cond3A_36 = arith.cmpi ne, %convert_element_type3A_34, %cond3A_35 : i32
      scf.if %cond3A_36 {
        %mul3A = arith.constant 640 : i32
        %mul3A_82 = arith.muli %arg1, %mul3A : i32
        %dma_wait3A = arith.constant 0 : i32
        %dma_wait3A_83 = tpu.memref_slice %arg14[%mul3A_82, %dma_wait3A] : memref<10000x128xf32, #tpu.memory_space<vmem_shared>> -> memref<640x128xf32, #tpu.memory_space<vmem_shared>>
        %dma_wait3A_84 = arith.constant 0 : i32
        %dma_wait3A_85 = tpu.memref_slice %arg2[%mul3A_82, %dma_wait3A_84] : memref<10000x128xf32, #tpu.memory_space<hbm>> -> memref<640x128xf32, #tpu.memory_space<hbm>>
        tpu.wait_dma2 semaphore(%arg13 : memref<!tpu.dma_semaphore, #tpu.memory_space<semaphore_mem>>) src(%dma_wait3A_85 : memref<640x128xf32, #tpu.memory_space<hbm>>) dst(%dma_wait3A_83 : memref<640x128xf32, #tpu.memory_space<vmem_shared>>)
      } else {
      }
      %eq3A_37 = arith.constant 15 : i32
      %eq3A_38 = arith.cmpi eq, %arg1, %eq3A_37 : i32
      %convert_element_type3A_39 = arith.extui %eq3A_38 : i1 to i32
      %cond3A_40 = arith.constant 0 : i32
      %cond3A_41 = arith.cmpi ne, %convert_element_type3A_39, %cond3A_40 : i32
      scf.if %cond3A_41 {
        %dma_wait3A = arith.constant 9600 : i32
        %dma_wait3A_82 = arith.constant 0 : i32
        %dma_wait3A_83 = tpu.memref_slice %arg14[%dma_wait3A, %dma_wait3A_82] : memref<10000x128xf32, #tpu.memory_space<vmem_shared>> -> memref<400x128xf32, #tpu.memory_space<vmem_shared>>
        %dma_wait3A_84 = arith.constant 9600 : i32
        %dma_wait3A_85 = arith.constant 0 : i32
        %dma_wait3A_86 = tpu.memref_slice %arg2[%dma_wait3A_84, %dma_wait3A_85] : memref<10000x128xf32, #tpu.memory_space<hbm>> -> memref<400x128xf32, #tpu.memory_space<hbm>>
        tpu.wait_dma2 semaphore(%arg13 : memref<!tpu.dma_semaphore, #tpu.memory_space<semaphore_mem>>) src(%dma_wait3A_86 : memref<400x128xf32, #tpu.memory_space<hbm>>) dst(%dma_wait3A_83 : memref<400x128xf32, #tpu.memory_space<vmem_shared>>)
      } else {
      }
      %barrier3A = arith.constant 0 : index
      tpu.barrier barrier_id(%barrier3A)
      %scan3A = arith.constant 0 : i32
      %scan3A_42 = arith.constant 0 : i32
      %scan3A_43 = arith.constant 20 : i32
      %scan3A_44 = arith.addi %scan3A_42, %scan3A_43 : i32
      %scan3A_45 = arith.constant 1 : i32
      scf.for %scan3A_82 = %scan3A_42 to %scan3A_44 step %scan3A_45  : i32 {
        %mul3A = arith.constant 2 : i32
        %mul3A_83 = arith.muli %mul3A, %scan3A_82 : i32
        %dma_wait3A = arith.constant 0 : i32
        %dma_wait3A_84 = tpu.memref_slice %arg7[%mul3A_83, %dma_wait3A] : memref<40x125xi32, #tpu.memory_space<vmem>> -> memref<1x125xi32, #tpu.memory_space<vmem>>
        %dma_wait3A_85 = tpu.memref_squeeze %dma_wait3A_84 : memref<1x125xi32, #tpu.memory_space<vmem>> -> memref<125xi32, #tpu.memory_space<vmem>>
        %dma_wait3A_86 = arith.constant 0 : i32
        %dma_wait3A_87 = arith.constant 0 : i32
        %dma_wait3A_88 = tpu.memref_slice %arg2[%dma_wait3A_86, %dma_wait3A_87] : memref<10000x128xf32, #tpu.memory_space<hbm>> -> memref<10000x128xf32, #tpu.memory_space<hbm>>
        tpu.wait_indirect_dma semaphore(%arg11 : memref<!tpu.dma_semaphore, #tpu.memory_space<semaphore_mem>>) src(%dma_wait3A_88 : memref<10000x128xf32, #tpu.memory_space<hbm>>) dst(%arg9 : memref<125x128xf32, #tpu.memory_space<vmem>>)
        "tpu.region"() ({
          %run_scoped3A_108 = tpu.sem_alloc : memref<!tpu.dma_semaphore, #tpu.memory_space<semaphore_mem>>
          %dma_start3A_109 = arith.constant 0 : i32
          %dma_start3A_110 = tpu.memref_slice %arg8[%mul3A_83, %dma_start3A_109] : memref<40x125xi32, #tpu.memory_space<vmem>> -> memref<1x125xi32, #tpu.memory_space<vmem>>
          %dma_start3A_111 = tpu.memref_squeeze %dma_start3A_110 : memref<1x125xi32, #tpu.memory_space<vmem>> -> memref<125xi32, #tpu.memory_space<vmem>>
          %dma_start3A_112 = arith.constant 0 : i32
          %dma_start3A_113 = arith.constant 0 : i32
          %dma_start3A_114 = tpu.memref_slice %arg14[%dma_start3A_112, %dma_start3A_113] : memref<10000x128xf32, #tpu.memory_space<vmem_shared>> -> memref<10000x128xf32, #tpu.memory_space<vmem_shared>>
          tpu.enqueue_indirect_dma source(%arg9 : memref<125x128xf32, #tpu.memory_space<vmem>>) target(%dma_start3A_114 : memref<10000x128xf32, #tpu.memory_space<vmem_shared>>) offsets(%dma_start3A_111 : memref<125xi32, #tpu.memory_space<vmem>>) semaphore(%run_scoped3A_108 : memref<!tpu.dma_semaphore, #tpu.memory_space<semaphore_mem>>) {add = true}
          %dma_wait3A_115 = arith.constant 0 : i32
          %dma_wait3A_116 = tpu.memref_slice %arg8[%mul3A_83, %dma_wait3A_115] : memref<40x125xi32, #tpu.memory_space<vmem>> -> memref<1x125xi32, #tpu.memory_space<vmem>>
          %dma_wait3A_117 = tpu.memref_squeeze %dma_wait3A_116 : memref<1x125xi32, #tpu.memory_space<vmem>> -> memref<125xi32, #tpu.memory_space<vmem>>
          %dma_wait3A_118 = arith.constant 0 : i32
          %dma_wait3A_119 = arith.constant 0 : i32
          %dma_wait3A_120 = tpu.memref_slice %arg14[%dma_wait3A_118, %dma_wait3A_119] : memref<10000x128xf32, #tpu.memory_space<vmem_shared>> -> memref<10000x128xf32, #tpu.memory_space<vmem_shared>>
          tpu.wait_indirect_dma semaphore(%run_scoped3A_108 : memref<!tpu.dma_semaphore, #tpu.memory_space<semaphore_mem>>) src(%arg9 : memref<125x128xf32, #tpu.memory_space<vmem>>) dst(%dma_wait3A_120 : memref<10000x128xf32, #tpu.memory_space<vmem_shared>>)
          tpu.yield
        }) : () -> ()
        %lt3A_89 = arith.constant 19 : i32
        %lt3A_90 = arith.cmpi slt, %scan3A_82, %lt3A_89 : i32
        %convert_element_type3A_91 = arith.extui %lt3A_90 : i1 to i32
        %cond3A_92 = arith.constant 0 : i32
        %cond3A_93 = arith.cmpi ne, %convert_element_type3A_91, %cond3A_92 : i32
        scf.if %cond3A_93 {
          %add3A_108 = arith.constant 2 : i32
          %add3A_109 = arith.addi %mul3A_83, %add3A_108 : i32
          %dma_start3A_110 = arith.constant 0 : i32
          %dma_start3A_111 = tpu.memref_slice %arg7[%add3A_109, %dma_start3A_110] : memref<40x125xi32, #tpu.memory_space<vmem>> -> memref<1x125xi32, #tpu.memory_space<vmem>>
          %dma_start3A_112 = tpu.memref_squeeze %dma_start3A_111 : memref<1x125xi32, #tpu.memory_space<vmem>> -> memref<125xi32, #tpu.memory_space<vmem>>
          %dma_start3A_113 = arith.constant 0 : i32
          %dma_start3A_114 = arith.constant 0 : i32
          %dma_start3A_115 = tpu.memref_slice %arg2[%dma_start3A_113, %dma_start3A_114] : memref<10000x128xf32, #tpu.memory_space<hbm>> -> memref<10000x128xf32, #tpu.memory_space<hbm>>
          tpu.enqueue_indirect_dma source(%dma_start3A_115 : memref<10000x128xf32, #tpu.memory_space<hbm>>) target(%arg9 : memref<125x128xf32, #tpu.memory_space<vmem>>) offsets(%dma_start3A_112 : memref<125xi32, #tpu.memory_space<vmem>>) semaphore(%arg11 : memref<!tpu.dma_semaphore, #tpu.memory_space<semaphore_mem>>)
        } else {
        }
        %add3A = arith.constant 1 : i32
        %add3A_94 = arith.addi %mul3A_83, %add3A : i32
        %dma_wait3A_95 = arith.constant 0 : i32
        %dma_wait3A_96 = tpu.memref_slice %arg7[%add3A_94, %dma_wait3A_95] : memref<40x125xi32, #tpu.memory_space<vmem>> -> memref<1x125xi32, #tpu.memory_space<vmem>>
        %dma_wait3A_97 = tpu.memref_squeeze %dma_wait3A_96 : memref<1x125xi32, #tpu.memory_space<vmem>> -> memref<125xi32, #tpu.memory_space<vmem>>
        %dma_wait3A_98 = arith.constant 0 : i32
        %dma_wait3A_99 = arith.constant 0 : i32
        %dma_wait3A_100 = tpu.memref_slice %arg2[%dma_wait3A_98, %dma_wait3A_99] : memref<10000x128xf32, #tpu.memory_space<hbm>> -> memref<10000x128xf32, #tpu.memory_space<hbm>>
        tpu.wait_indirect_dma semaphore(%arg12 : memref<!tpu.dma_semaphore, #tpu.memory_space<semaphore_mem>>) src(%dma_wait3A_100 : memref<10000x128xf32, #tpu.memory_space<hbm>>) dst(%arg10 : memref<125x128xf32, #tpu.memory_space<vmem>>)
        %add3A_101 = arith.constant 1 : i32
        %add3A_102 = arith.addi %mul3A_83, %add3A_101 : i32
        "tpu.region"() ({
          %run_scoped3A_108 = tpu.sem_alloc : memref<!tpu.dma_semaphore, #tpu.memory_space<semaphore_mem>>
          %dma_start3A_109 = arith.constant 0 : i32
          %dma_start3A_110 = tpu.memref_slice %arg8[%add3A_102, %dma_start3A_109] : memref<40x125xi32, #tpu.memory_space<vmem>> -> memref<1x125xi32, #tpu.memory_space<vmem>>
          %dma_start3A_111 = tpu.memref_squeeze %dma_start3A_110 : memref<1x125xi32, #tpu.memory_space<vmem>> -> memref<125xi32, #tpu.memory_space<vmem>>
          %dma_start3A_112 = arith.constant 0 : i32
          %dma_start3A_113 = arith.constant 0 : i32
          %dma_start3A_114 = tpu.memref_slice %arg14[%dma_start3A_112, %dma_start3A_113] : memref<10000x128xf32, #tpu.memory_space<vmem_shared>> -> memref<10000x128xf32, #tpu.memory_space<vmem_shared>>
          tpu.enqueue_indirect_dma source(%arg10 : memref<125x128xf32, #tpu.memory_space<vmem>>) target(%dma_start3A_114 : memref<10000x128xf32, #tpu.memory_space<vmem_shared>>) offsets(%dma_start3A_111 : memref<125xi32, #tpu.memory_space<vmem>>) semaphore(%run_scoped3A_108 : memref<!tpu.dma_semaphore, #tpu.memory_space<semaphore_mem>>) {add = true}
          %dma_wait3A_115 = arith.constant 0 : i32
          %dma_wait3A_116 = tpu.memref_slice %arg8[%add3A_102, %dma_wait3A_115] : memref<40x125xi32, #tpu.memory_space<vmem>> -> memref<1x125xi32, #tpu.memory_space<vmem>>
          %dma_wait3A_117 = tpu.memref_squeeze %dma_wait3A_116 : memref<1x125xi32, #tpu.memory_space<vmem>> -> memref<125xi32, #tpu.memory_space<vmem>>
          %dma_wait3A_118 = arith.constant 0 : i32
          %dma_wait3A_119 = arith.constant 0 : i32
          %dma_wait3A_120 = tpu.memref_slice %arg14[%dma_wait3A_118, %dma_wait3A_119] : memref<10000x128xf32, #tpu.memory_space<vmem_shared>> -> memref<10000x128xf32, #tpu.memory_space<vmem_shared>>
          tpu.wait_indirect_dma semaphore(%run_scoped3A_108 : memref<!tpu.dma_semaphore, #tpu.memory_space<semaphore_mem>>) src(%arg10 : memref<125x128xf32, #tpu.memory_space<vmem>>) dst(%dma_wait3A_120 : memref<10000x128xf32, #tpu.memory_space<vmem_shared>>)
          tpu.yield
        }) : () -> ()
        %lt3A_103 = arith.constant 19 : i32
        %lt3A_104 = arith.cmpi slt, %scan3A_82, %lt3A_103 : i32
        %convert_element_type3A_105 = arith.extui %lt3A_104 : i1 to i32
        %cond3A_106 = arith.constant 0 : i32
        %cond3A_107 = arith.cmpi ne, %convert_element_type3A_105, %cond3A_106 : i32
        scf.if %cond3A_107 {
          %add3A_108 = arith.constant 3 : i32
          %add3A_109 = arith.addi %mul3A_83, %add3A_108 : i32
          %dma_start3A_110 = arith.constant 0 : i32
          %dma_start3A_111 = tpu.memref_slice %arg7[%add3A_109, %dma_start3A_110] : memref<40x125xi32, #tpu.memory_space<vmem>> -> memref<1x125xi32, #tpu.memory_space<vmem>>
          %dma_start3A_112 = tpu.memref_squeeze %dma_start3A_111 : memref<1x125xi32, #tpu.memory_space<vmem>> -> memref<125xi32, #tpu.memory_space<vmem>>
          %dma_start3A_113 = arith.constant 0 : i32
          %dma_start3A_114 = arith.constant 0 : i32
          %dma_start3A_115 = tpu.memref_slice %arg2[%dma_start3A_113, %dma_start3A_114] : memref<10000x128xf32, #tpu.memory_space<hbm>> -> memref<10000x128xf32, #tpu.memory_space<hbm>>
          tpu.enqueue_indirect_dma source(%dma_start3A_115 : memref<10000x128xf32, #tpu.memory_space<hbm>>) target(%arg10 : memref<125x128xf32, #tpu.memory_space<vmem>>) offsets(%dma_start3A_112 : memref<125xi32, #tpu.memory_space<vmem>>) semaphore(%arg12 : memref<!tpu.dma_semaphore, #tpu.memory_space<semaphore_mem>>)
        } else {
        }
      }
      %scan3A_46 = arith.constant 20 : i32
      %run_scoped3A_47 = arith.constant 0 : i32
      %run_scoped3A_48 = arith.constant 1 : i32
      "tpu.region"() ({
        %run_scoped3A_82 = tpu.sem_alloc : memref<!tpu.dma_semaphore, #tpu.memory_space<semaphore_mem>>
        %dma_start3A_83 = arith.constant 0 : i32
        %dma_start3A_84 = arith.constant 0 : i32
        %dma_start3A_85 = tpu.memref_slice %arg4[%run_scoped3A_47, %arg1, %run_scoped3A_48, %dma_start3A_83, %dma_start3A_84] : memref<2x16x2x40x125xi32, #tpu.memory_space<hbm>> -> memref<1x1x1x40x125xi32, #tpu.memory_space<hbm>>
        %dma_start3A_86 = tpu.memref_squeeze %dma_start3A_85 : memref<1x1x1x40x125xi32, #tpu.memory_space<hbm>> -> memref<40x125xi32, #tpu.memory_space<hbm>>
        %dma_start3A_87 = arith.constant 0 : i32
        %dma_start3A_88 = arith.constant 0 : i32
        %dma_start3A_89 = tpu.memref_slice %arg4[%run_scoped3A_47, %arg1, %run_scoped3A_48, %dma_start3A_87, %dma_start3A_88] : memref<2x16x2x40x125xi32, #tpu.memory_space<hbm>> -> memref<1x1x1x40x125xi32, #tpu.memory_space<hbm>>
        %dma_start3A_90 = tpu.memref_squeeze %dma_start3A_89 : memref<1x1x1x40x125xi32, #tpu.memory_space<hbm>> -> memref<40x125xi32, #tpu.memory_space<hbm>>
        tpu.enqueue_dma source(%dma_start3A_90 : memref<40x125xi32, #tpu.memory_space<hbm>>) target(%arg7 : memref<40x125xi32, #tpu.memory_space<vmem>>) target_semaphore(%run_scoped3A_82 : memref<!tpu.dma_semaphore, #tpu.memory_space<semaphore_mem>>)
        %dma_wait3A = arith.constant 0 : i32
        %dma_wait3A_91 = arith.constant 0 : i32
        %dma_wait3A_92 = tpu.memref_slice %arg4[%run_scoped3A_47, %arg1, %run_scoped3A_48, %dma_wait3A, %dma_wait3A_91] : memref<2x16x2x40x125xi32, #tpu.memory_space<hbm>> -> memref<1x1x1x40x125xi32, #tpu.memory_space<hbm>>
        %dma_wait3A_93 = tpu.memref_squeeze %dma_wait3A_92 : memref<1x1x1x40x125xi32, #tpu.memory_space<hbm>> -> memref<40x125xi32, #tpu.memory_space<hbm>>
        %dma_wait3A_94 = arith.constant 0 : i32
        %dma_wait3A_95 = arith.constant 0 : i32
        %dma_wait3A_96 = tpu.memref_slice %arg4[%run_scoped3A_47, %arg1, %run_scoped3A_48, %dma_wait3A_94, %dma_wait3A_95] : memref<2x16x2x40x125xi32, #tpu.memory_space<hbm>> -> memref<1x1x1x40x125xi32, #tpu.memory_space<hbm>>
        %dma_wait3A_97 = tpu.memref_squeeze %dma_wait3A_96 : memref<1x1x1x40x125xi32, #tpu.memory_space<hbm>> -> memref<40x125xi32, #tpu.memory_space<hbm>>
        tpu.wait_dma2 semaphore(%run_scoped3A_82 : memref<!tpu.dma_semaphore, #tpu.memory_space<semaphore_mem>>) src(%dma_wait3A_97 : memref<40x125xi32, #tpu.memory_space<hbm>>) dst(%arg7 : memref<40x125xi32, #tpu.memory_space<vmem>>)
        tpu.yield
      }) : () -> ()
      %run_scoped3A_49 = arith.constant 1 : i32
      %run_scoped3A_50 = arith.constant 1 : i32
      "tpu.region"() ({
        %run_scoped3A_82 = tpu.sem_alloc : memref<!tpu.dma_semaphore, #tpu.memory_space<semaphore_mem>>
        %dma_start3A_83 = arith.constant 0 : i32
        %dma_start3A_84 = arith.constant 0 : i32
        %dma_start3A_85 = tpu.memref_slice %arg4[%run_scoped3A_49, %arg1, %run_scoped3A_50, %dma_start3A_83, %dma_start3A_84] : memref<2x16x2x40x125xi32, #tpu.memory_space<hbm>> -> memref<1x1x1x40x125xi32, #tpu.memory_space<hbm>>
        %dma_start3A_86 = tpu.memref_squeeze %dma_start3A_85 : memref<1x1x1x40x125xi32, #tpu.memory_space<hbm>> -> memref<40x125xi32, #tpu.memory_space<hbm>>
        %dma_start3A_87 = arith.constant 0 : i32
        %dma_start3A_88 = arith.constant 0 : i32
        %dma_start3A_89 = tpu.memref_slice %arg4[%run_scoped3A_49, %arg1, %run_scoped3A_50, %dma_start3A_87, %dma_start3A_88] : memref<2x16x2x40x125xi32, #tpu.memory_space<hbm>> -> memref<1x1x1x40x125xi32, #tpu.memory_space<hbm>>
        %dma_start3A_90 = tpu.memref_squeeze %dma_start3A_89 : memref<1x1x1x40x125xi32, #tpu.memory_space<hbm>> -> memref<40x125xi32, #tpu.memory_space<hbm>>
        tpu.enqueue_dma source(%dma_start3A_90 : memref<40x125xi32, #tpu.memory_space<hbm>>) target(%arg8 : memref<40x125xi32, #tpu.memory_space<vmem>>) target_semaphore(%run_scoped3A_82 : memref<!tpu.dma_semaphore, #tpu.memory_space<semaphore_mem>>)
        %dma_wait3A = arith.constant 0 : i32
        %dma_wait3A_91 = arith.constant 0 : i32
        %dma_wait3A_92 = tpu.memref_slice %arg4[%run_scoped3A_49, %arg1, %run_scoped3A_50, %dma_wait3A, %dma_wait3A_91] : memref<2x16x2x40x125xi32, #tpu.memory_space<hbm>> -> memref<1x1x1x40x125xi32, #tpu.memory_space<hbm>>
        %dma_wait3A_93 = tpu.memref_squeeze %dma_wait3A_92 : memref<1x1x1x40x125xi32, #tpu.memory_space<hbm>> -> memref<40x125xi32, #tpu.memory_space<hbm>>
        %dma_wait3A_94 = arith.constant 0 : i32
        %dma_wait3A_95 = arith.constant 0 : i32
        %dma_wait3A_96 = tpu.memref_slice %arg4[%run_scoped3A_49, %arg1, %run_scoped3A_50, %dma_wait3A_94, %dma_wait3A_95] : memref<2x16x2x40x125xi32, #tpu.memory_space<hbm>> -> memref<1x1x1x40x125xi32, #tpu.memory_space<hbm>>
        %dma_wait3A_97 = tpu.memref_squeeze %dma_wait3A_96 : memref<1x1x1x40x125xi32, #tpu.memory_space<hbm>> -> memref<40x125xi32, #tpu.memory_space<hbm>>
        tpu.wait_dma2 semaphore(%run_scoped3A_82 : memref<!tpu.dma_semaphore, #tpu.memory_space<semaphore_mem>>) src(%dma_wait3A_97 : memref<40x125xi32, #tpu.memory_space<hbm>>) dst(%arg8 : memref<40x125xi32, #tpu.memory_space<vmem>>)
        tpu.yield
      }) : () -> ()
      %dma_start3A_51 = arith.constant 0 : i32
      %dma_start3A_52 = arith.constant 0 : i32
      %dma_start3A_53 = tpu.memref_slice %arg7[%dma_start3A_51, %dma_start3A_52] : memref<40x125xi32, #tpu.memory_space<vmem>> -> memref<1x125xi32, #tpu.memory_space<vmem>>
      %dma_start3A_54 = tpu.memref_squeeze %dma_start3A_53 : memref<1x125xi32, #tpu.memory_space<vmem>> -> memref<125xi32, #tpu.memory_space<vmem>>
      %dma_start3A_55 = arith.constant 0 : i32
      %dma_start3A_56 = arith.constant 0 : i32
      %dma_start3A_57 = tpu.memref_slice %arg2[%dma_start3A_55, %dma_start3A_56] : memref<10000x128xf32, #tpu.memory_space<hbm>> -> memref<10000x128xf32, #tpu.memory_space<hbm>>
      tpu.enqueue_indirect_dma source(%dma_start3A_57 : memref<10000x128xf32, #tpu.memory_space<hbm>>) target(%arg9 : memref<125x128xf32, #tpu.memory_space<vmem>>) offsets(%dma_start3A_54 : memref<125xi32, #tpu.memory_space<vmem>>) semaphore(%arg11 : memref<!tpu.dma_semaphore, #tpu.memory_space<semaphore_mem>>)
      %dma_start3A_58 = arith.constant 1 : i32
      %dma_start3A_59 = arith.constant 0 : i32
      %dma_start3A_60 = tpu.memref_slice %arg7[%dma_start3A_58, %dma_start3A_59] : memref<40x125xi32, #tpu.memory_space<vmem>> -> memref<1x125xi32, #tpu.memory_space<vmem>>
      %dma_start3A_61 = tpu.memref_squeeze %dma_start3A_60 : memref<1x125xi32, #tpu.memory_space<vmem>> -> memref<125xi32, #tpu.memory_space<vmem>>
      %dma_start3A_62 = arith.constant 0 : i32
      %dma_start3A_63 = arith.constant 0 : i32
      %dma_start3A_64 = tpu.memref_slice %arg2[%dma_start3A_62, %dma_start3A_63] : memref<10000x128xf32, #tpu.memory_space<hbm>> -> memref<10000x128xf32, #tpu.memory_space<hbm>>
      tpu.enqueue_indirect_dma source(%dma_start3A_64 : memref<10000x128xf32, #tpu.memory_space<hbm>>) target(%arg10 : memref<125x128xf32, #tpu.memory_space<vmem>>) offsets(%dma_start3A_61 : memref<125xi32, #tpu.memory_space<vmem>>) semaphore(%arg12 : memref<!tpu.dma_semaphore, #tpu.memory_space<semaphore_mem>>)
      %scan3A_65 = arith.constant 0 : i32
      %scan3A_66 = arith.constant 0 : i32
      %scan3A_67 = arith.constant 20 : i32
      %scan3A_68 = arith.addi %scan3A_66, %scan3A_67 : i32
      %scan3A_69 = arith.constant 1 : i32
      scf.for %scan3A_82 = %scan3A_66 to %scan3A_68 step %scan3A_69  : i32 {
        %mul3A = arith.constant 2 : i32
        %mul3A_83 = arith.muli %mul3A, %scan3A_82 : i32
        %dma_wait3A = arith.constant 0 : i32
        %dma_wait3A_84 = tpu.memref_slice %arg7[%mul3A_83, %dma_wait3A] : memref<40x125xi32, #tpu.memory_space<vmem>> -> memref<1x125xi32, #tpu.memory_space<vmem>>
        %dma_wait3A_85 = tpu.memref_squeeze %dma_wait3A_84 : memref<1x125xi32, #tpu.memory_space<vmem>> -> memref<125xi32, #tpu.memory_space<vmem>>
        %dma_wait3A_86 = arith.constant 0 : i32
        %dma_wait3A_87 = arith.constant 0 : i32
        %dma_wait3A_88 = tpu.memref_slice %arg2[%dma_wait3A_86, %dma_wait3A_87] : memref<10000x128xf32, #tpu.memory_space<hbm>> -> memref<10000x128xf32, #tpu.memory_space<hbm>>
        tpu.wait_indirect_dma semaphore(%arg11 : memref<!tpu.dma_semaphore, #tpu.memory_space<semaphore_mem>>) src(%dma_wait3A_88 : memref<10000x128xf32, #tpu.memory_space<hbm>>) dst(%arg9 : memref<125x128xf32, #tpu.memory_space<vmem>>)
        "tpu.region"() ({
          %run_scoped3A_108 = tpu.sem_alloc : memref<!tpu.dma_semaphore, #tpu.memory_space<semaphore_mem>>
          %dma_start3A_109 = arith.constant 0 : i32
          %dma_start3A_110 = tpu.memref_slice %arg8[%mul3A_83, %dma_start3A_109] : memref<40x125xi32, #tpu.memory_space<vmem>> -> memref<1x125xi32, #tpu.memory_space<vmem>>
          %dma_start3A_111 = tpu.memref_squeeze %dma_start3A_110 : memref<1x125xi32, #tpu.memory_space<vmem>> -> memref<125xi32, #tpu.memory_space<vmem>>
          %dma_start3A_112 = arith.constant 0 : i32
          %dma_start3A_113 = arith.constant 0 : i32
          %dma_start3A_114 = tpu.memref_slice %arg14[%dma_start3A_112, %dma_start3A_113] : memref<10000x128xf32, #tpu.memory_space<vmem_shared>> -> memref<10000x128xf32, #tpu.memory_space<vmem_shared>>
          tpu.enqueue_indirect_dma source(%arg9 : memref<125x128xf32, #tpu.memory_space<vmem>>) target(%dma_start3A_114 : memref<10000x128xf32, #tpu.memory_space<vmem_shared>>) offsets(%dma_start3A_111 : memref<125xi32, #tpu.memory_space<vmem>>) semaphore(%run_scoped3A_108 : memref<!tpu.dma_semaphore, #tpu.memory_space<semaphore_mem>>) {add = true}
          %dma_wait3A_115 = arith.constant 0 : i32
          %dma_wait3A_116 = tpu.memref_slice %arg8[%mul3A_83, %dma_wait3A_115] : memref<40x125xi32, #tpu.memory_space<vmem>> -> memref<1x125xi32, #tpu.memory_space<vmem>>
          %dma_wait3A_117 = tpu.memref_squeeze %dma_wait3A_116 : memref<1x125xi32, #tpu.memory_space<vmem>> -> memref<125xi32, #tpu.memory_space<vmem>>
          %dma_wait3A_118 = arith.constant 0 : i32
          %dma_wait3A_119 = arith.constant 0 : i32
          %dma_wait3A_120 = tpu.memref_slice %arg14[%dma_wait3A_118, %dma_wait3A_119] : memref<10000x128xf32, #tpu.memory_space<vmem_shared>> -> memref<10000x128xf32, #tpu.memory_space<vmem_shared>>
          tpu.wait_indirect_dma semaphore(%run_scoped3A_108 : memref<!tpu.dma_semaphore, #tpu.memory_space<semaphore_mem>>) src(%arg9 : memref<125x128xf32, #tpu.memory_space<vmem>>) dst(%dma_wait3A_120 : memref<10000x128xf32, #tpu.memory_space<vmem_shared>>)
          tpu.yield
        }) : () -> ()
        %lt3A_89 = arith.constant 19 : i32
        %lt3A_90 = arith.cmpi slt, %scan3A_82, %lt3A_89 : i32
        %convert_element_type3A_91 = arith.extui %lt3A_90 : i1 to i32
        %cond3A_92 = arith.constant 0 : i32
        %cond3A_93 = arith.cmpi ne, %convert_element_type3A_91, %cond3A_92 : i32
        scf.if %cond3A_93 {
          %add3A_108 = arith.constant 2 : i32
          %add3A_109 = arith.addi %mul3A_83, %add3A_108 : i32
          %dma_start3A_110 = arith.constant 0 : i32
          %dma_start3A_111 = tpu.memref_slice %arg7[%add3A_109, %dma_start3A_110] : memref<40x125xi32, #tpu.memory_space<vmem>> -> memref<1x125xi32, #tpu.memory_space<vmem>>
          %dma_start3A_112 = tpu.memref_squeeze %dma_start3A_111 : memref<1x125xi32, #tpu.memory_space<vmem>> -> memref<125xi32, #tpu.memory_space<vmem>>
          %dma_start3A_113 = arith.constant 0 : i32
          %dma_start3A_114 = arith.constant 0 : i32
          %dma_start3A_115 = tpu.memref_slice %arg2[%dma_start3A_113, %dma_start3A_114] : memref<10000x128xf32, #tpu.memory_space<hbm>> -> memref<10000x128xf32, #tpu.memory_space<hbm>>
          tpu.enqueue_indirect_dma source(%dma_start3A_115 : memref<10000x128xf32, #tpu.memory_space<hbm>>) target(%arg9 : memref<125x128xf32, #tpu.memory_space<vmem>>) offsets(%dma_start3A_112 : memref<125xi32, #tpu.memory_space<vmem>>) semaphore(%arg11 : memref<!tpu.dma_semaphore, #tpu.memory_space<semaphore_mem>>)
        } else {
        }
        %add3A = arith.constant 1 : i32
        %add3A_94 = arith.addi %mul3A_83, %add3A : i32
        %dma_wait3A_95 = arith.constant 0 : i32
        %dma_wait3A_96 = tpu.memref_slice %arg7[%add3A_94, %dma_wait3A_95] : memref<40x125xi32, #tpu.memory_space<vmem>> -> memref<1x125xi32, #tpu.memory_space<vmem>>
        %dma_wait3A_97 = tpu.memref_squeeze %dma_wait3A_96 : memref<1x125xi32, #tpu.memory_space<vmem>> -> memref<125xi32, #tpu.memory_space<vmem>>
        %dma_wait3A_98 = arith.constant 0 : i32
        %dma_wait3A_99 = arith.constant 0 : i32
        %dma_wait3A_100 = tpu.memref_slice %arg2[%dma_wait3A_98, %dma_wait3A_99] : memref<10000x128xf32, #tpu.memory_space<hbm>> -> memref<10000x128xf32, #tpu.memory_space<hbm>>
        tpu.wait_indirect_dma semaphore(%arg12 : memref<!tpu.dma_semaphore, #tpu.memory_space<semaphore_mem>>) src(%dma_wait3A_100 : memref<10000x128xf32, #tpu.memory_space<hbm>>) dst(%arg10 : memref<125x128xf32, #tpu.memory_space<vmem>>)
        %add3A_101 = arith.constant 1 : i32
        %add3A_102 = arith.addi %mul3A_83, %add3A_101 : i32
        "tpu.region"() ({
          %run_scoped3A_108 = tpu.sem_alloc : memref<!tpu.dma_semaphore, #tpu.memory_space<semaphore_mem>>
          %dma_start3A_109 = arith.constant 0 : i32
          %dma_start3A_110 = tpu.memref_slice %arg8[%add3A_102, %dma_start3A_109] : memref<40x125xi32, #tpu.memory_space<vmem>> -> memref<1x125xi32, #tpu.memory_space<vmem>>
          %dma_start3A_111 = tpu.memref_squeeze %dma_start3A_110 : memref<1x125xi32, #tpu.memory_space<vmem>> -> memref<125xi32, #tpu.memory_space<vmem>>
          %dma_start3A_112 = arith.constant 0 : i32
          %dma_start3A_113 = arith.constant 0 : i32
          %dma_start3A_114 = tpu.memref_slice %arg14[%dma_start3A_112, %dma_start3A_113] : memref<10000x128xf32, #tpu.memory_space<vmem_shared>> -> memref<10000x128xf32, #tpu.memory_space<vmem_shared>>
          tpu.enqueue_indirect_dma source(%arg10 : memref<125x128xf32, #tpu.memory_space<vmem>>) target(%dma_start3A_114 : memref<10000x128xf32, #tpu.memory_space<vmem_shared>>) offsets(%dma_start3A_111 : memref<125xi32, #tpu.memory_space<vmem>>) semaphore(%run_scoped3A_108 : memref<!tpu.dma_semaphore, #tpu.memory_space<semaphore_mem>>) {add = true}
          %dma_wait3A_115 = arith.constant 0 : i32
          %dma_wait3A_116 = tpu.memref_slice %arg8[%add3A_102, %dma_wait3A_115] : memref<40x125xi32, #tpu.memory_space<vmem>> -> memref<1x125xi32, #tpu.memory_space<vmem>>
          %dma_wait3A_117 = tpu.memref_squeeze %dma_wait3A_116 : memref<1x125xi32, #tpu.memory_space<vmem>> -> memref<125xi32, #tpu.memory_space<vmem>>
          %dma_wait3A_118 = arith.constant 0 : i32
          %dma_wait3A_119 = arith.constant 0 : i32
          %dma_wait3A_120 = tpu.memref_slice %arg14[%dma_wait3A_118, %dma_wait3A_119] : memref<10000x128xf32, #tpu.memory_space<vmem_shared>> -> memref<10000x128xf32, #tpu.memory_space<vmem_shared>>
          tpu.wait_indirect_dma semaphore(%run_scoped3A_108 : memref<!tpu.dma_semaphore, #tpu.memory_space<semaphore_mem>>) src(%arg10 : memref<125x128xf32, #tpu.memory_space<vmem>>) dst(%dma_wait3A_120 : memref<10000x128xf32, #tpu.memory_space<vmem_shared>>)
          tpu.yield
        }) : () -> ()
        %lt3A_103 = arith.constant 19 : i32
        %lt3A_104 = arith.cmpi slt, %scan3A_82, %lt3A_103 : i32
        %convert_element_type3A_105 = arith.extui %lt3A_104 : i1 to i32
        %cond3A_106 = arith.constant 0 : i32
        %cond3A_107 = arith.cmpi ne, %convert_element_type3A_105, %cond3A_106 : i32
        scf.if %cond3A_107 {
          %add3A_108 = arith.constant 3 : i32
          %add3A_109 = arith.addi %mul3A_83, %add3A_108 : i32
          %dma_start3A_110 = arith.constant 0 : i32
          %dma_start3A_111 = tpu.memref_slice %arg7[%add3A_109, %dma_start3A_110] : memref<40x125xi32, #tpu.memory_space<vmem>> -> memref<1x125xi32, #tpu.memory_space<vmem>>
          %dma_start3A_112 = tpu.memref_squeeze %dma_start3A_111 : memref<1x125xi32, #tpu.memory_space<vmem>> -> memref<125xi32, #tpu.memory_space<vmem>>
          %dma_start3A_113 = arith.constant 0 : i32
          %dma_start3A_114 = arith.constant 0 : i32
          %dma_start3A_115 = tpu.memref_slice %arg2[%dma_start3A_113, %dma_start3A_114] : memref<10000x128xf32, #tpu.memory_space<hbm>> -> memref<10000x128xf32, #tpu.memory_space<hbm>>
          tpu.enqueue_indirect_dma source(%dma_start3A_115 : memref<10000x128xf32, #tpu.memory_space<hbm>>) target(%arg10 : memref<125x128xf32, #tpu.memory_space<vmem>>) offsets(%dma_start3A_112 : memref<125xi32, #tpu.memory_space<vmem>>) semaphore(%arg12 : memref<!tpu.dma_semaphore, #tpu.memory_space<semaphore_mem>>)
        } else {
        }
      }
      %scan3A_70 = arith.constant 20 : i32
      %barrier3A_71 = arith.constant 0 : index
      tpu.barrier barrier_id(%barrier3A_71)
      %lt3A_72 = arith.constant 15 : i32
      %lt3A_73 = arith.cmpi slt, %arg1, %lt3A_72 : i32
      %convert_element_type3A_74 = arith.extui %lt3A_73 : i1 to i32
      %cond3A_75 = arith.constant 0 : i32
      %cond3A_76 = arith.cmpi ne, %convert_element_type3A_74, %cond3A_75 : i32
      scf.if %cond3A_76 {
        %mul3A = arith.constant 640 : i32
        %mul3A_82 = arith.muli %arg1, %mul3A : i32
        "tpu.region"() ({
          %run_scoped3A_83 = tpu.sem_alloc : memref<!tpu.dma_semaphore, #tpu.memory_space<semaphore_mem>>
          %dma_start3A_84 = arith.constant 0 : i32
          %dma_start3A_85 = tpu.memref_slice %arg5[%mul3A_82, %dma_start3A_84] : memref<10000x128xf32, #tpu.memory_space<hbm>> -> memref<640x128xf32, #tpu.memory_space<hbm>>
          %dma_start3A_86 = arith.constant 0 : i32
          %dma_start3A_87 = tpu.memref_slice %arg14[%mul3A_82, %dma_start3A_86] : memref<10000x128xf32, #tpu.memory_space<vmem_shared>> -> memref<640x128xf32, #tpu.memory_space<vmem_shared>>
          tpu.enqueue_dma source(%dma_start3A_87 : memref<640x128xf32, #tpu.memory_space<vmem_shared>>) target(%dma_start3A_85 : memref<640x128xf32, #tpu.memory_space<hbm>>) target_semaphore(%run_scoped3A_83 : memref<!tpu.dma_semaphore, #tpu.memory_space<semaphore_mem>>)
          %dma_wait3A = arith.constant 0 : i32
          %dma_wait3A_88 = tpu.memref_slice %arg5[%mul3A_82, %dma_wait3A] : memref<10000x128xf32, #tpu.memory_space<hbm>> -> memref<640x128xf32, #tpu.memory_space<hbm>>
          %dma_wait3A_89 = arith.constant 0 : i32
          %dma_wait3A_90 = tpu.memref_slice %arg14[%mul3A_82, %dma_wait3A_89] : memref<10000x128xf32, #tpu.memory_space<vmem_shared>> -> memref<640x128xf32, #tpu.memory_space<vmem_shared>>
          tpu.wait_dma2 semaphore(%run_scoped3A_83 : memref<!tpu.dma_semaphore, #tpu.memory_space<semaphore_mem>>) src(%dma_wait3A_90 : memref<640x128xf32, #tpu.memory_space<vmem_shared>>) dst(%dma_wait3A_88 : memref<640x128xf32, #tpu.memory_space<hbm>>)
          tpu.yield
        }) : () -> ()
      } else {
      }
      %eq3A_77 = arith.constant 15 : i32
      %eq3A_78 = arith.cmpi eq, %arg1, %eq3A_77 : i32
      %convert_element_type3A_79 = arith.extui %eq3A_78 : i1 to i32
      %cond3A_80 = arith.constant 0 : i32
      %cond3A_81 = arith.cmpi ne, %convert_element_type3A_79, %cond3A_80 : i32
      scf.if %cond3A_81 {
        "tpu.region"() ({
          %run_scoped3A_82 = tpu.sem_alloc : memref<!tpu.dma_semaphore, #tpu.memory_space<semaphore_mem>>
          %dma_start3A_83 = arith.constant 9600 : i32
          %dma_start3A_84 = arith.constant 0 : i32
          %dma_start3A_85 = tpu.memref_slice %arg5[%dma_start3A_83, %dma_start3A_84] : memref<10000x128xf32, #tpu.memory_space<hbm>> -> memref<400x128xf32, #tpu.memory_space<hbm>>
          %dma_start3A_86 = arith.constant 9600 : i32
          %dma_start3A_87 = arith.constant 0 : i32
          %dma_start3A_88 = tpu.memref_slice %arg14[%dma_start3A_86, %dma_start3A_87] : memref<10000x128xf32, #tpu.memory_space<vmem_shared>> -> memref<400x128xf32, #tpu.memory_space<vmem_shared>>
          tpu.enqueue_dma source(%dma_start3A_88 : memref<400x128xf32, #tpu.memory_space<vmem_shared>>) target(%dma_start3A_85 : memref<400x128xf32, #tpu.memory_space<hbm>>) target_semaphore(%run_scoped3A_82 : memref<!tpu.dma_semaphore, #tpu.memory_space<semaphore_mem>>)
          %dma_wait3A = arith.constant 9600 : i32
          %dma_wait3A_89 = arith.constant 0 : i32
          %dma_wait3A_90 = tpu.memref_slice %arg5[%dma_wait3A, %dma_wait3A_89] : memref<10000x128xf32, #tpu.memory_space<hbm>> -> memref<400x128xf32, #tpu.memory_space<hbm>>
          %dma_wait3A_91 = arith.constant 9600 : i32
          %dma_wait3A_92 = arith.constant 0 : i32
          %dma_wait3A_93 = tpu.memref_slice %arg14[%dma_wait3A_91, %dma_wait3A_92] : memref<10000x128xf32, #tpu.memory_space<vmem_shared>> -> memref<400x128xf32, #tpu.memory_space<vmem_shared>>
          tpu.wait_dma2 semaphore(%run_scoped3A_82 : memref<!tpu.dma_semaphore, #tpu.memory_space<semaphore_mem>>) src(%dma_wait3A_93 : memref<400x128xf32, #tpu.memory_space<vmem_shared>>) dst(%dma_wait3A_90 : memref<400x128xf32, #tpu.memory_space<hbm>>)
          tpu.yield
        }) : () -> ()
      } else {
      }
    } else {
    }
    %eq3A_2 = arith.constant 1 : i32
    %eq3A_3 = arith.cmpi eq, %arg0, %eq3A_2 : i32
    %convert_element_type3A_4 = arith.extui %eq3A_3 : i1 to i32
    %cond3A_5 = arith.constant 0 : i32
    %cond3A_6 = arith.cmpi ne, %convert_element_type3A_4, %cond3A_5 : i32
    scf.if %cond3A_6 {
      %lt3A = arith.constant 15 : i32
      %lt3A_7 = arith.cmpi slt, %arg1, %lt3A : i32
      %convert_element_type3A_8 = arith.extui %lt3A_7 : i1 to i32
      %cond3A_9 = arith.constant 0 : i32
      %cond3A_10 = arith.cmpi ne, %convert_element_type3A_8, %cond3A_9 : i32
      scf.if %cond3A_10 {
        %mul3A = arith.constant 640 : i32
        %mul3A_82 = arith.muli %arg1, %mul3A : i32
        %dma_start3A_83 = arith.constant 0 : i32
        %dma_start3A_84 = tpu.memref_slice %arg14[%mul3A_82, %dma_start3A_83] : memref<10000x128xf32, #tpu.memory_space<vmem_shared>> -> memref<640x128xf32, #tpu.memory_space<vmem_shared>>
        %dma_start3A_85 = arith.constant 0 : i32
        %dma_start3A_86 = tpu.memref_slice %arg3[%mul3A_82, %dma_start3A_85] : memref<10000x128xf32, #tpu.memory_space<hbm>> -> memref<640x128xf32, #tpu.memory_space<hbm>>
        tpu.enqueue_dma source(%dma_start3A_86 : memref<640x128xf32, #tpu.memory_space<hbm>>) target(%dma_start3A_84 : memref<640x128xf32, #tpu.memory_space<vmem_shared>>) target_semaphore(%arg13 : memref<!tpu.dma_semaphore, #tpu.memory_space<semaphore_mem>>)
      } else {
      }
      %eq3A_11 = arith.constant 15 : i32
      %eq3A_12 = arith.cmpi eq, %arg1, %eq3A_11 : i32
      %convert_element_type3A_13 = arith.extui %eq3A_12 : i1 to i32
      %cond3A_14 = arith.constant 0 : i32
      %cond3A_15 = arith.cmpi ne, %convert_element_type3A_13, %cond3A_14 : i32
      scf.if %cond3A_15 {
        %dma_start3A_82 = arith.constant 9600 : i32
        %dma_start3A_83 = arith.constant 0 : i32
        %dma_start3A_84 = tpu.memref_slice %arg14[%dma_start3A_82, %dma_start3A_83] : memref<10000x128xf32, #tpu.memory_space<vmem_shared>> -> memref<400x128xf32, #tpu.memory_space<vmem_shared>>
        %dma_start3A_85 = arith.constant 9600 : i32
        %dma_start3A_86 = arith.constant 0 : i32
        %dma_start3A_87 = tpu.memref_slice %arg3[%dma_start3A_85, %dma_start3A_86] : memref<10000x128xf32, #tpu.memory_space<hbm>> -> memref<400x128xf32, #tpu.memory_space<hbm>>
        tpu.enqueue_dma source(%dma_start3A_87 : memref<400x128xf32, #tpu.memory_space<hbm>>) target(%dma_start3A_84 : memref<400x128xf32, #tpu.memory_space<vmem_shared>>) target_semaphore(%arg13 : memref<!tpu.dma_semaphore, #tpu.memory_space<semaphore_mem>>)
      } else {
      }
      %run_scoped3A = arith.constant 0 : i32
      %run_scoped3A_16 = arith.constant 0 : i32
      "tpu.region"() ({
        %run_scoped3A_82 = tpu.sem_alloc : memref<!tpu.dma_semaphore, #tpu.memory_space<semaphore_mem>>
        %dma_start3A_83 = arith.constant 0 : i32
        %dma_start3A_84 = arith.constant 0 : i32
        %dma_start3A_85 = tpu.memref_slice %arg4[%run_scoped3A, %arg1, %run_scoped3A_16, %dma_start3A_83, %dma_start3A_84] : memref<2x16x2x40x125xi32, #tpu.memory_space<hbm>> -> memref<1x1x1x40x125xi32, #tpu.memory_space<hbm>>
        %dma_start3A_86 = tpu.memref_squeeze %dma_start3A_85 : memref<1x1x1x40x125xi32, #tpu.memory_space<hbm>> -> memref<40x125xi32, #tpu.memory_space<hbm>>
        %dma_start3A_87 = arith.constant 0 : i32
        %dma_start3A_88 = arith.constant 0 : i32
        %dma_start3A_89 = tpu.memref_slice %arg4[%run_scoped3A, %arg1, %run_scoped3A_16, %dma_start3A_87, %dma_start3A_88] : memref<2x16x2x40x125xi32, #tpu.memory_space<hbm>> -> memref<1x1x1x40x125xi32, #tpu.memory_space<hbm>>
        %dma_start3A_90 = tpu.memref_squeeze %dma_start3A_89 : memref<1x1x1x40x125xi32, #tpu.memory_space<hbm>> -> memref<40x125xi32, #tpu.memory_space<hbm>>
        tpu.enqueue_dma source(%dma_start3A_90 : memref<40x125xi32, #tpu.memory_space<hbm>>) target(%arg7 : memref<40x125xi32, #tpu.memory_space<vmem>>) target_semaphore(%run_scoped3A_82 : memref<!tpu.dma_semaphore, #tpu.memory_space<semaphore_mem>>)
        %dma_wait3A = arith.constant 0 : i32
        %dma_wait3A_91 = arith.constant 0 : i32
        %dma_wait3A_92 = tpu.memref_slice %arg4[%run_scoped3A, %arg1, %run_scoped3A_16, %dma_wait3A, %dma_wait3A_91] : memref<2x16x2x40x125xi32, #tpu.memory_space<hbm>> -> memref<1x1x1x40x125xi32, #tpu.memory_space<hbm>>
        %dma_wait3A_93 = tpu.memref_squeeze %dma_wait3A_92 : memref<1x1x1x40x125xi32, #tpu.memory_space<hbm>> -> memref<40x125xi32, #tpu.memory_space<hbm>>
        %dma_wait3A_94 = arith.constant 0 : i32
        %dma_wait3A_95 = arith.constant 0 : i32
        %dma_wait3A_96 = tpu.memref_slice %arg4[%run_scoped3A, %arg1, %run_scoped3A_16, %dma_wait3A_94, %dma_wait3A_95] : memref<2x16x2x40x125xi32, #tpu.memory_space<hbm>> -> memref<1x1x1x40x125xi32, #tpu.memory_space<hbm>>
        %dma_wait3A_97 = tpu.memref_squeeze %dma_wait3A_96 : memref<1x1x1x40x125xi32, #tpu.memory_space<hbm>> -> memref<40x125xi32, #tpu.memory_space<hbm>>
        tpu.wait_dma2 semaphore(%run_scoped3A_82 : memref<!tpu.dma_semaphore, #tpu.memory_space<semaphore_mem>>) src(%dma_wait3A_97 : memref<40x125xi32, #tpu.memory_space<hbm>>) dst(%arg7 : memref<40x125xi32, #tpu.memory_space<vmem>>)
        tpu.yield
      }) : () -> ()
      %run_scoped3A_17 = arith.constant 1 : i32
      %run_scoped3A_18 = arith.constant 0 : i32
      "tpu.region"() ({
        %run_scoped3A_82 = tpu.sem_alloc : memref<!tpu.dma_semaphore, #tpu.memory_space<semaphore_mem>>
        %dma_start3A_83 = arith.constant 0 : i32
        %dma_start3A_84 = arith.constant 0 : i32
        %dma_start3A_85 = tpu.memref_slice %arg4[%run_scoped3A_17, %arg1, %run_scoped3A_18, %dma_start3A_83, %dma_start3A_84] : memref<2x16x2x40x125xi32, #tpu.memory_space<hbm>> -> memref<1x1x1x40x125xi32, #tpu.memory_space<hbm>>
        %dma_start3A_86 = tpu.memref_squeeze %dma_start3A_85 : memref<1x1x1x40x125xi32, #tpu.memory_space<hbm>> -> memref<40x125xi32, #tpu.memory_space<hbm>>
        %dma_start3A_87 = arith.constant 0 : i32
        %dma_start3A_88 = arith.constant 0 : i32
        %dma_start3A_89 = tpu.memref_slice %arg4[%run_scoped3A_17, %arg1, %run_scoped3A_18, %dma_start3A_87, %dma_start3A_88] : memref<2x16x2x40x125xi32, #tpu.memory_space<hbm>> -> memref<1x1x1x40x125xi32, #tpu.memory_space<hbm>>
        %dma_start3A_90 = tpu.memref_squeeze %dma_start3A_89 : memref<1x1x1x40x125xi32, #tpu.memory_space<hbm>> -> memref<40x125xi32, #tpu.memory_space<hbm>>
        tpu.enqueue_dma source(%dma_start3A_90 : memref<40x125xi32, #tpu.memory_space<hbm>>) target(%arg8 : memref<40x125xi32, #tpu.memory_space<vmem>>) target_semaphore(%run_scoped3A_82 : memref<!tpu.dma_semaphore, #tpu.memory_space<semaphore_mem>>)
        %dma_wait3A = arith.constant 0 : i32
        %dma_wait3A_91 = arith.constant 0 : i32
        %dma_wait3A_92 = tpu.memref_slice %arg4[%run_scoped3A_17, %arg1, %run_scoped3A_18, %dma_wait3A, %dma_wait3A_91] : memref<2x16x2x40x125xi32, #tpu.memory_space<hbm>> -> memref<1x1x1x40x125xi32, #tpu.memory_space<hbm>>
        %dma_wait3A_93 = tpu.memref_squeeze %dma_wait3A_92 : memref<1x1x1x40x125xi32, #tpu.memory_space<hbm>> -> memref<40x125xi32, #tpu.memory_space<hbm>>
        %dma_wait3A_94 = arith.constant 0 : i32
        %dma_wait3A_95 = arith.constant 0 : i32
        %dma_wait3A_96 = tpu.memref_slice %arg4[%run_scoped3A_17, %arg1, %run_scoped3A_18, %dma_wait3A_94, %dma_wait3A_95] : memref<2x16x2x40x125xi32, #tpu.memory_space<hbm>> -> memref<1x1x1x40x125xi32, #tpu.memory_space<hbm>>
        %dma_wait3A_97 = tpu.memref_squeeze %dma_wait3A_96 : memref<1x1x1x40x125xi32, #tpu.memory_space<hbm>> -> memref<40x125xi32, #tpu.memory_space<hbm>>
        tpu.wait_dma2 semaphore(%run_scoped3A_82 : memref<!tpu.dma_semaphore, #tpu.memory_space<semaphore_mem>>) src(%dma_wait3A_97 : memref<40x125xi32, #tpu.memory_space<hbm>>) dst(%arg8 : memref<40x125xi32, #tpu.memory_space<vmem>>)
        tpu.yield
      }) : () -> ()
      %dma_start3A = arith.constant 0 : i32
      %dma_start3A_19 = arith.constant 0 : i32
      %dma_start3A_20 = tpu.memref_slice %arg7[%dma_start3A, %dma_start3A_19] : memref<40x125xi32, #tpu.memory_space<vmem>> -> memref<1x125xi32, #tpu.memory_space<vmem>>
      %dma_start3A_21 = tpu.memref_squeeze %dma_start3A_20 : memref<1x125xi32, #tpu.memory_space<vmem>> -> memref<125xi32, #tpu.memory_space<vmem>>
      %dma_start3A_22 = arith.constant 0 : i32
      %dma_start3A_23 = arith.constant 0 : i32
      %dma_start3A_24 = tpu.memref_slice %arg3[%dma_start3A_22, %dma_start3A_23] : memref<10000x128xf32, #tpu.memory_space<hbm>> -> memref<10000x128xf32, #tpu.memory_space<hbm>>
      tpu.enqueue_indirect_dma source(%dma_start3A_24 : memref<10000x128xf32, #tpu.memory_space<hbm>>) target(%arg9 : memref<125x128xf32, #tpu.memory_space<vmem>>) offsets(%dma_start3A_21 : memref<125xi32, #tpu.memory_space<vmem>>) semaphore(%arg11 : memref<!tpu.dma_semaphore, #tpu.memory_space<semaphore_mem>>)
      %dma_start3A_25 = arith.constant 1 : i32
      %dma_start3A_26 = arith.constant 0 : i32
      %dma_start3A_27 = tpu.memref_slice %arg7[%dma_start3A_25, %dma_start3A_26] : memref<40x125xi32, #tpu.memory_space<vmem>> -> memref<1x125xi32, #tpu.memory_space<vmem>>
      %dma_start3A_28 = tpu.memref_squeeze %dma_start3A_27 : memref<1x125xi32, #tpu.memory_space<vmem>> -> memref<125xi32, #tpu.memory_space<vmem>>
      %dma_start3A_29 = arith.constant 0 : i32
      %dma_start3A_30 = arith.constant 0 : i32
      %dma_start3A_31 = tpu.memref_slice %arg3[%dma_start3A_29, %dma_start3A_30] : memref<10000x128xf32, #tpu.memory_space<hbm>> -> memref<10000x128xf32, #tpu.memory_space<hbm>>
      tpu.enqueue_indirect_dma source(%dma_start3A_31 : memref<10000x128xf32, #tpu.memory_space<hbm>>) target(%arg10 : memref<125x128xf32, #tpu.memory_space<vmem>>) offsets(%dma_start3A_28 : memref<125xi32, #tpu.memory_space<vmem>>) semaphore(%arg12 : memref<!tpu.dma_semaphore, #tpu.memory_space<semaphore_mem>>)
      %lt3A_32 = arith.constant 15 : i32
      %lt3A_33 = arith.cmpi slt, %arg1, %lt3A_32 : i32
      %convert_element_type3A_34 = arith.extui %lt3A_33 : i1 to i32
      %cond3A_35 = arith.constant 0 : i32
      %cond3A_36 = arith.cmpi ne, %convert_element_type3A_34, %cond3A_35 : i32
      scf.if %cond3A_36 {
        %mul3A = arith.constant 640 : i32
        %mul3A_82 = arith.muli %arg1, %mul3A : i32
        %dma_wait3A = arith.constant 0 : i32
        %dma_wait3A_83 = tpu.memref_slice %arg14[%mul3A_82, %dma_wait3A] : memref<10000x128xf32, #tpu.memory_space<vmem_shared>> -> memref<640x128xf32, #tpu.memory_space<vmem_shared>>
        %dma_wait3A_84 = arith.constant 0 : i32
        %dma_wait3A_85 = tpu.memref_slice %arg3[%mul3A_82, %dma_wait3A_84] : memref<10000x128xf32, #tpu.memory_space<hbm>> -> memref<640x128xf32, #tpu.memory_space<hbm>>
        tpu.wait_dma2 semaphore(%arg13 : memref<!tpu.dma_semaphore, #tpu.memory_space<semaphore_mem>>) src(%dma_wait3A_85 : memref<640x128xf32, #tpu.memory_space<hbm>>) dst(%dma_wait3A_83 : memref<640x128xf32, #tpu.memory_space<vmem_shared>>)
      } else {
      }
      %eq3A_37 = arith.constant 15 : i32
      %eq3A_38 = arith.cmpi eq, %arg1, %eq3A_37 : i32
      %convert_element_type3A_39 = arith.extui %eq3A_38 : i1 to i32
      %cond3A_40 = arith.constant 0 : i32
      %cond3A_41 = arith.cmpi ne, %convert_element_type3A_39, %cond3A_40 : i32
      scf.if %cond3A_41 {
        %dma_wait3A = arith.constant 9600 : i32
        %dma_wait3A_82 = arith.constant 0 : i32
        %dma_wait3A_83 = tpu.memref_slice %arg14[%dma_wait3A, %dma_wait3A_82] : memref<10000x128xf32, #tpu.memory_space<vmem_shared>> -> memref<400x128xf32, #tpu.memory_space<vmem_shared>>
        %dma_wait3A_84 = arith.constant 9600 : i32
        %dma_wait3A_85 = arith.constant 0 : i32
        %dma_wait3A_86 = tpu.memref_slice %arg3[%dma_wait3A_84, %dma_wait3A_85] : memref<10000x128xf32, #tpu.memory_space<hbm>> -> memref<400x128xf32, #tpu.memory_space<hbm>>
        tpu.wait_dma2 semaphore(%arg13 : memref<!tpu.dma_semaphore, #tpu.memory_space<semaphore_mem>>) src(%dma_wait3A_86 : memref<400x128xf32, #tpu.memory_space<hbm>>) dst(%dma_wait3A_83 : memref<400x128xf32, #tpu.memory_space<vmem_shared>>)
      } else {
      }
      %barrier3A = arith.constant 0 : index
      tpu.barrier barrier_id(%barrier3A)
      %scan3A = arith.constant 0 : i32
      %scan3A_42 = arith.constant 0 : i32
      %scan3A_43 = arith.constant 20 : i32
      %scan3A_44 = arith.addi %scan3A_42, %scan3A_43 : i32
      %scan3A_45 = arith.constant 1 : i32
      scf.for %scan3A_82 = %scan3A_42 to %scan3A_44 step %scan3A_45  : i32 {
        %mul3A = arith.constant 2 : i32
        %mul3A_83 = arith.muli %mul3A, %scan3A_82 : i32
        %dma_wait3A = arith.constant 0 : i32
        %dma_wait3A_84 = tpu.memref_slice %arg7[%mul3A_83, %dma_wait3A] : memref<40x125xi32, #tpu.memory_space<vmem>> -> memref<1x125xi32, #tpu.memory_space<vmem>>
        %dma_wait3A_85 = tpu.memref_squeeze %dma_wait3A_84 : memref<1x125xi32, #tpu.memory_space<vmem>> -> memref<125xi32, #tpu.memory_space<vmem>>
        %dma_wait3A_86 = arith.constant 0 : i32
        %dma_wait3A_87 = arith.constant 0 : i32
        %dma_wait3A_88 = tpu.memref_slice %arg3[%dma_wait3A_86, %dma_wait3A_87] : memref<10000x128xf32, #tpu.memory_space<hbm>> -> memref<10000x128xf32, #tpu.memory_space<hbm>>
        tpu.wait_indirect_dma semaphore(%arg11 : memref<!tpu.dma_semaphore, #tpu.memory_space<semaphore_mem>>) src(%dma_wait3A_88 : memref<10000x128xf32, #tpu.memory_space<hbm>>) dst(%arg9 : memref<125x128xf32, #tpu.memory_space<vmem>>)
        "tpu.region"() ({
          %run_scoped3A_108 = tpu.sem_alloc : memref<!tpu.dma_semaphore, #tpu.memory_space<semaphore_mem>>
          %dma_start3A_109 = arith.constant 0 : i32
          %dma_start3A_110 = tpu.memref_slice %arg8[%mul3A_83, %dma_start3A_109] : memref<40x125xi32, #tpu.memory_space<vmem>> -> memref<1x125xi32, #tpu.memory_space<vmem>>
          %dma_start3A_111 = tpu.memref_squeeze %dma_start3A_110 : memref<1x125xi32, #tpu.memory_space<vmem>> -> memref<125xi32, #tpu.memory_space<vmem>>
          %dma_start3A_112 = arith.constant 0 : i32
          %dma_start3A_113 = arith.constant 0 : i32
          %dma_start3A_114 = tpu.memref_slice %arg14[%dma_start3A_112, %dma_start3A_113] : memref<10000x128xf32, #tpu.memory_space<vmem_shared>> -> memref<10000x128xf32, #tpu.memory_space<vmem_shared>>
          tpu.enqueue_indirect_dma source(%arg9 : memref<125x128xf32, #tpu.memory_space<vmem>>) target(%dma_start3A_114 : memref<10000x128xf32, #tpu.memory_space<vmem_shared>>) offsets(%dma_start3A_111 : memref<125xi32, #tpu.memory_space<vmem>>) semaphore(%run_scoped3A_108 : memref<!tpu.dma_semaphore, #tpu.memory_space<semaphore_mem>>) {add = true}
          %dma_wait3A_115 = arith.constant 0 : i32
          %dma_wait3A_116 = tpu.memref_slice %arg8[%mul3A_83, %dma_wait3A_115] : memref<40x125xi32, #tpu.memory_space<vmem>> -> memref<1x125xi32, #tpu.memory_space<vmem>>
          %dma_wait3A_117 = tpu.memref_squeeze %dma_wait3A_116 : memref<1x125xi32, #tpu.memory_space<vmem>> -> memref<125xi32, #tpu.memory_space<vmem>>
          %dma_wait3A_118 = arith.constant 0 : i32
          %dma_wait3A_119 = arith.constant 0 : i32
          %dma_wait3A_120 = tpu.memref_slice %arg14[%dma_wait3A_118, %dma_wait3A_119] : memref<10000x128xf32, #tpu.memory_space<vmem_shared>> -> memref<10000x128xf32, #tpu.memory_space<vmem_shared>>
          tpu.wait_indirect_dma semaphore(%run_scoped3A_108 : memref<!tpu.dma_semaphore, #tpu.memory_space<semaphore_mem>>) src(%arg9 : memref<125x128xf32, #tpu.memory_space<vmem>>) dst(%dma_wait3A_120 : memref<10000x128xf32, #tpu.memory_space<vmem_shared>>)
          tpu.yield
        }) : () -> ()
        %lt3A_89 = arith.constant 19 : i32
        %lt3A_90 = arith.cmpi slt, %scan3A_82, %lt3A_89 : i32
        %convert_element_type3A_91 = arith.extui %lt3A_90 : i1 to i32
        %cond3A_92 = arith.constant 0 : i32
        %cond3A_93 = arith.cmpi ne, %convert_element_type3A_91, %cond3A_92 : i32
        scf.if %cond3A_93 {
          %add3A_108 = arith.constant 2 : i32
          %add3A_109 = arith.addi %mul3A_83, %add3A_108 : i32
          %dma_start3A_110 = arith.constant 0 : i32
          %dma_start3A_111 = tpu.memref_slice %arg7[%add3A_109, %dma_start3A_110] : memref<40x125xi32, #tpu.memory_space<vmem>> -> memref<1x125xi32, #tpu.memory_space<vmem>>
          %dma_start3A_112 = tpu.memref_squeeze %dma_start3A_111 : memref<1x125xi32, #tpu.memory_space<vmem>> -> memref<125xi32, #tpu.memory_space<vmem>>
          %dma_start3A_113 = arith.constant 0 : i32
          %dma_start3A_114 = arith.constant 0 : i32
          %dma_start3A_115 = tpu.memref_slice %arg3[%dma_start3A_113, %dma_start3A_114] : memref<10000x128xf32, #tpu.memory_space<hbm>> -> memref<10000x128xf32, #tpu.memory_space<hbm>>
          tpu.enqueue_indirect_dma source(%dma_start3A_115 : memref<10000x128xf32, #tpu.memory_space<hbm>>) target(%arg9 : memref<125x128xf32, #tpu.memory_space<vmem>>) offsets(%dma_start3A_112 : memref<125xi32, #tpu.memory_space<vmem>>) semaphore(%arg11 : memref<!tpu.dma_semaphore, #tpu.memory_space<semaphore_mem>>)
        } else {
        }
        %add3A = arith.constant 1 : i32
        %add3A_94 = arith.addi %mul3A_83, %add3A : i32
        %dma_wait3A_95 = arith.constant 0 : i32
        %dma_wait3A_96 = tpu.memref_slice %arg7[%add3A_94, %dma_wait3A_95] : memref<40x125xi32, #tpu.memory_space<vmem>> -> memref<1x125xi32, #tpu.memory_space<vmem>>
        %dma_wait3A_97 = tpu.memref_squeeze %dma_wait3A_96 : memref<1x125xi32, #tpu.memory_space<vmem>> -> memref<125xi32, #tpu.memory_space<vmem>>
        %dma_wait3A_98 = arith.constant 0 : i32
        %dma_wait3A_99 = arith.constant 0 : i32
        %dma_wait3A_100 = tpu.memref_slice %arg3[%dma_wait3A_98, %dma_wait3A_99] : memref<10000x128xf32, #tpu.memory_space<hbm>> -> memref<10000x128xf32, #tpu.memory_space<hbm>>
        tpu.wait_indirect_dma semaphore(%arg12 : memref<!tpu.dma_semaphore, #tpu.memory_space<semaphore_mem>>) src(%dma_wait3A_100 : memref<10000x128xf32, #tpu.memory_space<hbm>>) dst(%arg10 : memref<125x128xf32, #tpu.memory_space<vmem>>)
        %add3A_101 = arith.constant 1 : i32
        %add3A_102 = arith.addi %mul3A_83, %add3A_101 : i32
        "tpu.region"() ({
          %run_scoped3A_108 = tpu.sem_alloc : memref<!tpu.dma_semaphore, #tpu.memory_space<semaphore_mem>>
          %dma_start3A_109 = arith.constant 0 : i32
          %dma_start3A_110 = tpu.memref_slice %arg8[%add3A_102, %dma_start3A_109] : memref<40x125xi32, #tpu.memory_space<vmem>> -> memref<1x125xi32, #tpu.memory_space<vmem>>
          %dma_start3A_111 = tpu.memref_squeeze %dma_start3A_110 : memref<1x125xi32, #tpu.memory_space<vmem>> -> memref<125xi32, #tpu.memory_space<vmem>>
          %dma_start3A_112 = arith.constant 0 : i32
          %dma_start3A_113 = arith.constant 0 : i32
          %dma_start3A_114 = tpu.memref_slice %arg14[%dma_start3A_112, %dma_start3A_113] : memref<10000x128xf32, #tpu.memory_space<vmem_shared>> -> memref<10000x128xf32, #tpu.memory_space<vmem_shared>>
          tpu.enqueue_indirect_dma source(%arg10 : memref<125x128xf32, #tpu.memory_space<vmem>>) target(%dma_start3A_114 : memref<10000x128xf32, #tpu.memory_space<vmem_shared>>) offsets(%dma_start3A_111 : memref<125xi32, #tpu.memory_space<vmem>>) semaphore(%run_scoped3A_108 : memref<!tpu.dma_semaphore, #tpu.memory_space<semaphore_mem>>) {add = true}
          %dma_wait3A_115 = arith.constant 0 : i32
          %dma_wait3A_116 = tpu.memref_slice %arg8[%add3A_102, %dma_wait3A_115] : memref<40x125xi32, #tpu.memory_space<vmem>> -> memref<1x125xi32, #tpu.memory_space<vmem>>
          %dma_wait3A_117 = tpu.memref_squeeze %dma_wait3A_116 : memref<1x125xi32, #tpu.memory_space<vmem>> -> memref<125xi32, #tpu.memory_space<vmem>>
          %dma_wait3A_118 = arith.constant 0 : i32
          %dma_wait3A_119 = arith.constant 0 : i32
          %dma_wait3A_120 = tpu.memref_slice %arg14[%dma_wait3A_118, %dma_wait3A_119] : memref<10000x128xf32, #tpu.memory_space<vmem_shared>> -> memref<10000x128xf32, #tpu.memory_space<vmem_shared>>
          tpu.wait_indirect_dma semaphore(%run_scoped3A_108 : memref<!tpu.dma_semaphore, #tpu.memory_space<semaphore_mem>>) src(%arg10 : memref<125x128xf32, #tpu.memory_space<vmem>>) dst(%dma_wait3A_120 : memref<10000x128xf32, #tpu.memory_space<vmem_shared>>)
          tpu.yield
        }) : () -> ()
        %lt3A_103 = arith.constant 19 : i32
        %lt3A_104 = arith.cmpi slt, %scan3A_82, %lt3A_103 : i32
        %convert_element_type3A_105 = arith.extui %lt3A_104 : i1 to i32
        %cond3A_106 = arith.constant 0 : i32
        %cond3A_107 = arith.cmpi ne, %convert_element_type3A_105, %cond3A_106 : i32
        scf.if %cond3A_107 {
          %add3A_108 = arith.constant 3 : i32
          %add3A_109 = arith.addi %mul3A_83, %add3A_108 : i32
          %dma_start3A_110 = arith.constant 0 : i32
          %dma_start3A_111 = tpu.memref_slice %arg7[%add3A_109, %dma_start3A_110] : memref<40x125xi32, #tpu.memory_space<vmem>> -> memref<1x125xi32, #tpu.memory_space<vmem>>
          %dma_start3A_112 = tpu.memref_squeeze %dma_start3A_111 : memref<1x125xi32, #tpu.memory_space<vmem>> -> memref<125xi32, #tpu.memory_space<vmem>>
          %dma_start3A_113 = arith.constant 0 : i32
          %dma_start3A_114 = arith.constant 0 : i32
          %dma_start3A_115 = tpu.memref_slice %arg3[%dma_start3A_113, %dma_start3A_114] : memref<10000x128xf32, #tpu.memory_space<hbm>> -> memref<10000x128xf32, #tpu.memory_space<hbm>>
          tpu.enqueue_indirect_dma source(%dma_start3A_115 : memref<10000x128xf32, #tpu.memory_space<hbm>>) target(%arg10 : memref<125x128xf32, #tpu.memory_space<vmem>>) offsets(%dma_start3A_112 : memref<125xi32, #tpu.memory_space<vmem>>) semaphore(%arg12 : memref<!tpu.dma_semaphore, #tpu.memory_space<semaphore_mem>>)
        } else {
        }
      }
      %scan3A_46 = arith.constant 20 : i32
      %run_scoped3A_47 = arith.constant 0 : i32
      %run_scoped3A_48 = arith.constant 1 : i32
      "tpu.region"() ({
        %run_scoped3A_82 = tpu.sem_alloc : memref<!tpu.dma_semaphore, #tpu.memory_space<semaphore_mem>>
        %dma_start3A_83 = arith.constant 0 : i32
        %dma_start3A_84 = arith.constant 0 : i32
        %dma_start3A_85 = tpu.memref_slice %arg4[%run_scoped3A_47, %arg1, %run_scoped3A_48, %dma_start3A_83, %dma_start3A_84] : memref<2x16x2x40x125xi32, #tpu.memory_space<hbm>> -> memref<1x1x1x40x125xi32, #tpu.memory_space<hbm>>
        %dma_start3A_86 = tpu.memref_squeeze %dma_start3A_85 : memref<1x1x1x40x125xi32, #tpu.memory_space<hbm>> -> memref<40x125xi32, #tpu.memory_space<hbm>>
        %dma_start3A_87 = arith.constant 0 : i32
        %dma_start3A_88 = arith.constant 0 : i32
        %dma_start3A_89 = tpu.memref_slice %arg4[%run_scoped3A_47, %arg1, %run_scoped3A_48, %dma_start3A_87, %dma_start3A_88] : memref<2x16x2x40x125xi32, #tpu.memory_space<hbm>> -> memref<1x1x1x40x125xi32, #tpu.memory_space<hbm>>
        %dma_start3A_90 = tpu.memref_squeeze %dma_start3A_89 : memref<1x1x1x40x125xi32, #tpu.memory_space<hbm>> -> memref<40x125xi32, #tpu.memory_space<hbm>>
        tpu.enqueue_dma source(%dma_start3A_90 : memref<40x125xi32, #tpu.memory_space<hbm>>) target(%arg7 : memref<40x125xi32, #tpu.memory_space<vmem>>) target_semaphore(%run_scoped3A_82 : memref<!tpu.dma_semaphore, #tpu.memory_space<semaphore_mem>>)
        %dma_wait3A = arith.constant 0 : i32
        %dma_wait3A_91 = arith.constant 0 : i32
        %dma_wait3A_92 = tpu.memref_slice %arg4[%run_scoped3A_47, %arg1, %run_scoped3A_48, %dma_wait3A, %dma_wait3A_91] : memref<2x16x2x40x125xi32, #tpu.memory_space<hbm>> -> memref<1x1x1x40x125xi32, #tpu.memory_space<hbm>>
        %dma_wait3A_93 = tpu.memref_squeeze %dma_wait3A_92 : memref<1x1x1x40x125xi32, #tpu.memory_space<hbm>> -> memref<40x125xi32, #tpu.memory_space<hbm>>
        %dma_wait3A_94 = arith.constant 0 : i32
        %dma_wait3A_95 = arith.constant 0 : i32
        %dma_wait3A_96 = tpu.memref_slice %arg4[%run_scoped3A_47, %arg1, %run_scoped3A_48, %dma_wait3A_94, %dma_wait3A_95] : memref<2x16x2x40x125xi32, #tpu.memory_space<hbm>> -> memref<1x1x1x40x125xi32, #tpu.memory_space<hbm>>
        %dma_wait3A_97 = tpu.memref_squeeze %dma_wait3A_96 : memref<1x1x1x40x125xi32, #tpu.memory_space<hbm>> -> memref<40x125xi32, #tpu.memory_space<hbm>>
        tpu.wait_dma2 semaphore(%run_scoped3A_82 : memref<!tpu.dma_semaphore, #tpu.memory_space<semaphore_mem>>) src(%dma_wait3A_97 : memref<40x125xi32, #tpu.memory_space<hbm>>) dst(%arg7 : memref<40x125xi32, #tpu.memory_space<vmem>>)
        tpu.yield
      }) : () -> ()
      %run_scoped3A_49 = arith.constant 1 : i32
      %run_scoped3A_50 = arith.constant 1 : i32
      "tpu.region"() ({
        %run_scoped3A_82 = tpu.sem_alloc : memref<!tpu.dma_semaphore, #tpu.memory_space<semaphore_mem>>
        %dma_start3A_83 = arith.constant 0 : i32
        %dma_start3A_84 = arith.constant 0 : i32
        %dma_start3A_85 = tpu.memref_slice %arg4[%run_scoped3A_49, %arg1, %run_scoped3A_50, %dma_start3A_83, %dma_start3A_84] : memref<2x16x2x40x125xi32, #tpu.memory_space<hbm>> -> memref<1x1x1x40x125xi32, #tpu.memory_space<hbm>>
        %dma_start3A_86 = tpu.memref_squeeze %dma_start3A_85 : memref<1x1x1x40x125xi32, #tpu.memory_space<hbm>> -> memref<40x125xi32, #tpu.memory_space<hbm>>
        %dma_start3A_87 = arith.constant 0 : i32
        %dma_start3A_88 = arith.constant 0 : i32
        %dma_start3A_89 = tpu.memref_slice %arg4[%run_scoped3A_49, %arg1, %run_scoped3A_50, %dma_start3A_87, %dma_start3A_88] : memref<2x16x2x40x125xi32, #tpu.memory_space<hbm>> -> memref<1x1x1x40x125xi32, #tpu.memory_space<hbm>>
        %dma_start3A_90 = tpu.memref_squeeze %dma_start3A_89 : memref<1x1x1x40x125xi32, #tpu.memory_space<hbm>> -> memref<40x125xi32, #tpu.memory_space<hbm>>
        tpu.enqueue_dma source(%dma_start3A_90 : memref<40x125xi32, #tpu.memory_space<hbm>>) target(%arg8 : memref<40x125xi32, #tpu.memory_space<vmem>>) target_semaphore(%run_scoped3A_82 : memref<!tpu.dma_semaphore, #tpu.memory_space<semaphore_mem>>)
        %dma_wait3A = arith.constant 0 : i32
        %dma_wait3A_91 = arith.constant 0 : i32
        %dma_wait3A_92 = tpu.memref_slice %arg4[%run_scoped3A_49, %arg1, %run_scoped3A_50, %dma_wait3A, %dma_wait3A_91] : memref<2x16x2x40x125xi32, #tpu.memory_space<hbm>> -> memref<1x1x1x40x125xi32, #tpu.memory_space<hbm>>
        %dma_wait3A_93 = tpu.memref_squeeze %dma_wait3A_92 : memref<1x1x1x40x125xi32, #tpu.memory_space<hbm>> -> memref<40x125xi32, #tpu.memory_space<hbm>>
        %dma_wait3A_94 = arith.constant 0 : i32
        %dma_wait3A_95 = arith.constant 0 : i32
        %dma_wait3A_96 = tpu.memref_slice %arg4[%run_scoped3A_49, %arg1, %run_scoped3A_50, %dma_wait3A_94, %dma_wait3A_95] : memref<2x16x2x40x125xi32, #tpu.memory_space<hbm>> -> memref<1x1x1x40x125xi32, #tpu.memory_space<hbm>>
        %dma_wait3A_97 = tpu.memref_squeeze %dma_wait3A_96 : memref<1x1x1x40x125xi32, #tpu.memory_space<hbm>> -> memref<40x125xi32, #tpu.memory_space<hbm>>
        tpu.wait_dma2 semaphore(%run_scoped3A_82 : memref<!tpu.dma_semaphore, #tpu.memory_space<semaphore_mem>>) src(%dma_wait3A_97 : memref<40x125xi32, #tpu.memory_space<hbm>>) dst(%arg8 : memref<40x125xi32, #tpu.memory_space<vmem>>)
        tpu.yield
      }) : () -> ()
      %dma_start3A_51 = arith.constant 0 : i32
      %dma_start3A_52 = arith.constant 0 : i32
      %dma_start3A_53 = tpu.memref_slice %arg7[%dma_start3A_51, %dma_start3A_52] : memref<40x125xi32, #tpu.memory_space<vmem>> -> memref<1x125xi32, #tpu.memory_space<vmem>>
      %dma_start3A_54 = tpu.memref_squeeze %dma_start3A_53 : memref<1x125xi32, #tpu.memory_space<vmem>> -> memref<125xi32, #tpu.memory_space<vmem>>
      %dma_start3A_55 = arith.constant 0 : i32
      %dma_start3A_56 = arith.constant 0 : i32
      %dma_start3A_57 = tpu.memref_slice %arg3[%dma_start3A_55, %dma_start3A_56] : memref<10000x128xf32, #tpu.memory_space<hbm>> -> memref<10000x128xf32, #tpu.memory_space<hbm>>
      tpu.enqueue_indirect_dma source(%dma_start3A_57 : memref<10000x128xf32, #tpu.memory_space<hbm>>) target(%arg9 : memref<125x128xf32, #tpu.memory_space<vmem>>) offsets(%dma_start3A_54 : memref<125xi32, #tpu.memory_space<vmem>>) semaphore(%arg11 : memref<!tpu.dma_semaphore, #tpu.memory_space<semaphore_mem>>)
      %dma_start3A_58 = arith.constant 1 : i32
      %dma_start3A_59 = arith.constant 0 : i32
      %dma_start3A_60 = tpu.memref_slice %arg7[%dma_start3A_58, %dma_start3A_59] : memref<40x125xi32, #tpu.memory_space<vmem>> -> memref<1x125xi32, #tpu.memory_space<vmem>>
      %dma_start3A_61 = tpu.memref_squeeze %dma_start3A_60 : memref<1x125xi32, #tpu.memory_space<vmem>> -> memref<125xi32, #tpu.memory_space<vmem>>
      %dma_start3A_62 = arith.constant 0 : i32
      %dma_start3A_63 = arith.constant 0 : i32
      %dma_start3A_64 = tpu.memref_slice %arg3[%dma_start3A_62, %dma_start3A_63] : memref<10000x128xf32, #tpu.memory_space<hbm>> -> memref<10000x128xf32, #tpu.memory_space<hbm>>
      tpu.enqueue_indirect_dma source(%dma_start3A_64 : memref<10000x128xf32, #tpu.memory_space<hbm>>) target(%arg10 : memref<125x128xf32, #tpu.memory_space<vmem>>) offsets(%dma_start3A_61 : memref<125xi32, #tpu.memory_space<vmem>>) semaphore(%arg12 : memref<!tpu.dma_semaphore, #tpu.memory_space<semaphore_mem>>)
      %scan3A_65 = arith.constant 0 : i32
      %scan3A_66 = arith.constant 0 : i32
      %scan3A_67 = arith.constant 20 : i32
      %scan3A_68 = arith.addi %scan3A_66, %scan3A_67 : i32
      %scan3A_69 = arith.constant 1 : i32
      scf.for %scan3A_82 = %scan3A_66 to %scan3A_68 step %scan3A_69  : i32 {
        %mul3A = arith.constant 2 : i32
        %mul3A_83 = arith.muli %mul3A, %scan3A_82 : i32
        %dma_wait3A = arith.constant 0 : i32
        %dma_wait3A_84 = tpu.memref_slice %arg7[%mul3A_83, %dma_wait3A] : memref<40x125xi32, #tpu.memory_space<vmem>> -> memref<1x125xi32, #tpu.memory_space<vmem>>
        %dma_wait3A_85 = tpu.memref_squeeze %dma_wait3A_84 : memref<1x125xi32, #tpu.memory_space<vmem>> -> memref<125xi32, #tpu.memory_space<vmem>>
        %dma_wait3A_86 = arith.constant 0 : i32
        %dma_wait3A_87 = arith.constant 0 : i32
        %dma_wait3A_88 = tpu.memref_slice %arg3[%dma_wait3A_86, %dma_wait3A_87] : memref<10000x128xf32, #tpu.memory_space<hbm>> -> memref<10000x128xf32, #tpu.memory_space<hbm>>
        tpu.wait_indirect_dma semaphore(%arg11 : memref<!tpu.dma_semaphore, #tpu.memory_space<semaphore_mem>>) src(%dma_wait3A_88 : memref<10000x128xf32, #tpu.memory_space<hbm>>) dst(%arg9 : memref<125x128xf32, #tpu.memory_space<vmem>>)
        "tpu.region"() ({
          %run_scoped3A_108 = tpu.sem_alloc : memref<!tpu.dma_semaphore, #tpu.memory_space<semaphore_mem>>
          %dma_start3A_109 = arith.constant 0 : i32
          %dma_start3A_110 = tpu.memref_slice %arg8[%mul3A_83, %dma_start3A_109] : memref<40x125xi32, #tpu.memory_space<vmem>> -> memref<1x125xi32, #tpu.memory_space<vmem>>
          %dma_start3A_111 = tpu.memref_squeeze %dma_start3A_110 : memref<1x125xi32, #tpu.memory_space<vmem>> -> memref<125xi32, #tpu.memory_space<vmem>>
          %dma_start3A_112 = arith.constant 0 : i32
          %dma_start3A_113 = arith.constant 0 : i32
          %dma_start3A_114 = tpu.memref_slice %arg14[%dma_start3A_112, %dma_start3A_113] : memref<10000x128xf32, #tpu.memory_space<vmem_shared>> -> memref<10000x128xf32, #tpu.memory_space<vmem_shared>>
          tpu.enqueue_indirect_dma source(%arg9 : memref<125x128xf32, #tpu.memory_space<vmem>>) target(%dma_start3A_114 : memref<10000x128xf32, #tpu.memory_space<vmem_shared>>) offsets(%dma_start3A_111 : memref<125xi32, #tpu.memory_space<vmem>>) semaphore(%run_scoped3A_108 : memref<!tpu.dma_semaphore, #tpu.memory_space<semaphore_mem>>) {add = true}
          %dma_wait3A_115 = arith.constant 0 : i32
          %dma_wait3A_116 = tpu.memref_slice %arg8[%mul3A_83, %dma_wait3A_115] : memref<40x125xi32, #tpu.memory_space<vmem>> -> memref<1x125xi32, #tpu.memory_space<vmem>>
          %dma_wait3A_117 = tpu.memref_squeeze %dma_wait3A_116 : memref<1x125xi32, #tpu.memory_space<vmem>> -> memref<125xi32, #tpu.memory_space<vmem>>
          %dma_wait3A_118 = arith.constant 0 : i32
          %dma_wait3A_119 = arith.constant 0 : i32
          %dma_wait3A_120 = tpu.memref_slice %arg14[%dma_wait3A_118, %dma_wait3A_119] : memref<10000x128xf32, #tpu.memory_space<vmem_shared>> -> memref<10000x128xf32, #tpu.memory_space<vmem_shared>>
          tpu.wait_indirect_dma semaphore(%run_scoped3A_108 : memref<!tpu.dma_semaphore, #tpu.memory_space<semaphore_mem>>) src(%arg9 : memref<125x128xf32, #tpu.memory_space<vmem>>) dst(%dma_wait3A_120 : memref<10000x128xf32, #tpu.memory_space<vmem_shared>>)
          tpu.yield
        }) : () -> ()
        %lt3A_89 = arith.constant 19 : i32
        %lt3A_90 = arith.cmpi slt, %scan3A_82, %lt3A_89 : i32
        %convert_element_type3A_91 = arith.extui %lt3A_90 : i1 to i32
        %cond3A_92 = arith.constant 0 : i32
        %cond3A_93 = arith.cmpi ne, %convert_element_type3A_91, %cond3A_92 : i32
        scf.if %cond3A_93 {
          %add3A_108 = arith.constant 2 : i32
          %add3A_109 = arith.addi %mul3A_83, %add3A_108 : i32
          %dma_start3A_110 = arith.constant 0 : i32
          %dma_start3A_111 = tpu.memref_slice %arg7[%add3A_109, %dma_start3A_110] : memref<40x125xi32, #tpu.memory_space<vmem>> -> memref<1x125xi32, #tpu.memory_space<vmem>>
          %dma_start3A_112 = tpu.memref_squeeze %dma_start3A_111 : memref<1x125xi32, #tpu.memory_space<vmem>> -> memref<125xi32, #tpu.memory_space<vmem>>
          %dma_start3A_113 = arith.constant 0 : i32
          %dma_start3A_114 = arith.constant 0 : i32
          %dma_start3A_115 = tpu.memref_slice %arg3[%dma_start3A_113, %dma_start3A_114] : memref<10000x128xf32, #tpu.memory_space<hbm>> -> memref<10000x128xf32, #tpu.memory_space<hbm>>
          tpu.enqueue_indirect_dma source(%dma_start3A_115 : memref<10000x128xf32, #tpu.memory_space<hbm>>) target(%arg9 : memref<125x128xf32, #tpu.memory_space<vmem>>) offsets(%dma_start3A_112 : memref<125xi32, #tpu.memory_space<vmem>>) semaphore(%arg11 : memref<!tpu.dma_semaphore, #tpu.memory_space<semaphore_mem>>)
        } else {
        }
        %add3A = arith.constant 1 : i32
        %add3A_94 = arith.addi %mul3A_83, %add3A : i32
        %dma_wait3A_95 = arith.constant 0 : i32
        %dma_wait3A_96 = tpu.memref_slice %arg7[%add3A_94, %dma_wait3A_95] : memref<40x125xi32, #tpu.memory_space<vmem>> -> memref<1x125xi32, #tpu.memory_space<vmem>>
        %dma_wait3A_97 = tpu.memref_squeeze %dma_wait3A_96 : memref<1x125xi32, #tpu.memory_space<vmem>> -> memref<125xi32, #tpu.memory_space<vmem>>
        %dma_wait3A_98 = arith.constant 0 : i32
        %dma_wait3A_99 = arith.constant 0 : i32
        %dma_wait3A_100 = tpu.memref_slice %arg3[%dma_wait3A_98, %dma_wait3A_99] : memref<10000x128xf32, #tpu.memory_space<hbm>> -> memref<10000x128xf32, #tpu.memory_space<hbm>>
        tpu.wait_indirect_dma semaphore(%arg12 : memref<!tpu.dma_semaphore, #tpu.memory_space<semaphore_mem>>) src(%dma_wait3A_100 : memref<10000x128xf32, #tpu.memory_space<hbm>>) dst(%arg10 : memref<125x128xf32, #tpu.memory_space<vmem>>)
        %add3A_101 = arith.constant 1 : i32
        %add3A_102 = arith.addi %mul3A_83, %add3A_101 : i32
        "tpu.region"() ({
          %run_scoped3A_108 = tpu.sem_alloc : memref<!tpu.dma_semaphore, #tpu.memory_space<semaphore_mem>>
          %dma_start3A_109 = arith.constant 0 : i32
          %dma_start3A_110 = tpu.memref_slice %arg8[%add3A_102, %dma_start3A_109] : memref<40x125xi32, #tpu.memory_space<vmem>> -> memref<1x125xi32, #tpu.memory_space<vmem>>
          %dma_start3A_111 = tpu.memref_squeeze %dma_start3A_110 : memref<1x125xi32, #tpu.memory_space<vmem>> -> memref<125xi32, #tpu.memory_space<vmem>>
          %dma_start3A_112 = arith.constant 0 : i32
          %dma_start3A_113 = arith.constant 0 : i32
          %dma_start3A_114 = tpu.memref_slice %arg14[%dma_start3A_112, %dma_start3A_113] : memref<10000x128xf32, #tpu.memory_space<vmem_shared>> -> memref<10000x128xf32, #tpu.memory_space<vmem_shared>>
          tpu.enqueue_indirect_dma source(%arg10 : memref<125x128xf32, #tpu.memory_space<vmem>>) target(%dma_start3A_114 : memref<10000x128xf32, #tpu.memory_space<vmem_shared>>) offsets(%dma_start3A_111 : memref<125xi32, #tpu.memory_space<vmem>>) semaphore(%run_scoped3A_108 : memref<!tpu.dma_semaphore, #tpu.memory_space<semaphore_mem>>) {add = true}
          %dma_wait3A_115 = arith.constant 0 : i32
          %dma_wait3A_116 = tpu.memref_slice %arg8[%add3A_102, %dma_wait3A_115] : memref<40x125xi32, #tpu.memory_space<vmem>> -> memref<1x125xi32, #tpu.memory_space<vmem>>
          %dma_wait3A_117 = tpu.memref_squeeze %dma_wait3A_116 : memref<1x125xi32, #tpu.memory_space<vmem>> -> memref<125xi32, #tpu.memory_space<vmem>>
          %dma_wait3A_118 = arith.constant 0 : i32
          %dma_wait3A_119 = arith.constant 0 : i32
          %dma_wait3A_120 = tpu.memref_slice %arg14[%dma_wait3A_118, %dma_wait3A_119] : memref<10000x128xf32, #tpu.memory_space<vmem_shared>> -> memref<10000x128xf32, #tpu.memory_space<vmem_shared>>
          tpu.wait_indirect_dma semaphore(%run_scoped3A_108 : memref<!tpu.dma_semaphore, #tpu.memory_space<semaphore_mem>>) src(%arg10 : memref<125x128xf32, #tpu.memory_space<vmem>>) dst(%dma_wait3A_120 : memref<10000x128xf32, #tpu.memory_space<vmem_shared>>)
          tpu.yield
        }) : () -> ()
        %lt3A_103 = arith.constant 19 : i32
        %lt3A_104 = arith.cmpi slt, %scan3A_82, %lt3A_103 : i32
        %convert_element_type3A_105 = arith.extui %lt3A_104 : i1 to i32
        %cond3A_106 = arith.constant 0 : i32
        %cond3A_107 = arith.cmpi ne, %convert_element_type3A_105, %cond3A_106 : i32
        scf.if %cond3A_107 {
          %add3A_108 = arith.constant 3 : i32
          %add3A_109 = arith.addi %mul3A_83, %add3A_108 : i32
          %dma_start3A_110 = arith.constant 0 : i32
          %dma_start3A_111 = tpu.memref_slice %arg7[%add3A_109, %dma_start3A_110] : memref<40x125xi32, #tpu.memory_space<vmem>> -> memref<1x125xi32, #tpu.memory_space<vmem>>
          %dma_start3A_112 = tpu.memref_squeeze %dma_start3A_111 : memref<1x125xi32, #tpu.memory_space<vmem>> -> memref<125xi32, #tpu.memory_space<vmem>>
          %dma_start3A_113 = arith.constant 0 : i32
          %dma_start3A_114 = arith.constant 0 : i32
          %dma_start3A_115 = tpu.memref_slice %arg3[%dma_start3A_113, %dma_start3A_114] : memref<10000x128xf32, #tpu.memory_space<hbm>> -> memref<10000x128xf32, #tpu.memory_space<hbm>>
          tpu.enqueue_indirect_dma source(%dma_start3A_115 : memref<10000x128xf32, #tpu.memory_space<hbm>>) target(%arg10 : memref<125x128xf32, #tpu.memory_space<vmem>>) offsets(%dma_start3A_112 : memref<125xi32, #tpu.memory_space<vmem>>) semaphore(%arg12 : memref<!tpu.dma_semaphore, #tpu.memory_space<semaphore_mem>>)
        } else {
        }
      }
      %scan3A_70 = arith.constant 20 : i32
      %barrier3A_71 = arith.constant 0 : index
      tpu.barrier barrier_id(%barrier3A_71)
      %lt3A_72 = arith.constant 15 : i32
      %lt3A_73 = arith.cmpi slt, %arg1, %lt3A_72 : i32
      %convert_element_type3A_74 = arith.extui %lt3A_73 : i1 to i32
      %cond3A_75 = arith.constant 0 : i32
      %cond3A_76 = arith.cmpi ne, %convert_element_type3A_74, %cond3A_75 : i32
      scf.if %cond3A_76 {
        %mul3A = arith.constant 640 : i32
        %mul3A_82 = arith.muli %arg1, %mul3A : i32
        "tpu.region"() ({
          %run_scoped3A_83 = tpu.sem_alloc : memref<!tpu.dma_semaphore, #tpu.memory_space<semaphore_mem>>
          %dma_start3A_84 = arith.constant 0 : i32
          %dma_start3A_85 = tpu.memref_slice %arg6[%mul3A_82, %dma_start3A_84] : memref<10000x128xf32, #tpu.memory_space<hbm>> -> memref<640x128xf32, #tpu.memory_space<hbm>>
          %dma_start3A_86 = arith.constant 0 : i32
          %dma_start3A_87 = tpu.memref_slice %arg14[%mul3A_82, %dma_start3A_86] : memref<10000x128xf32, #tpu.memory_space<vmem_shared>> -> memref<640x128xf32, #tpu.memory_space<vmem_shared>>
          tpu.enqueue_dma source(%dma_start3A_87 : memref<640x128xf32, #tpu.memory_space<vmem_shared>>) target(%dma_start3A_85 : memref<640x128xf32, #tpu.memory_space<hbm>>) target_semaphore(%run_scoped3A_83 : memref<!tpu.dma_semaphore, #tpu.memory_space<semaphore_mem>>)
          %dma_wait3A = arith.constant 0 : i32
          %dma_wait3A_88 = tpu.memref_slice %arg6[%mul3A_82, %dma_wait3A] : memref<10000x128xf32, #tpu.memory_space<hbm>> -> memref<640x128xf32, #tpu.memory_space<hbm>>
          %dma_wait3A_89 = arith.constant 0 : i32
          %dma_wait3A_90 = tpu.memref_slice %arg14[%mul3A_82, %dma_wait3A_89] : memref<10000x128xf32, #tpu.memory_space<vmem_shared>> -> memref<640x128xf32, #tpu.memory_space<vmem_shared>>
          tpu.wait_dma2 semaphore(%run_scoped3A_83 : memref<!tpu.dma_semaphore, #tpu.memory_space<semaphore_mem>>) src(%dma_wait3A_90 : memref<640x128xf32, #tpu.memory_space<vmem_shared>>) dst(%dma_wait3A_88 : memref<640x128xf32, #tpu.memory_space<hbm>>)
          tpu.yield
        }) : () -> ()
      } else {
      }
      %eq3A_77 = arith.constant 15 : i32
      %eq3A_78 = arith.cmpi eq, %arg1, %eq3A_77 : i32
      %convert_element_type3A_79 = arith.extui %eq3A_78 : i1 to i32
      %cond3A_80 = arith.constant 0 : i32
      %cond3A_81 = arith.cmpi ne, %convert_element_type3A_79, %cond3A_80 : i32
      scf.if %cond3A_81 {
        "tpu.region"() ({
          %run_scoped3A_82 = tpu.sem_alloc : memref<!tpu.dma_semaphore, #tpu.memory_space<semaphore_mem>>
          %dma_start3A_83 = arith.constant 9600 : i32
          %dma_start3A_84 = arith.constant 0 : i32
          %dma_start3A_85 = tpu.memref_slice %arg6[%dma_start3A_83, %dma_start3A_84] : memref<10000x128xf32, #tpu.memory_space<hbm>> -> memref<400x128xf32, #tpu.memory_space<hbm>>
          %dma_start3A_86 = arith.constant 9600 : i32
          %dma_start3A_87 = arith.constant 0 : i32
          %dma_start3A_88 = tpu.memref_slice %arg14[%dma_start3A_86, %dma_start3A_87] : memref<10000x128xf32, #tpu.memory_space<vmem_shared>> -> memref<400x128xf32, #tpu.memory_space<vmem_shared>>
          tpu.enqueue_dma source(%dma_start3A_88 : memref<400x128xf32, #tpu.memory_space<vmem_shared>>) target(%dma_start3A_85 : memref<400x128xf32, #tpu.memory_space<hbm>>) target_semaphore(%run_scoped3A_82 : memref<!tpu.dma_semaphore, #tpu.memory_space<semaphore_mem>>)
          %dma_wait3A = arith.constant 9600 : i32
          %dma_wait3A_89 = arith.constant 0 : i32
          %dma_wait3A_90 = tpu.memref_slice %arg6[%dma_wait3A, %dma_wait3A_89] : memref<10000x128xf32, #tpu.memory_space<hbm>> -> memref<400x128xf32, #tpu.memory_space<hbm>>
          %dma_wait3A_91 = arith.constant 9600 : i32
          %dma_wait3A_92 = arith.constant 0 : i32
          %dma_wait3A_93 = tpu.memref_slice %arg14[%dma_wait3A_91, %dma_wait3A_92] : memref<10000x128xf32, #tpu.memory_space<vmem_shared>> -> memref<400x128xf32, #tpu.memory_space<vmem_shared>>
          tpu.wait_dma2 semaphore(%run_scoped3A_82 : memref<!tpu.dma_semaphore, #tpu.memory_space<semaphore_mem>>) src(%dma_wait3A_93 : memref<400x128xf32, #tpu.memory_space<vmem_shared>>) dst(%dma_wait3A_90 : memref<400x128xf32, #tpu.memory_space<hbm>>)
          tpu.yield
        }) : () -> ()
      } else {
      }
    } else {
    }
    return
  }
}

#map = affine_map<(d0, d1) -> (0, 0)>
#map1 = affine_map<(d0, d1) -> (0, 0, 0, 0, 0)>
module attributes {stable_mosaic.version = 14 : i64} {
  func.func @_prop_kernel(%arg0: i32, %arg1: i32, %arg2: memref<10000x128xf32, #tpu.memory_space<hbm>>, %arg3: memref<10000x128xf32, #tpu.memory_space<hbm>>, %arg4: memref<2x16x2x40x125xi32, #tpu.memory_space<hbm>>, %arg5: memref<10000x128xf32, #tpu.memory_space<hbm>>, %arg6: memref<10000x128xf32, #tpu.memory_space<hbm>>, %arg7: memref<40x125xi32, #tpu.memory_space<vmem>>, %arg8: memref<40x125xi32, #tpu.memory_space<vmem>>, %arg9: memref<125x128xf32, #tpu.memory_space<vmem>>, %arg10: memref<125x128xf32, #tpu.memory_space<vmem>>, %arg11: memref<!tpu.dma_semaphore, #tpu.memory_space<semaphore_mem>>, %arg12: memref<!tpu.dma_semaphore, #tpu.memory_space<semaphore_mem>>, %arg13: memref<!tpu.dma_semaphore, #tpu.memory_space<semaphore_mem>>, %arg14: memref<10000x128xf32, #tpu.memory_space<vmem_shared>>) attributes {dimension_semantics = [#tpu.dimension_semantics<core_parallel>, #tpu.dimension_semantics<subcore_parallel>], iteration_bounds = array<i64: 2, 16>, scalar_prefetch = 0 : i64, scratch_operands = 8 : i64, tpu.core_type = #tpu.core_type<sc_vector_subcore>, window_params = [{transform_indices = #map}, {transform_indices = #map}, {transform_indices = #map1}, {transform_indices = #map}, {transform_indices = #map}]} {
    %eq3A = arith.constant 0 : i32
    %eq3A_0 = arith.cmpi eq, %arg0, %eq3A : i32
    %convert_element_type3A = arith.extui %eq3A_0 : i1 to i32
    %cond3A = arith.constant 0 : i32
    %cond3A_1 = arith.cmpi ne, %convert_element_type3A, %cond3A : i32
    scf.if %cond3A_1 {
      %lt3A = arith.constant 15 : i32
      %lt3A_7 = arith.cmpi slt, %arg1, %lt3A : i32
      %convert_element_type3A_8 = arith.extui %lt3A_7 : i1 to i32
      %cond3A_9 = arith.constant 0 : i32
      %cond3A_10 = arith.cmpi ne, %convert_element_type3A_8, %cond3A_9 : i32
      scf.if %cond3A_10 {
        %mul3A = arith.constant 640 : i32
        %mul3A_82 = arith.muli %arg1, %mul3A : i32
        %dma_start3A_83 = arith.constant 0 : i32
        %dma_start3A_84 = tpu.memref_slice %arg14[%mul3A_82, %dma_start3A_83] : memref<10000x128xf32, #tpu.memory_space<vmem_shared>> -> memref<640x128xf32, #tpu.memory_space<vmem_shared>>
        %dma_start3A_85 = arith.constant 0 : i32
        %dma_start3A_86 = tpu.memref_slice %arg2[%mul3A_82, %dma_start3A_85] : memref<10000x128xf32, #tpu.memory_space<hbm>> -> memref<640x128xf32, #tpu.memory_space<hbm>>
        tpu.enqueue_dma source(%dma_start3A_86 : memref<640x128xf32, #tpu.memory_space<hbm>>) target(%dma_start3A_84 : memref<640x128xf32, #tpu.memory_space<vmem_shared>>) target_semaphore(%arg13 : memref<!tpu.dma_semaphore, #tpu.memory_space<semaphore_mem>>)
      } else {
      }
      %eq3A_11 = arith.constant 15 : i32
      %eq3A_12 = arith.cmpi eq, %arg1, %eq3A_11 : i32
      %convert_element_type3A_13 = arith.extui %eq3A_12 : i1 to i32
      %cond3A_14 = arith.constant 0 : i32
      %cond3A_15 = arith.cmpi ne, %convert_element_type3A_13, %cond3A_14 : i32
      scf.if %cond3A_15 {
        %dma_start3A_82 = arith.constant 9600 : i32
        %dma_start3A_83 = arith.constant 0 : i32
        %dma_start3A_84 = tpu.memref_slice %arg14[%dma_start3A_82, %dma_start3A_83] : memref<10000x128xf32, #tpu.memory_space<vmem_shared>> -> memref<400x128xf32, #tpu.memory_space<vmem_shared>>
        %dma_start3A_85 = arith.constant 9600 : i32
        %dma_start3A_86 = arith.constant 0 : i32
        %dma_start3A_87 = tpu.memref_slice %arg2[%dma_start3A_85, %dma_start3A_86] : memref<10000x128xf32, #tpu.memory_space<hbm>> -> memref<400x128xf32, #tpu.memory_space<hbm>>
        tpu.enqueue_dma source(%dma_start3A_87 : memref<400x128xf32, #tpu.memory_space<hbm>>) target(%dma_start3A_84 : memref<400x128xf32, #tpu.memory_space<vmem_shared>>) target_semaphore(%arg13 : memref<!tpu.dma_semaphore, #tpu.memory_space<semaphore_mem>>)
      } else {
      }
      %run_scoped3A = arith.constant 0 : i32
      %run_scoped3A_16 = arith.constant 0 : i32
      "tpu.region"() ({
        %run_scoped3A_82 = tpu.sem_alloc : memref<!tpu.dma_semaphore, #tpu.memory_space<semaphore_mem>>
        %dma_start3A_83 = arith.constant 0 : i32
        %dma_start3A_84 = arith.constant 0 : i32
        %dma_start3A_85 = tpu.memref_slice %arg4[%run_scoped3A, %arg1, %run_scoped3A_16, %dma_start3A_83, %dma_start3A_84] : memref<2x16x2x40x125xi32, #tpu.memory_space<hbm>> -> memref<1x1x1x40x125xi32, #tpu.memory_space<hbm>>
        %dma_start3A_86 = tpu.memref_squeeze %dma_start3A_85 : memref<1x1x1x40x125xi32, #tpu.memory_space<hbm>> -> memref<40x125xi32, #tpu.memory_space<hbm>>
        %dma_start3A_87 = arith.constant 0 : i32
        %dma_start3A_88 = arith.constant 0 : i32
        %dma_start3A_89 = tpu.memref_slice %arg4[%run_scoped3A, %arg1, %run_scoped3A_16, %dma_start3A_87, %dma_start3A_88] : memref<2x16x2x40x125xi32, #tpu.memory_space<hbm>> -> memref<1x1x1x40x125xi32, #tpu.memory_space<hbm>>
        %dma_start3A_90 = tpu.memref_squeeze %dma_start3A_89 : memref<1x1x1x40x125xi32, #tpu.memory_space<hbm>> -> memref<40x125xi32, #tpu.memory_space<hbm>>
        tpu.enqueue_dma source(%dma_start3A_90 : memref<40x125xi32, #tpu.memory_space<hbm>>) target(%arg7 : memref<40x125xi32, #tpu.memory_space<vmem>>) target_semaphore(%run_scoped3A_82 : memref<!tpu.dma_semaphore, #tpu.memory_space<semaphore_mem>>)
        %dma_wait3A = arith.constant 0 : i32
        %dma_wait3A_91 = arith.constant 0 : i32
        %dma_wait3A_92 = tpu.memref_slice %arg4[%run_scoped3A, %arg1, %run_scoped3A_16, %dma_wait3A, %dma_wait3A_91] : memref<2x16x2x40x125xi32, #tpu.memory_space<hbm>> -> memref<1x1x1x40x125xi32, #tpu.memory_space<hbm>>
        %dma_wait3A_93 = tpu.memref_squeeze %dma_wait3A_92 : memref<1x1x1x40x125xi32, #tpu.memory_space<hbm>> -> memref<40x125xi32, #tpu.memory_space<hbm>>
        %dma_wait3A_94 = arith.constant 0 : i32
        %dma_wait3A_95 = arith.constant 0 : i32
        %dma_wait3A_96 = tpu.memref_slice %arg4[%run_scoped3A, %arg1, %run_scoped3A_16, %dma_wait3A_94, %dma_wait3A_95] : memref<2x16x2x40x125xi32, #tpu.memory_space<hbm>> -> memref<1x1x1x40x125xi32, #tpu.memory_space<hbm>>
        %dma_wait3A_97 = tpu.memref_squeeze %dma_wait3A_96 : memref<1x1x1x40x125xi32, #tpu.memory_space<hbm>> -> memref<40x125xi32, #tpu.memory_space<hbm>>
        tpu.wait_dma2 semaphore(%run_scoped3A_82 : memref<!tpu.dma_semaphore, #tpu.memory_space<semaphore_mem>>) src(%dma_wait3A_97 : memref<40x125xi32, #tpu.memory_space<hbm>>) dst(%arg7 : memref<40x125xi32, #tpu.memory_space<vmem>>)
        tpu.yield
      }) : () -> ()
      %run_scoped3A_17 = arith.constant 1 : i32
      %run_scoped3A_18 = arith.constant 0 : i32
      "tpu.region"() ({
        %run_scoped3A_82 = tpu.sem_alloc : memref<!tpu.dma_semaphore, #tpu.memory_space<semaphore_mem>>
        %dma_start3A_83 = arith.constant 0 : i32
        %dma_start3A_84 = arith.constant 0 : i32
        %dma_start3A_85 = tpu.memref_slice %arg4[%run_scoped3A_17, %arg1, %run_scoped3A_18, %dma_start3A_83, %dma_start3A_84] : memref<2x16x2x40x125xi32, #tpu.memory_space<hbm>> -> memref<1x1x1x40x125xi32, #tpu.memory_space<hbm>>
        %dma_start3A_86 = tpu.memref_squeeze %dma_start3A_85 : memref<1x1x1x40x125xi32, #tpu.memory_space<hbm>> -> memref<40x125xi32, #tpu.memory_space<hbm>>
        %dma_start3A_87 = arith.constant 0 : i32
        %dma_start3A_88 = arith.constant 0 : i32
        %dma_start3A_89 = tpu.memref_slice %arg4[%run_scoped3A_17, %arg1, %run_scoped3A_18, %dma_start3A_87, %dma_start3A_88] : memref<2x16x2x40x125xi32, #tpu.memory_space<hbm>> -> memref<1x1x1x40x125xi32, #tpu.memory_space<hbm>>
        %dma_start3A_90 = tpu.memref_squeeze %dma_start3A_89 : memref<1x1x1x40x125xi32, #tpu.memory_space<hbm>> -> memref<40x125xi32, #tpu.memory_space<hbm>>
        tpu.enqueue_dma source(%dma_start3A_90 : memref<40x125xi32, #tpu.memory_space<hbm>>) target(%arg8 : memref<40x125xi32, #tpu.memory_space<vmem>>) target_semaphore(%run_scoped3A_82 : memref<!tpu.dma_semaphore, #tpu.memory_space<semaphore_mem>>)
        %dma_wait3A = arith.constant 0 : i32
        %dma_wait3A_91 = arith.constant 0 : i32
        %dma_wait3A_92 = tpu.memref_slice %arg4[%run_scoped3A_17, %arg1, %run_scoped3A_18, %dma_wait3A, %dma_wait3A_91] : memref<2x16x2x40x125xi32, #tpu.memory_space<hbm>> -> memref<1x1x1x40x125xi32, #tpu.memory_space<hbm>>
        %dma_wait3A_93 = tpu.memref_squeeze %dma_wait3A_92 : memref<1x1x1x40x125xi32, #tpu.memory_space<hbm>> -> memref<40x125xi32, #tpu.memory_space<hbm>>
        %dma_wait3A_94 = arith.constant 0 : i32
        %dma_wait3A_95 = arith.constant 0 : i32
        %dma_wait3A_96 = tpu.memref_slice %arg4[%run_scoped3A_17, %arg1, %run_scoped3A_18, %dma_wait3A_94, %dma_wait3A_95] : memref<2x16x2x40x125xi32, #tpu.memory_space<hbm>> -> memref<1x1x1x40x125xi32, #tpu.memory_space<hbm>>
        %dma_wait3A_97 = tpu.memref_squeeze %dma_wait3A_96 : memref<1x1x1x40x125xi32, #tpu.memory_space<hbm>> -> memref<40x125xi32, #tpu.memory_space<hbm>>
        tpu.wait_dma2 semaphore(%run_scoped3A_82 : memref<!tpu.dma_semaphore, #tpu.memory_space<semaphore_mem>>) src(%dma_wait3A_97 : memref<40x125xi32, #tpu.memory_space<hbm>>) dst(%arg8 : memref<40x125xi32, #tpu.memory_space<vmem>>)
        tpu.yield
      }) : () -> ()
      %dma_start3A = arith.constant 0 : i32
      %dma_start3A_19 = arith.constant 0 : i32
      %dma_start3A_20 = tpu.memref_slice %arg7[%dma_start3A, %dma_start3A_19] : memref<40x125xi32, #tpu.memory_space<vmem>> -> memref<1x125xi32, #tpu.memory_space<vmem>>
      %dma_start3A_21 = tpu.memref_squeeze %dma_start3A_20 : memref<1x125xi32, #tpu.memory_space<vmem>> -> memref<125xi32, #tpu.memory_space<vmem>>
      %dma_start3A_22 = arith.constant 0 : i32
      %dma_start3A_23 = arith.constant 0 : i32
      %dma_start3A_24 = tpu.memref_slice %arg2[%dma_start3A_22, %dma_start3A_23] : memref<10000x128xf32, #tpu.memory_space<hbm>> -> memref<10000x128xf32, #tpu.memory_space<hbm>>
      tpu.enqueue_indirect_dma source(%dma_start3A_24 : memref<10000x128xf32, #tpu.memory_space<hbm>>) target(%arg9 : memref<125x128xf32, #tpu.memory_space<vmem>>) offsets(%dma_start3A_21 : memref<125xi32, #tpu.memory_space<vmem>>) semaphore(%arg11 : memref<!tpu.dma_semaphore, #tpu.memory_space<semaphore_mem>>)
      %dma_start3A_25 = arith.constant 1 : i32
      %dma_start3A_26 = arith.constant 0 : i32
      %dma_start3A_27 = tpu.memref_slice %arg7[%dma_start3A_25, %dma_start3A_26] : memref<40x125xi32, #tpu.memory_space<vmem>> -> memref<1x125xi32, #tpu.memory_space<vmem>>
      %dma_start3A_28 = tpu.memref_squeeze %dma_start3A_27 : memref<1x125xi32, #tpu.memory_space<vmem>> -> memref<125xi32, #tpu.memory_space<vmem>>
      %dma_start3A_29 = arith.constant 0 : i32
      %dma_start3A_30 = arith.constant 0 : i32
      %dma_start3A_31 = tpu.memref_slice %arg2[%dma_start3A_29, %dma_start3A_30] : memref<10000x128xf32, #tpu.memory_space<hbm>> -> memref<10000x128xf32, #tpu.memory_space<hbm>>
      tpu.enqueue_indirect_dma source(%dma_start3A_31 : memref<10000x128xf32, #tpu.memory_space<hbm>>) target(%arg10 : memref<125x128xf32, #tpu.memory_space<vmem>>) offsets(%dma_start3A_28 : memref<125xi32, #tpu.memory_space<vmem>>) semaphore(%arg12 : memref<!tpu.dma_semaphore, #tpu.memory_space<semaphore_mem>>)
      %lt3A_32 = arith.constant 15 : i32
      %lt3A_33 = arith.cmpi slt, %arg1, %lt3A_32 : i32
      %convert_element_type3A_34 = arith.extui %lt3A_33 : i1 to i32
      %cond3A_35 = arith.constant 0 : i32
      %cond3A_36 = arith.cmpi ne, %convert_element_type3A_34, %cond3A_35 : i32
      scf.if %cond3A_36 {
        %mul3A = arith.constant 640 : i32
        %mul3A_82 = arith.muli %arg1, %mul3A : i32
        %dma_wait3A = arith.constant 0 : i32
        %dma_wait3A_83 = tpu.memref_slice %arg14[%mul3A_82, %dma_wait3A] : memref<10000x128xf32, #tpu.memory_space<vmem_shared>> -> memref<640x128xf32, #tpu.memory_space<vmem_shared>>
        %dma_wait3A_84 = arith.constant 0 : i32
        %dma_wait3A_85 = tpu.memref_slice %arg2[%mul3A_82, %dma_wait3A_84] : memref<10000x128xf32, #tpu.memory_space<hbm>> -> memref<640x128xf32, #tpu.memory_space<hbm>>
        tpu.wait_dma2 semaphore(%arg13 : memref<!tpu.dma_semaphore, #tpu.memory_space<semaphore_mem>>) src(%dma_wait3A_85 : memref<640x128xf32, #tpu.memory_space<hbm>>) dst(%dma_wait3A_83 : memref<640x128xf32, #tpu.memory_space<vmem_shared>>)
      } else {
      }
      %eq3A_37 = arith.constant 15 : i32
      %eq3A_38 = arith.cmpi eq, %arg1, %eq3A_37 : i32
      %convert_element_type3A_39 = arith.extui %eq3A_38 : i1 to i32
      %cond3A_40 = arith.constant 0 : i32
      %cond3A_41 = arith.cmpi ne, %convert_element_type3A_39, %cond3A_40 : i32
      scf.if %cond3A_41 {
        %dma_wait3A = arith.constant 9600 : i32
        %dma_wait3A_82 = arith.constant 0 : i32
        %dma_wait3A_83 = tpu.memref_slice %arg14[%dma_wait3A, %dma_wait3A_82] : memref<10000x128xf32, #tpu.memory_space<vmem_shared>> -> memref<400x128xf32, #tpu.memory_space<vmem_shared>>
        %dma_wait3A_84 = arith.constant 9600 : i32
        %dma_wait3A_85 = arith.constant 0 : i32
        %dma_wait3A_86 = tpu.memref_slice %arg2[%dma_wait3A_84, %dma_wait3A_85] : memref<10000x128xf32, #tpu.memory_space<hbm>> -> memref<400x128xf32, #tpu.memory_space<hbm>>
        tpu.wait_dma2 semaphore(%arg13 : memref<!tpu.dma_semaphore, #tpu.memory_space<semaphore_mem>>) src(%dma_wait3A_86 : memref<400x128xf32, #tpu.memory_space<hbm>>) dst(%dma_wait3A_83 : memref<400x128xf32, #tpu.memory_space<vmem_shared>>)
      } else {
      }
      %barrier3A = arith.constant 0 : index
      tpu.barrier barrier_id(%barrier3A)
      %scan3A = arith.constant 0 : i32
      %scan3A_42 = arith.constant 0 : i32
      %scan3A_43 = arith.constant 20 : i32
      %scan3A_44 = arith.addi %scan3A_42, %scan3A_43 : i32
      %scan3A_45 = arith.constant 1 : i32
      scf.for %scan3A_82 = %scan3A_42 to %scan3A_44 step %scan3A_45  : i32 {
        %mul3A = arith.constant 2 : i32
        %mul3A_83 = arith.muli %mul3A, %scan3A_82 : i32
        %dma_wait3A = arith.constant 0 : i32
        %dma_wait3A_84 = tpu.memref_slice %arg7[%mul3A_83, %dma_wait3A] : memref<40x125xi32, #tpu.memory_space<vmem>> -> memref<1x125xi32, #tpu.memory_space<vmem>>
        %dma_wait3A_85 = tpu.memref_squeeze %dma_wait3A_84 : memref<1x125xi32, #tpu.memory_space<vmem>> -> memref<125xi32, #tpu.memory_space<vmem>>
        %dma_wait3A_86 = arith.constant 0 : i32
        %dma_wait3A_87 = arith.constant 0 : i32
        %dma_wait3A_88 = tpu.memref_slice %arg2[%dma_wait3A_86, %dma_wait3A_87] : memref<10000x128xf32, #tpu.memory_space<hbm>> -> memref<10000x128xf32, #tpu.memory_space<hbm>>
        tpu.wait_indirect_dma semaphore(%arg11 : memref<!tpu.dma_semaphore, #tpu.memory_space<semaphore_mem>>) src(%dma_wait3A_88 : memref<10000x128xf32, #tpu.memory_space<hbm>>) dst(%arg9 : memref<125x128xf32, #tpu.memory_space<vmem>>)
        "tpu.region"() ({
          %run_scoped3A_108 = tpu.sem_alloc : memref<!tpu.dma_semaphore, #tpu.memory_space<semaphore_mem>>
          %dma_start3A_109 = arith.constant 0 : i32
          %dma_start3A_110 = tpu.memref_slice %arg8[%mul3A_83, %dma_start3A_109] : memref<40x125xi32, #tpu.memory_space<vmem>> -> memref<1x125xi32, #tpu.memory_space<vmem>>
          %dma_start3A_111 = tpu.memref_squeeze %dma_start3A_110 : memref<1x125xi32, #tpu.memory_space<vmem>> -> memref<125xi32, #tpu.memory_space<vmem>>
          %dma_start3A_112 = arith.constant 0 : i32
          %dma_start3A_113 = arith.constant 0 : i32
          %dma_start3A_114 = tpu.memref_slice %arg14[%dma_start3A_112, %dma_start3A_113] : memref<10000x128xf32, #tpu.memory_space<vmem_shared>> -> memref<10000x128xf32, #tpu.memory_space<vmem_shared>>
          tpu.enqueue_indirect_dma source(%arg9 : memref<125x128xf32, #tpu.memory_space<vmem>>) target(%dma_start3A_114 : memref<10000x128xf32, #tpu.memory_space<vmem_shared>>) offsets(%dma_start3A_111 : memref<125xi32, #tpu.memory_space<vmem>>) semaphore(%run_scoped3A_108 : memref<!tpu.dma_semaphore, #tpu.memory_space<semaphore_mem>>) {add = true}
          %dma_wait3A_115 = arith.constant 0 : i32
          %dma_wait3A_116 = tpu.memref_slice %arg8[%mul3A_83, %dma_wait3A_115] : memref<40x125xi32, #tpu.memory_space<vmem>> -> memref<1x125xi32, #tpu.memory_space<vmem>>
          %dma_wait3A_117 = tpu.memref_squeeze %dma_wait3A_116 : memref<1x125xi32, #tpu.memory_space<vmem>> -> memref<125xi32, #tpu.memory_space<vmem>>
          %dma_wait3A_118 = arith.constant 0 : i32
          %dma_wait3A_119 = arith.constant 0 : i32
          %dma_wait3A_120 = tpu.memref_slice %arg14[%dma_wait3A_118, %dma_wait3A_119] : memref<10000x128xf32, #tpu.memory_space<vmem_shared>> -> memref<10000x128xf32, #tpu.memory_space<vmem_shared>>
          tpu.wait_indirect_dma semaphore(%run_scoped3A_108 : memref<!tpu.dma_semaphore, #tpu.memory_space<semaphore_mem>>) src(%arg9 : memref<125x128xf32, #tpu.memory_space<vmem>>) dst(%dma_wait3A_120 : memref<10000x128xf32, #tpu.memory_space<vmem_shared>>)
          tpu.yield
        }) : () -> ()
        %lt3A_89 = arith.constant 19 : i32
        %lt3A_90 = arith.cmpi slt, %scan3A_82, %lt3A_89 : i32
        %convert_element_type3A_91 = arith.extui %lt3A_90 : i1 to i32
        %cond3A_92 = arith.constant 0 : i32
        %cond3A_93 = arith.cmpi ne, %convert_element_type3A_91, %cond3A_92 : i32
        scf.if %cond3A_93 {
          %add3A_108 = arith.constant 2 : i32
          %add3A_109 = arith.addi %mul3A_83, %add3A_108 : i32
          %dma_start3A_110 = arith.constant 0 : i32
          %dma_start3A_111 = tpu.memref_slice %arg7[%add3A_109, %dma_start3A_110] : memref<40x125xi32, #tpu.memory_space<vmem>> -> memref<1x125xi32, #tpu.memory_space<vmem>>
          %dma_start3A_112 = tpu.memref_squeeze %dma_start3A_111 : memref<1x125xi32, #tpu.memory_space<vmem>> -> memref<125xi32, #tpu.memory_space<vmem>>
          %dma_start3A_113 = arith.constant 0 : i32
          %dma_start3A_114 = arith.constant 0 : i32
          %dma_start3A_115 = tpu.memref_slice %arg2[%dma_start3A_113, %dma_start3A_114] : memref<10000x128xf32, #tpu.memory_space<hbm>> -> memref<10000x128xf32, #tpu.memory_space<hbm>>
          tpu.enqueue_indirect_dma source(%dma_start3A_115 : memref<10000x128xf32, #tpu.memory_space<hbm>>) target(%arg9 : memref<125x128xf32, #tpu.memory_space<vmem>>) offsets(%dma_start3A_112 : memref<125xi32, #tpu.memory_space<vmem>>) semaphore(%arg11 : memref<!tpu.dma_semaphore, #tpu.memory_space<semaphore_mem>>)
        } else {
        }
        %add3A = arith.constant 1 : i32
        %add3A_94 = arith.addi %mul3A_83, %add3A : i32
        %dma_wait3A_95 = arith.constant 0 : i32
        %dma_wait3A_96 = tpu.memref_slice %arg7[%add3A_94, %dma_wait3A_95] : memref<40x125xi32, #tpu.memory_space<vmem>> -> memref<1x125xi32, #tpu.memory_space<vmem>>
        %dma_wait3A_97 = tpu.memref_squeeze %dma_wait3A_96 : memref<1x125xi32, #tpu.memory_space<vmem>> -> memref<125xi32, #tpu.memory_space<vmem>>
        %dma_wait3A_98 = arith.constant 0 : i32
        %dma_wait3A_99 = arith.constant 0 : i32
        %dma_wait3A_100 = tpu.memref_slice %arg2[%dma_wait3A_98, %dma_wait3A_99] : memref<10000x128xf32, #tpu.memory_space<hbm>> -> memref<10000x128xf32, #tpu.memory_space<hbm>>
        tpu.wait_indirect_dma semaphore(%arg12 : memref<!tpu.dma_semaphore, #tpu.memory_space<semaphore_mem>>) src(%dma_wait3A_100 : memref<10000x128xf32, #tpu.memory_space<hbm>>) dst(%arg10 : memref<125x128xf32, #tpu.memory_space<vmem>>)
        %add3A_101 = arith.constant 1 : i32
        %add3A_102 = arith.addi %mul3A_83, %add3A_101 : i32
        "tpu.region"() ({
          %run_scoped3A_108 = tpu.sem_alloc : memref<!tpu.dma_semaphore, #tpu.memory_space<semaphore_mem>>
          %dma_start3A_109 = arith.constant 0 : i32
          %dma_start3A_110 = tpu.memref_slice %arg8[%add3A_102, %dma_start3A_109] : memref<40x125xi32, #tpu.memory_space<vmem>> -> memref<1x125xi32, #tpu.memory_space<vmem>>
          %dma_start3A_111 = tpu.memref_squeeze %dma_start3A_110 : memref<1x125xi32, #tpu.memory_space<vmem>> -> memref<125xi32, #tpu.memory_space<vmem>>
          %dma_start3A_112 = arith.constant 0 : i32
          %dma_start3A_113 = arith.constant 0 : i32
          %dma_start3A_114 = tpu.memref_slice %arg14[%dma_start3A_112, %dma_start3A_113] : memref<10000x128xf32, #tpu.memory_space<vmem_shared>> -> memref<10000x128xf32, #tpu.memory_space<vmem_shared>>
          tpu.enqueue_indirect_dma source(%arg10 : memref<125x128xf32, #tpu.memory_space<vmem>>) target(%dma_start3A_114 : memref<10000x128xf32, #tpu.memory_space<vmem_shared>>) offsets(%dma_start3A_111 : memref<125xi32, #tpu.memory_space<vmem>>) semaphore(%run_scoped3A_108 : memref<!tpu.dma_semaphore, #tpu.memory_space<semaphore_mem>>) {add = true}
          %dma_wait3A_115 = arith.constant 0 : i32
          %dma_wait3A_116 = tpu.memref_slice %arg8[%add3A_102, %dma_wait3A_115] : memref<40x125xi32, #tpu.memory_space<vmem>> -> memref<1x125xi32, #tpu.memory_space<vmem>>
          %dma_wait3A_117 = tpu.memref_squeeze %dma_wait3A_116 : memref<1x125xi32, #tpu.memory_space<vmem>> -> memref<125xi32, #tpu.memory_space<vmem>>
          %dma_wait3A_118 = arith.constant 0 : i32
          %dma_wait3A_119 = arith.constant 0 : i32
          %dma_wait3A_120 = tpu.memref_slice %arg14[%dma_wait3A_118, %dma_wait3A_119] : memref<10000x128xf32, #tpu.memory_space<vmem_shared>> -> memref<10000x128xf32, #tpu.memory_space<vmem_shared>>
          tpu.wait_indirect_dma semaphore(%run_scoped3A_108 : memref<!tpu.dma_semaphore, #tpu.memory_space<semaphore_mem>>) src(%arg10 : memref<125x128xf32, #tpu.memory_space<vmem>>) dst(%dma_wait3A_120 : memref<10000x128xf32, #tpu.memory_space<vmem_shared>>)
          tpu.yield
        }) : () -> ()
        %lt3A_103 = arith.constant 19 : i32
        %lt3A_104 = arith.cmpi slt, %scan3A_82, %lt3A_103 : i32
        %convert_element_type3A_105 = arith.extui %lt3A_104 : i1 to i32
        %cond3A_106 = arith.constant 0 : i32
        %cond3A_107 = arith.cmpi ne, %convert_element_type3A_105, %cond3A_106 : i32
        scf.if %cond3A_107 {
          %add3A_108 = arith.constant 3 : i32
          %add3A_109 = arith.addi %mul3A_83, %add3A_108 : i32
          %dma_start3A_110 = arith.constant 0 : i32
          %dma_start3A_111 = tpu.memref_slice %arg7[%add3A_109, %dma_start3A_110] : memref<40x125xi32, #tpu.memory_space<vmem>> -> memref<1x125xi32, #tpu.memory_space<vmem>>
          %dma_start3A_112 = tpu.memref_squeeze %dma_start3A_111 : memref<1x125xi32, #tpu.memory_space<vmem>> -> memref<125xi32, #tpu.memory_space<vmem>>
          %dma_start3A_113 = arith.constant 0 : i32
          %dma_start3A_114 = arith.constant 0 : i32
          %dma_start3A_115 = tpu.memref_slice %arg2[%dma_start3A_113, %dma_start3A_114] : memref<10000x128xf32, #tpu.memory_space<hbm>> -> memref<10000x128xf32, #tpu.memory_space<hbm>>
          tpu.enqueue_indirect_dma source(%dma_start3A_115 : memref<10000x128xf32, #tpu.memory_space<hbm>>) target(%arg10 : memref<125x128xf32, #tpu.memory_space<vmem>>) offsets(%dma_start3A_112 : memref<125xi32, #tpu.memory_space<vmem>>) semaphore(%arg12 : memref<!tpu.dma_semaphore, #tpu.memory_space<semaphore_mem>>)
        } else {
        }
      }
      %scan3A_46 = arith.constant 20 : i32
      %run_scoped3A_47 = arith.constant 0 : i32
      %run_scoped3A_48 = arith.constant 1 : i32
      "tpu.region"() ({
        %run_scoped3A_82 = tpu.sem_alloc : memref<!tpu.dma_semaphore, #tpu.memory_space<semaphore_mem>>
        %dma_start3A_83 = arith.constant 0 : i32
        %dma_start3A_84 = arith.constant 0 : i32
        %dma_start3A_85 = tpu.memref_slice %arg4[%run_scoped3A_47, %arg1, %run_scoped3A_48, %dma_start3A_83, %dma_start3A_84] : memref<2x16x2x40x125xi32, #tpu.memory_space<hbm>> -> memref<1x1x1x40x125xi32, #tpu.memory_space<hbm>>
        %dma_start3A_86 = tpu.memref_squeeze %dma_start3A_85 : memref<1x1x1x40x125xi32, #tpu.memory_space<hbm>> -> memref<40x125xi32, #tpu.memory_space<hbm>>
        %dma_start3A_87 = arith.constant 0 : i32
        %dma_start3A_88 = arith.constant 0 : i32
        %dma_start3A_89 = tpu.memref_slice %arg4[%run_scoped3A_47, %arg1, %run_scoped3A_48, %dma_start3A_87, %dma_start3A_88] : memref<2x16x2x40x125xi32, #tpu.memory_space<hbm>> -> memref<1x1x1x40x125xi32, #tpu.memory_space<hbm>>
        %dma_start3A_90 = tpu.memref_squeeze %dma_start3A_89 : memref<1x1x1x40x125xi32, #tpu.memory_space<hbm>> -> memref<40x125xi32, #tpu.memory_space<hbm>>
        tpu.enqueue_dma source(%dma_start3A_90 : memref<40x125xi32, #tpu.memory_space<hbm>>) target(%arg7 : memref<40x125xi32, #tpu.memory_space<vmem>>) target_semaphore(%run_scoped3A_82 : memref<!tpu.dma_semaphore, #tpu.memory_space<semaphore_mem>>)
        %dma_wait3A = arith.constant 0 : i32
        %dma_wait3A_91 = arith.constant 0 : i32
        %dma_wait3A_92 = tpu.memref_slice %arg4[%run_scoped3A_47, %arg1, %run_scoped3A_48, %dma_wait3A, %dma_wait3A_91] : memref<2x16x2x40x125xi32, #tpu.memory_space<hbm>> -> memref<1x1x1x40x125xi32, #tpu.memory_space<hbm>>
        %dma_wait3A_93 = tpu.memref_squeeze %dma_wait3A_92 : memref<1x1x1x40x125xi32, #tpu.memory_space<hbm>> -> memref<40x125xi32, #tpu.memory_space<hbm>>
        %dma_wait3A_94 = arith.constant 0 : i32
        %dma_wait3A_95 = arith.constant 0 : i32
        %dma_wait3A_96 = tpu.memref_slice %arg4[%run_scoped3A_47, %arg1, %run_scoped3A_48, %dma_wait3A_94, %dma_wait3A_95] : memref<2x16x2x40x125xi32, #tpu.memory_space<hbm>> -> memref<1x1x1x40x125xi32, #tpu.memory_space<hbm>>
        %dma_wait3A_97 = tpu.memref_squeeze %dma_wait3A_96 : memref<1x1x1x40x125xi32, #tpu.memory_space<hbm>> -> memref<40x125xi32, #tpu.memory_space<hbm>>
        tpu.wait_dma2 semaphore(%run_scoped3A_82 : memref<!tpu.dma_semaphore, #tpu.memory_space<semaphore_mem>>) src(%dma_wait3A_97 : memref<40x125xi32, #tpu.memory_space<hbm>>) dst(%arg7 : memref<40x125xi32, #tpu.memory_space<vmem>>)
        tpu.yield
      }) : () -> ()
      %run_scoped3A_49 = arith.constant 1 : i32
      %run_scoped3A_50 = arith.constant 1 : i32
      "tpu.region"() ({
        %run_scoped3A_82 = tpu.sem_alloc : memref<!tpu.dma_semaphore, #tpu.memory_space<semaphore_mem>>
        %dma_start3A_83 = arith.constant 0 : i32
        %dma_start3A_84 = arith.constant 0 : i32
        %dma_start3A_85 = tpu.memref_slice %arg4[%run_scoped3A_49, %arg1, %run_scoped3A_50, %dma_start3A_83, %dma_start3A_84] : memref<2x16x2x40x125xi32, #tpu.memory_space<hbm>> -> memref<1x1x1x40x125xi32, #tpu.memory_space<hbm>>
        %dma_start3A_86 = tpu.memref_squeeze %dma_start3A_85 : memref<1x1x1x40x125xi32, #tpu.memory_space<hbm>> -> memref<40x125xi32, #tpu.memory_space<hbm>>
        %dma_start3A_87 = arith.constant 0 : i32
        %dma_start3A_88 = arith.constant 0 : i32
        %dma_start3A_89 = tpu.memref_slice %arg4[%run_scoped3A_49, %arg1, %run_scoped3A_50, %dma_start3A_87, %dma_start3A_88] : memref<2x16x2x40x125xi32, #tpu.memory_space<hbm>> -> memref<1x1x1x40x125xi32, #tpu.memory_space<hbm>>
        %dma_start3A_90 = tpu.memref_squeeze %dma_start3A_89 : memref<1x1x1x40x125xi32, #tpu.memory_space<hbm>> -> memref<40x125xi32, #tpu.memory_space<hbm>>
        tpu.enqueue_dma source(%dma_start3A_90 : memref<40x125xi32, #tpu.memory_space<hbm>>) target(%arg8 : memref<40x125xi32, #tpu.memory_space<vmem>>) target_semaphore(%run_scoped3A_82 : memref<!tpu.dma_semaphore, #tpu.memory_space<semaphore_mem>>)
        %dma_wait3A = arith.constant 0 : i32
        %dma_wait3A_91 = arith.constant 0 : i32
        %dma_wait3A_92 = tpu.memref_slice %arg4[%run_scoped3A_49, %arg1, %run_scoped3A_50, %dma_wait3A, %dma_wait3A_91] : memref<2x16x2x40x125xi32, #tpu.memory_space<hbm>> -> memref<1x1x1x40x125xi32, #tpu.memory_space<hbm>>
        %dma_wait3A_93 = tpu.memref_squeeze %dma_wait3A_92 : memref<1x1x1x40x125xi32, #tpu.memory_space<hbm>> -> memref<40x125xi32, #tpu.memory_space<hbm>>
        %dma_wait3A_94 = arith.constant 0 : i32
        %dma_wait3A_95 = arith.constant 0 : i32
        %dma_wait3A_96 = tpu.memref_slice %arg4[%run_scoped3A_49, %arg1, %run_scoped3A_50, %dma_wait3A_94, %dma_wait3A_95] : memref<2x16x2x40x125xi32, #tpu.memory_space<hbm>> -> memref<1x1x1x40x125xi32, #tpu.memory_space<hbm>>
        %dma_wait3A_97 = tpu.memref_squeeze %dma_wait3A_96 : memref<1x1x1x40x125xi32, #tpu.memory_space<hbm>> -> memref<40x125xi32, #tpu.memory_space<hbm>>
        tpu.wait_dma2 semaphore(%run_scoped3A_82 : memref<!tpu.dma_semaphore, #tpu.memory_space<semaphore_mem>>) src(%dma_wait3A_97 : memref<40x125xi32, #tpu.memory_space<hbm>>) dst(%arg8 : memref<40x125xi32, #tpu.memory_space<vmem>>)
        tpu.yield
      }) : () -> ()
      %dma_start3A_51 = arith.constant 0 : i32
      %dma_start3A_52 = arith.constant 0 : i32
      %dma_start3A_53 = tpu.memref_slice %arg7[%dma_start3A_51, %dma_start3A_52] : memref<40x125xi32, #tpu.memory_space<vmem>> -> memref<1x125xi32, #tpu.memory_space<vmem>>
      %dma_start3A_54 = tpu.memref_squeeze %dma_start3A_53 : memref<1x125xi32, #tpu.memory_space<vmem>> -> memref<125xi32, #tpu.memory_space<vmem>>
      %dma_start3A_55 = arith.constant 0 : i32
      %dma_start3A_56 = arith.constant 0 : i32
      %dma_start3A_57 = tpu.memref_slice %arg2[%dma_start3A_55, %dma_start3A_56] : memref<10000x128xf32, #tpu.memory_space<hbm>> -> memref<10000x128xf32, #tpu.memory_space<hbm>>
      tpu.enqueue_indirect_dma source(%dma_start3A_57 : memref<10000x128xf32, #tpu.memory_space<hbm>>) target(%arg9 : memref<125x128xf32, #tpu.memory_space<vmem>>) offsets(%dma_start3A_54 : memref<125xi32, #tpu.memory_space<vmem>>) semaphore(%arg11 : memref<!tpu.dma_semaphore, #tpu.memory_space<semaphore_mem>>)
      %dma_start3A_58 = arith.constant 1 : i32
      %dma_start3A_59 = arith.constant 0 : i32
      %dma_start3A_60 = tpu.memref_slice %arg7[%dma_start3A_58, %dma_start3A_59] : memref<40x125xi32, #tpu.memory_space<vmem>> -> memref<1x125xi32, #tpu.memory_space<vmem>>
      %dma_start3A_61 = tpu.memref_squeeze %dma_start3A_60 : memref<1x125xi32, #tpu.memory_space<vmem>> -> memref<125xi32, #tpu.memory_space<vmem>>
      %dma_start3A_62 = arith.constant 0 : i32
      %dma_start3A_63 = arith.constant 0 : i32
      %dma_start3A_64 = tpu.memref_slice %arg2[%dma_start3A_62, %dma_start3A_63] : memref<10000x128xf32, #tpu.memory_space<hbm>> -> memref<10000x128xf32, #tpu.memory_space<hbm>>
      tpu.enqueue_indirect_dma source(%dma_start3A_64 : memref<10000x128xf32, #tpu.memory_space<hbm>>) target(%arg10 : memref<125x128xf32, #tpu.memory_space<vmem>>) offsets(%dma_start3A_61 : memref<125xi32, #tpu.memory_space<vmem>>) semaphore(%arg12 : memref<!tpu.dma_semaphore, #tpu.memory_space<semaphore_mem>>)
      %scan3A_65 = arith.constant 0 : i32
      %scan3A_66 = arith.constant 0 : i32
      %scan3A_67 = arith.constant 20 : i32
      %scan3A_68 = arith.addi %scan3A_66, %scan3A_67 : i32
      %scan3A_69 = arith.constant 1 : i32
      scf.for %scan3A_82 = %scan3A_66 to %scan3A_68 step %scan3A_69  : i32 {
        %mul3A = arith.constant 2 : i32
        %mul3A_83 = arith.muli %mul3A, %scan3A_82 : i32
        %dma_wait3A = arith.constant 0 : i32
        %dma_wait3A_84 = tpu.memref_slice %arg7[%mul3A_83, %dma_wait3A] : memref<40x125xi32, #tpu.memory_space<vmem>> -> memref<1x125xi32, #tpu.memory_space<vmem>>
        %dma_wait3A_85 = tpu.memref_squeeze %dma_wait3A_84 : memref<1x125xi32, #tpu.memory_space<vmem>> -> memref<125xi32, #tpu.memory_space<vmem>>
        %dma_wait3A_86 = arith.constant 0 : i32
        %dma_wait3A_87 = arith.constant 0 : i32
        %dma_wait3A_88 = tpu.memref_slice %arg2[%dma_wait3A_86, %dma_wait3A_87] : memref<10000x128xf32, #tpu.memory_space<hbm>> -> memref<10000x128xf32, #tpu.memory_space<hbm>>
        tpu.wait_indirect_dma semaphore(%arg11 : memref<!tpu.dma_semaphore, #tpu.memory_space<semaphore_mem>>) src(%dma_wait3A_88 : memref<10000x128xf32, #tpu.memory_space<hbm>>) dst(%arg9 : memref<125x128xf32, #tpu.memory_space<vmem>>)
        "tpu.region"() ({
          %run_scoped3A_108 = tpu.sem_alloc : memref<!tpu.dma_semaphore, #tpu.memory_space<semaphore_mem>>
          %dma_start3A_109 = arith.constant 0 : i32
          %dma_start3A_110 = tpu.memref_slice %arg8[%mul3A_83, %dma_start3A_109] : memref<40x125xi32, #tpu.memory_space<vmem>> -> memref<1x125xi32, #tpu.memory_space<vmem>>
          %dma_start3A_111 = tpu.memref_squeeze %dma_start3A_110 : memref<1x125xi32, #tpu.memory_space<vmem>> -> memref<125xi32, #tpu.memory_space<vmem>>
          %dma_start3A_112 = arith.constant 0 : i32
          %dma_start3A_113 = arith.constant 0 : i32
          %dma_start3A_114 = tpu.memref_slice %arg14[%dma_start3A_112, %dma_start3A_113] : memref<10000x128xf32, #tpu.memory_space<vmem_shared>> -> memref<10000x128xf32, #tpu.memory_space<vmem_shared>>
          tpu.enqueue_indirect_dma source(%arg9 : memref<125x128xf32, #tpu.memory_space<vmem>>) target(%dma_start3A_114 : memref<10000x128xf32, #tpu.memory_space<vmem_shared>>) offsets(%dma_start3A_111 : memref<125xi32, #tpu.memory_space<vmem>>) semaphore(%run_scoped3A_108 : memref<!tpu.dma_semaphore, #tpu.memory_space<semaphore_mem>>) {add = true}
          %dma_wait3A_115 = arith.constant 0 : i32
          %dma_wait3A_116 = tpu.memref_slice %arg8[%mul3A_83, %dma_wait3A_115] : memref<40x125xi32, #tpu.memory_space<vmem>> -> memref<1x125xi32, #tpu.memory_space<vmem>>
          %dma_wait3A_117 = tpu.memref_squeeze %dma_wait3A_116 : memref<1x125xi32, #tpu.memory_space<vmem>> -> memref<125xi32, #tpu.memory_space<vmem>>
          %dma_wait3A_118 = arith.constant 0 : i32
          %dma_wait3A_119 = arith.constant 0 : i32
          %dma_wait3A_120 = tpu.memref_slice %arg14[%dma_wait3A_118, %dma_wait3A_119] : memref<10000x128xf32, #tpu.memory_space<vmem_shared>> -> memref<10000x128xf32, #tpu.memory_space<vmem_shared>>
          tpu.wait_indirect_dma semaphore(%run_scoped3A_108 : memref<!tpu.dma_semaphore, #tpu.memory_space<semaphore_mem>>) src(%arg9 : memref<125x128xf32, #tpu.memory_space<vmem>>) dst(%dma_wait3A_120 : memref<10000x128xf32, #tpu.memory_space<vmem_shared>>)
          tpu.yield
        }) : () -> ()
        %lt3A_89 = arith.constant 19 : i32
        %lt3A_90 = arith.cmpi slt, %scan3A_82, %lt3A_89 : i32
        %convert_element_type3A_91 = arith.extui %lt3A_90 : i1 to i32
        %cond3A_92 = arith.constant 0 : i32
        %cond3A_93 = arith.cmpi ne, %convert_element_type3A_91, %cond3A_92 : i32
        scf.if %cond3A_93 {
          %add3A_108 = arith.constant 2 : i32
          %add3A_109 = arith.addi %mul3A_83, %add3A_108 : i32
          %dma_start3A_110 = arith.constant 0 : i32
          %dma_start3A_111 = tpu.memref_slice %arg7[%add3A_109, %dma_start3A_110] : memref<40x125xi32, #tpu.memory_space<vmem>> -> memref<1x125xi32, #tpu.memory_space<vmem>>
          %dma_start3A_112 = tpu.memref_squeeze %dma_start3A_111 : memref<1x125xi32, #tpu.memory_space<vmem>> -> memref<125xi32, #tpu.memory_space<vmem>>
          %dma_start3A_113 = arith.constant 0 : i32
          %dma_start3A_114 = arith.constant 0 : i32
          %dma_start3A_115 = tpu.memref_slice %arg2[%dma_start3A_113, %dma_start3A_114] : memref<10000x128xf32, #tpu.memory_space<hbm>> -> memref<10000x128xf32, #tpu.memory_space<hbm>>
          tpu.enqueue_indirect_dma source(%dma_start3A_115 : memref<10000x128xf32, #tpu.memory_space<hbm>>) target(%arg9 : memref<125x128xf32, #tpu.memory_space<vmem>>) offsets(%dma_start3A_112 : memref<125xi32, #tpu.memory_space<vmem>>) semaphore(%arg11 : memref<!tpu.dma_semaphore, #tpu.memory_space<semaphore_mem>>)
        } else {
        }
        %add3A = arith.constant 1 : i32
        %add3A_94 = arith.addi %mul3A_83, %add3A : i32
        %dma_wait3A_95 = arith.constant 0 : i32
        %dma_wait3A_96 = tpu.memref_slice %arg7[%add3A_94, %dma_wait3A_95] : memref<40x125xi32, #tpu.memory_space<vmem>> -> memref<1x125xi32, #tpu.memory_space<vmem>>
        %dma_wait3A_97 = tpu.memref_squeeze %dma_wait3A_96 : memref<1x125xi32, #tpu.memory_space<vmem>> -> memref<125xi32, #tpu.memory_space<vmem>>
        %dma_wait3A_98 = arith.constant 0 : i32
        %dma_wait3A_99 = arith.constant 0 : i32
        %dma_wait3A_100 = tpu.memref_slice %arg2[%dma_wait3A_98, %dma_wait3A_99] : memref<10000x128xf32, #tpu.memory_space<hbm>> -> memref<10000x128xf32, #tpu.memory_space<hbm>>
        tpu.wait_indirect_dma semaphore(%arg12 : memref<!tpu.dma_semaphore, #tpu.memory_space<semaphore_mem>>) src(%dma_wait3A_100 : memref<10000x128xf32, #tpu.memory_space<hbm>>) dst(%arg10 : memref<125x128xf32, #tpu.memory_space<vmem>>)
        %add3A_101 = arith.constant 1 : i32
        %add3A_102 = arith.addi %mul3A_83, %add3A_101 : i32
        "tpu.region"() ({
          %run_scoped3A_108 = tpu.sem_alloc : memref<!tpu.dma_semaphore, #tpu.memory_space<semaphore_mem>>
          %dma_start3A_109 = arith.constant 0 : i32
          %dma_start3A_110 = tpu.memref_slice %arg8[%add3A_102, %dma_start3A_109] : memref<40x125xi32, #tpu.memory_space<vmem>> -> memref<1x125xi32, #tpu.memory_space<vmem>>
          %dma_start3A_111 = tpu.memref_squeeze %dma_start3A_110 : memref<1x125xi32, #tpu.memory_space<vmem>> -> memref<125xi32, #tpu.memory_space<vmem>>
          %dma_start3A_112 = arith.constant 0 : i32
          %dma_start3A_113 = arith.constant 0 : i32
          %dma_start3A_114 = tpu.memref_slice %arg14[%dma_start3A_112, %dma_start3A_113] : memref<10000x128xf32, #tpu.memory_space<vmem_shared>> -> memref<10000x128xf32, #tpu.memory_space<vmem_shared>>
          tpu.enqueue_indirect_dma source(%arg10 : memref<125x128xf32, #tpu.memory_space<vmem>>) target(%dma_start3A_114 : memref<10000x128xf32, #tpu.memory_space<vmem_shared>>) offsets(%dma_start3A_111 : memref<125xi32, #tpu.memory_space<vmem>>) semaphore(%run_scoped3A_108 : memref<!tpu.dma_semaphore, #tpu.memory_space<semaphore_mem>>) {add = true}
          %dma_wait3A_115 = arith.constant 0 : i32
          %dma_wait3A_116 = tpu.memref_slice %arg8[%add3A_102, %dma_wait3A_115] : memref<40x125xi32, #tpu.memory_space<vmem>> -> memref<1x125xi32, #tpu.memory_space<vmem>>
          %dma_wait3A_117 = tpu.memref_squeeze %dma_wait3A_116 : memref<1x125xi32, #tpu.memory_space<vmem>> -> memref<125xi32, #tpu.memory_space<vmem>>
          %dma_wait3A_118 = arith.constant 0 : i32
          %dma_wait3A_119 = arith.constant 0 : i32
          %dma_wait3A_120 = tpu.memref_slice %arg14[%dma_wait3A_118, %dma_wait3A_119] : memref<10000x128xf32, #tpu.memory_space<vmem_shared>> -> memref<10000x128xf32, #tpu.memory_space<vmem_shared>>
          tpu.wait_indirect_dma semaphore(%run_scoped3A_108 : memref<!tpu.dma_semaphore, #tpu.memory_space<semaphore_mem>>) src(%arg10 : memref<125x128xf32, #tpu.memory_space<vmem>>) dst(%dma_wait3A_120 : memref<10000x128xf32, #tpu.memory_space<vmem_shared>>)
          tpu.yield
        }) : () -> ()
        %lt3A_103 = arith.constant 19 : i32
        %lt3A_104 = arith.cmpi slt, %scan3A_82, %lt3A_103 : i32
        %convert_element_type3A_105 = arith.extui %lt3A_104 : i1 to i32
        %cond3A_106 = arith.constant 0 : i32
        %cond3A_107 = arith.cmpi ne, %convert_element_type3A_105, %cond3A_106 : i32
        scf.if %cond3A_107 {
          %add3A_108 = arith.constant 3 : i32
          %add3A_109 = arith.addi %mul3A_83, %add3A_108 : i32
          %dma_start3A_110 = arith.constant 0 : i32
          %dma_start3A_111 = tpu.memref_slice %arg7[%add3A_109, %dma_start3A_110] : memref<40x125xi32, #tpu.memory_space<vmem>> -> memref<1x125xi32, #tpu.memory_space<vmem>>
          %dma_start3A_112 = tpu.memref_squeeze %dma_start3A_111 : memref<1x125xi32, #tpu.memory_space<vmem>> -> memref<125xi32, #tpu.memory_space<vmem>>
          %dma_start3A_113 = arith.constant 0 : i32
          %dma_start3A_114 = arith.constant 0 : i32
          %dma_start3A_115 = tpu.memref_slice %arg2[%dma_start3A_113, %dma_start3A_114] : memref<10000x128xf32, #tpu.memory_space<hbm>> -> memref<10000x128xf32, #tpu.memory_space<hbm>>
          tpu.enqueue_indirect_dma source(%dma_start3A_115 : memref<10000x128xf32, #tpu.memory_space<hbm>>) target(%arg10 : memref<125x128xf32, #tpu.memory_space<vmem>>) offsets(%dma_start3A_112 : memref<125xi32, #tpu.memory_space<vmem>>) semaphore(%arg12 : memref<!tpu.dma_semaphore, #tpu.memory_space<semaphore_mem>>)
        } else {
        }
      }
      %scan3A_70 = arith.constant 20 : i32
      %barrier3A_71 = arith.constant 0 : index
      tpu.barrier barrier_id(%barrier3A_71)
      %lt3A_72 = arith.constant 15 : i32
      %lt3A_73 = arith.cmpi slt, %arg1, %lt3A_72 : i32
      %convert_element_type3A_74 = arith.extui %lt3A_73 : i1 to i32
      %cond3A_75 = arith.constant 0 : i32
      %cond3A_76 = arith.cmpi ne, %convert_element_type3A_74, %cond3A_75 : i32
      scf.if %cond3A_76 {
        %mul3A = arith.constant 640 : i32
        %mul3A_82 = arith.muli %arg1, %mul3A : i32
        "tpu.region"() ({
          %run_scoped3A_83 = tpu.sem_alloc : memref<!tpu.dma_semaphore, #tpu.memory_space<semaphore_mem>>
          %dma_start3A_84 = arith.constant 0 : i32
          %dma_start3A_85 = tpu.memref_slice %arg5[%mul3A_82, %dma_start3A_84] : memref<10000x128xf32, #tpu.memory_space<hbm>> -> memref<640x128xf32, #tpu.memory_space<hbm>>
          %dma_start3A_86 = arith.constant 0 : i32
          %dma_start3A_87 = tpu.memref_slice %arg14[%mul3A_82, %dma_start3A_86] : memref<10000x128xf32, #tpu.memory_space<vmem_shared>> -> memref<640x128xf32, #tpu.memory_space<vmem_shared>>
          tpu.enqueue_dma source(%dma_start3A_87 : memref<640x128xf32, #tpu.memory_space<vmem_shared>>) target(%dma_start3A_85 : memref<640x128xf32, #tpu.memory_space<hbm>>) target_semaphore(%run_scoped3A_83 : memref<!tpu.dma_semaphore, #tpu.memory_space<semaphore_mem>>)
          %dma_wait3A = arith.constant 0 : i32
          %dma_wait3A_88 = tpu.memref_slice %arg5[%mul3A_82, %dma_wait3A] : memref<10000x128xf32, #tpu.memory_space<hbm>> -> memref<640x128xf32, #tpu.memory_space<hbm>>
          %dma_wait3A_89 = arith.constant 0 : i32
          %dma_wait3A_90 = tpu.memref_slice %arg14[%mul3A_82, %dma_wait3A_89] : memref<10000x128xf32, #tpu.memory_space<vmem_shared>> -> memref<640x128xf32, #tpu.memory_space<vmem_shared>>
          tpu.wait_dma2 semaphore(%run_scoped3A_83 : memref<!tpu.dma_semaphore, #tpu.memory_space<semaphore_mem>>) src(%dma_wait3A_90 : memref<640x128xf32, #tpu.memory_space<vmem_shared>>) dst(%dma_wait3A_88 : memref<640x128xf32, #tpu.memory_space<hbm>>)
          tpu.yield
        }) : () -> ()
      } else {
      }
      %eq3A_77 = arith.constant 15 : i32
      %eq3A_78 = arith.cmpi eq, %arg1, %eq3A_77 : i32
      %convert_element_type3A_79 = arith.extui %eq3A_78 : i1 to i32
      %cond3A_80 = arith.constant 0 : i32
      %cond3A_81 = arith.cmpi ne, %convert_element_type3A_79, %cond3A_80 : i32
      scf.if %cond3A_81 {
        "tpu.region"() ({
          %run_scoped3A_82 = tpu.sem_alloc : memref<!tpu.dma_semaphore, #tpu.memory_space<semaphore_mem>>
          %dma_start3A_83 = arith.constant 9600 : i32
          %dma_start3A_84 = arith.constant 0 : i32
          %dma_start3A_85 = tpu.memref_slice %arg5[%dma_start3A_83, %dma_start3A_84] : memref<10000x128xf32, #tpu.memory_space<hbm>> -> memref<400x128xf32, #tpu.memory_space<hbm>>
          %dma_start3A_86 = arith.constant 9600 : i32
          %dma_start3A_87 = arith.constant 0 : i32
          %dma_start3A_88 = tpu.memref_slice %arg14[%dma_start3A_86, %dma_start3A_87] : memref<10000x128xf32, #tpu.memory_space<vmem_shared>> -> memref<400x128xf32, #tpu.memory_space<vmem_shared>>
          tpu.enqueue_dma source(%dma_start3A_88 : memref<400x128xf32, #tpu.memory_space<vmem_shared>>) target(%dma_start3A_85 : memref<400x128xf32, #tpu.memory_space<hbm>>) target_semaphore(%run_scoped3A_82 : memref<!tpu.dma_semaphore, #tpu.memory_space<semaphore_mem>>)
          %dma_wait3A = arith.constant 9600 : i32
          %dma_wait3A_89 = arith.constant 0 : i32
          %dma_wait3A_90 = tpu.memref_slice %arg5[%dma_wait3A, %dma_wait3A_89] : memref<10000x128xf32, #tpu.memory_space<hbm>> -> memref<400x128xf32, #tpu.memory_space<hbm>>
          %dma_wait3A_91 = arith.constant 9600 : i32
          %dma_wait3A_92 = arith.constant 0 : i32
          %dma_wait3A_93 = tpu.memref_slice %arg14[%dma_wait3A_91, %dma_wait3A_92] : memref<10000x128xf32, #tpu.memory_space<vmem_shared>> -> memref<400x128xf32, #tpu.memory_space<vmem_shared>>
          tpu.wait_dma2 semaphore(%run_scoped3A_82 : memref<!tpu.dma_semaphore, #tpu.memory_space<semaphore_mem>>) src(%dma_wait3A_93 : memref<400x128xf32, #tpu.memory_space<vmem_shared>>) dst(%dma_wait3A_90 : memref<400x128xf32, #tpu.memory_space<hbm>>)
          tpu.yield
        }) : () -> ()
      } else {
      }
    } else {
    }
    %eq3A_2 = arith.constant 1 : i32
    %eq3A_3 = arith.cmpi eq, %arg0, %eq3A_2 : i32
    %convert_element_type3A_4 = arith.extui %eq3A_3 : i1 to i32
    %cond3A_5 = arith.constant 0 : i32
    %cond3A_6 = arith.cmpi ne, %convert_element_type3A_4, %cond3A_5 : i32
    scf.if %cond3A_6 {
      %lt3A = arith.constant 15 : i32
      %lt3A_7 = arith.cmpi slt, %arg1, %lt3A : i32
      %convert_element_type3A_8 = arith.extui %lt3A_7 : i1 to i32
      %cond3A_9 = arith.constant 0 : i32
      %cond3A_10 = arith.cmpi ne, %convert_element_type3A_8, %cond3A_9 : i32
      scf.if %cond3A_10 {
        %mul3A = arith.constant 640 : i32
        %mul3A_82 = arith.muli %arg1, %mul3A : i32
        %dma_start3A_83 = arith.constant 0 : i32
        %dma_start3A_84 = tpu.memref_slice %arg14[%mul3A_82, %dma_start3A_83] : memref<10000x128xf32, #tpu.memory_space<vmem_shared>> -> memref<640x128xf32, #tpu.memory_space<vmem_shared>>
        %dma_start3A_85 = arith.constant 0 : i32
        %dma_start3A_86 = tpu.memref_slice %arg3[%mul3A_82, %dma_start3A_85] : memref<10000x128xf32, #tpu.memory_space<hbm>> -> memref<640x128xf32, #tpu.memory_space<hbm>>
        tpu.enqueue_dma source(%dma_start3A_86 : memref<640x128xf32, #tpu.memory_space<hbm>>) target(%dma_start3A_84 : memref<640x128xf32, #tpu.memory_space<vmem_shared>>) target_semaphore(%arg13 : memref<!tpu.dma_semaphore, #tpu.memory_space<semaphore_mem>>)
      } else {
      }
      %eq3A_11 = arith.constant 15 : i32
      %eq3A_12 = arith.cmpi eq, %arg1, %eq3A_11 : i32
      %convert_element_type3A_13 = arith.extui %eq3A_12 : i1 to i32
      %cond3A_14 = arith.constant 0 : i32
      %cond3A_15 = arith.cmpi ne, %convert_element_type3A_13, %cond3A_14 : i32
      scf.if %cond3A_15 {
        %dma_start3A_82 = arith.constant 9600 : i32
        %dma_start3A_83 = arith.constant 0 : i32
        %dma_start3A_84 = tpu.memref_slice %arg14[%dma_start3A_82, %dma_start3A_83] : memref<10000x128xf32, #tpu.memory_space<vmem_shared>> -> memref<400x128xf32, #tpu.memory_space<vmem_shared>>
        %dma_start3A_85 = arith.constant 9600 : i32
        %dma_start3A_86 = arith.constant 0 : i32
        %dma_start3A_87 = tpu.memref_slice %arg3[%dma_start3A_85, %dma_start3A_86] : memref<10000x128xf32, #tpu.memory_space<hbm>> -> memref<400x128xf32, #tpu.memory_space<hbm>>
        tpu.enqueue_dma source(%dma_start3A_87 : memref<400x128xf32, #tpu.memory_space<hbm>>) target(%dma_start3A_84 : memref<400x128xf32, #tpu.memory_space<vmem_shared>>) target_semaphore(%arg13 : memref<!tpu.dma_semaphore, #tpu.memory_space<semaphore_mem>>)
      } else {
      }
      %run_scoped3A = arith.constant 0 : i32
      %run_scoped3A_16 = arith.constant 0 : i32
      "tpu.region"() ({
        %run_scoped3A_82 = tpu.sem_alloc : memref<!tpu.dma_semaphore, #tpu.memory_space<semaphore_mem>>
        %dma_start3A_83 = arith.constant 0 : i32
        %dma_start3A_84 = arith.constant 0 : i32
        %dma_start3A_85 = tpu.memref_slice %arg4[%run_scoped3A, %arg1, %run_scoped3A_16, %dma_start3A_83, %dma_start3A_84] : memref<2x16x2x40x125xi32, #tpu.memory_space<hbm>> -> memref<1x1x1x40x125xi32, #tpu.memory_space<hbm>>
        %dma_start3A_86 = tpu.memref_squeeze %dma_start3A_85 : memref<1x1x1x40x125xi32, #tpu.memory_space<hbm>> -> memref<40x125xi32, #tpu.memory_space<hbm>>
        %dma_start3A_87 = arith.constant 0 : i32
        %dma_start3A_88 = arith.constant 0 : i32
        %dma_start3A_89 = tpu.memref_slice %arg4[%run_scoped3A, %arg1, %run_scoped3A_16, %dma_start3A_87, %dma_start3A_88] : memref<2x16x2x40x125xi32, #tpu.memory_space<hbm>> -> memref<1x1x1x40x125xi32, #tpu.memory_space<hbm>>
        %dma_start3A_90 = tpu.memref_squeeze %dma_start3A_89 : memref<1x1x1x40x125xi32, #tpu.memory_space<hbm>> -> memref<40x125xi32, #tpu.memory_space<hbm>>
        tpu.enqueue_dma source(%dma_start3A_90 : memref<40x125xi32, #tpu.memory_space<hbm>>) target(%arg7 : memref<40x125xi32, #tpu.memory_space<vmem>>) target_semaphore(%run_scoped3A_82 : memref<!tpu.dma_semaphore, #tpu.memory_space<semaphore_mem>>)
        %dma_wait3A = arith.constant 0 : i32
        %dma_wait3A_91 = arith.constant 0 : i32
        %dma_wait3A_92 = tpu.memref_slice %arg4[%run_scoped3A, %arg1, %run_scoped3A_16, %dma_wait3A, %dma_wait3A_91] : memref<2x16x2x40x125xi32, #tpu.memory_space<hbm>> -> memref<1x1x1x40x125xi32, #tpu.memory_space<hbm>>
        %dma_wait3A_93 = tpu.memref_squeeze %dma_wait3A_92 : memref<1x1x1x40x125xi32, #tpu.memory_space<hbm>> -> memref<40x125xi32, #tpu.memory_space<hbm>>
        %dma_wait3A_94 = arith.constant 0 : i32
        %dma_wait3A_95 = arith.constant 0 : i32
        %dma_wait3A_96 = tpu.memref_slice %arg4[%run_scoped3A, %arg1, %run_scoped3A_16, %dma_wait3A_94, %dma_wait3A_95] : memref<2x16x2x40x125xi32, #tpu.memory_space<hbm>> -> memref<1x1x1x40x125xi32, #tpu.memory_space<hbm>>
        %dma_wait3A_97 = tpu.memref_squeeze %dma_wait3A_96 : memref<1x1x1x40x125xi32, #tpu.memory_space<hbm>> -> memref<40x125xi32, #tpu.memory_space<hbm>>
        tpu.wait_dma2 semaphore(%run_scoped3A_82 : memref<!tpu.dma_semaphore, #tpu.memory_space<semaphore_mem>>) src(%dma_wait3A_97 : memref<40x125xi32, #tpu.memory_space<hbm>>) dst(%arg7 : memref<40x125xi32, #tpu.memory_space<vmem>>)
        tpu.yield
      }) : () -> ()
      %run_scoped3A_17 = arith.constant 1 : i32
      %run_scoped3A_18 = arith.constant 0 : i32
      "tpu.region"() ({
        %run_scoped3A_82 = tpu.sem_alloc : memref<!tpu.dma_semaphore, #tpu.memory_space<semaphore_mem>>
        %dma_start3A_83 = arith.constant 0 : i32
        %dma_start3A_84 = arith.constant 0 : i32
        %dma_start3A_85 = tpu.memref_slice %arg4[%run_scoped3A_17, %arg1, %run_scoped3A_18, %dma_start3A_83, %dma_start3A_84] : memref<2x16x2x40x125xi32, #tpu.memory_space<hbm>> -> memref<1x1x1x40x125xi32, #tpu.memory_space<hbm>>
        %dma_start3A_86 = tpu.memref_squeeze %dma_start3A_85 : memref<1x1x1x40x125xi32, #tpu.memory_space<hbm>> -> memref<40x125xi32, #tpu.memory_space<hbm>>
        %dma_start3A_87 = arith.constant 0 : i32
        %dma_start3A_88 = arith.constant 0 : i32
        %dma_start3A_89 = tpu.memref_slice %arg4[%run_scoped3A_17, %arg1, %run_scoped3A_18, %dma_start3A_87, %dma_start3A_88] : memref<2x16x2x40x125xi32, #tpu.memory_space<hbm>> -> memref<1x1x1x40x125xi32, #tpu.memory_space<hbm>>
        %dma_start3A_90 = tpu.memref_squeeze %dma_start3A_89 : memref<1x1x1x40x125xi32, #tpu.memory_space<hbm>> -> memref<40x125xi32, #tpu.memory_space<hbm>>
        tpu.enqueue_dma source(%dma_start3A_90 : memref<40x125xi32, #tpu.memory_space<hbm>>) target(%arg8 : memref<40x125xi32, #tpu.memory_space<vmem>>) target_semaphore(%run_scoped3A_82 : memref<!tpu.dma_semaphore, #tpu.memory_space<semaphore_mem>>)
        %dma_wait3A = arith.constant 0 : i32
        %dma_wait3A_91 = arith.constant 0 : i32
        %dma_wait3A_92 = tpu.memref_slice %arg4[%run_scoped3A_17, %arg1, %run_scoped3A_18, %dma_wait3A, %dma_wait3A_91] : memref<2x16x2x40x125xi32, #tpu.memory_space<hbm>> -> memref<1x1x1x40x125xi32, #tpu.memory_space<hbm>>
        %dma_wait3A_93 = tpu.memref_squeeze %dma_wait3A_92 : memref<1x1x1x40x125xi32, #tpu.memory_space<hbm>> -> memref<40x125xi32, #tpu.memory_space<hbm>>
        %dma_wait3A_94 = arith.constant 0 : i32
        %dma_wait3A_95 = arith.constant 0 : i32
        %dma_wait3A_96 = tpu.memref_slice %arg4[%run_scoped3A_17, %arg1, %run_scoped3A_18, %dma_wait3A_94, %dma_wait3A_95] : memref<2x16x2x40x125xi32, #tpu.memory_space<hbm>> -> memref<1x1x1x40x125xi32, #tpu.memory_space<hbm>>
        %dma_wait3A_97 = tpu.memref_squeeze %dma_wait3A_96 : memref<1x1x1x40x125xi32, #tpu.memory_space<hbm>> -> memref<40x125xi32, #tpu.memory_space<hbm>>
        tpu.wait_dma2 semaphore(%run_scoped3A_82 : memref<!tpu.dma_semaphore, #tpu.memory_space<semaphore_mem>>) src(%dma_wait3A_97 : memref<40x125xi32, #tpu.memory_space<hbm>>) dst(%arg8 : memref<40x125xi32, #tpu.memory_space<vmem>>)
        tpu.yield
      }) : () -> ()
      %dma_start3A = arith.constant 0 : i32
      %dma_start3A_19 = arith.constant 0 : i32
      %dma_start3A_20 = tpu.memref_slice %arg7[%dma_start3A, %dma_start3A_19] : memref<40x125xi32, #tpu.memory_space<vmem>> -> memref<1x125xi32, #tpu.memory_space<vmem>>
      %dma_start3A_21 = tpu.memref_squeeze %dma_start3A_20 : memref<1x125xi32, #tpu.memory_space<vmem>> -> memref<125xi32, #tpu.memory_space<vmem>>
      %dma_start3A_22 = arith.constant 0 : i32
      %dma_start3A_23 = arith.constant 0 : i32
      %dma_start3A_24 = tpu.memref_slice %arg3[%dma_start3A_22, %dma_start3A_23] : memref<10000x128xf32, #tpu.memory_space<hbm>> -> memref<10000x128xf32, #tpu.memory_space<hbm>>
      tpu.enqueue_indirect_dma source(%dma_start3A_24 : memref<10000x128xf32, #tpu.memory_space<hbm>>) target(%arg9 : memref<125x128xf32, #tpu.memory_space<vmem>>) offsets(%dma_start3A_21 : memref<125xi32, #tpu.memory_space<vmem>>) semaphore(%arg11 : memref<!tpu.dma_semaphore, #tpu.memory_space<semaphore_mem>>)
      %dma_start3A_25 = arith.constant 1 : i32
      %dma_start3A_26 = arith.constant 0 : i32
      %dma_start3A_27 = tpu.memref_slice %arg7[%dma_start3A_25, %dma_start3A_26] : memref<40x125xi32, #tpu.memory_space<vmem>> -> memref<1x125xi32, #tpu.memory_space<vmem>>
      %dma_start3A_28 = tpu.memref_squeeze %dma_start3A_27 : memref<1x125xi32, #tpu.memory_space<vmem>> -> memref<125xi32, #tpu.memory_space<vmem>>
      %dma_start3A_29 = arith.constant 0 : i32
      %dma_start3A_30 = arith.constant 0 : i32
      %dma_start3A_31 = tpu.memref_slice %arg3[%dma_start3A_29, %dma_start3A_30] : memref<10000x128xf32, #tpu.memory_space<hbm>> -> memref<10000x128xf32, #tpu.memory_space<hbm>>
      tpu.enqueue_indirect_dma source(%dma_start3A_31 : memref<10000x128xf32, #tpu.memory_space<hbm>>) target(%arg10 : memref<125x128xf32, #tpu.memory_space<vmem>>) offsets(%dma_start3A_28 : memref<125xi32, #tpu.memory_space<vmem>>) semaphore(%arg12 : memref<!tpu.dma_semaphore, #tpu.memory_space<semaphore_mem>>)
      %lt3A_32 = arith.constant 15 : i32
      %lt3A_33 = arith.cmpi slt, %arg1, %lt3A_32 : i32
      %convert_element_type3A_34 = arith.extui %lt3A_33 : i1 to i32
      %cond3A_35 = arith.constant 0 : i32
      %cond3A_36 = arith.cmpi ne, %convert_element_type3A_34, %cond3A_35 : i32
      scf.if %cond3A_36 {
        %mul3A = arith.constant 640 : i32
        %mul3A_82 = arith.muli %arg1, %mul3A : i32
        %dma_wait3A = arith.constant 0 : i32
        %dma_wait3A_83 = tpu.memref_slice %arg14[%mul3A_82, %dma_wait3A] : memref<10000x128xf32, #tpu.memory_space<vmem_shared>> -> memref<640x128xf32, #tpu.memory_space<vmem_shared>>
        %dma_wait3A_84 = arith.constant 0 : i32
        %dma_wait3A_85 = tpu.memref_slice %arg3[%mul3A_82, %dma_wait3A_84] : memref<10000x128xf32, #tpu.memory_space<hbm>> -> memref<640x128xf32, #tpu.memory_space<hbm>>
        tpu.wait_dma2 semaphore(%arg13 : memref<!tpu.dma_semaphore, #tpu.memory_space<semaphore_mem>>) src(%dma_wait3A_85 : memref<640x128xf32, #tpu.memory_space<hbm>>) dst(%dma_wait3A_83 : memref<640x128xf32, #tpu.memory_space<vmem_shared>>)
      } else {
      }
      %eq3A_37 = arith.constant 15 : i32
      %eq3A_38 = arith.cmpi eq, %arg1, %eq3A_37 : i32
      %convert_element_type3A_39 = arith.extui %eq3A_38 : i1 to i32
      %cond3A_40 = arith.constant 0 : i32
      %cond3A_41 = arith.cmpi ne, %convert_element_type3A_39, %cond3A_40 : i32
      scf.if %cond3A_41 {
        %dma_wait3A = arith.constant 9600 : i32
        %dma_wait3A_82 = arith.constant 0 : i32
        %dma_wait3A_83 = tpu.memref_slice %arg14[%dma_wait3A, %dma_wait3A_82] : memref<10000x128xf32, #tpu.memory_space<vmem_shared>> -> memref<400x128xf32, #tpu.memory_space<vmem_shared>>
        %dma_wait3A_84 = arith.constant 9600 : i32
        %dma_wait3A_85 = arith.constant 0 : i32
        %dma_wait3A_86 = tpu.memref_slice %arg3[%dma_wait3A_84, %dma_wait3A_85] : memref<10000x128xf32, #tpu.memory_space<hbm>> -> memref<400x128xf32, #tpu.memory_space<hbm>>
        tpu.wait_dma2 semaphore(%arg13 : memref<!tpu.dma_semaphore, #tpu.memory_space<semaphore_mem>>) src(%dma_wait3A_86 : memref<400x128xf32, #tpu.memory_space<hbm>>) dst(%dma_wait3A_83 : memref<400x128xf32, #tpu.memory_space<vmem_shared>>)
      } else {
      }
      %barrier3A = arith.constant 0 : index
      tpu.barrier barrier_id(%barrier3A)
      %scan3A = arith.constant 0 : i32
      %scan3A_42 = arith.constant 0 : i32
      %scan3A_43 = arith.constant 20 : i32
      %scan3A_44 = arith.addi %scan3A_42, %scan3A_43 : i32
      %scan3A_45 = arith.constant 1 : i32
      scf.for %scan3A_82 = %scan3A_42 to %scan3A_44 step %scan3A_45  : i32 {
        %mul3A = arith.constant 2 : i32
        %mul3A_83 = arith.muli %mul3A, %scan3A_82 : i32
        %dma_wait3A = arith.constant 0 : i32
        %dma_wait3A_84 = tpu.memref_slice %arg7[%mul3A_83, %dma_wait3A] : memref<40x125xi32, #tpu.memory_space<vmem>> -> memref<1x125xi32, #tpu.memory_space<vmem>>
        %dma_wait3A_85 = tpu.memref_squeeze %dma_wait3A_84 : memref<1x125xi32, #tpu.memory_space<vmem>> -> memref<125xi32, #tpu.memory_space<vmem>>
        %dma_wait3A_86 = arith.constant 0 : i32
        %dma_wait3A_87 = arith.constant 0 : i32
        %dma_wait3A_88 = tpu.memref_slice %arg3[%dma_wait3A_86, %dma_wait3A_87] : memref<10000x128xf32, #tpu.memory_space<hbm>> -> memref<10000x128xf32, #tpu.memory_space<hbm>>
        tpu.wait_indirect_dma semaphore(%arg11 : memref<!tpu.dma_semaphore, #tpu.memory_space<semaphore_mem>>) src(%dma_wait3A_88 : memref<10000x128xf32, #tpu.memory_space<hbm>>) dst(%arg9 : memref<125x128xf32, #tpu.memory_space<vmem>>)
        "tpu.region"() ({
          %run_scoped3A_108 = tpu.sem_alloc : memref<!tpu.dma_semaphore, #tpu.memory_space<semaphore_mem>>
          %dma_start3A_109 = arith.constant 0 : i32
          %dma_start3A_110 = tpu.memref_slice %arg8[%mul3A_83, %dma_start3A_109] : memref<40x125xi32, #tpu.memory_space<vmem>> -> memref<1x125xi32, #tpu.memory_space<vmem>>
          %dma_start3A_111 = tpu.memref_squeeze %dma_start3A_110 : memref<1x125xi32, #tpu.memory_space<vmem>> -> memref<125xi32, #tpu.memory_space<vmem>>
          %dma_start3A_112 = arith.constant 0 : i32
          %dma_start3A_113 = arith.constant 0 : i32
          %dma_start3A_114 = tpu.memref_slice %arg14[%dma_start3A_112, %dma_start3A_113] : memref<10000x128xf32, #tpu.memory_space<vmem_shared>> -> memref<10000x128xf32, #tpu.memory_space<vmem_shared>>
          tpu.enqueue_indirect_dma source(%arg9 : memref<125x128xf32, #tpu.memory_space<vmem>>) target(%dma_start3A_114 : memref<10000x128xf32, #tpu.memory_space<vmem_shared>>) offsets(%dma_start3A_111 : memref<125xi32, #tpu.memory_space<vmem>>) semaphore(%run_scoped3A_108 : memref<!tpu.dma_semaphore, #tpu.memory_space<semaphore_mem>>) {add = true}
          %dma_wait3A_115 = arith.constant 0 : i32
          %dma_wait3A_116 = tpu.memref_slice %arg8[%mul3A_83, %dma_wait3A_115] : memref<40x125xi32, #tpu.memory_space<vmem>> -> memref<1x125xi32, #tpu.memory_space<vmem>>
          %dma_wait3A_117 = tpu.memref_squeeze %dma_wait3A_116 : memref<1x125xi32, #tpu.memory_space<vmem>> -> memref<125xi32, #tpu.memory_space<vmem>>
          %dma_wait3A_118 = arith.constant 0 : i32
          %dma_wait3A_119 = arith.constant 0 : i32
          %dma_wait3A_120 = tpu.memref_slice %arg14[%dma_wait3A_118, %dma_wait3A_119] : memref<10000x128xf32, #tpu.memory_space<vmem_shared>> -> memref<10000x128xf32, #tpu.memory_space<vmem_shared>>
          tpu.wait_indirect_dma semaphore(%run_scoped3A_108 : memref<!tpu.dma_semaphore, #tpu.memory_space<semaphore_mem>>) src(%arg9 : memref<125x128xf32, #tpu.memory_space<vmem>>) dst(%dma_wait3A_120 : memref<10000x128xf32, #tpu.memory_space<vmem_shared>>)
          tpu.yield
        }) : () -> ()
        %lt3A_89 = arith.constant 19 : i32
        %lt3A_90 = arith.cmpi slt, %scan3A_82, %lt3A_89 : i32
        %convert_element_type3A_91 = arith.extui %lt3A_90 : i1 to i32
        %cond3A_92 = arith.constant 0 : i32
        %cond3A_93 = arith.cmpi ne, %convert_element_type3A_91, %cond3A_92 : i32
        scf.if %cond3A_93 {
          %add3A_108 = arith.constant 2 : i32
          %add3A_109 = arith.addi %mul3A_83, %add3A_108 : i32
          %dma_start3A_110 = arith.constant 0 : i32
          %dma_start3A_111 = tpu.memref_slice %arg7[%add3A_109, %dma_start3A_110] : memref<40x125xi32, #tpu.memory_space<vmem>> -> memref<1x125xi32, #tpu.memory_space<vmem>>
          %dma_start3A_112 = tpu.memref_squeeze %dma_start3A_111 : memref<1x125xi32, #tpu.memory_space<vmem>> -> memref<125xi32, #tpu.memory_space<vmem>>
          %dma_start3A_113 = arith.constant 0 : i32
          %dma_start3A_114 = arith.constant 0 : i32
          %dma_start3A_115 = tpu.memref_slice %arg3[%dma_start3A_113, %dma_start3A_114] : memref<10000x128xf32, #tpu.memory_space<hbm>> -> memref<10000x128xf32, #tpu.memory_space<hbm>>
          tpu.enqueue_indirect_dma source(%dma_start3A_115 : memref<10000x128xf32, #tpu.memory_space<hbm>>) target(%arg9 : memref<125x128xf32, #tpu.memory_space<vmem>>) offsets(%dma_start3A_112 : memref<125xi32, #tpu.memory_space<vmem>>) semaphore(%arg11 : memref<!tpu.dma_semaphore, #tpu.memory_space<semaphore_mem>>)
        } else {
        }
        %add3A = arith.constant 1 : i32
        %add3A_94 = arith.addi %mul3A_83, %add3A : i32
        %dma_wait3A_95 = arith.constant 0 : i32
        %dma_wait3A_96 = tpu.memref_slice %arg7[%add3A_94, %dma_wait3A_95] : memref<40x125xi32, #tpu.memory_space<vmem>> -> memref<1x125xi32, #tpu.memory_space<vmem>>
        %dma_wait3A_97 = tpu.memref_squeeze %dma_wait3A_96 : memref<1x125xi32, #tpu.memory_space<vmem>> -> memref<125xi32, #tpu.memory_space<vmem>>
        %dma_wait3A_98 = arith.constant 0 : i32
        %dma_wait3A_99 = arith.constant 0 : i32
        %dma_wait3A_100 = tpu.memref_slice %arg3[%dma_wait3A_98, %dma_wait3A_99] : memref<10000x128xf32, #tpu.memory_space<hbm>> -> memref<10000x128xf32, #tpu.memory_space<hbm>>
        tpu.wait_indirect_dma semaphore(%arg12 : memref<!tpu.dma_semaphore, #tpu.memory_space<semaphore_mem>>) src(%dma_wait3A_100 : memref<10000x128xf32, #tpu.memory_space<hbm>>) dst(%arg10 : memref<125x128xf32, #tpu.memory_space<vmem>>)
        %add3A_101 = arith.constant 1 : i32
        %add3A_102 = arith.addi %mul3A_83, %add3A_101 : i32
        "tpu.region"() ({
          %run_scoped3A_108 = tpu.sem_alloc : memref<!tpu.dma_semaphore, #tpu.memory_space<semaphore_mem>>
          %dma_start3A_109 = arith.constant 0 : i32
          %dma_start3A_110 = tpu.memref_slice %arg8[%add3A_102, %dma_start3A_109] : memref<40x125xi32, #tpu.memory_space<vmem>> -> memref<1x125xi32, #tpu.memory_space<vmem>>
          %dma_start3A_111 = tpu.memref_squeeze %dma_start3A_110 : memref<1x125xi32, #tpu.memory_space<vmem>> -> memref<125xi32, #tpu.memory_space<vmem>>
          %dma_start3A_112 = arith.constant 0 : i32
          %dma_start3A_113 = arith.constant 0 : i32
          %dma_start3A_114 = tpu.memref_slice %arg14[%dma_start3A_112, %dma_start3A_113] : memref<10000x128xf32, #tpu.memory_space<vmem_shared>> -> memref<10000x128xf32, #tpu.memory_space<vmem_shared>>
          tpu.enqueue_indirect_dma source(%arg10 : memref<125x128xf32, #tpu.memory_space<vmem>>) target(%dma_start3A_114 : memref<10000x128xf32, #tpu.memory_space<vmem_shared>>) offsets(%dma_start3A_111 : memref<125xi32, #tpu.memory_space<vmem>>) semaphore(%run_scoped3A_108 : memref<!tpu.dma_semaphore, #tpu.memory_space<semaphore_mem>>) {add = true}
          %dma_wait3A_115 = arith.constant 0 : i32
          %dma_wait3A_116 = tpu.memref_slice %arg8[%add3A_102, %dma_wait3A_115] : memref<40x125xi32, #tpu.memory_space<vmem>> -> memref<1x125xi32, #tpu.memory_space<vmem>>
          %dma_wait3A_117 = tpu.memref_squeeze %dma_wait3A_116 : memref<1x125xi32, #tpu.memory_space<vmem>> -> memref<125xi32, #tpu.memory_space<vmem>>
          %dma_wait3A_118 = arith.constant 0 : i32
          %dma_wait3A_119 = arith.constant 0 : i32
          %dma_wait3A_120 = tpu.memref_slice %arg14[%dma_wait3A_118, %dma_wait3A_119] : memref<10000x128xf32, #tpu.memory_space<vmem_shared>> -> memref<10000x128xf32, #tpu.memory_space<vmem_shared>>
          tpu.wait_indirect_dma semaphore(%run_scoped3A_108 : memref<!tpu.dma_semaphore, #tpu.memory_space<semaphore_mem>>) src(%arg10 : memref<125x128xf32, #tpu.memory_space<vmem>>) dst(%dma_wait3A_120 : memref<10000x128xf32, #tpu.memory_space<vmem_shared>>)
          tpu.yield
        }) : () -> ()
        %lt3A_103 = arith.constant 19 : i32
        %lt3A_104 = arith.cmpi slt, %scan3A_82, %lt3A_103 : i32
        %convert_element_type3A_105 = arith.extui %lt3A_104 : i1 to i32
        %cond3A_106 = arith.constant 0 : i32
        %cond3A_107 = arith.cmpi ne, %convert_element_type3A_105, %cond3A_106 : i32
        scf.if %cond3A_107 {
          %add3A_108 = arith.constant 3 : i32
          %add3A_109 = arith.addi %mul3A_83, %add3A_108 : i32
          %dma_start3A_110 = arith.constant 0 : i32
          %dma_start3A_111 = tpu.memref_slice %arg7[%add3A_109, %dma_start3A_110] : memref<40x125xi32, #tpu.memory_space<vmem>> -> memref<1x125xi32, #tpu.memory_space<vmem>>
          %dma_start3A_112 = tpu.memref_squeeze %dma_start3A_111 : memref<1x125xi32, #tpu.memory_space<vmem>> -> memref<125xi32, #tpu.memory_space<vmem>>
          %dma_start3A_113 = arith.constant 0 : i32
          %dma_start3A_114 = arith.constant 0 : i32
          %dma_start3A_115 = tpu.memref_slice %arg3[%dma_start3A_113, %dma_start3A_114] : memref<10000x128xf32, #tpu.memory_space<hbm>> -> memref<10000x128xf32, #tpu.memory_space<hbm>>
          tpu.enqueue_indirect_dma source(%dma_start3A_115 : memref<10000x128xf32, #tpu.memory_space<hbm>>) target(%arg10 : memref<125x128xf32, #tpu.memory_space<vmem>>) offsets(%dma_start3A_112 : memref<125xi32, #tpu.memory_space<vmem>>) semaphore(%arg12 : memref<!tpu.dma_semaphore, #tpu.memory_space<semaphore_mem>>)
        } else {
        }
      }
      %scan3A_46 = arith.constant 20 : i32
      %run_scoped3A_47 = arith.constant 0 : i32
      %run_scoped3A_48 = arith.constant 1 : i32
      "tpu.region"() ({
        %run_scoped3A_82 = tpu.sem_alloc : memref<!tpu.dma_semaphore, #tpu.memory_space<semaphore_mem>>
        %dma_start3A_83 = arith.constant 0 : i32
        %dma_start3A_84 = arith.constant 0 : i32
        %dma_start3A_85 = tpu.memref_slice %arg4[%run_scoped3A_47, %arg1, %run_scoped3A_48, %dma_start3A_83, %dma_start3A_84] : memref<2x16x2x40x125xi32, #tpu.memory_space<hbm>> -> memref<1x1x1x40x125xi32, #tpu.memory_space<hbm>>
        %dma_start3A_86 = tpu.memref_squeeze %dma_start3A_85 : memref<1x1x1x40x125xi32, #tpu.memory_space<hbm>> -> memref<40x125xi32, #tpu.memory_space<hbm>>
        %dma_start3A_87 = arith.constant 0 : i32
        %dma_start3A_88 = arith.constant 0 : i32
        %dma_start3A_89 = tpu.memref_slice %arg4[%run_scoped3A_47, %arg1, %run_scoped3A_48, %dma_start3A_87, %dma_start3A_88] : memref<2x16x2x40x125xi32, #tpu.memory_space<hbm>> -> memref<1x1x1x40x125xi32, #tpu.memory_space<hbm>>
        %dma_start3A_90 = tpu.memref_squeeze %dma_start3A_89 : memref<1x1x1x40x125xi32, #tpu.memory_space<hbm>> -> memref<40x125xi32, #tpu.memory_space<hbm>>
        tpu.enqueue_dma source(%dma_start3A_90 : memref<40x125xi32, #tpu.memory_space<hbm>>) target(%arg7 : memref<40x125xi32, #tpu.memory_space<vmem>>) target_semaphore(%run_scoped3A_82 : memref<!tpu.dma_semaphore, #tpu.memory_space<semaphore_mem>>)
        %dma_wait3A = arith.constant 0 : i32
        %dma_wait3A_91 = arith.constant 0 : i32
        %dma_wait3A_92 = tpu.memref_slice %arg4[%run_scoped3A_47, %arg1, %run_scoped3A_48, %dma_wait3A, %dma_wait3A_91] : memref<2x16x2x40x125xi32, #tpu.memory_space<hbm>> -> memref<1x1x1x40x125xi32, #tpu.memory_space<hbm>>
        %dma_wait3A_93 = tpu.memref_squeeze %dma_wait3A_92 : memref<1x1x1x40x125xi32, #tpu.memory_space<hbm>> -> memref<40x125xi32, #tpu.memory_space<hbm>>
        %dma_wait3A_94 = arith.constant 0 : i32
        %dma_wait3A_95 = arith.constant 0 : i32
        %dma_wait3A_96 = tpu.memref_slice %arg4[%run_scoped3A_47, %arg1, %run_scoped3A_48, %dma_wait3A_94, %dma_wait3A_95] : memref<2x16x2x40x125xi32, #tpu.memory_space<hbm>> -> memref<1x1x1x40x125xi32, #tpu.memory_space<hbm>>
        %dma_wait3A_97 = tpu.memref_squeeze %dma_wait3A_96 : memref<1x1x1x40x125xi32, #tpu.memory_space<hbm>> -> memref<40x125xi32, #tpu.memory_space<hbm>>
        tpu.wait_dma2 semaphore(%run_scoped3A_82 : memref<!tpu.dma_semaphore, #tpu.memory_space<semaphore_mem>>) src(%dma_wait3A_97 : memref<40x125xi32, #tpu.memory_space<hbm>>) dst(%arg7 : memref<40x125xi32, #tpu.memory_space<vmem>>)
        tpu.yield
      }) : () -> ()
      %run_scoped3A_49 = arith.constant 1 : i32
      %run_scoped3A_50 = arith.constant 1 : i32
      "tpu.region"() ({
        %run_scoped3A_82 = tpu.sem_alloc : memref<!tpu.dma_semaphore, #tpu.memory_space<semaphore_mem>>
        %dma_start3A_83 = arith.constant 0 : i32
        %dma_start3A_84 = arith.constant 0 : i32
        %dma_start3A_85 = tpu.memref_slice %arg4[%run_scoped3A_49, %arg1, %run_scoped3A_50, %dma_start3A_83, %dma_start3A_84] : memref<2x16x2x40x125xi32, #tpu.memory_space<hbm>> -> memref<1x1x1x40x125xi32, #tpu.memory_space<hbm>>
        %dma_start3A_86 = tpu.memref_squeeze %dma_start3A_85 : memref<1x1x1x40x125xi32, #tpu.memory_space<hbm>> -> memref<40x125xi32, #tpu.memory_space<hbm>>
        %dma_start3A_87 = arith.constant 0 : i32
        %dma_start3A_88 = arith.constant 0 : i32
        %dma_start3A_89 = tpu.memref_slice %arg4[%run_scoped3A_49, %arg1, %run_scoped3A_50, %dma_start3A_87, %dma_start3A_88] : memref<2x16x2x40x125xi32, #tpu.memory_space<hbm>> -> memref<1x1x1x40x125xi32, #tpu.memory_space<hbm>>
        %dma_start3A_90 = tpu.memref_squeeze %dma_start3A_89 : memref<1x1x1x40x125xi32, #tpu.memory_space<hbm>> -> memref<40x125xi32, #tpu.memory_space<hbm>>
        tpu.enqueue_dma source(%dma_start3A_90 : memref<40x125xi32, #tpu.memory_space<hbm>>) target(%arg8 : memref<40x125xi32, #tpu.memory_space<vmem>>) target_semaphore(%run_scoped3A_82 : memref<!tpu.dma_semaphore, #tpu.memory_space<semaphore_mem>>)
        %dma_wait3A = arith.constant 0 : i32
        %dma_wait3A_91 = arith.constant 0 : i32
        %dma_wait3A_92 = tpu.memref_slice %arg4[%run_scoped3A_49, %arg1, %run_scoped3A_50, %dma_wait3A, %dma_wait3A_91] : memref<2x16x2x40x125xi32, #tpu.memory_space<hbm>> -> memref<1x1x1x40x125xi32, #tpu.memory_space<hbm>>
        %dma_wait3A_93 = tpu.memref_squeeze %dma_wait3A_92 : memref<1x1x1x40x125xi32, #tpu.memory_space<hbm>> -> memref<40x125xi32, #tpu.memory_space<hbm>>
        %dma_wait3A_94 = arith.constant 0 : i32
        %dma_wait3A_95 = arith.constant 0 : i32
        %dma_wait3A_96 = tpu.memref_slice %arg4[%run_scoped3A_49, %arg1, %run_scoped3A_50, %dma_wait3A_94, %dma_wait3A_95] : memref<2x16x2x40x125xi32, #tpu.memory_space<hbm>> -> memref<1x1x1x40x125xi32, #tpu.memory_space<hbm>>
        %dma_wait3A_97 = tpu.memref_squeeze %dma_wait3A_96 : memref<1x1x1x40x125xi32, #tpu.memory_space<hbm>> -> memref<40x125xi32, #tpu.memory_space<hbm>>
        tpu.wait_dma2 semaphore(%run_scoped3A_82 : memref<!tpu.dma_semaphore, #tpu.memory_space<semaphore_mem>>) src(%dma_wait3A_97 : memref<40x125xi32, #tpu.memory_space<hbm>>) dst(%arg8 : memref<40x125xi32, #tpu.memory_space<vmem>>)
        tpu.yield
      }) : () -> ()
      %dma_start3A_51 = arith.constant 0 : i32
      %dma_start3A_52 = arith.constant 0 : i32
      %dma_start3A_53 = tpu.memref_slice %arg7[%dma_start3A_51, %dma_start3A_52] : memref<40x125xi32, #tpu.memory_space<vmem>> -> memref<1x125xi32, #tpu.memory_space<vmem>>
      %dma_start3A_54 = tpu.memref_squeeze %dma_start3A_53 : memref<1x125xi32, #tpu.memory_space<vmem>> -> memref<125xi32, #tpu.memory_space<vmem>>
      %dma_start3A_55 = arith.constant 0 : i32
      %dma_start3A_56 = arith.constant 0 : i32
      %dma_start3A_57 = tpu.memref_slice %arg3[%dma_start3A_55, %dma_start3A_56] : memref<10000x128xf32, #tpu.memory_space<hbm>> -> memref<10000x128xf32, #tpu.memory_space<hbm>>
      tpu.enqueue_indirect_dma source(%dma_start3A_57 : memref<10000x128xf32, #tpu.memory_space<hbm>>) target(%arg9 : memref<125x128xf32, #tpu.memory_space<vmem>>) offsets(%dma_start3A_54 : memref<125xi32, #tpu.memory_space<vmem>>) semaphore(%arg11 : memref<!tpu.dma_semaphore, #tpu.memory_space<semaphore_mem>>)
      %dma_start3A_58 = arith.constant 1 : i32
      %dma_start3A_59 = arith.constant 0 : i32
      %dma_start3A_60 = tpu.memref_slice %arg7[%dma_start3A_58, %dma_start3A_59] : memref<40x125xi32, #tpu.memory_space<vmem>> -> memref<1x125xi32, #tpu.memory_space<vmem>>
      %dma_start3A_61 = tpu.memref_squeeze %dma_start3A_60 : memref<1x125xi32, #tpu.memory_space<vmem>> -> memref<125xi32, #tpu.memory_space<vmem>>
      %dma_start3A_62 = arith.constant 0 : i32
      %dma_start3A_63 = arith.constant 0 : i32
      %dma_start3A_64 = tpu.memref_slice %arg3[%dma_start3A_62, %dma_start3A_63] : memref<10000x128xf32, #tpu.memory_space<hbm>> -> memref<10000x128xf32, #tpu.memory_space<hbm>>
      tpu.enqueue_indirect_dma source(%dma_start3A_64 : memref<10000x128xf32, #tpu.memory_space<hbm>>) target(%arg10 : memref<125x128xf32, #tpu.memory_space<vmem>>) offsets(%dma_start3A_61 : memref<125xi32, #tpu.memory_space<vmem>>) semaphore(%arg12 : memref<!tpu.dma_semaphore, #tpu.memory_space<semaphore_mem>>)
      %scan3A_65 = arith.constant 0 : i32
      %scan3A_66 = arith.constant 0 : i32
      %scan3A_67 = arith.constant 20 : i32
      %scan3A_68 = arith.addi %scan3A_66, %scan3A_67 : i32
      %scan3A_69 = arith.constant 1 : i32
      scf.for %scan3A_82 = %scan3A_66 to %scan3A_68 step %scan3A_69  : i32 {
        %mul3A = arith.constant 2 : i32
        %mul3A_83 = arith.muli %mul3A, %scan3A_82 : i32
        %dma_wait3A = arith.constant 0 : i32
        %dma_wait3A_84 = tpu.memref_slice %arg7[%mul3A_83, %dma_wait3A] : memref<40x125xi32, #tpu.memory_space<vmem>> -> memref<1x125xi32, #tpu.memory_space<vmem>>
        %dma_wait3A_85 = tpu.memref_squeeze %dma_wait3A_84 : memref<1x125xi32, #tpu.memory_space<vmem>> -> memref<125xi32, #tpu.memory_space<vmem>>
        %dma_wait3A_86 = arith.constant 0 : i32
        %dma_wait3A_87 = arith.constant 0 : i32
        %dma_wait3A_88 = tpu.memref_slice %arg3[%dma_wait3A_86, %dma_wait3A_87] : memref<10000x128xf32, #tpu.memory_space<hbm>> -> memref<10000x128xf32, #tpu.memory_space<hbm>>
        tpu.wait_indirect_dma semaphore(%arg11 : memref<!tpu.dma_semaphore, #tpu.memory_space<semaphore_mem>>) src(%dma_wait3A_88 : memref<10000x128xf32, #tpu.memory_space<hbm>>) dst(%arg9 : memref<125x128xf32, #tpu.memory_space<vmem>>)
        "tpu.region"() ({
          %run_scoped3A_108 = tpu.sem_alloc : memref<!tpu.dma_semaphore, #tpu.memory_space<semaphore_mem>>
          %dma_start3A_109 = arith.constant 0 : i32
          %dma_start3A_110 = tpu.memref_slice %arg8[%mul3A_83, %dma_start3A_109] : memref<40x125xi32, #tpu.memory_space<vmem>> -> memref<1x125xi32, #tpu.memory_space<vmem>>
          %dma_start3A_111 = tpu.memref_squeeze %dma_start3A_110 : memref<1x125xi32, #tpu.memory_space<vmem>> -> memref<125xi32, #tpu.memory_space<vmem>>
          %dma_start3A_112 = arith.constant 0 : i32
          %dma_start3A_113 = arith.constant 0 : i32
          %dma_start3A_114 = tpu.memref_slice %arg14[%dma_start3A_112, %dma_start3A_113] : memref<10000x128xf32, #tpu.memory_space<vmem_shared>> -> memref<10000x128xf32, #tpu.memory_space<vmem_shared>>
          tpu.enqueue_indirect_dma source(%arg9 : memref<125x128xf32, #tpu.memory_space<vmem>>) target(%dma_start3A_114 : memref<10000x128xf32, #tpu.memory_space<vmem_shared>>) offsets(%dma_start3A_111 : memref<125xi32, #tpu.memory_space<vmem>>) semaphore(%run_scoped3A_108 : memref<!tpu.dma_semaphore, #tpu.memory_space<semaphore_mem>>) {add = true}
          %dma_wait3A_115 = arith.constant 0 : i32
          %dma_wait3A_116 = tpu.memref_slice %arg8[%mul3A_83, %dma_wait3A_115] : memref<40x125xi32, #tpu.memory_space<vmem>> -> memref<1x125xi32, #tpu.memory_space<vmem>>
          %dma_wait3A_117 = tpu.memref_squeeze %dma_wait3A_116 : memref<1x125xi32, #tpu.memory_space<vmem>> -> memref<125xi32, #tpu.memory_space<vmem>>
          %dma_wait3A_118 = arith.constant 0 : i32
          %dma_wait3A_119 = arith.constant 0 : i32
          %dma_wait3A_120 = tpu.memref_slice %arg14[%dma_wait3A_118, %dma_wait3A_119] : memref<10000x128xf32, #tpu.memory_space<vmem_shared>> -> memref<10000x128xf32, #tpu.memory_space<vmem_shared>>
          tpu.wait_indirect_dma semaphore(%run_scoped3A_108 : memref<!tpu.dma_semaphore, #tpu.memory_space<semaphore_mem>>) src(%arg9 : memref<125x128xf32, #tpu.memory_space<vmem>>) dst(%dma_wait3A_120 : memref<10000x128xf32, #tpu.memory_space<vmem_shared>>)
          tpu.yield
        }) : () -> ()
        %lt3A_89 = arith.constant 19 : i32
        %lt3A_90 = arith.cmpi slt, %scan3A_82, %lt3A_89 : i32
        %convert_element_type3A_91 = arith.extui %lt3A_90 : i1 to i32
        %cond3A_92 = arith.constant 0 : i32
        %cond3A_93 = arith.cmpi ne, %convert_element_type3A_91, %cond3A_92 : i32
        scf.if %cond3A_93 {
          %add3A_108 = arith.constant 2 : i32
          %add3A_109 = arith.addi %mul3A_83, %add3A_108 : i32
          %dma_start3A_110 = arith.constant 0 : i32
          %dma_start3A_111 = tpu.memref_slice %arg7[%add3A_109, %dma_start3A_110] : memref<40x125xi32, #tpu.memory_space<vmem>> -> memref<1x125xi32, #tpu.memory_space<vmem>>
          %dma_start3A_112 = tpu.memref_squeeze %dma_start3A_111 : memref<1x125xi32, #tpu.memory_space<vmem>> -> memref<125xi32, #tpu.memory_space<vmem>>
          %dma_start3A_113 = arith.constant 0 : i32
          %dma_start3A_114 = arith.constant 0 : i32
          %dma_start3A_115 = tpu.memref_slice %arg3[%dma_start3A_113, %dma_start3A_114] : memref<10000x128xf32, #tpu.memory_space<hbm>> -> memref<10000x128xf32, #tpu.memory_space<hbm>>
          tpu.enqueue_indirect_dma source(%dma_start3A_115 : memref<10000x128xf32, #tpu.memory_space<hbm>>) target(%arg9 : memref<125x128xf32, #tpu.memory_space<vmem>>) offsets(%dma_start3A_112 : memref<125xi32, #tpu.memory_space<vmem>>) semaphore(%arg11 : memref<!tpu.dma_semaphore, #tpu.memory_space<semaphore_mem>>)
        } else {
        }
        %add3A = arith.constant 1 : i32
        %add3A_94 = arith.addi %mul3A_83, %add3A : i32
        %dma_wait3A_95 = arith.constant 0 : i32
        %dma_wait3A_96 = tpu.memref_slice %arg7[%add3A_94, %dma_wait3A_95] : memref<40x125xi32, #tpu.memory_space<vmem>> -> memref<1x125xi32, #tpu.memory_space<vmem>>
        %dma_wait3A_97 = tpu.memref_squeeze %dma_wait3A_96 : memref<1x125xi32, #tpu.memory_space<vmem>> -> memref<125xi32, #tpu.memory_space<vmem>>
        %dma_wait3A_98 = arith.constant 0 : i32
        %dma_wait3A_99 = arith.constant 0 : i32
        %dma_wait3A_100 = tpu.memref_slice %arg3[%dma_wait3A_98, %dma_wait3A_99] : memref<10000x128xf32, #tpu.memory_space<hbm>> -> memref<10000x128xf32, #tpu.memory_space<hbm>>
        tpu.wait_indirect_dma semaphore(%arg12 : memref<!tpu.dma_semaphore, #tpu.memory_space<semaphore_mem>>) src(%dma_wait3A_100 : memref<10000x128xf32, #tpu.memory_space<hbm>>) dst(%arg10 : memref<125x128xf32, #tpu.memory_space<vmem>>)
        %add3A_101 = arith.constant 1 : i32
        %add3A_102 = arith.addi %mul3A_83, %add3A_101 : i32
        "tpu.region"() ({
          %run_scoped3A_108 = tpu.sem_alloc : memref<!tpu.dma_semaphore, #tpu.memory_space<semaphore_mem>>
          %dma_start3A_109 = arith.constant 0 : i32
          %dma_start3A_110 = tpu.memref_slice %arg8[%add3A_102, %dma_start3A_109] : memref<40x125xi32, #tpu.memory_space<vmem>> -> memref<1x125xi32, #tpu.memory_space<vmem>>
          %dma_start3A_111 = tpu.memref_squeeze %dma_start3A_110 : memref<1x125xi32, #tpu.memory_space<vmem>> -> memref<125xi32, #tpu.memory_space<vmem>>
          %dma_start3A_112 = arith.constant 0 : i32
          %dma_start3A_113 = arith.constant 0 : i32
          %dma_start3A_114 = tpu.memref_slice %arg14[%dma_start3A_112, %dma_start3A_113] : memref<10000x128xf32, #tpu.memory_space<vmem_shared>> -> memref<10000x128xf32, #tpu.memory_space<vmem_shared>>
          tpu.enqueue_indirect_dma source(%arg10 : memref<125x128xf32, #tpu.memory_space<vmem>>) target(%dma_start3A_114 : memref<10000x128xf32, #tpu.memory_space<vmem_shared>>) offsets(%dma_start3A_111 : memref<125xi32, #tpu.memory_space<vmem>>) semaphore(%run_scoped3A_108 : memref<!tpu.dma_semaphore, #tpu.memory_space<semaphore_mem>>) {add = true}
          %dma_wait3A_115 = arith.constant 0 : i32
          %dma_wait3A_116 = tpu.memref_slice %arg8[%add3A_102, %dma_wait3A_115] : memref<40x125xi32, #tpu.memory_space<vmem>> -> memref<1x125xi32, #tpu.memory_space<vmem>>
          %dma_wait3A_117 = tpu.memref_squeeze %dma_wait3A_116 : memref<1x125xi32, #tpu.memory_space<vmem>> -> memref<125xi32, #tpu.memory_space<vmem>>
          %dma_wait3A_118 = arith.constant 0 : i32
          %dma_wait3A_119 = arith.constant 0 : i32
          %dma_wait3A_120 = tpu.memref_slice %arg14[%dma_wait3A_118, %dma_wait3A_119] : memref<10000x128xf32, #tpu.memory_space<vmem_shared>> -> memref<10000x128xf32, #tpu.memory_space<vmem_shared>>
          tpu.wait_indirect_dma semaphore(%run_scoped3A_108 : memref<!tpu.dma_semaphore, #tpu.memory_space<semaphore_mem>>) src(%arg10 : memref<125x128xf32, #tpu.memory_space<vmem>>) dst(%dma_wait3A_120 : memref<10000x128xf32, #tpu.memory_space<vmem_shared>>)
          tpu.yield
        }) : () -> ()
        %lt3A_103 = arith.constant 19 : i32
        %lt3A_104 = arith.cmpi slt, %scan3A_82, %lt3A_103 : i32
        %convert_element_type3A_105 = arith.extui %lt3A_104 : i1 to i32
        %cond3A_106 = arith.constant 0 : i32
        %cond3A_107 = arith.cmpi ne, %convert_element_type3A_105, %cond3A_106 : i32
        scf.if %cond3A_107 {
          %add3A_108 = arith.constant 3 : i32
          %add3A_109 = arith.addi %mul3A_83, %add3A_108 : i32
          %dma_start3A_110 = arith.constant 0 : i32
          %dma_start3A_111 = tpu.memref_slice %arg7[%add3A_109, %dma_start3A_110] : memref<40x125xi32, #tpu.memory_space<vmem>> -> memref<1x125xi32, #tpu.memory_space<vmem>>
          %dma_start3A_112 = tpu.memref_squeeze %dma_start3A_111 : memref<1x125xi32, #tpu.memory_space<vmem>> -> memref<125xi32, #tpu.memory_space<vmem>>
          %dma_start3A_113 = arith.constant 0 : i32
          %dma_start3A_114 = arith.constant 0 : i32
          %dma_start3A_115 = tpu.memref_slice %arg3[%dma_start3A_113, %dma_start3A_114] : memref<10000x128xf32, #tpu.memory_space<hbm>> -> memref<10000x128xf32, #tpu.memory_space<hbm>>
          tpu.enqueue_indirect_dma source(%dma_start3A_115 : memref<10000x128xf32, #tpu.memory_space<hbm>>) target(%arg10 : memref<125x128xf32, #tpu.memory_space<vmem>>) offsets(%dma_start3A_112 : memref<125xi32, #tpu.memory_space<vmem>>) semaphore(%arg12 : memref<!tpu.dma_semaphore, #tpu.memory_space<semaphore_mem>>)
        } else {
        }
      }
      %scan3A_70 = arith.constant 20 : i32
      %barrier3A_71 = arith.constant 0 : index
      tpu.barrier barrier_id(%barrier3A_71)
      %lt3A_72 = arith.constant 15 : i32
      %lt3A_73 = arith.cmpi slt, %arg1, %lt3A_72 : i32
      %convert_element_type3A_74 = arith.extui %lt3A_73 : i1 to i32
      %cond3A_75 = arith.constant 0 : i32
      %cond3A_76 = arith.cmpi ne, %convert_element_type3A_74, %cond3A_75 : i32
      scf.if %cond3A_76 {
        %mul3A = arith.constant 640 : i32
        %mul3A_82 = arith.muli %arg1, %mul3A : i32
        "tpu.region"() ({
          %run_scoped3A_83 = tpu.sem_alloc : memref<!tpu.dma_semaphore, #tpu.memory_space<semaphore_mem>>
          %dma_start3A_84 = arith.constant 0 : i32
          %dma_start3A_85 = tpu.memref_slice %arg6[%mul3A_82, %dma_start3A_84] : memref<10000x128xf32, #tpu.memory_space<hbm>> -> memref<640x128xf32, #tpu.memory_space<hbm>>
          %dma_start3A_86 = arith.constant 0 : i32
          %dma_start3A_87 = tpu.memref_slice %arg14[%mul3A_82, %dma_start3A_86] : memref<10000x128xf32, #tpu.memory_space<vmem_shared>> -> memref<640x128xf32, #tpu.memory_space<vmem_shared>>
          tpu.enqueue_dma source(%dma_start3A_87 : memref<640x128xf32, #tpu.memory_space<vmem_shared>>) target(%dma_start3A_85 : memref<640x128xf32, #tpu.memory_space<hbm>>) target_semaphore(%run_scoped3A_83 : memref<!tpu.dma_semaphore, #tpu.memory_space<semaphore_mem>>)
          %dma_wait3A = arith.constant 0 : i32
          %dma_wait3A_88 = tpu.memref_slice %arg6[%mul3A_82, %dma_wait3A] : memref<10000x128xf32, #tpu.memory_space<hbm>> -> memref<640x128xf32, #tpu.memory_space<hbm>>
          %dma_wait3A_89 = arith.constant 0 : i32
          %dma_wait3A_90 = tpu.memref_slice %arg14[%mul3A_82, %dma_wait3A_89] : memref<10000x128xf32, #tpu.memory_space<vmem_shared>> -> memref<640x128xf32, #tpu.memory_space<vmem_shared>>
          tpu.wait_dma2 semaphore(%run_scoped3A_83 : memref<!tpu.dma_semaphore, #tpu.memory_space<semaphore_mem>>) src(%dma_wait3A_90 : memref<640x128xf32, #tpu.memory_space<vmem_shared>>) dst(%dma_wait3A_88 : memref<640x128xf32, #tpu.memory_space<hbm>>)
          tpu.yield
        }) : () -> ()
      } else {
      }
      %eq3A_77 = arith.constant 15 : i32
      %eq3A_78 = arith.cmpi eq, %arg1, %eq3A_77 : i32
      %convert_element_type3A_79 = arith.extui %eq3A_78 : i1 to i32
      %cond3A_80 = arith.constant 0 : i32
      %cond3A_81 = arith.cmpi ne, %convert_element_type3A_79, %cond3A_80 : i32
      scf.if %cond3A_81 {
        "tpu.region"() ({
          %run_scoped3A_82 = tpu.sem_alloc : memref<!tpu.dma_semaphore, #tpu.memory_space<semaphore_mem>>
          %dma_start3A_83 = arith.constant 9600 : i32
          %dma_start3A_84 = arith.constant 0 : i32
          %dma_start3A_85 = tpu.memref_slice %arg6[%dma_start3A_83, %dma_start3A_84] : memref<10000x128xf32, #tpu.memory_space<hbm>> -> memref<400x128xf32, #tpu.memory_space<hbm>>
          %dma_start3A_86 = arith.constant 9600 : i32
          %dma_start3A_87 = arith.constant 0 : i32
          %dma_start3A_88 = tpu.memref_slice %arg14[%dma_start3A_86, %dma_start3A_87] : memref<10000x128xf32, #tpu.memory_space<vmem_shared>> -> memref<400x128xf32, #tpu.memory_space<vmem_shared>>
          tpu.enqueue_dma source(%dma_start3A_88 : memref<400x128xf32, #tpu.memory_space<vmem_shared>>) target(%dma_start3A_85 : memref<400x128xf32, #tpu.memory_space<hbm>>) target_semaphore(%run_scoped3A_82 : memref<!tpu.dma_semaphore, #tpu.memory_space<semaphore_mem>>)
          %dma_wait3A = arith.constant 9600 : i32
          %dma_wait3A_89 = arith.constant 0 : i32
          %dma_wait3A_90 = tpu.memref_slice %arg6[%dma_wait3A, %dma_wait3A_89] : memref<10000x128xf32, #tpu.memory_space<hbm>> -> memref<400x128xf32, #tpu.memory_space<hbm>>
          %dma_wait3A_91 = arith.constant 9600 : i32
          %dma_wait3A_92 = arith.constant 0 : i32
          %dma_wait3A_93 = tpu.memref_slice %arg14[%dma_wait3A_91, %dma_wait3A_92] : memref<10000x128xf32, #tpu.memory_space<vmem_shared>> -> memref<400x128xf32, #tpu.memory_space<vmem_shared>>
          tpu.wait_dma2 semaphore(%run_scoped3A_82 : memref<!tpu.dma_semaphore, #tpu.memory_space<semaphore_mem>>) src(%dma_wait3A_93 : memref<400x128xf32, #tpu.memory_space<vmem_shared>>) dst(%dma_wait3A_90 : memref<400x128xf32, #tpu.memory_space<hbm>>)
          tpu.yield
        }) : () -> ()
      } else {
      }
    } else {
    }
    return
  }
}

#map = affine_map<(d0, d1) -> (0, 0)>
#map1 = affine_map<(d0, d1) -> (0, 0, 0, 0, 0)>
module attributes {stable_mosaic.version = 14 : i64} {
  func.func @_prop_kernel(%arg0: i32, %arg1: i32, %arg2: memref<10000x128xf32, #tpu.memory_space<hbm>>, %arg3: memref<10000x128xf32, #tpu.memory_space<hbm>>, %arg4: memref<2x16x2x40x125xi32, #tpu.memory_space<hbm>>, %arg5: memref<10000x128xf32, #tpu.memory_space<hbm>>, %arg6: memref<10000x128xf32, #tpu.memory_space<hbm>>, %arg7: memref<40x125xi32, #tpu.memory_space<vmem>>, %arg8: memref<40x125xi32, #tpu.memory_space<vmem>>, %arg9: memref<125x128xf32, #tpu.memory_space<vmem>>, %arg10: memref<125x128xf32, #tpu.memory_space<vmem>>, %arg11: memref<!tpu.dma_semaphore, #tpu.memory_space<semaphore_mem>>, %arg12: memref<!tpu.dma_semaphore, #tpu.memory_space<semaphore_mem>>, %arg13: memref<!tpu.dma_semaphore, #tpu.memory_space<semaphore_mem>>, %arg14: memref<10000x128xf32, #tpu.memory_space<vmem_shared>>) attributes {dimension_semantics = [#tpu.dimension_semantics<core_parallel>, #tpu.dimension_semantics<subcore_parallel>], iteration_bounds = array<i64: 2, 16>, scalar_prefetch = 0 : i64, scratch_operands = 8 : i64, tpu.core_type = #tpu.core_type<sc_vector_subcore>, window_params = [{transform_indices = #map}, {transform_indices = #map}, {transform_indices = #map1}, {transform_indices = #map}, {transform_indices = #map}]} {
    %eq3A = arith.constant 0 : i32
    %eq3A_0 = arith.cmpi eq, %arg0, %eq3A : i32
    %convert_element_type3A = arith.extui %eq3A_0 : i1 to i32
    %cond3A = arith.constant 0 : i32
    %cond3A_1 = arith.cmpi ne, %convert_element_type3A, %cond3A : i32
    scf.if %cond3A_1 {
      %lt3A = arith.constant 15 : i32
      %lt3A_7 = arith.cmpi slt, %arg1, %lt3A : i32
      %convert_element_type3A_8 = arith.extui %lt3A_7 : i1 to i32
      %cond3A_9 = arith.constant 0 : i32
      %cond3A_10 = arith.cmpi ne, %convert_element_type3A_8, %cond3A_9 : i32
      scf.if %cond3A_10 {
        %mul3A = arith.constant 640 : i32
        %mul3A_82 = arith.muli %arg1, %mul3A : i32
        %dma_start3A_83 = arith.constant 0 : i32
        %dma_start3A_84 = tpu.memref_slice %arg14[%mul3A_82, %dma_start3A_83] : memref<10000x128xf32, #tpu.memory_space<vmem_shared>> -> memref<640x128xf32, #tpu.memory_space<vmem_shared>>
        %dma_start3A_85 = arith.constant 0 : i32
        %dma_start3A_86 = tpu.memref_slice %arg2[%mul3A_82, %dma_start3A_85] : memref<10000x128xf32, #tpu.memory_space<hbm>> -> memref<640x128xf32, #tpu.memory_space<hbm>>
        tpu.enqueue_dma source(%dma_start3A_86 : memref<640x128xf32, #tpu.memory_space<hbm>>) target(%dma_start3A_84 : memref<640x128xf32, #tpu.memory_space<vmem_shared>>) target_semaphore(%arg13 : memref<!tpu.dma_semaphore, #tpu.memory_space<semaphore_mem>>)
      } else {
      }
      %eq3A_11 = arith.constant 15 : i32
      %eq3A_12 = arith.cmpi eq, %arg1, %eq3A_11 : i32
      %convert_element_type3A_13 = arith.extui %eq3A_12 : i1 to i32
      %cond3A_14 = arith.constant 0 : i32
      %cond3A_15 = arith.cmpi ne, %convert_element_type3A_13, %cond3A_14 : i32
      scf.if %cond3A_15 {
        %dma_start3A_82 = arith.constant 9600 : i32
        %dma_start3A_83 = arith.constant 0 : i32
        %dma_start3A_84 = tpu.memref_slice %arg14[%dma_start3A_82, %dma_start3A_83] : memref<10000x128xf32, #tpu.memory_space<vmem_shared>> -> memref<400x128xf32, #tpu.memory_space<vmem_shared>>
        %dma_start3A_85 = arith.constant 9600 : i32
        %dma_start3A_86 = arith.constant 0 : i32
        %dma_start3A_87 = tpu.memref_slice %arg2[%dma_start3A_85, %dma_start3A_86] : memref<10000x128xf32, #tpu.memory_space<hbm>> -> memref<400x128xf32, #tpu.memory_space<hbm>>
        tpu.enqueue_dma source(%dma_start3A_87 : memref<400x128xf32, #tpu.memory_space<hbm>>) target(%dma_start3A_84 : memref<400x128xf32, #tpu.memory_space<vmem_shared>>) target_semaphore(%arg13 : memref<!tpu.dma_semaphore, #tpu.memory_space<semaphore_mem>>)
      } else {
      }
      %run_scoped3A = arith.constant 0 : i32
      %run_scoped3A_16 = arith.constant 0 : i32
      "tpu.region"() ({
        %run_scoped3A_82 = tpu.sem_alloc : memref<!tpu.dma_semaphore, #tpu.memory_space<semaphore_mem>>
        %dma_start3A_83 = arith.constant 0 : i32
        %dma_start3A_84 = arith.constant 0 : i32
        %dma_start3A_85 = tpu.memref_slice %arg4[%run_scoped3A, %arg1, %run_scoped3A_16, %dma_start3A_83, %dma_start3A_84] : memref<2x16x2x40x125xi32, #tpu.memory_space<hbm>> -> memref<1x1x1x40x125xi32, #tpu.memory_space<hbm>>
        %dma_start3A_86 = tpu.memref_squeeze %dma_start3A_85 : memref<1x1x1x40x125xi32, #tpu.memory_space<hbm>> -> memref<40x125xi32, #tpu.memory_space<hbm>>
        %dma_start3A_87 = arith.constant 0 : i32
        %dma_start3A_88 = arith.constant 0 : i32
        %dma_start3A_89 = tpu.memref_slice %arg4[%run_scoped3A, %arg1, %run_scoped3A_16, %dma_start3A_87, %dma_start3A_88] : memref<2x16x2x40x125xi32, #tpu.memory_space<hbm>> -> memref<1x1x1x40x125xi32, #tpu.memory_space<hbm>>
        %dma_start3A_90 = tpu.memref_squeeze %dma_start3A_89 : memref<1x1x1x40x125xi32, #tpu.memory_space<hbm>> -> memref<40x125xi32, #tpu.memory_space<hbm>>
        tpu.enqueue_dma source(%dma_start3A_90 : memref<40x125xi32, #tpu.memory_space<hbm>>) target(%arg7 : memref<40x125xi32, #tpu.memory_space<vmem>>) target_semaphore(%run_scoped3A_82 : memref<!tpu.dma_semaphore, #tpu.memory_space<semaphore_mem>>)
        %dma_wait3A = arith.constant 0 : i32
        %dma_wait3A_91 = arith.constant 0 : i32
        %dma_wait3A_92 = tpu.memref_slice %arg4[%run_scoped3A, %arg1, %run_scoped3A_16, %dma_wait3A, %dma_wait3A_91] : memref<2x16x2x40x125xi32, #tpu.memory_space<hbm>> -> memref<1x1x1x40x125xi32, #tpu.memory_space<hbm>>
        %dma_wait3A_93 = tpu.memref_squeeze %dma_wait3A_92 : memref<1x1x1x40x125xi32, #tpu.memory_space<hbm>> -> memref<40x125xi32, #tpu.memory_space<hbm>>
        %dma_wait3A_94 = arith.constant 0 : i32
        %dma_wait3A_95 = arith.constant 0 : i32
        %dma_wait3A_96 = tpu.memref_slice %arg4[%run_scoped3A, %arg1, %run_scoped3A_16, %dma_wait3A_94, %dma_wait3A_95] : memref<2x16x2x40x125xi32, #tpu.memory_space<hbm>> -> memref<1x1x1x40x125xi32, #tpu.memory_space<hbm>>
        %dma_wait3A_97 = tpu.memref_squeeze %dma_wait3A_96 : memref<1x1x1x40x125xi32, #tpu.memory_space<hbm>> -> memref<40x125xi32, #tpu.memory_space<hbm>>
        tpu.wait_dma2 semaphore(%run_scoped3A_82 : memref<!tpu.dma_semaphore, #tpu.memory_space<semaphore_mem>>) src(%dma_wait3A_97 : memref<40x125xi32, #tpu.memory_space<hbm>>) dst(%arg7 : memref<40x125xi32, #tpu.memory_space<vmem>>)
        tpu.yield
      }) : () -> ()
      %run_scoped3A_17 = arith.constant 1 : i32
      %run_scoped3A_18 = arith.constant 0 : i32
      "tpu.region"() ({
        %run_scoped3A_82 = tpu.sem_alloc : memref<!tpu.dma_semaphore, #tpu.memory_space<semaphore_mem>>
        %dma_start3A_83 = arith.constant 0 : i32
        %dma_start3A_84 = arith.constant 0 : i32
        %dma_start3A_85 = tpu.memref_slice %arg4[%run_scoped3A_17, %arg1, %run_scoped3A_18, %dma_start3A_83, %dma_start3A_84] : memref<2x16x2x40x125xi32, #tpu.memory_space<hbm>> -> memref<1x1x1x40x125xi32, #tpu.memory_space<hbm>>
        %dma_start3A_86 = tpu.memref_squeeze %dma_start3A_85 : memref<1x1x1x40x125xi32, #tpu.memory_space<hbm>> -> memref<40x125xi32, #tpu.memory_space<hbm>>
        %dma_start3A_87 = arith.constant 0 : i32
        %dma_start3A_88 = arith.constant 0 : i32
        %dma_start3A_89 = tpu.memref_slice %arg4[%run_scoped3A_17, %arg1, %run_scoped3A_18, %dma_start3A_87, %dma_start3A_88] : memref<2x16x2x40x125xi32, #tpu.memory_space<hbm>> -> memref<1x1x1x40x125xi32, #tpu.memory_space<hbm>>
        %dma_start3A_90 = tpu.memref_squeeze %dma_start3A_89 : memref<1x1x1x40x125xi32, #tpu.memory_space<hbm>> -> memref<40x125xi32, #tpu.memory_space<hbm>>
        tpu.enqueue_dma source(%dma_start3A_90 : memref<40x125xi32, #tpu.memory_space<hbm>>) target(%arg8 : memref<40x125xi32, #tpu.memory_space<vmem>>) target_semaphore(%run_scoped3A_82 : memref<!tpu.dma_semaphore, #tpu.memory_space<semaphore_mem>>)
        %dma_wait3A = arith.constant 0 : i32
        %dma_wait3A_91 = arith.constant 0 : i32
        %dma_wait3A_92 = tpu.memref_slice %arg4[%run_scoped3A_17, %arg1, %run_scoped3A_18, %dma_wait3A, %dma_wait3A_91] : memref<2x16x2x40x125xi32, #tpu.memory_space<hbm>> -> memref<1x1x1x40x125xi32, #tpu.memory_space<hbm>>
        %dma_wait3A_93 = tpu.memref_squeeze %dma_wait3A_92 : memref<1x1x1x40x125xi32, #tpu.memory_space<hbm>> -> memref<40x125xi32, #tpu.memory_space<hbm>>
        %dma_wait3A_94 = arith.constant 0 : i32
        %dma_wait3A_95 = arith.constant 0 : i32
        %dma_wait3A_96 = tpu.memref_slice %arg4[%run_scoped3A_17, %arg1, %run_scoped3A_18, %dma_wait3A_94, %dma_wait3A_95] : memref<2x16x2x40x125xi32, #tpu.memory_space<hbm>> -> memref<1x1x1x40x125xi32, #tpu.memory_space<hbm>>
        %dma_wait3A_97 = tpu.memref_squeeze %dma_wait3A_96 : memref<1x1x1x40x125xi32, #tpu.memory_space<hbm>> -> memref<40x125xi32, #tpu.memory_space<hbm>>
        tpu.wait_dma2 semaphore(%run_scoped3A_82 : memref<!tpu.dma_semaphore, #tpu.memory_space<semaphore_mem>>) src(%dma_wait3A_97 : memref<40x125xi32, #tpu.memory_space<hbm>>) dst(%arg8 : memref<40x125xi32, #tpu.memory_space<vmem>>)
        tpu.yield
      }) : () -> ()
      %dma_start3A = arith.constant 0 : i32
      %dma_start3A_19 = arith.constant 0 : i32
      %dma_start3A_20 = tpu.memref_slice %arg7[%dma_start3A, %dma_start3A_19] : memref<40x125xi32, #tpu.memory_space<vmem>> -> memref<1x125xi32, #tpu.memory_space<vmem>>
      %dma_start3A_21 = tpu.memref_squeeze %dma_start3A_20 : memref<1x125xi32, #tpu.memory_space<vmem>> -> memref<125xi32, #tpu.memory_space<vmem>>
      %dma_start3A_22 = arith.constant 0 : i32
      %dma_start3A_23 = arith.constant 0 : i32
      %dma_start3A_24 = tpu.memref_slice %arg2[%dma_start3A_22, %dma_start3A_23] : memref<10000x128xf32, #tpu.memory_space<hbm>> -> memref<10000x128xf32, #tpu.memory_space<hbm>>
      tpu.enqueue_indirect_dma source(%dma_start3A_24 : memref<10000x128xf32, #tpu.memory_space<hbm>>) target(%arg9 : memref<125x128xf32, #tpu.memory_space<vmem>>) offsets(%dma_start3A_21 : memref<125xi32, #tpu.memory_space<vmem>>) semaphore(%arg11 : memref<!tpu.dma_semaphore, #tpu.memory_space<semaphore_mem>>)
      %dma_start3A_25 = arith.constant 1 : i32
      %dma_start3A_26 = arith.constant 0 : i32
      %dma_start3A_27 = tpu.memref_slice %arg7[%dma_start3A_25, %dma_start3A_26] : memref<40x125xi32, #tpu.memory_space<vmem>> -> memref<1x125xi32, #tpu.memory_space<vmem>>
      %dma_start3A_28 = tpu.memref_squeeze %dma_start3A_27 : memref<1x125xi32, #tpu.memory_space<vmem>> -> memref<125xi32, #tpu.memory_space<vmem>>
      %dma_start3A_29 = arith.constant 0 : i32
      %dma_start3A_30 = arith.constant 0 : i32
      %dma_start3A_31 = tpu.memref_slice %arg2[%dma_start3A_29, %dma_start3A_30] : memref<10000x128xf32, #tpu.memory_space<hbm>> -> memref<10000x128xf32, #tpu.memory_space<hbm>>
      tpu.enqueue_indirect_dma source(%dma_start3A_31 : memref<10000x128xf32, #tpu.memory_space<hbm>>) target(%arg10 : memref<125x128xf32, #tpu.memory_space<vmem>>) offsets(%dma_start3A_28 : memref<125xi32, #tpu.memory_space<vmem>>) semaphore(%arg12 : memref<!tpu.dma_semaphore, #tpu.memory_space<semaphore_mem>>)
      %lt3A_32 = arith.constant 15 : i32
      %lt3A_33 = arith.cmpi slt, %arg1, %lt3A_32 : i32
      %convert_element_type3A_34 = arith.extui %lt3A_33 : i1 to i32
      %cond3A_35 = arith.constant 0 : i32
      %cond3A_36 = arith.cmpi ne, %convert_element_type3A_34, %cond3A_35 : i32
      scf.if %cond3A_36 {
        %mul3A = arith.constant 640 : i32
        %mul3A_82 = arith.muli %arg1, %mul3A : i32
        %dma_wait3A = arith.constant 0 : i32
        %dma_wait3A_83 = tpu.memref_slice %arg14[%mul3A_82, %dma_wait3A] : memref<10000x128xf32, #tpu.memory_space<vmem_shared>> -> memref<640x128xf32, #tpu.memory_space<vmem_shared>>
        %dma_wait3A_84 = arith.constant 0 : i32
        %dma_wait3A_85 = tpu.memref_slice %arg2[%mul3A_82, %dma_wait3A_84] : memref<10000x128xf32, #tpu.memory_space<hbm>> -> memref<640x128xf32, #tpu.memory_space<hbm>>
        tpu.wait_dma2 semaphore(%arg13 : memref<!tpu.dma_semaphore, #tpu.memory_space<semaphore_mem>>) src(%dma_wait3A_85 : memref<640x128xf32, #tpu.memory_space<hbm>>) dst(%dma_wait3A_83 : memref<640x128xf32, #tpu.memory_space<vmem_shared>>)
      } else {
      }
      %eq3A_37 = arith.constant 15 : i32
      %eq3A_38 = arith.cmpi eq, %arg1, %eq3A_37 : i32
      %convert_element_type3A_39 = arith.extui %eq3A_38 : i1 to i32
      %cond3A_40 = arith.constant 0 : i32
      %cond3A_41 = arith.cmpi ne, %convert_element_type3A_39, %cond3A_40 : i32
      scf.if %cond3A_41 {
        %dma_wait3A = arith.constant 9600 : i32
        %dma_wait3A_82 = arith.constant 0 : i32
        %dma_wait3A_83 = tpu.memref_slice %arg14[%dma_wait3A, %dma_wait3A_82] : memref<10000x128xf32, #tpu.memory_space<vmem_shared>> -> memref<400x128xf32, #tpu.memory_space<vmem_shared>>
        %dma_wait3A_84 = arith.constant 9600 : i32
        %dma_wait3A_85 = arith.constant 0 : i32
        %dma_wait3A_86 = tpu.memref_slice %arg2[%dma_wait3A_84, %dma_wait3A_85] : memref<10000x128xf32, #tpu.memory_space<hbm>> -> memref<400x128xf32, #tpu.memory_space<hbm>>
        tpu.wait_dma2 semaphore(%arg13 : memref<!tpu.dma_semaphore, #tpu.memory_space<semaphore_mem>>) src(%dma_wait3A_86 : memref<400x128xf32, #tpu.memory_space<hbm>>) dst(%dma_wait3A_83 : memref<400x128xf32, #tpu.memory_space<vmem_shared>>)
      } else {
      }
      %barrier3A = arith.constant 0 : index
      tpu.barrier barrier_id(%barrier3A)
      %scan3A = arith.constant 0 : i32
      %scan3A_42 = arith.constant 0 : i32
      %scan3A_43 = arith.constant 20 : i32
      %scan3A_44 = arith.addi %scan3A_42, %scan3A_43 : i32
      %scan3A_45 = arith.constant 1 : i32
      scf.for %scan3A_82 = %scan3A_42 to %scan3A_44 step %scan3A_45  : i32 {
        %mul3A = arith.constant 2 : i32
        %mul3A_83 = arith.muli %mul3A, %scan3A_82 : i32
        %dma_wait3A = arith.constant 0 : i32
        %dma_wait3A_84 = tpu.memref_slice %arg7[%mul3A_83, %dma_wait3A] : memref<40x125xi32, #tpu.memory_space<vmem>> -> memref<1x125xi32, #tpu.memory_space<vmem>>
        %dma_wait3A_85 = tpu.memref_squeeze %dma_wait3A_84 : memref<1x125xi32, #tpu.memory_space<vmem>> -> memref<125xi32, #tpu.memory_space<vmem>>
        %dma_wait3A_86 = arith.constant 0 : i32
        %dma_wait3A_87 = arith.constant 0 : i32
        %dma_wait3A_88 = tpu.memref_slice %arg2[%dma_wait3A_86, %dma_wait3A_87] : memref<10000x128xf32, #tpu.memory_space<hbm>> -> memref<10000x128xf32, #tpu.memory_space<hbm>>
        tpu.wait_indirect_dma semaphore(%arg11 : memref<!tpu.dma_semaphore, #tpu.memory_space<semaphore_mem>>) src(%dma_wait3A_88 : memref<10000x128xf32, #tpu.memory_space<hbm>>) dst(%arg9 : memref<125x128xf32, #tpu.memory_space<vmem>>)
        "tpu.region"() ({
          %run_scoped3A_108 = tpu.sem_alloc : memref<!tpu.dma_semaphore, #tpu.memory_space<semaphore_mem>>
          %dma_start3A_109 = arith.constant 0 : i32
          %dma_start3A_110 = tpu.memref_slice %arg8[%mul3A_83, %dma_start3A_109] : memref<40x125xi32, #tpu.memory_space<vmem>> -> memref<1x125xi32, #tpu.memory_space<vmem>>
          %dma_start3A_111 = tpu.memref_squeeze %dma_start3A_110 : memref<1x125xi32, #tpu.memory_space<vmem>> -> memref<125xi32, #tpu.memory_space<vmem>>
          %dma_start3A_112 = arith.constant 0 : i32
          %dma_start3A_113 = arith.constant 0 : i32
          %dma_start3A_114 = tpu.memref_slice %arg14[%dma_start3A_112, %dma_start3A_113] : memref<10000x128xf32, #tpu.memory_space<vmem_shared>> -> memref<10000x128xf32, #tpu.memory_space<vmem_shared>>
          tpu.enqueue_indirect_dma source(%arg9 : memref<125x128xf32, #tpu.memory_space<vmem>>) target(%dma_start3A_114 : memref<10000x128xf32, #tpu.memory_space<vmem_shared>>) offsets(%dma_start3A_111 : memref<125xi32, #tpu.memory_space<vmem>>) semaphore(%run_scoped3A_108 : memref<!tpu.dma_semaphore, #tpu.memory_space<semaphore_mem>>) {add = true}
          %dma_wait3A_115 = arith.constant 0 : i32
          %dma_wait3A_116 = tpu.memref_slice %arg8[%mul3A_83, %dma_wait3A_115] : memref<40x125xi32, #tpu.memory_space<vmem>> -> memref<1x125xi32, #tpu.memory_space<vmem>>
          %dma_wait3A_117 = tpu.memref_squeeze %dma_wait3A_116 : memref<1x125xi32, #tpu.memory_space<vmem>> -> memref<125xi32, #tpu.memory_space<vmem>>
          %dma_wait3A_118 = arith.constant 0 : i32
          %dma_wait3A_119 = arith.constant 0 : i32
          %dma_wait3A_120 = tpu.memref_slice %arg14[%dma_wait3A_118, %dma_wait3A_119] : memref<10000x128xf32, #tpu.memory_space<vmem_shared>> -> memref<10000x128xf32, #tpu.memory_space<vmem_shared>>
          tpu.wait_indirect_dma semaphore(%run_scoped3A_108 : memref<!tpu.dma_semaphore, #tpu.memory_space<semaphore_mem>>) src(%arg9 : memref<125x128xf32, #tpu.memory_space<vmem>>) dst(%dma_wait3A_120 : memref<10000x128xf32, #tpu.memory_space<vmem_shared>>)
          tpu.yield
        }) : () -> ()
        %lt3A_89 = arith.constant 19 : i32
        %lt3A_90 = arith.cmpi slt, %scan3A_82, %lt3A_89 : i32
        %convert_element_type3A_91 = arith.extui %lt3A_90 : i1 to i32
        %cond3A_92 = arith.constant 0 : i32
        %cond3A_93 = arith.cmpi ne, %convert_element_type3A_91, %cond3A_92 : i32
        scf.if %cond3A_93 {
          %add3A_108 = arith.constant 2 : i32
          %add3A_109 = arith.addi %mul3A_83, %add3A_108 : i32
          %dma_start3A_110 = arith.constant 0 : i32
          %dma_start3A_111 = tpu.memref_slice %arg7[%add3A_109, %dma_start3A_110] : memref<40x125xi32, #tpu.memory_space<vmem>> -> memref<1x125xi32, #tpu.memory_space<vmem>>
          %dma_start3A_112 = tpu.memref_squeeze %dma_start3A_111 : memref<1x125xi32, #tpu.memory_space<vmem>> -> memref<125xi32, #tpu.memory_space<vmem>>
          %dma_start3A_113 = arith.constant 0 : i32
          %dma_start3A_114 = arith.constant 0 : i32
          %dma_start3A_115 = tpu.memref_slice %arg2[%dma_start3A_113, %dma_start3A_114] : memref<10000x128xf32, #tpu.memory_space<hbm>> -> memref<10000x128xf32, #tpu.memory_space<hbm>>
          tpu.enqueue_indirect_dma source(%dma_start3A_115 : memref<10000x128xf32, #tpu.memory_space<hbm>>) target(%arg9 : memref<125x128xf32, #tpu.memory_space<vmem>>) offsets(%dma_start3A_112 : memref<125xi32, #tpu.memory_space<vmem>>) semaphore(%arg11 : memref<!tpu.dma_semaphore, #tpu.memory_space<semaphore_mem>>)
        } else {
        }
        %add3A = arith.constant 1 : i32
        %add3A_94 = arith.addi %mul3A_83, %add3A : i32
        %dma_wait3A_95 = arith.constant 0 : i32
        %dma_wait3A_96 = tpu.memref_slice %arg7[%add3A_94, %dma_wait3A_95] : memref<40x125xi32, #tpu.memory_space<vmem>> -> memref<1x125xi32, #tpu.memory_space<vmem>>
        %dma_wait3A_97 = tpu.memref_squeeze %dma_wait3A_96 : memref<1x125xi32, #tpu.memory_space<vmem>> -> memref<125xi32, #tpu.memory_space<vmem>>
        %dma_wait3A_98 = arith.constant 0 : i32
        %dma_wait3A_99 = arith.constant 0 : i32
        %dma_wait3A_100 = tpu.memref_slice %arg2[%dma_wait3A_98, %dma_wait3A_99] : memref<10000x128xf32, #tpu.memory_space<hbm>> -> memref<10000x128xf32, #tpu.memory_space<hbm>>
        tpu.wait_indirect_dma semaphore(%arg12 : memref<!tpu.dma_semaphore, #tpu.memory_space<semaphore_mem>>) src(%dma_wait3A_100 : memref<10000x128xf32, #tpu.memory_space<hbm>>) dst(%arg10 : memref<125x128xf32, #tpu.memory_space<vmem>>)
        %add3A_101 = arith.constant 1 : i32
        %add3A_102 = arith.addi %mul3A_83, %add3A_101 : i32
        "tpu.region"() ({
          %run_scoped3A_108 = tpu.sem_alloc : memref<!tpu.dma_semaphore, #tpu.memory_space<semaphore_mem>>
          %dma_start3A_109 = arith.constant 0 : i32
          %dma_start3A_110 = tpu.memref_slice %arg8[%add3A_102, %dma_start3A_109] : memref<40x125xi32, #tpu.memory_space<vmem>> -> memref<1x125xi32, #tpu.memory_space<vmem>>
          %dma_start3A_111 = tpu.memref_squeeze %dma_start3A_110 : memref<1x125xi32, #tpu.memory_space<vmem>> -> memref<125xi32, #tpu.memory_space<vmem>>
          %dma_start3A_112 = arith.constant 0 : i32
          %dma_start3A_113 = arith.constant 0 : i32
          %dma_start3A_114 = tpu.memref_slice %arg14[%dma_start3A_112, %dma_start3A_113] : memref<10000x128xf32, #tpu.memory_space<vmem_shared>> -> memref<10000x128xf32, #tpu.memory_space<vmem_shared>>
          tpu.enqueue_indirect_dma source(%arg10 : memref<125x128xf32, #tpu.memory_space<vmem>>) target(%dma_start3A_114 : memref<10000x128xf32, #tpu.memory_space<vmem_shared>>) offsets(%dma_start3A_111 : memref<125xi32, #tpu.memory_space<vmem>>) semaphore(%run_scoped3A_108 : memref<!tpu.dma_semaphore, #tpu.memory_space<semaphore_mem>>) {add = true}
          %dma_wait3A_115 = arith.constant 0 : i32
          %dma_wait3A_116 = tpu.memref_slice %arg8[%add3A_102, %dma_wait3A_115] : memref<40x125xi32, #tpu.memory_space<vmem>> -> memref<1x125xi32, #tpu.memory_space<vmem>>
          %dma_wait3A_117 = tpu.memref_squeeze %dma_wait3A_116 : memref<1x125xi32, #tpu.memory_space<vmem>> -> memref<125xi32, #tpu.memory_space<vmem>>
          %dma_wait3A_118 = arith.constant 0 : i32
          %dma_wait3A_119 = arith.constant 0 : i32
          %dma_wait3A_120 = tpu.memref_slice %arg14[%dma_wait3A_118, %dma_wait3A_119] : memref<10000x128xf32, #tpu.memory_space<vmem_shared>> -> memref<10000x128xf32, #tpu.memory_space<vmem_shared>>
          tpu.wait_indirect_dma semaphore(%run_scoped3A_108 : memref<!tpu.dma_semaphore, #tpu.memory_space<semaphore_mem>>) src(%arg10 : memref<125x128xf32, #tpu.memory_space<vmem>>) dst(%dma_wait3A_120 : memref<10000x128xf32, #tpu.memory_space<vmem_shared>>)
          tpu.yield
        }) : () -> ()
        %lt3A_103 = arith.constant 19 : i32
        %lt3A_104 = arith.cmpi slt, %scan3A_82, %lt3A_103 : i32
        %convert_element_type3A_105 = arith.extui %lt3A_104 : i1 to i32
        %cond3A_106 = arith.constant 0 : i32
        %cond3A_107 = arith.cmpi ne, %convert_element_type3A_105, %cond3A_106 : i32
        scf.if %cond3A_107 {
          %add3A_108 = arith.constant 3 : i32
          %add3A_109 = arith.addi %mul3A_83, %add3A_108 : i32
          %dma_start3A_110 = arith.constant 0 : i32
          %dma_start3A_111 = tpu.memref_slice %arg7[%add3A_109, %dma_start3A_110] : memref<40x125xi32, #tpu.memory_space<vmem>> -> memref<1x125xi32, #tpu.memory_space<vmem>>
          %dma_start3A_112 = tpu.memref_squeeze %dma_start3A_111 : memref<1x125xi32, #tpu.memory_space<vmem>> -> memref<125xi32, #tpu.memory_space<vmem>>
          %dma_start3A_113 = arith.constant 0 : i32
          %dma_start3A_114 = arith.constant 0 : i32
          %dma_start3A_115 = tpu.memref_slice %arg2[%dma_start3A_113, %dma_start3A_114] : memref<10000x128xf32, #tpu.memory_space<hbm>> -> memref<10000x128xf32, #tpu.memory_space<hbm>>
          tpu.enqueue_indirect_dma source(%dma_start3A_115 : memref<10000x128xf32, #tpu.memory_space<hbm>>) target(%arg10 : memref<125x128xf32, #tpu.memory_space<vmem>>) offsets(%dma_start3A_112 : memref<125xi32, #tpu.memory_space<vmem>>) semaphore(%arg12 : memref<!tpu.dma_semaphore, #tpu.memory_space<semaphore_mem>>)
        } else {
        }
      }
      %scan3A_46 = arith.constant 20 : i32
      %run_scoped3A_47 = arith.constant 0 : i32
      %run_scoped3A_48 = arith.constant 1 : i32
      "tpu.region"() ({
        %run_scoped3A_82 = tpu.sem_alloc : memref<!tpu.dma_semaphore, #tpu.memory_space<semaphore_mem>>
        %dma_start3A_83 = arith.constant 0 : i32
        %dma_start3A_84 = arith.constant 0 : i32
        %dma_start3A_85 = tpu.memref_slice %arg4[%run_scoped3A_47, %arg1, %run_scoped3A_48, %dma_start3A_83, %dma_start3A_84] : memref<2x16x2x40x125xi32, #tpu.memory_space<hbm>> -> memref<1x1x1x40x125xi32, #tpu.memory_space<hbm>>
        %dma_start3A_86 = tpu.memref_squeeze %dma_start3A_85 : memref<1x1x1x40x125xi32, #tpu.memory_space<hbm>> -> memref<40x125xi32, #tpu.memory_space<hbm>>
        %dma_start3A_87 = arith.constant 0 : i32
        %dma_start3A_88 = arith.constant 0 : i32
        %dma_start3A_89 = tpu.memref_slice %arg4[%run_scoped3A_47, %arg1, %run_scoped3A_48, %dma_start3A_87, %dma_start3A_88] : memref<2x16x2x40x125xi32, #tpu.memory_space<hbm>> -> memref<1x1x1x40x125xi32, #tpu.memory_space<hbm>>
        %dma_start3A_90 = tpu.memref_squeeze %dma_start3A_89 : memref<1x1x1x40x125xi32, #tpu.memory_space<hbm>> -> memref<40x125xi32, #tpu.memory_space<hbm>>
        tpu.enqueue_dma source(%dma_start3A_90 : memref<40x125xi32, #tpu.memory_space<hbm>>) target(%arg7 : memref<40x125xi32, #tpu.memory_space<vmem>>) target_semaphore(%run_scoped3A_82 : memref<!tpu.dma_semaphore, #tpu.memory_space<semaphore_mem>>)
        %dma_wait3A = arith.constant 0 : i32
        %dma_wait3A_91 = arith.constant 0 : i32
        %dma_wait3A_92 = tpu.memref_slice %arg4[%run_scoped3A_47, %arg1, %run_scoped3A_48, %dma_wait3A, %dma_wait3A_91] : memref<2x16x2x40x125xi32, #tpu.memory_space<hbm>> -> memref<1x1x1x40x125xi32, #tpu.memory_space<hbm>>
        %dma_wait3A_93 = tpu.memref_squeeze %dma_wait3A_92 : memref<1x1x1x40x125xi32, #tpu.memory_space<hbm>> -> memref<40x125xi32, #tpu.memory_space<hbm>>
        %dma_wait3A_94 = arith.constant 0 : i32
        %dma_wait3A_95 = arith.constant 0 : i32
        %dma_wait3A_96 = tpu.memref_slice %arg4[%run_scoped3A_47, %arg1, %run_scoped3A_48, %dma_wait3A_94, %dma_wait3A_95] : memref<2x16x2x40x125xi32, #tpu.memory_space<hbm>> -> memref<1x1x1x40x125xi32, #tpu.memory_space<hbm>>
        %dma_wait3A_97 = tpu.memref_squeeze %dma_wait3A_96 : memref<1x1x1x40x125xi32, #tpu.memory_space<hbm>> -> memref<40x125xi32, #tpu.memory_space<hbm>>
        tpu.wait_dma2 semaphore(%run_scoped3A_82 : memref<!tpu.dma_semaphore, #tpu.memory_space<semaphore_mem>>) src(%dma_wait3A_97 : memref<40x125xi32, #tpu.memory_space<hbm>>) dst(%arg7 : memref<40x125xi32, #tpu.memory_space<vmem>>)
        tpu.yield
      }) : () -> ()
      %run_scoped3A_49 = arith.constant 1 : i32
      %run_scoped3A_50 = arith.constant 1 : i32
      "tpu.region"() ({
        %run_scoped3A_82 = tpu.sem_alloc : memref<!tpu.dma_semaphore, #tpu.memory_space<semaphore_mem>>
        %dma_start3A_83 = arith.constant 0 : i32
        %dma_start3A_84 = arith.constant 0 : i32
        %dma_start3A_85 = tpu.memref_slice %arg4[%run_scoped3A_49, %arg1, %run_scoped3A_50, %dma_start3A_83, %dma_start3A_84] : memref<2x16x2x40x125xi32, #tpu.memory_space<hbm>> -> memref<1x1x1x40x125xi32, #tpu.memory_space<hbm>>
        %dma_start3A_86 = tpu.memref_squeeze %dma_start3A_85 : memref<1x1x1x40x125xi32, #tpu.memory_space<hbm>> -> memref<40x125xi32, #tpu.memory_space<hbm>>
        %dma_start3A_87 = arith.constant 0 : i32
        %dma_start3A_88 = arith.constant 0 : i32
        %dma_start3A_89 = tpu.memref_slice %arg4[%run_scoped3A_49, %arg1, %run_scoped3A_50, %dma_start3A_87, %dma_start3A_88] : memref<2x16x2x40x125xi32, #tpu.memory_space<hbm>> -> memref<1x1x1x40x125xi32, #tpu.memory_space<hbm>>
        %dma_start3A_90 = tpu.memref_squeeze %dma_start3A_89 : memref<1x1x1x40x125xi32, #tpu.memory_space<hbm>> -> memref<40x125xi32, #tpu.memory_space<hbm>>
        tpu.enqueue_dma source(%dma_start3A_90 : memref<40x125xi32, #tpu.memory_space<hbm>>) target(%arg8 : memref<40x125xi32, #tpu.memory_space<vmem>>) target_semaphore(%run_scoped3A_82 : memref<!tpu.dma_semaphore, #tpu.memory_space<semaphore_mem>>)
        %dma_wait3A = arith.constant 0 : i32
        %dma_wait3A_91 = arith.constant 0 : i32
        %dma_wait3A_92 = tpu.memref_slice %arg4[%run_scoped3A_49, %arg1, %run_scoped3A_50, %dma_wait3A, %dma_wait3A_91] : memref<2x16x2x40x125xi32, #tpu.memory_space<hbm>> -> memref<1x1x1x40x125xi32, #tpu.memory_space<hbm>>
        %dma_wait3A_93 = tpu.memref_squeeze %dma_wait3A_92 : memref<1x1x1x40x125xi32, #tpu.memory_space<hbm>> -> memref<40x125xi32, #tpu.memory_space<hbm>>
        %dma_wait3A_94 = arith.constant 0 : i32
        %dma_wait3A_95 = arith.constant 0 : i32
        %dma_wait3A_96 = tpu.memref_slice %arg4[%run_scoped3A_49, %arg1, %run_scoped3A_50, %dma_wait3A_94, %dma_wait3A_95] : memref<2x16x2x40x125xi32, #tpu.memory_space<hbm>> -> memref<1x1x1x40x125xi32, #tpu.memory_space<hbm>>
        %dma_wait3A_97 = tpu.memref_squeeze %dma_wait3A_96 : memref<1x1x1x40x125xi32, #tpu.memory_space<hbm>> -> memref<40x125xi32, #tpu.memory_space<hbm>>
        tpu.wait_dma2 semaphore(%run_scoped3A_82 : memref<!tpu.dma_semaphore, #tpu.memory_space<semaphore_mem>>) src(%dma_wait3A_97 : memref<40x125xi32, #tpu.memory_space<hbm>>) dst(%arg8 : memref<40x125xi32, #tpu.memory_space<vmem>>)
        tpu.yield
      }) : () -> ()
      %dma_start3A_51 = arith.constant 0 : i32
      %dma_start3A_52 = arith.constant 0 : i32
      %dma_start3A_53 = tpu.memref_slice %arg7[%dma_start3A_51, %dma_start3A_52] : memref<40x125xi32, #tpu.memory_space<vmem>> -> memref<1x125xi32, #tpu.memory_space<vmem>>
      %dma_start3A_54 = tpu.memref_squeeze %dma_start3A_53 : memref<1x125xi32, #tpu.memory_space<vmem>> -> memref<125xi32, #tpu.memory_space<vmem>>
      %dma_start3A_55 = arith.constant 0 : i32
      %dma_start3A_56 = arith.constant 0 : i32
      %dma_start3A_57 = tpu.memref_slice %arg2[%dma_start3A_55, %dma_start3A_56] : memref<10000x128xf32, #tpu.memory_space<hbm>> -> memref<10000x128xf32, #tpu.memory_space<hbm>>
      tpu.enqueue_indirect_dma source(%dma_start3A_57 : memref<10000x128xf32, #tpu.memory_space<hbm>>) target(%arg9 : memref<125x128xf32, #tpu.memory_space<vmem>>) offsets(%dma_start3A_54 : memref<125xi32, #tpu.memory_space<vmem>>) semaphore(%arg11 : memref<!tpu.dma_semaphore, #tpu.memory_space<semaphore_mem>>)
      %dma_start3A_58 = arith.constant 1 : i32
      %dma_start3A_59 = arith.constant 0 : i32
      %dma_start3A_60 = tpu.memref_slice %arg7[%dma_start3A_58, %dma_start3A_59] : memref<40x125xi32, #tpu.memory_space<vmem>> -> memref<1x125xi32, #tpu.memory_space<vmem>>
      %dma_start3A_61 = tpu.memref_squeeze %dma_start3A_60 : memref<1x125xi32, #tpu.memory_space<vmem>> -> memref<125xi32, #tpu.memory_space<vmem>>
      %dma_start3A_62 = arith.constant 0 : i32
      %dma_start3A_63 = arith.constant 0 : i32
      %dma_start3A_64 = tpu.memref_slice %arg2[%dma_start3A_62, %dma_start3A_63] : memref<10000x128xf32, #tpu.memory_space<hbm>> -> memref<10000x128xf32, #tpu.memory_space<hbm>>
      tpu.enqueue_indirect_dma source(%dma_start3A_64 : memref<10000x128xf32, #tpu.memory_space<hbm>>) target(%arg10 : memref<125x128xf32, #tpu.memory_space<vmem>>) offsets(%dma_start3A_61 : memref<125xi32, #tpu.memory_space<vmem>>) semaphore(%arg12 : memref<!tpu.dma_semaphore, #tpu.memory_space<semaphore_mem>>)
      %scan3A_65 = arith.constant 0 : i32
      %scan3A_66 = arith.constant 0 : i32
      %scan3A_67 = arith.constant 20 : i32
      %scan3A_68 = arith.addi %scan3A_66, %scan3A_67 : i32
      %scan3A_69 = arith.constant 1 : i32
      scf.for %scan3A_82 = %scan3A_66 to %scan3A_68 step %scan3A_69  : i32 {
        %mul3A = arith.constant 2 : i32
        %mul3A_83 = arith.muli %mul3A, %scan3A_82 : i32
        %dma_wait3A = arith.constant 0 : i32
        %dma_wait3A_84 = tpu.memref_slice %arg7[%mul3A_83, %dma_wait3A] : memref<40x125xi32, #tpu.memory_space<vmem>> -> memref<1x125xi32, #tpu.memory_space<vmem>>
        %dma_wait3A_85 = tpu.memref_squeeze %dma_wait3A_84 : memref<1x125xi32, #tpu.memory_space<vmem>> -> memref<125xi32, #tpu.memory_space<vmem>>
        %dma_wait3A_86 = arith.constant 0 : i32
        %dma_wait3A_87 = arith.constant 0 : i32
        %dma_wait3A_88 = tpu.memref_slice %arg2[%dma_wait3A_86, %dma_wait3A_87] : memref<10000x128xf32, #tpu.memory_space<hbm>> -> memref<10000x128xf32, #tpu.memory_space<hbm>>
        tpu.wait_indirect_dma semaphore(%arg11 : memref<!tpu.dma_semaphore, #tpu.memory_space<semaphore_mem>>) src(%dma_wait3A_88 : memref<10000x128xf32, #tpu.memory_space<hbm>>) dst(%arg9 : memref<125x128xf32, #tpu.memory_space<vmem>>)
        "tpu.region"() ({
          %run_scoped3A_108 = tpu.sem_alloc : memref<!tpu.dma_semaphore, #tpu.memory_space<semaphore_mem>>
          %dma_start3A_109 = arith.constant 0 : i32
          %dma_start3A_110 = tpu.memref_slice %arg8[%mul3A_83, %dma_start3A_109] : memref<40x125xi32, #tpu.memory_space<vmem>> -> memref<1x125xi32, #tpu.memory_space<vmem>>
          %dma_start3A_111 = tpu.memref_squeeze %dma_start3A_110 : memref<1x125xi32, #tpu.memory_space<vmem>> -> memref<125xi32, #tpu.memory_space<vmem>>
          %dma_start3A_112 = arith.constant 0 : i32
          %dma_start3A_113 = arith.constant 0 : i32
          %dma_start3A_114 = tpu.memref_slice %arg14[%dma_start3A_112, %dma_start3A_113] : memref<10000x128xf32, #tpu.memory_space<vmem_shared>> -> memref<10000x128xf32, #tpu.memory_space<vmem_shared>>
          tpu.enqueue_indirect_dma source(%arg9 : memref<125x128xf32, #tpu.memory_space<vmem>>) target(%dma_start3A_114 : memref<10000x128xf32, #tpu.memory_space<vmem_shared>>) offsets(%dma_start3A_111 : memref<125xi32, #tpu.memory_space<vmem>>) semaphore(%run_scoped3A_108 : memref<!tpu.dma_semaphore, #tpu.memory_space<semaphore_mem>>) {add = true}
          %dma_wait3A_115 = arith.constant 0 : i32
          %dma_wait3A_116 = tpu.memref_slice %arg8[%mul3A_83, %dma_wait3A_115] : memref<40x125xi32, #tpu.memory_space<vmem>> -> memref<1x125xi32, #tpu.memory_space<vmem>>
          %dma_wait3A_117 = tpu.memref_squeeze %dma_wait3A_116 : memref<1x125xi32, #tpu.memory_space<vmem>> -> memref<125xi32, #tpu.memory_space<vmem>>
          %dma_wait3A_118 = arith.constant 0 : i32
          %dma_wait3A_119 = arith.constant 0 : i32
          %dma_wait3A_120 = tpu.memref_slice %arg14[%dma_wait3A_118, %dma_wait3A_119] : memref<10000x128xf32, #tpu.memory_space<vmem_shared>> -> memref<10000x128xf32, #tpu.memory_space<vmem_shared>>
          tpu.wait_indirect_dma semaphore(%run_scoped3A_108 : memref<!tpu.dma_semaphore, #tpu.memory_space<semaphore_mem>>) src(%arg9 : memref<125x128xf32, #tpu.memory_space<vmem>>) dst(%dma_wait3A_120 : memref<10000x128xf32, #tpu.memory_space<vmem_shared>>)
          tpu.yield
        }) : () -> ()
        %lt3A_89 = arith.constant 19 : i32
        %lt3A_90 = arith.cmpi slt, %scan3A_82, %lt3A_89 : i32
        %convert_element_type3A_91 = arith.extui %lt3A_90 : i1 to i32
        %cond3A_92 = arith.constant 0 : i32
        %cond3A_93 = arith.cmpi ne, %convert_element_type3A_91, %cond3A_92 : i32
        scf.if %cond3A_93 {
          %add3A_108 = arith.constant 2 : i32
          %add3A_109 = arith.addi %mul3A_83, %add3A_108 : i32
          %dma_start3A_110 = arith.constant 0 : i32
          %dma_start3A_111 = tpu.memref_slice %arg7[%add3A_109, %dma_start3A_110] : memref<40x125xi32, #tpu.memory_space<vmem>> -> memref<1x125xi32, #tpu.memory_space<vmem>>
          %dma_start3A_112 = tpu.memref_squeeze %dma_start3A_111 : memref<1x125xi32, #tpu.memory_space<vmem>> -> memref<125xi32, #tpu.memory_space<vmem>>
          %dma_start3A_113 = arith.constant 0 : i32
          %dma_start3A_114 = arith.constant 0 : i32
          %dma_start3A_115 = tpu.memref_slice %arg2[%dma_start3A_113, %dma_start3A_114] : memref<10000x128xf32, #tpu.memory_space<hbm>> -> memref<10000x128xf32, #tpu.memory_space<hbm>>
          tpu.enqueue_indirect_dma source(%dma_start3A_115 : memref<10000x128xf32, #tpu.memory_space<hbm>>) target(%arg9 : memref<125x128xf32, #tpu.memory_space<vmem>>) offsets(%dma_start3A_112 : memref<125xi32, #tpu.memory_space<vmem>>) semaphore(%arg11 : memref<!tpu.dma_semaphore, #tpu.memory_space<semaphore_mem>>)
        } else {
        }
        %add3A = arith.constant 1 : i32
        %add3A_94 = arith.addi %mul3A_83, %add3A : i32
        %dma_wait3A_95 = arith.constant 0 : i32
        %dma_wait3A_96 = tpu.memref_slice %arg7[%add3A_94, %dma_wait3A_95] : memref<40x125xi32, #tpu.memory_space<vmem>> -> memref<1x125xi32, #tpu.memory_space<vmem>>
        %dma_wait3A_97 = tpu.memref_squeeze %dma_wait3A_96 : memref<1x125xi32, #tpu.memory_space<vmem>> -> memref<125xi32, #tpu.memory_space<vmem>>
        %dma_wait3A_98 = arith.constant 0 : i32
        %dma_wait3A_99 = arith.constant 0 : i32
        %dma_wait3A_100 = tpu.memref_slice %arg2[%dma_wait3A_98, %dma_wait3A_99] : memref<10000x128xf32, #tpu.memory_space<hbm>> -> memref<10000x128xf32, #tpu.memory_space<hbm>>
        tpu.wait_indirect_dma semaphore(%arg12 : memref<!tpu.dma_semaphore, #tpu.memory_space<semaphore_mem>>) src(%dma_wait3A_100 : memref<10000x128xf32, #tpu.memory_space<hbm>>) dst(%arg10 : memref<125x128xf32, #tpu.memory_space<vmem>>)
        %add3A_101 = arith.constant 1 : i32
        %add3A_102 = arith.addi %mul3A_83, %add3A_101 : i32
        "tpu.region"() ({
          %run_scoped3A_108 = tpu.sem_alloc : memref<!tpu.dma_semaphore, #tpu.memory_space<semaphore_mem>>
          %dma_start3A_109 = arith.constant 0 : i32
          %dma_start3A_110 = tpu.memref_slice %arg8[%add3A_102, %dma_start3A_109] : memref<40x125xi32, #tpu.memory_space<vmem>> -> memref<1x125xi32, #tpu.memory_space<vmem>>
          %dma_start3A_111 = tpu.memref_squeeze %dma_start3A_110 : memref<1x125xi32, #tpu.memory_space<vmem>> -> memref<125xi32, #tpu.memory_space<vmem>>
          %dma_start3A_112 = arith.constant 0 : i32
          %dma_start3A_113 = arith.constant 0 : i32
          %dma_start3A_114 = tpu.memref_slice %arg14[%dma_start3A_112, %dma_start3A_113] : memref<10000x128xf32, #tpu.memory_space<vmem_shared>> -> memref<10000x128xf32, #tpu.memory_space<vmem_shared>>
          tpu.enqueue_indirect_dma source(%arg10 : memref<125x128xf32, #tpu.memory_space<vmem>>) target(%dma_start3A_114 : memref<10000x128xf32, #tpu.memory_space<vmem_shared>>) offsets(%dma_start3A_111 : memref<125xi32, #tpu.memory_space<vmem>>) semaphore(%run_scoped3A_108 : memref<!tpu.dma_semaphore, #tpu.memory_space<semaphore_mem>>) {add = true}
          %dma_wait3A_115 = arith.constant 0 : i32
          %dma_wait3A_116 = tpu.memref_slice %arg8[%add3A_102, %dma_wait3A_115] : memref<40x125xi32, #tpu.memory_space<vmem>> -> memref<1x125xi32, #tpu.memory_space<vmem>>
          %dma_wait3A_117 = tpu.memref_squeeze %dma_wait3A_116 : memref<1x125xi32, #tpu.memory_space<vmem>> -> memref<125xi32, #tpu.memory_space<vmem>>
          %dma_wait3A_118 = arith.constant 0 : i32
          %dma_wait3A_119 = arith.constant 0 : i32
          %dma_wait3A_120 = tpu.memref_slice %arg14[%dma_wait3A_118, %dma_wait3A_119] : memref<10000x128xf32, #tpu.memory_space<vmem_shared>> -> memref<10000x128xf32, #tpu.memory_space<vmem_shared>>
          tpu.wait_indirect_dma semaphore(%run_scoped3A_108 : memref<!tpu.dma_semaphore, #tpu.memory_space<semaphore_mem>>) src(%arg10 : memref<125x128xf32, #tpu.memory_space<vmem>>) dst(%dma_wait3A_120 : memref<10000x128xf32, #tpu.memory_space<vmem_shared>>)
          tpu.yield
        }) : () -> ()
        %lt3A_103 = arith.constant 19 : i32
        %lt3A_104 = arith.cmpi slt, %scan3A_82, %lt3A_103 : i32
        %convert_element_type3A_105 = arith.extui %lt3A_104 : i1 to i32
        %cond3A_106 = arith.constant 0 : i32
        %cond3A_107 = arith.cmpi ne, %convert_element_type3A_105, %cond3A_106 : i32
        scf.if %cond3A_107 {
          %add3A_108 = arith.constant 3 : i32
          %add3A_109 = arith.addi %mul3A_83, %add3A_108 : i32
          %dma_start3A_110 = arith.constant 0 : i32
          %dma_start3A_111 = tpu.memref_slice %arg7[%add3A_109, %dma_start3A_110] : memref<40x125xi32, #tpu.memory_space<vmem>> -> memref<1x125xi32, #tpu.memory_space<vmem>>
          %dma_start3A_112 = tpu.memref_squeeze %dma_start3A_111 : memref<1x125xi32, #tpu.memory_space<vmem>> -> memref<125xi32, #tpu.memory_space<vmem>>
          %dma_start3A_113 = arith.constant 0 : i32
          %dma_start3A_114 = arith.constant 0 : i32
          %dma_start3A_115 = tpu.memref_slice %arg2[%dma_start3A_113, %dma_start3A_114] : memref<10000x128xf32, #tpu.memory_space<hbm>> -> memref<10000x128xf32, #tpu.memory_space<hbm>>
          tpu.enqueue_indirect_dma source(%dma_start3A_115 : memref<10000x128xf32, #tpu.memory_space<hbm>>) target(%arg10 : memref<125x128xf32, #tpu.memory_space<vmem>>) offsets(%dma_start3A_112 : memref<125xi32, #tpu.memory_space<vmem>>) semaphore(%arg12 : memref<!tpu.dma_semaphore, #tpu.memory_space<semaphore_mem>>)
        } else {
        }
      }
      %scan3A_70 = arith.constant 20 : i32
      %barrier3A_71 = arith.constant 0 : index
      tpu.barrier barrier_id(%barrier3A_71)
      %lt3A_72 = arith.constant 15 : i32
      %lt3A_73 = arith.cmpi slt, %arg1, %lt3A_72 : i32
      %convert_element_type3A_74 = arith.extui %lt3A_73 : i1 to i32
      %cond3A_75 = arith.constant 0 : i32
      %cond3A_76 = arith.cmpi ne, %convert_element_type3A_74, %cond3A_75 : i32
      scf.if %cond3A_76 {
        %mul3A = arith.constant 640 : i32
        %mul3A_82 = arith.muli %arg1, %mul3A : i32
        "tpu.region"() ({
          %run_scoped3A_83 = tpu.sem_alloc : memref<!tpu.dma_semaphore, #tpu.memory_space<semaphore_mem>>
          %dma_start3A_84 = arith.constant 0 : i32
          %dma_start3A_85 = tpu.memref_slice %arg5[%mul3A_82, %dma_start3A_84] : memref<10000x128xf32, #tpu.memory_space<hbm>> -> memref<640x128xf32, #tpu.memory_space<hbm>>
          %dma_start3A_86 = arith.constant 0 : i32
          %dma_start3A_87 = tpu.memref_slice %arg14[%mul3A_82, %dma_start3A_86] : memref<10000x128xf32, #tpu.memory_space<vmem_shared>> -> memref<640x128xf32, #tpu.memory_space<vmem_shared>>
          tpu.enqueue_dma source(%dma_start3A_87 : memref<640x128xf32, #tpu.memory_space<vmem_shared>>) target(%dma_start3A_85 : memref<640x128xf32, #tpu.memory_space<hbm>>) target_semaphore(%run_scoped3A_83 : memref<!tpu.dma_semaphore, #tpu.memory_space<semaphore_mem>>)
          %dma_wait3A = arith.constant 0 : i32
          %dma_wait3A_88 = tpu.memref_slice %arg5[%mul3A_82, %dma_wait3A] : memref<10000x128xf32, #tpu.memory_space<hbm>> -> memref<640x128xf32, #tpu.memory_space<hbm>>
          %dma_wait3A_89 = arith.constant 0 : i32
          %dma_wait3A_90 = tpu.memref_slice %arg14[%mul3A_82, %dma_wait3A_89] : memref<10000x128xf32, #tpu.memory_space<vmem_shared>> -> memref<640x128xf32, #tpu.memory_space<vmem_shared>>
          tpu.wait_dma2 semaphore(%run_scoped3A_83 : memref<!tpu.dma_semaphore, #tpu.memory_space<semaphore_mem>>) src(%dma_wait3A_90 : memref<640x128xf32, #tpu.memory_space<vmem_shared>>) dst(%dma_wait3A_88 : memref<640x128xf32, #tpu.memory_space<hbm>>)
          tpu.yield
        }) : () -> ()
      } else {
      }
      %eq3A_77 = arith.constant 15 : i32
      %eq3A_78 = arith.cmpi eq, %arg1, %eq3A_77 : i32
      %convert_element_type3A_79 = arith.extui %eq3A_78 : i1 to i32
      %cond3A_80 = arith.constant 0 : i32
      %cond3A_81 = arith.cmpi ne, %convert_element_type3A_79, %cond3A_80 : i32
      scf.if %cond3A_81 {
        "tpu.region"() ({
          %run_scoped3A_82 = tpu.sem_alloc : memref<!tpu.dma_semaphore, #tpu.memory_space<semaphore_mem>>
          %dma_start3A_83 = arith.constant 9600 : i32
          %dma_start3A_84 = arith.constant 0 : i32
          %dma_start3A_85 = tpu.memref_slice %arg5[%dma_start3A_83, %dma_start3A_84] : memref<10000x128xf32, #tpu.memory_space<hbm>> -> memref<400x128xf32, #tpu.memory_space<hbm>>
          %dma_start3A_86 = arith.constant 9600 : i32
          %dma_start3A_87 = arith.constant 0 : i32
          %dma_start3A_88 = tpu.memref_slice %arg14[%dma_start3A_86, %dma_start3A_87] : memref<10000x128xf32, #tpu.memory_space<vmem_shared>> -> memref<400x128xf32, #tpu.memory_space<vmem_shared>>
          tpu.enqueue_dma source(%dma_start3A_88 : memref<400x128xf32, #tpu.memory_space<vmem_shared>>) target(%dma_start3A_85 : memref<400x128xf32, #tpu.memory_space<hbm>>) target_semaphore(%run_scoped3A_82 : memref<!tpu.dma_semaphore, #tpu.memory_space<semaphore_mem>>)
          %dma_wait3A = arith.constant 9600 : i32
          %dma_wait3A_89 = arith.constant 0 : i32
          %dma_wait3A_90 = tpu.memref_slice %arg5[%dma_wait3A, %dma_wait3A_89] : memref<10000x128xf32, #tpu.memory_space<hbm>> -> memref<400x128xf32, #tpu.memory_space<hbm>>
          %dma_wait3A_91 = arith.constant 9600 : i32
          %dma_wait3A_92 = arith.constant 0 : i32
          %dma_wait3A_93 = tpu.memref_slice %arg14[%dma_wait3A_91, %dma_wait3A_92] : memref<10000x128xf32, #tpu.memory_space<vmem_shared>> -> memref<400x128xf32, #tpu.memory_space<vmem_shared>>
          tpu.wait_dma2 semaphore(%run_scoped3A_82 : memref<!tpu.dma_semaphore, #tpu.memory_space<semaphore_mem>>) src(%dma_wait3A_93 : memref<400x128xf32, #tpu.memory_space<vmem_shared>>) dst(%dma_wait3A_90 : memref<400x128xf32, #tpu.memory_space<hbm>>)
          tpu.yield
        }) : () -> ()
      } else {
      }
    } else {
    }
    %eq3A_2 = arith.constant 1 : i32
    %eq3A_3 = arith.cmpi eq, %arg0, %eq3A_2 : i32
    %convert_element_type3A_4 = arith.extui %eq3A_3 : i1 to i32
    %cond3A_5 = arith.constant 0 : i32
    %cond3A_6 = arith.cmpi ne, %convert_element_type3A_4, %cond3A_5 : i32
    scf.if %cond3A_6 {
      %lt3A = arith.constant 15 : i32
      %lt3A_7 = arith.cmpi slt, %arg1, %lt3A : i32
      %convert_element_type3A_8 = arith.extui %lt3A_7 : i1 to i32
      %cond3A_9 = arith.constant 0 : i32
      %cond3A_10 = arith.cmpi ne, %convert_element_type3A_8, %cond3A_9 : i32
      scf.if %cond3A_10 {
        %mul3A = arith.constant 640 : i32
        %mul3A_82 = arith.muli %arg1, %mul3A : i32
        %dma_start3A_83 = arith.constant 0 : i32
        %dma_start3A_84 = tpu.memref_slice %arg14[%mul3A_82, %dma_start3A_83] : memref<10000x128xf32, #tpu.memory_space<vmem_shared>> -> memref<640x128xf32, #tpu.memory_space<vmem_shared>>
        %dma_start3A_85 = arith.constant 0 : i32
        %dma_start3A_86 = tpu.memref_slice %arg3[%mul3A_82, %dma_start3A_85] : memref<10000x128xf32, #tpu.memory_space<hbm>> -> memref<640x128xf32, #tpu.memory_space<hbm>>
        tpu.enqueue_dma source(%dma_start3A_86 : memref<640x128xf32, #tpu.memory_space<hbm>>) target(%dma_start3A_84 : memref<640x128xf32, #tpu.memory_space<vmem_shared>>) target_semaphore(%arg13 : memref<!tpu.dma_semaphore, #tpu.memory_space<semaphore_mem>>)
      } else {
      }
      %eq3A_11 = arith.constant 15 : i32
      %eq3A_12 = arith.cmpi eq, %arg1, %eq3A_11 : i32
      %convert_element_type3A_13 = arith.extui %eq3A_12 : i1 to i32
      %cond3A_14 = arith.constant 0 : i32
      %cond3A_15 = arith.cmpi ne, %convert_element_type3A_13, %cond3A_14 : i32
      scf.if %cond3A_15 {
        %dma_start3A_82 = arith.constant 9600 : i32
        %dma_start3A_83 = arith.constant 0 : i32
        %dma_start3A_84 = tpu.memref_slice %arg14[%dma_start3A_82, %dma_start3A_83] : memref<10000x128xf32, #tpu.memory_space<vmem_shared>> -> memref<400x128xf32, #tpu.memory_space<vmem_shared>>
        %dma_start3A_85 = arith.constant 9600 : i32
        %dma_start3A_86 = arith.constant 0 : i32
        %dma_start3A_87 = tpu.memref_slice %arg3[%dma_start3A_85, %dma_start3A_86] : memref<10000x128xf32, #tpu.memory_space<hbm>> -> memref<400x128xf32, #tpu.memory_space<hbm>>
        tpu.enqueue_dma source(%dma_start3A_87 : memref<400x128xf32, #tpu.memory_space<hbm>>) target(%dma_start3A_84 : memref<400x128xf32, #tpu.memory_space<vmem_shared>>) target_semaphore(%arg13 : memref<!tpu.dma_semaphore, #tpu.memory_space<semaphore_mem>>)
      } else {
      }
      %run_scoped3A = arith.constant 0 : i32
      %run_scoped3A_16 = arith.constant 0 : i32
      "tpu.region"() ({
        %run_scoped3A_82 = tpu.sem_alloc : memref<!tpu.dma_semaphore, #tpu.memory_space<semaphore_mem>>
        %dma_start3A_83 = arith.constant 0 : i32
        %dma_start3A_84 = arith.constant 0 : i32
        %dma_start3A_85 = tpu.memref_slice %arg4[%run_scoped3A, %arg1, %run_scoped3A_16, %dma_start3A_83, %dma_start3A_84] : memref<2x16x2x40x125xi32, #tpu.memory_space<hbm>> -> memref<1x1x1x40x125xi32, #tpu.memory_space<hbm>>
        %dma_start3A_86 = tpu.memref_squeeze %dma_start3A_85 : memref<1x1x1x40x125xi32, #tpu.memory_space<hbm>> -> memref<40x125xi32, #tpu.memory_space<hbm>>
        %dma_start3A_87 = arith.constant 0 : i32
        %dma_start3A_88 = arith.constant 0 : i32
        %dma_start3A_89 = tpu.memref_slice %arg4[%run_scoped3A, %arg1, %run_scoped3A_16, %dma_start3A_87, %dma_start3A_88] : memref<2x16x2x40x125xi32, #tpu.memory_space<hbm>> -> memref<1x1x1x40x125xi32, #tpu.memory_space<hbm>>
        %dma_start3A_90 = tpu.memref_squeeze %dma_start3A_89 : memref<1x1x1x40x125xi32, #tpu.memory_space<hbm>> -> memref<40x125xi32, #tpu.memory_space<hbm>>
        tpu.enqueue_dma source(%dma_start3A_90 : memref<40x125xi32, #tpu.memory_space<hbm>>) target(%arg7 : memref<40x125xi32, #tpu.memory_space<vmem>>) target_semaphore(%run_scoped3A_82 : memref<!tpu.dma_semaphore, #tpu.memory_space<semaphore_mem>>)
        %dma_wait3A = arith.constant 0 : i32
        %dma_wait3A_91 = arith.constant 0 : i32
        %dma_wait3A_92 = tpu.memref_slice %arg4[%run_scoped3A, %arg1, %run_scoped3A_16, %dma_wait3A, %dma_wait3A_91] : memref<2x16x2x40x125xi32, #tpu.memory_space<hbm>> -> memref<1x1x1x40x125xi32, #tpu.memory_space<hbm>>
        %dma_wait3A_93 = tpu.memref_squeeze %dma_wait3A_92 : memref<1x1x1x40x125xi32, #tpu.memory_space<hbm>> -> memref<40x125xi32, #tpu.memory_space<hbm>>
        %dma_wait3A_94 = arith.constant 0 : i32
        %dma_wait3A_95 = arith.constant 0 : i32
        %dma_wait3A_96 = tpu.memref_slice %arg4[%run_scoped3A, %arg1, %run_scoped3A_16, %dma_wait3A_94, %dma_wait3A_95] : memref<2x16x2x40x125xi32, #tpu.memory_space<hbm>> -> memref<1x1x1x40x125xi32, #tpu.memory_space<hbm>>
        %dma_wait3A_97 = tpu.memref_squeeze %dma_wait3A_96 : memref<1x1x1x40x125xi32, #tpu.memory_space<hbm>> -> memref<40x125xi32, #tpu.memory_space<hbm>>
        tpu.wait_dma2 semaphore(%run_scoped3A_82 : memref<!tpu.dma_semaphore, #tpu.memory_space<semaphore_mem>>) src(%dma_wait3A_97 : memref<40x125xi32, #tpu.memory_space<hbm>>) dst(%arg7 : memref<40x125xi32, #tpu.memory_space<vmem>>)
        tpu.yield
      }) : () -> ()
      %run_scoped3A_17 = arith.constant 1 : i32
      %run_scoped3A_18 = arith.constant 0 : i32
      "tpu.region"() ({
        %run_scoped3A_82 = tpu.sem_alloc : memref<!tpu.dma_semaphore, #tpu.memory_space<semaphore_mem>>
        %dma_start3A_83 = arith.constant 0 : i32
        %dma_start3A_84 = arith.constant 0 : i32
        %dma_start3A_85 = tpu.memref_slice %arg4[%run_scoped3A_17, %arg1, %run_scoped3A_18, %dma_start3A_83, %dma_start3A_84] : memref<2x16x2x40x125xi32, #tpu.memory_space<hbm>> -> memref<1x1x1x40x125xi32, #tpu.memory_space<hbm>>
        %dma_start3A_86 = tpu.memref_squeeze %dma_start3A_85 : memref<1x1x1x40x125xi32, #tpu.memory_space<hbm>> -> memref<40x125xi32, #tpu.memory_space<hbm>>
        %dma_start3A_87 = arith.constant 0 : i32
        %dma_start3A_88 = arith.constant 0 : i32
        %dma_start3A_89 = tpu.memref_slice %arg4[%run_scoped3A_17, %arg1, %run_scoped3A_18, %dma_start3A_87, %dma_start3A_88] : memref<2x16x2x40x125xi32, #tpu.memory_space<hbm>> -> memref<1x1x1x40x125xi32, #tpu.memory_space<hbm>>
        %dma_start3A_90 = tpu.memref_squeeze %dma_start3A_89 : memref<1x1x1x40x125xi32, #tpu.memory_space<hbm>> -> memref<40x125xi32, #tpu.memory_space<hbm>>
        tpu.enqueue_dma source(%dma_start3A_90 : memref<40x125xi32, #tpu.memory_space<hbm>>) target(%arg8 : memref<40x125xi32, #tpu.memory_space<vmem>>) target_semaphore(%run_scoped3A_82 : memref<!tpu.dma_semaphore, #tpu.memory_space<semaphore_mem>>)
        %dma_wait3A = arith.constant 0 : i32
        %dma_wait3A_91 = arith.constant 0 : i32
        %dma_wait3A_92 = tpu.memref_slice %arg4[%run_scoped3A_17, %arg1, %run_scoped3A_18, %dma_wait3A, %dma_wait3A_91] : memref<2x16x2x40x125xi32, #tpu.memory_space<hbm>> -> memref<1x1x1x40x125xi32, #tpu.memory_space<hbm>>
        %dma_wait3A_93 = tpu.memref_squeeze %dma_wait3A_92 : memref<1x1x1x40x125xi32, #tpu.memory_space<hbm>> -> memref<40x125xi32, #tpu.memory_space<hbm>>
        %dma_wait3A_94 = arith.constant 0 : i32
        %dma_wait3A_95 = arith.constant 0 : i32
        %dma_wait3A_96 = tpu.memref_slice %arg4[%run_scoped3A_17, %arg1, %run_scoped3A_18, %dma_wait3A_94, %dma_wait3A_95] : memref<2x16x2x40x125xi32, #tpu.memory_space<hbm>> -> memref<1x1x1x40x125xi32, #tpu.memory_space<hbm>>
        %dma_wait3A_97 = tpu.memref_squeeze %dma_wait3A_96 : memref<1x1x1x40x125xi32, #tpu.memory_space<hbm>> -> memref<40x125xi32, #tpu.memory_space<hbm>>
        tpu.wait_dma2 semaphore(%run_scoped3A_82 : memref<!tpu.dma_semaphore, #tpu.memory_space<semaphore_mem>>) src(%dma_wait3A_97 : memref<40x125xi32, #tpu.memory_space<hbm>>) dst(%arg8 : memref<40x125xi32, #tpu.memory_space<vmem>>)
        tpu.yield
      }) : () -> ()
      %dma_start3A = arith.constant 0 : i32
      %dma_start3A_19 = arith.constant 0 : i32
      %dma_start3A_20 = tpu.memref_slice %arg7[%dma_start3A, %dma_start3A_19] : memref<40x125xi32, #tpu.memory_space<vmem>> -> memref<1x125xi32, #tpu.memory_space<vmem>>
      %dma_start3A_21 = tpu.memref_squeeze %dma_start3A_20 : memref<1x125xi32, #tpu.memory_space<vmem>> -> memref<125xi32, #tpu.memory_space<vmem>>
      %dma_start3A_22 = arith.constant 0 : i32
      %dma_start3A_23 = arith.constant 0 : i32
      %dma_start3A_24 = tpu.memref_slice %arg3[%dma_start3A_22, %dma_start3A_23] : memref<10000x128xf32, #tpu.memory_space<hbm>> -> memref<10000x128xf32, #tpu.memory_space<hbm>>
      tpu.enqueue_indirect_dma source(%dma_start3A_24 : memref<10000x128xf32, #tpu.memory_space<hbm>>) target(%arg9 : memref<125x128xf32, #tpu.memory_space<vmem>>) offsets(%dma_start3A_21 : memref<125xi32, #tpu.memory_space<vmem>>) semaphore(%arg11 : memref<!tpu.dma_semaphore, #tpu.memory_space<semaphore_mem>>)
      %dma_start3A_25 = arith.constant 1 : i32
      %dma_start3A_26 = arith.constant 0 : i32
      %dma_start3A_27 = tpu.memref_slice %arg7[%dma_start3A_25, %dma_start3A_26] : memref<40x125xi32, #tpu.memory_space<vmem>> -> memref<1x125xi32, #tpu.memory_space<vmem>>
      %dma_start3A_28 = tpu.memref_squeeze %dma_start3A_27 : memref<1x125xi32, #tpu.memory_space<vmem>> -> memref<125xi32, #tpu.memory_space<vmem>>
      %dma_start3A_29 = arith.constant 0 : i32
      %dma_start3A_30 = arith.constant 0 : i32
      %dma_start3A_31 = tpu.memref_slice %arg3[%dma_start3A_29, %dma_start3A_30] : memref<10000x128xf32, #tpu.memory_space<hbm>> -> memref<10000x128xf32, #tpu.memory_space<hbm>>
      tpu.enqueue_indirect_dma source(%dma_start3A_31 : memref<10000x128xf32, #tpu.memory_space<hbm>>) target(%arg10 : memref<125x128xf32, #tpu.memory_space<vmem>>) offsets(%dma_start3A_28 : memref<125xi32, #tpu.memory_space<vmem>>) semaphore(%arg12 : memref<!tpu.dma_semaphore, #tpu.memory_space<semaphore_mem>>)
      %lt3A_32 = arith.constant 15 : i32
      %lt3A_33 = arith.cmpi slt, %arg1, %lt3A_32 : i32
      %convert_element_type3A_34 = arith.extui %lt3A_33 : i1 to i32
      %cond3A_35 = arith.constant 0 : i32
      %cond3A_36 = arith.cmpi ne, %convert_element_type3A_34, %cond3A_35 : i32
      scf.if %cond3A_36 {
        %mul3A = arith.constant 640 : i32
        %mul3A_82 = arith.muli %arg1, %mul3A : i32
        %dma_wait3A = arith.constant 0 : i32
        %dma_wait3A_83 = tpu.memref_slice %arg14[%mul3A_82, %dma_wait3A] : memref<10000x128xf32, #tpu.memory_space<vmem_shared>> -> memref<640x128xf32, #tpu.memory_space<vmem_shared>>
        %dma_wait3A_84 = arith.constant 0 : i32
        %dma_wait3A_85 = tpu.memref_slice %arg3[%mul3A_82, %dma_wait3A_84] : memref<10000x128xf32, #tpu.memory_space<hbm>> -> memref<640x128xf32, #tpu.memory_space<hbm>>
        tpu.wait_dma2 semaphore(%arg13 : memref<!tpu.dma_semaphore, #tpu.memory_space<semaphore_mem>>) src(%dma_wait3A_85 : memref<640x128xf32, #tpu.memory_space<hbm>>) dst(%dma_wait3A_83 : memref<640x128xf32, #tpu.memory_space<vmem_shared>>)
      } else {
      }
      %eq3A_37 = arith.constant 15 : i32
      %eq3A_38 = arith.cmpi eq, %arg1, %eq3A_37 : i32
      %convert_element_type3A_39 = arith.extui %eq3A_38 : i1 to i32
      %cond3A_40 = arith.constant 0 : i32
      %cond3A_41 = arith.cmpi ne, %convert_element_type3A_39, %cond3A_40 : i32
      scf.if %cond3A_41 {
        %dma_wait3A = arith.constant 9600 : i32
        %dma_wait3A_82 = arith.constant 0 : i32
        %dma_wait3A_83 = tpu.memref_slice %arg14[%dma_wait3A, %dma_wait3A_82] : memref<10000x128xf32, #tpu.memory_space<vmem_shared>> -> memref<400x128xf32, #tpu.memory_space<vmem_shared>>
        %dma_wait3A_84 = arith.constant 9600 : i32
        %dma_wait3A_85 = arith.constant 0 : i32
        %dma_wait3A_86 = tpu.memref_slice %arg3[%dma_wait3A_84, %dma_wait3A_85] : memref<10000x128xf32, #tpu.memory_space<hbm>> -> memref<400x128xf32, #tpu.memory_space<hbm>>
        tpu.wait_dma2 semaphore(%arg13 : memref<!tpu.dma_semaphore, #tpu.memory_space<semaphore_mem>>) src(%dma_wait3A_86 : memref<400x128xf32, #tpu.memory_space<hbm>>) dst(%dma_wait3A_83 : memref<400x128xf32, #tpu.memory_space<vmem_shared>>)
      } else {
      }
      %barrier3A = arith.constant 0 : index
      tpu.barrier barrier_id(%barrier3A)
      %scan3A = arith.constant 0 : i32
      %scan3A_42 = arith.constant 0 : i32
      %scan3A_43 = arith.constant 20 : i32
      %scan3A_44 = arith.addi %scan3A_42, %scan3A_43 : i32
      %scan3A_45 = arith.constant 1 : i32
      scf.for %scan3A_82 = %scan3A_42 to %scan3A_44 step %scan3A_45  : i32 {
        %mul3A = arith.constant 2 : i32
        %mul3A_83 = arith.muli %mul3A, %scan3A_82 : i32
        %dma_wait3A = arith.constant 0 : i32
        %dma_wait3A_84 = tpu.memref_slice %arg7[%mul3A_83, %dma_wait3A] : memref<40x125xi32, #tpu.memory_space<vmem>> -> memref<1x125xi32, #tpu.memory_space<vmem>>
        %dma_wait3A_85 = tpu.memref_squeeze %dma_wait3A_84 : memref<1x125xi32, #tpu.memory_space<vmem>> -> memref<125xi32, #tpu.memory_space<vmem>>
        %dma_wait3A_86 = arith.constant 0 : i32
        %dma_wait3A_87 = arith.constant 0 : i32
        %dma_wait3A_88 = tpu.memref_slice %arg3[%dma_wait3A_86, %dma_wait3A_87] : memref<10000x128xf32, #tpu.memory_space<hbm>> -> memref<10000x128xf32, #tpu.memory_space<hbm>>
        tpu.wait_indirect_dma semaphore(%arg11 : memref<!tpu.dma_semaphore, #tpu.memory_space<semaphore_mem>>) src(%dma_wait3A_88 : memref<10000x128xf32, #tpu.memory_space<hbm>>) dst(%arg9 : memref<125x128xf32, #tpu.memory_space<vmem>>)
        "tpu.region"() ({
          %run_scoped3A_108 = tpu.sem_alloc : memref<!tpu.dma_semaphore, #tpu.memory_space<semaphore_mem>>
          %dma_start3A_109 = arith.constant 0 : i32
          %dma_start3A_110 = tpu.memref_slice %arg8[%mul3A_83, %dma_start3A_109] : memref<40x125xi32, #tpu.memory_space<vmem>> -> memref<1x125xi32, #tpu.memory_space<vmem>>
          %dma_start3A_111 = tpu.memref_squeeze %dma_start3A_110 : memref<1x125xi32, #tpu.memory_space<vmem>> -> memref<125xi32, #tpu.memory_space<vmem>>
          %dma_start3A_112 = arith.constant 0 : i32
          %dma_start3A_113 = arith.constant 0 : i32
          %dma_start3A_114 = tpu.memref_slice %arg14[%dma_start3A_112, %dma_start3A_113] : memref<10000x128xf32, #tpu.memory_space<vmem_shared>> -> memref<10000x128xf32, #tpu.memory_space<vmem_shared>>
          tpu.enqueue_indirect_dma source(%arg9 : memref<125x128xf32, #tpu.memory_space<vmem>>) target(%dma_start3A_114 : memref<10000x128xf32, #tpu.memory_space<vmem_shared>>) offsets(%dma_start3A_111 : memref<125xi32, #tpu.memory_space<vmem>>) semaphore(%run_scoped3A_108 : memref<!tpu.dma_semaphore, #tpu.memory_space<semaphore_mem>>) {add = true}
          %dma_wait3A_115 = arith.constant 0 : i32
          %dma_wait3A_116 = tpu.memref_slice %arg8[%mul3A_83, %dma_wait3A_115] : memref<40x125xi32, #tpu.memory_space<vmem>> -> memref<1x125xi32, #tpu.memory_space<vmem>>
          %dma_wait3A_117 = tpu.memref_squeeze %dma_wait3A_116 : memref<1x125xi32, #tpu.memory_space<vmem>> -> memref<125xi32, #tpu.memory_space<vmem>>
          %dma_wait3A_118 = arith.constant 0 : i32
          %dma_wait3A_119 = arith.constant 0 : i32
          %dma_wait3A_120 = tpu.memref_slice %arg14[%dma_wait3A_118, %dma_wait3A_119] : memref<10000x128xf32, #tpu.memory_space<vmem_shared>> -> memref<10000x128xf32, #tpu.memory_space<vmem_shared>>
          tpu.wait_indirect_dma semaphore(%run_scoped3A_108 : memref<!tpu.dma_semaphore, #tpu.memory_space<semaphore_mem>>) src(%arg9 : memref<125x128xf32, #tpu.memory_space<vmem>>) dst(%dma_wait3A_120 : memref<10000x128xf32, #tpu.memory_space<vmem_shared>>)
          tpu.yield
        }) : () -> ()
        %lt3A_89 = arith.constant 19 : i32
        %lt3A_90 = arith.cmpi slt, %scan3A_82, %lt3A_89 : i32
        %convert_element_type3A_91 = arith.extui %lt3A_90 : i1 to i32
        %cond3A_92 = arith.constant 0 : i32
        %cond3A_93 = arith.cmpi ne, %convert_element_type3A_91, %cond3A_92 : i32
        scf.if %cond3A_93 {
          %add3A_108 = arith.constant 2 : i32
          %add3A_109 = arith.addi %mul3A_83, %add3A_108 : i32
          %dma_start3A_110 = arith.constant 0 : i32
          %dma_start3A_111 = tpu.memref_slice %arg7[%add3A_109, %dma_start3A_110] : memref<40x125xi32, #tpu.memory_space<vmem>> -> memref<1x125xi32, #tpu.memory_space<vmem>>
          %dma_start3A_112 = tpu.memref_squeeze %dma_start3A_111 : memref<1x125xi32, #tpu.memory_space<vmem>> -> memref<125xi32, #tpu.memory_space<vmem>>
          %dma_start3A_113 = arith.constant 0 : i32
          %dma_start3A_114 = arith.constant 0 : i32
          %dma_start3A_115 = tpu.memref_slice %arg3[%dma_start3A_113, %dma_start3A_114] : memref<10000x128xf32, #tpu.memory_space<hbm>> -> memref<10000x128xf32, #tpu.memory_space<hbm>>
          tpu.enqueue_indirect_dma source(%dma_start3A_115 : memref<10000x128xf32, #tpu.memory_space<hbm>>) target(%arg9 : memref<125x128xf32, #tpu.memory_space<vmem>>) offsets(%dma_start3A_112 : memref<125xi32, #tpu.memory_space<vmem>>) semaphore(%arg11 : memref<!tpu.dma_semaphore, #tpu.memory_space<semaphore_mem>>)
        } else {
        }
        %add3A = arith.constant 1 : i32
        %add3A_94 = arith.addi %mul3A_83, %add3A : i32
        %dma_wait3A_95 = arith.constant 0 : i32
        %dma_wait3A_96 = tpu.memref_slice %arg7[%add3A_94, %dma_wait3A_95] : memref<40x125xi32, #tpu.memory_space<vmem>> -> memref<1x125xi32, #tpu.memory_space<vmem>>
        %dma_wait3A_97 = tpu.memref_squeeze %dma_wait3A_96 : memref<1x125xi32, #tpu.memory_space<vmem>> -> memref<125xi32, #tpu.memory_space<vmem>>
        %dma_wait3A_98 = arith.constant 0 : i32
        %dma_wait3A_99 = arith.constant 0 : i32
        %dma_wait3A_100 = tpu.memref_slice %arg3[%dma_wait3A_98, %dma_wait3A_99] : memref<10000x128xf32, #tpu.memory_space<hbm>> -> memref<10000x128xf32, #tpu.memory_space<hbm>>
        tpu.wait_indirect_dma semaphore(%arg12 : memref<!tpu.dma_semaphore, #tpu.memory_space<semaphore_mem>>) src(%dma_wait3A_100 : memref<10000x128xf32, #tpu.memory_space<hbm>>) dst(%arg10 : memref<125x128xf32, #tpu.memory_space<vmem>>)
        %add3A_101 = arith.constant 1 : i32
        %add3A_102 = arith.addi %mul3A_83, %add3A_101 : i32
        "tpu.region"() ({
          %run_scoped3A_108 = tpu.sem_alloc : memref<!tpu.dma_semaphore, #tpu.memory_space<semaphore_mem>>
          %dma_start3A_109 = arith.constant 0 : i32
          %dma_start3A_110 = tpu.memref_slice %arg8[%add3A_102, %dma_start3A_109] : memref<40x125xi32, #tpu.memory_space<vmem>> -> memref<1x125xi32, #tpu.memory_space<vmem>>
          %dma_start3A_111 = tpu.memref_squeeze %dma_start3A_110 : memref<1x125xi32, #tpu.memory_space<vmem>> -> memref<125xi32, #tpu.memory_space<vmem>>
          %dma_start3A_112 = arith.constant 0 : i32
          %dma_start3A_113 = arith.constant 0 : i32
          %dma_start3A_114 = tpu.memref_slice %arg14[%dma_start3A_112, %dma_start3A_113] : memref<10000x128xf32, #tpu.memory_space<vmem_shared>> -> memref<10000x128xf32, #tpu.memory_space<vmem_shared>>
          tpu.enqueue_indirect_dma source(%arg10 : memref<125x128xf32, #tpu.memory_space<vmem>>) target(%dma_start3A_114 : memref<10000x128xf32, #tpu.memory_space<vmem_shared>>) offsets(%dma_start3A_111 : memref<125xi32, #tpu.memory_space<vmem>>) semaphore(%run_scoped3A_108 : memref<!tpu.dma_semaphore, #tpu.memory_space<semaphore_mem>>) {add = true}
          %dma_wait3A_115 = arith.constant 0 : i32
          %dma_wait3A_116 = tpu.memref_slice %arg8[%add3A_102, %dma_wait3A_115] : memref<40x125xi32, #tpu.memory_space<vmem>> -> memref<1x125xi32, #tpu.memory_space<vmem>>
          %dma_wait3A_117 = tpu.memref_squeeze %dma_wait3A_116 : memref<1x125xi32, #tpu.memory_space<vmem>> -> memref<125xi32, #tpu.memory_space<vmem>>
          %dma_wait3A_118 = arith.constant 0 : i32
          %dma_wait3A_119 = arith.constant 0 : i32
          %dma_wait3A_120 = tpu.memref_slice %arg14[%dma_wait3A_118, %dma_wait3A_119] : memref<10000x128xf32, #tpu.memory_space<vmem_shared>> -> memref<10000x128xf32, #tpu.memory_space<vmem_shared>>
          tpu.wait_indirect_dma semaphore(%run_scoped3A_108 : memref<!tpu.dma_semaphore, #tpu.memory_space<semaphore_mem>>) src(%arg10 : memref<125x128xf32, #tpu.memory_space<vmem>>) dst(%dma_wait3A_120 : memref<10000x128xf32, #tpu.memory_space<vmem_shared>>)
          tpu.yield
        }) : () -> ()
        %lt3A_103 = arith.constant 19 : i32
        %lt3A_104 = arith.cmpi slt, %scan3A_82, %lt3A_103 : i32
        %convert_element_type3A_105 = arith.extui %lt3A_104 : i1 to i32
        %cond3A_106 = arith.constant 0 : i32
        %cond3A_107 = arith.cmpi ne, %convert_element_type3A_105, %cond3A_106 : i32
        scf.if %cond3A_107 {
          %add3A_108 = arith.constant 3 : i32
          %add3A_109 = arith.addi %mul3A_83, %add3A_108 : i32
          %dma_start3A_110 = arith.constant 0 : i32
          %dma_start3A_111 = tpu.memref_slice %arg7[%add3A_109, %dma_start3A_110] : memref<40x125xi32, #tpu.memory_space<vmem>> -> memref<1x125xi32, #tpu.memory_space<vmem>>
          %dma_start3A_112 = tpu.memref_squeeze %dma_start3A_111 : memref<1x125xi32, #tpu.memory_space<vmem>> -> memref<125xi32, #tpu.memory_space<vmem>>
          %dma_start3A_113 = arith.constant 0 : i32
          %dma_start3A_114 = arith.constant 0 : i32
          %dma_start3A_115 = tpu.memref_slice %arg3[%dma_start3A_113, %dma_start3A_114] : memref<10000x128xf32, #tpu.memory_space<hbm>> -> memref<10000x128xf32, #tpu.memory_space<hbm>>
          tpu.enqueue_indirect_dma source(%dma_start3A_115 : memref<10000x128xf32, #tpu.memory_space<hbm>>) target(%arg10 : memref<125x128xf32, #tpu.memory_space<vmem>>) offsets(%dma_start3A_112 : memref<125xi32, #tpu.memory_space<vmem>>) semaphore(%arg12 : memref<!tpu.dma_semaphore, #tpu.memory_space<semaphore_mem>>)
        } else {
        }
      }
      %scan3A_46 = arith.constant 20 : i32
      %run_scoped3A_47 = arith.constant 0 : i32
      %run_scoped3A_48 = arith.constant 1 : i32
      "tpu.region"() ({
        %run_scoped3A_82 = tpu.sem_alloc : memref<!tpu.dma_semaphore, #tpu.memory_space<semaphore_mem>>
        %dma_start3A_83 = arith.constant 0 : i32
        %dma_start3A_84 = arith.constant 0 : i32
        %dma_start3A_85 = tpu.memref_slice %arg4[%run_scoped3A_47, %arg1, %run_scoped3A_48, %dma_start3A_83, %dma_start3A_84] : memref<2x16x2x40x125xi32, #tpu.memory_space<hbm>> -> memref<1x1x1x40x125xi32, #tpu.memory_space<hbm>>
        %dma_start3A_86 = tpu.memref_squeeze %dma_start3A_85 : memref<1x1x1x40x125xi32, #tpu.memory_space<hbm>> -> memref<40x125xi32, #tpu.memory_space<hbm>>
        %dma_start3A_87 = arith.constant 0 : i32
        %dma_start3A_88 = arith.constant 0 : i32
        %dma_start3A_89 = tpu.memref_slice %arg4[%run_scoped3A_47, %arg1, %run_scoped3A_48, %dma_start3A_87, %dma_start3A_88] : memref<2x16x2x40x125xi32, #tpu.memory_space<hbm>> -> memref<1x1x1x40x125xi32, #tpu.memory_space<hbm>>
        %dma_start3A_90 = tpu.memref_squeeze %dma_start3A_89 : memref<1x1x1x40x125xi32, #tpu.memory_space<hbm>> -> memref<40x125xi32, #tpu.memory_space<hbm>>
        tpu.enqueue_dma source(%dma_start3A_90 : memref<40x125xi32, #tpu.memory_space<hbm>>) target(%arg7 : memref<40x125xi32, #tpu.memory_space<vmem>>) target_semaphore(%run_scoped3A_82 : memref<!tpu.dma_semaphore, #tpu.memory_space<semaphore_mem>>)
        %dma_wait3A = arith.constant 0 : i32
        %dma_wait3A_91 = arith.constant 0 : i32
        %dma_wait3A_92 = tpu.memref_slice %arg4[%run_scoped3A_47, %arg1, %run_scoped3A_48, %dma_wait3A, %dma_wait3A_91] : memref<2x16x2x40x125xi32, #tpu.memory_space<hbm>> -> memref<1x1x1x40x125xi32, #tpu.memory_space<hbm>>
        %dma_wait3A_93 = tpu.memref_squeeze %dma_wait3A_92 : memref<1x1x1x40x125xi32, #tpu.memory_space<hbm>> -> memref<40x125xi32, #tpu.memory_space<hbm>>
        %dma_wait3A_94 = arith.constant 0 : i32
        %dma_wait3A_95 = arith.constant 0 : i32
        %dma_wait3A_96 = tpu.memref_slice %arg4[%run_scoped3A_47, %arg1, %run_scoped3A_48, %dma_wait3A_94, %dma_wait3A_95] : memref<2x16x2x40x125xi32, #tpu.memory_space<hbm>> -> memref<1x1x1x40x125xi32, #tpu.memory_space<hbm>>
        %dma_wait3A_97 = tpu.memref_squeeze %dma_wait3A_96 : memref<1x1x1x40x125xi32, #tpu.memory_space<hbm>> -> memref<40x125xi32, #tpu.memory_space<hbm>>
        tpu.wait_dma2 semaphore(%run_scoped3A_82 : memref<!tpu.dma_semaphore, #tpu.memory_space<semaphore_mem>>) src(%dma_wait3A_97 : memref<40x125xi32, #tpu.memory_space<hbm>>) dst(%arg7 : memref<40x125xi32, #tpu.memory_space<vmem>>)
        tpu.yield
      }) : () -> ()
      %run_scoped3A_49 = arith.constant 1 : i32
      %run_scoped3A_50 = arith.constant 1 : i32
      "tpu.region"() ({
        %run_scoped3A_82 = tpu.sem_alloc : memref<!tpu.dma_semaphore, #tpu.memory_space<semaphore_mem>>
        %dma_start3A_83 = arith.constant 0 : i32
        %dma_start3A_84 = arith.constant 0 : i32
        %dma_start3A_85 = tpu.memref_slice %arg4[%run_scoped3A_49, %arg1, %run_scoped3A_50, %dma_start3A_83, %dma_start3A_84] : memref<2x16x2x40x125xi32, #tpu.memory_space<hbm>> -> memref<1x1x1x40x125xi32, #tpu.memory_space<hbm>>
        %dma_start3A_86 = tpu.memref_squeeze %dma_start3A_85 : memref<1x1x1x40x125xi32, #tpu.memory_space<hbm>> -> memref<40x125xi32, #tpu.memory_space<hbm>>
        %dma_start3A_87 = arith.constant 0 : i32
        %dma_start3A_88 = arith.constant 0 : i32
        %dma_start3A_89 = tpu.memref_slice %arg4[%run_scoped3A_49, %arg1, %run_scoped3A_50, %dma_start3A_87, %dma_start3A_88] : memref<2x16x2x40x125xi32, #tpu.memory_space<hbm>> -> memref<1x1x1x40x125xi32, #tpu.memory_space<hbm>>
        %dma_start3A_90 = tpu.memref_squeeze %dma_start3A_89 : memref<1x1x1x40x125xi32, #tpu.memory_space<hbm>> -> memref<40x125xi32, #tpu.memory_space<hbm>>
        tpu.enqueue_dma source(%dma_start3A_90 : memref<40x125xi32, #tpu.memory_space<hbm>>) target(%arg8 : memref<40x125xi32, #tpu.memory_space<vmem>>) target_semaphore(%run_scoped3A_82 : memref<!tpu.dma_semaphore, #tpu.memory_space<semaphore_mem>>)
        %dma_wait3A = arith.constant 0 : i32
        %dma_wait3A_91 = arith.constant 0 : i32
        %dma_wait3A_92 = tpu.memref_slice %arg4[%run_scoped3A_49, %arg1, %run_scoped3A_50, %dma_wait3A, %dma_wait3A_91] : memref<2x16x2x40x125xi32, #tpu.memory_space<hbm>> -> memref<1x1x1x40x125xi32, #tpu.memory_space<hbm>>
        %dma_wait3A_93 = tpu.memref_squeeze %dma_wait3A_92 : memref<1x1x1x40x125xi32, #tpu.memory_space<hbm>> -> memref<40x125xi32, #tpu.memory_space<hbm>>
        %dma_wait3A_94 = arith.constant 0 : i32
        %dma_wait3A_95 = arith.constant 0 : i32
        %dma_wait3A_96 = tpu.memref_slice %arg4[%run_scoped3A_49, %arg1, %run_scoped3A_50, %dma_wait3A_94, %dma_wait3A_95] : memref<2x16x2x40x125xi32, #tpu.memory_space<hbm>> -> memref<1x1x1x40x125xi32, #tpu.memory_space<hbm>>
        %dma_wait3A_97 = tpu.memref_squeeze %dma_wait3A_96 : memref<1x1x1x40x125xi32, #tpu.memory_space<hbm>> -> memref<40x125xi32, #tpu.memory_space<hbm>>
        tpu.wait_dma2 semaphore(%run_scoped3A_82 : memref<!tpu.dma_semaphore, #tpu.memory_space<semaphore_mem>>) src(%dma_wait3A_97 : memref<40x125xi32, #tpu.memory_space<hbm>>) dst(%arg8 : memref<40x125xi32, #tpu.memory_space<vmem>>)
        tpu.yield
      }) : () -> ()
      %dma_start3A_51 = arith.constant 0 : i32
      %dma_start3A_52 = arith.constant 0 : i32
      %dma_start3A_53 = tpu.memref_slice %arg7[%dma_start3A_51, %dma_start3A_52] : memref<40x125xi32, #tpu.memory_space<vmem>> -> memref<1x125xi32, #tpu.memory_space<vmem>>
      %dma_start3A_54 = tpu.memref_squeeze %dma_start3A_53 : memref<1x125xi32, #tpu.memory_space<vmem>> -> memref<125xi32, #tpu.memory_space<vmem>>
      %dma_start3A_55 = arith.constant 0 : i32
      %dma_start3A_56 = arith.constant 0 : i32
      %dma_start3A_57 = tpu.memref_slice %arg3[%dma_start3A_55, %dma_start3A_56] : memref<10000x128xf32, #tpu.memory_space<hbm>> -> memref<10000x128xf32, #tpu.memory_space<hbm>>
      tpu.enqueue_indirect_dma source(%dma_start3A_57 : memref<10000x128xf32, #tpu.memory_space<hbm>>) target(%arg9 : memref<125x128xf32, #tpu.memory_space<vmem>>) offsets(%dma_start3A_54 : memref<125xi32, #tpu.memory_space<vmem>>) semaphore(%arg11 : memref<!tpu.dma_semaphore, #tpu.memory_space<semaphore_mem>>)
      %dma_start3A_58 = arith.constant 1 : i32
      %dma_start3A_59 = arith.constant 0 : i32
      %dma_start3A_60 = tpu.memref_slice %arg7[%dma_start3A_58, %dma_start3A_59] : memref<40x125xi32, #tpu.memory_space<vmem>> -> memref<1x125xi32, #tpu.memory_space<vmem>>
      %dma_start3A_61 = tpu.memref_squeeze %dma_start3A_60 : memref<1x125xi32, #tpu.memory_space<vmem>> -> memref<125xi32, #tpu.memory_space<vmem>>
      %dma_start3A_62 = arith.constant 0 : i32
      %dma_start3A_63 = arith.constant 0 : i32
      %dma_start3A_64 = tpu.memref_slice %arg3[%dma_start3A_62, %dma_start3A_63] : memref<10000x128xf32, #tpu.memory_space<hbm>> -> memref<10000x128xf32, #tpu.memory_space<hbm>>
      tpu.enqueue_indirect_dma source(%dma_start3A_64 : memref<10000x128xf32, #tpu.memory_space<hbm>>) target(%arg10 : memref<125x128xf32, #tpu.memory_space<vmem>>) offsets(%dma_start3A_61 : memref<125xi32, #tpu.memory_space<vmem>>) semaphore(%arg12 : memref<!tpu.dma_semaphore, #tpu.memory_space<semaphore_mem>>)
      %scan3A_65 = arith.constant 0 : i32
      %scan3A_66 = arith.constant 0 : i32
      %scan3A_67 = arith.constant 20 : i32
      %scan3A_68 = arith.addi %scan3A_66, %scan3A_67 : i32
      %scan3A_69 = arith.constant 1 : i32
      scf.for %scan3A_82 = %scan3A_66 to %scan3A_68 step %scan3A_69  : i32 {
        %mul3A = arith.constant 2 : i32
        %mul3A_83 = arith.muli %mul3A, %scan3A_82 : i32
        %dma_wait3A = arith.constant 0 : i32
        %dma_wait3A_84 = tpu.memref_slice %arg7[%mul3A_83, %dma_wait3A] : memref<40x125xi32, #tpu.memory_space<vmem>> -> memref<1x125xi32, #tpu.memory_space<vmem>>
        %dma_wait3A_85 = tpu.memref_squeeze %dma_wait3A_84 : memref<1x125xi32, #tpu.memory_space<vmem>> -> memref<125xi32, #tpu.memory_space<vmem>>
        %dma_wait3A_86 = arith.constant 0 : i32
        %dma_wait3A_87 = arith.constant 0 : i32
        %dma_wait3A_88 = tpu.memref_slice %arg3[%dma_wait3A_86, %dma_wait3A_87] : memref<10000x128xf32, #tpu.memory_space<hbm>> -> memref<10000x128xf32, #tpu.memory_space<hbm>>
        tpu.wait_indirect_dma semaphore(%arg11 : memref<!tpu.dma_semaphore, #tpu.memory_space<semaphore_mem>>) src(%dma_wait3A_88 : memref<10000x128xf32, #tpu.memory_space<hbm>>) dst(%arg9 : memref<125x128xf32, #tpu.memory_space<vmem>>)
        "tpu.region"() ({
          %run_scoped3A_108 = tpu.sem_alloc : memref<!tpu.dma_semaphore, #tpu.memory_space<semaphore_mem>>
          %dma_start3A_109 = arith.constant 0 : i32
          %dma_start3A_110 = tpu.memref_slice %arg8[%mul3A_83, %dma_start3A_109] : memref<40x125xi32, #tpu.memory_space<vmem>> -> memref<1x125xi32, #tpu.memory_space<vmem>>
          %dma_start3A_111 = tpu.memref_squeeze %dma_start3A_110 : memref<1x125xi32, #tpu.memory_space<vmem>> -> memref<125xi32, #tpu.memory_space<vmem>>
          %dma_start3A_112 = arith.constant 0 : i32
          %dma_start3A_113 = arith.constant 0 : i32
          %dma_start3A_114 = tpu.memref_slice %arg14[%dma_start3A_112, %dma_start3A_113] : memref<10000x128xf32, #tpu.memory_space<vmem_shared>> -> memref<10000x128xf32, #tpu.memory_space<vmem_shared>>
          tpu.enqueue_indirect_dma source(%arg9 : memref<125x128xf32, #tpu.memory_space<vmem>>) target(%dma_start3A_114 : memref<10000x128xf32, #tpu.memory_space<vmem_shared>>) offsets(%dma_start3A_111 : memref<125xi32, #tpu.memory_space<vmem>>) semaphore(%run_scoped3A_108 : memref<!tpu.dma_semaphore, #tpu.memory_space<semaphore_mem>>) {add = true}
          %dma_wait3A_115 = arith.constant 0 : i32
          %dma_wait3A_116 = tpu.memref_slice %arg8[%mul3A_83, %dma_wait3A_115] : memref<40x125xi32, #tpu.memory_space<vmem>> -> memref<1x125xi32, #tpu.memory_space<vmem>>
          %dma_wait3A_117 = tpu.memref_squeeze %dma_wait3A_116 : memref<1x125xi32, #tpu.memory_space<vmem>> -> memref<125xi32, #tpu.memory_space<vmem>>
          %dma_wait3A_118 = arith.constant 0 : i32
          %dma_wait3A_119 = arith.constant 0 : i32
          %dma_wait3A_120 = tpu.memref_slice %arg14[%dma_wait3A_118, %dma_wait3A_119] : memref<10000x128xf32, #tpu.memory_space<vmem_shared>> -> memref<10000x128xf32, #tpu.memory_space<vmem_shared>>
          tpu.wait_indirect_dma semaphore(%run_scoped3A_108 : memref<!tpu.dma_semaphore, #tpu.memory_space<semaphore_mem>>) src(%arg9 : memref<125x128xf32, #tpu.memory_space<vmem>>) dst(%dma_wait3A_120 : memref<10000x128xf32, #tpu.memory_space<vmem_shared>>)
          tpu.yield
        }) : () -> ()
        %lt3A_89 = arith.constant 19 : i32
        %lt3A_90 = arith.cmpi slt, %scan3A_82, %lt3A_89 : i32
        %convert_element_type3A_91 = arith.extui %lt3A_90 : i1 to i32
        %cond3A_92 = arith.constant 0 : i32
        %cond3A_93 = arith.cmpi ne, %convert_element_type3A_91, %cond3A_92 : i32
        scf.if %cond3A_93 {
          %add3A_108 = arith.constant 2 : i32
          %add3A_109 = arith.addi %mul3A_83, %add3A_108 : i32
          %dma_start3A_110 = arith.constant 0 : i32
          %dma_start3A_111 = tpu.memref_slice %arg7[%add3A_109, %dma_start3A_110] : memref<40x125xi32, #tpu.memory_space<vmem>> -> memref<1x125xi32, #tpu.memory_space<vmem>>
          %dma_start3A_112 = tpu.memref_squeeze %dma_start3A_111 : memref<1x125xi32, #tpu.memory_space<vmem>> -> memref<125xi32, #tpu.memory_space<vmem>>
          %dma_start3A_113 = arith.constant 0 : i32
          %dma_start3A_114 = arith.constant 0 : i32
          %dma_start3A_115 = tpu.memref_slice %arg3[%dma_start3A_113, %dma_start3A_114] : memref<10000x128xf32, #tpu.memory_space<hbm>> -> memref<10000x128xf32, #tpu.memory_space<hbm>>
          tpu.enqueue_indirect_dma source(%dma_start3A_115 : memref<10000x128xf32, #tpu.memory_space<hbm>>) target(%arg9 : memref<125x128xf32, #tpu.memory_space<vmem>>) offsets(%dma_start3A_112 : memref<125xi32, #tpu.memory_space<vmem>>) semaphore(%arg11 : memref<!tpu.dma_semaphore, #tpu.memory_space<semaphore_mem>>)
        } else {
        }
        %add3A = arith.constant 1 : i32
        %add3A_94 = arith.addi %mul3A_83, %add3A : i32
        %dma_wait3A_95 = arith.constant 0 : i32
        %dma_wait3A_96 = tpu.memref_slice %arg7[%add3A_94, %dma_wait3A_95] : memref<40x125xi32, #tpu.memory_space<vmem>> -> memref<1x125xi32, #tpu.memory_space<vmem>>
        %dma_wait3A_97 = tpu.memref_squeeze %dma_wait3A_96 : memref<1x125xi32, #tpu.memory_space<vmem>> -> memref<125xi32, #tpu.memory_space<vmem>>
        %dma_wait3A_98 = arith.constant 0 : i32
        %dma_wait3A_99 = arith.constant 0 : i32
        %dma_wait3A_100 = tpu.memref_slice %arg3[%dma_wait3A_98, %dma_wait3A_99] : memref<10000x128xf32, #tpu.memory_space<hbm>> -> memref<10000x128xf32, #tpu.memory_space<hbm>>
        tpu.wait_indirect_dma semaphore(%arg12 : memref<!tpu.dma_semaphore, #tpu.memory_space<semaphore_mem>>) src(%dma_wait3A_100 : memref<10000x128xf32, #tpu.memory_space<hbm>>) dst(%arg10 : memref<125x128xf32, #tpu.memory_space<vmem>>)
        %add3A_101 = arith.constant 1 : i32
        %add3A_102 = arith.addi %mul3A_83, %add3A_101 : i32
        "tpu.region"() ({
          %run_scoped3A_108 = tpu.sem_alloc : memref<!tpu.dma_semaphore, #tpu.memory_space<semaphore_mem>>
          %dma_start3A_109 = arith.constant 0 : i32
          %dma_start3A_110 = tpu.memref_slice %arg8[%add3A_102, %dma_start3A_109] : memref<40x125xi32, #tpu.memory_space<vmem>> -> memref<1x125xi32, #tpu.memory_space<vmem>>
          %dma_start3A_111 = tpu.memref_squeeze %dma_start3A_110 : memref<1x125xi32, #tpu.memory_space<vmem>> -> memref<125xi32, #tpu.memory_space<vmem>>
          %dma_start3A_112 = arith.constant 0 : i32
          %dma_start3A_113 = arith.constant 0 : i32
          %dma_start3A_114 = tpu.memref_slice %arg14[%dma_start3A_112, %dma_start3A_113] : memref<10000x128xf32, #tpu.memory_space<vmem_shared>> -> memref<10000x128xf32, #tpu.memory_space<vmem_shared>>
          tpu.enqueue_indirect_dma source(%arg10 : memref<125x128xf32, #tpu.memory_space<vmem>>) target(%dma_start3A_114 : memref<10000x128xf32, #tpu.memory_space<vmem_shared>>) offsets(%dma_start3A_111 : memref<125xi32, #tpu.memory_space<vmem>>) semaphore(%run_scoped3A_108 : memref<!tpu.dma_semaphore, #tpu.memory_space<semaphore_mem>>) {add = true}
          %dma_wait3A_115 = arith.constant 0 : i32
          %dma_wait3A_116 = tpu.memref_slice %arg8[%add3A_102, %dma_wait3A_115] : memref<40x125xi32, #tpu.memory_space<vmem>> -> memref<1x125xi32, #tpu.memory_space<vmem>>
          %dma_wait3A_117 = tpu.memref_squeeze %dma_wait3A_116 : memref<1x125xi32, #tpu.memory_space<vmem>> -> memref<125xi32, #tpu.memory_space<vmem>>
          %dma_wait3A_118 = arith.constant 0 : i32
          %dma_wait3A_119 = arith.constant 0 : i32
          %dma_wait3A_120 = tpu.memref_slice %arg14[%dma_wait3A_118, %dma_wait3A_119] : memref<10000x128xf32, #tpu.memory_space<vmem_shared>> -> memref<10000x128xf32, #tpu.memory_space<vmem_shared>>
          tpu.wait_indirect_dma semaphore(%run_scoped3A_108 : memref<!tpu.dma_semaphore, #tpu.memory_space<semaphore_mem>>) src(%arg10 : memref<125x128xf32, #tpu.memory_space<vmem>>) dst(%dma_wait3A_120 : memref<10000x128xf32, #tpu.memory_space<vmem_shared>>)
          tpu.yield
        }) : () -> ()
        %lt3A_103 = arith.constant 19 : i32
        %lt3A_104 = arith.cmpi slt, %scan3A_82, %lt3A_103 : i32
        %convert_element_type3A_105 = arith.extui %lt3A_104 : i1 to i32
        %cond3A_106 = arith.constant 0 : i32
        %cond3A_107 = arith.cmpi ne, %convert_element_type3A_105, %cond3A_106 : i32
        scf.if %cond3A_107 {
          %add3A_108 = arith.constant 3 : i32
          %add3A_109 = arith.addi %mul3A_83, %add3A_108 : i32
          %dma_start3A_110 = arith.constant 0 : i32
          %dma_start3A_111 = tpu.memref_slice %arg7[%add3A_109, %dma_start3A_110] : memref<40x125xi32, #tpu.memory_space<vmem>> -> memref<1x125xi32, #tpu.memory_space<vmem>>
          %dma_start3A_112 = tpu.memref_squeeze %dma_start3A_111 : memref<1x125xi32, #tpu.memory_space<vmem>> -> memref<125xi32, #tpu.memory_space<vmem>>
          %dma_start3A_113 = arith.constant 0 : i32
          %dma_start3A_114 = arith.constant 0 : i32
          %dma_start3A_115 = tpu.memref_slice %arg3[%dma_start3A_113, %dma_start3A_114] : memref<10000x128xf32, #tpu.memory_space<hbm>> -> memref<10000x128xf32, #tpu.memory_space<hbm>>
          tpu.enqueue_indirect_dma source(%dma_start3A_115 : memref<10000x128xf32, #tpu.memory_space<hbm>>) target(%arg10 : memref<125x128xf32, #tpu.memory_space<vmem>>) offsets(%dma_start3A_112 : memref<125xi32, #tpu.memory_space<vmem>>) semaphore(%arg12 : memref<!tpu.dma_semaphore, #tpu.memory_space<semaphore_mem>>)
        } else {
        }
      }
      %scan3A_70 = arith.constant 20 : i32
      %barrier3A_71 = arith.constant 0 : index
      tpu.barrier barrier_id(%barrier3A_71)
      %lt3A_72 = arith.constant 15 : i32
      %lt3A_73 = arith.cmpi slt, %arg1, %lt3A_72 : i32
      %convert_element_type3A_74 = arith.extui %lt3A_73 : i1 to i32
      %cond3A_75 = arith.constant 0 : i32
      %cond3A_76 = arith.cmpi ne, %convert_element_type3A_74, %cond3A_75 : i32
      scf.if %cond3A_76 {
        %mul3A = arith.constant 640 : i32
        %mul3A_82 = arith.muli %arg1, %mul3A : i32
        "tpu.region"() ({
          %run_scoped3A_83 = tpu.sem_alloc : memref<!tpu.dma_semaphore, #tpu.memory_space<semaphore_mem>>
          %dma_start3A_84 = arith.constant 0 : i32
          %dma_start3A_85 = tpu.memref_slice %arg6[%mul3A_82, %dma_start3A_84] : memref<10000x128xf32, #tpu.memory_space<hbm>> -> memref<640x128xf32, #tpu.memory_space<hbm>>
          %dma_start3A_86 = arith.constant 0 : i32
          %dma_start3A_87 = tpu.memref_slice %arg14[%mul3A_82, %dma_start3A_86] : memref<10000x128xf32, #tpu.memory_space<vmem_shared>> -> memref<640x128xf32, #tpu.memory_space<vmem_shared>>
          tpu.enqueue_dma source(%dma_start3A_87 : memref<640x128xf32, #tpu.memory_space<vmem_shared>>) target(%dma_start3A_85 : memref<640x128xf32, #tpu.memory_space<hbm>>) target_semaphore(%run_scoped3A_83 : memref<!tpu.dma_semaphore, #tpu.memory_space<semaphore_mem>>)
          %dma_wait3A = arith.constant 0 : i32
          %dma_wait3A_88 = tpu.memref_slice %arg6[%mul3A_82, %dma_wait3A] : memref<10000x128xf32, #tpu.memory_space<hbm>> -> memref<640x128xf32, #tpu.memory_space<hbm>>
          %dma_wait3A_89 = arith.constant 0 : i32
          %dma_wait3A_90 = tpu.memref_slice %arg14[%mul3A_82, %dma_wait3A_89] : memref<10000x128xf32, #tpu.memory_space<vmem_shared>> -> memref<640x128xf32, #tpu.memory_space<vmem_shared>>
          tpu.wait_dma2 semaphore(%run_scoped3A_83 : memref<!tpu.dma_semaphore, #tpu.memory_space<semaphore_mem>>) src(%dma_wait3A_90 : memref<640x128xf32, #tpu.memory_space<vmem_shared>>) dst(%dma_wait3A_88 : memref<640x128xf32, #tpu.memory_space<hbm>>)
          tpu.yield
        }) : () -> ()
      } else {
      }
      %eq3A_77 = arith.constant 15 : i32
      %eq3A_78 = arith.cmpi eq, %arg1, %eq3A_77 : i32
      %convert_element_type3A_79 = arith.extui %eq3A_78 : i1 to i32
      %cond3A_80 = arith.constant 0 : i32
      %cond3A_81 = arith.cmpi ne, %convert_element_type3A_79, %cond3A_80 : i32
      scf.if %cond3A_81 {
        "tpu.region"() ({
          %run_scoped3A_82 = tpu.sem_alloc : memref<!tpu.dma_semaphore, #tpu.memory_space<semaphore_mem>>
          %dma_start3A_83 = arith.constant 9600 : i32
          %dma_start3A_84 = arith.constant 0 : i32
          %dma_start3A_85 = tpu.memref_slice %arg6[%dma_start3A_83, %dma_start3A_84] : memref<10000x128xf32, #tpu.memory_space<hbm>> -> memref<400x128xf32, #tpu.memory_space<hbm>>
          %dma_start3A_86 = arith.constant 9600 : i32
          %dma_start3A_87 = arith.constant 0 : i32
          %dma_start3A_88 = tpu.memref_slice %arg14[%dma_start3A_86, %dma_start3A_87] : memref<10000x128xf32, #tpu.memory_space<vmem_shared>> -> memref<400x128xf32, #tpu.memory_space<vmem_shared>>
          tpu.enqueue_dma source(%dma_start3A_88 : memref<400x128xf32, #tpu.memory_space<vmem_shared>>) target(%dma_start3A_85 : memref<400x128xf32, #tpu.memory_space<hbm>>) target_semaphore(%run_scoped3A_82 : memref<!tpu.dma_semaphore, #tpu.memory_space<semaphore_mem>>)
          %dma_wait3A = arith.constant 9600 : i32
          %dma_wait3A_89 = arith.constant 0 : i32
          %dma_wait3A_90 = tpu.memref_slice %arg6[%dma_wait3A, %dma_wait3A_89] : memref<10000x128xf32, #tpu.memory_space<hbm>> -> memref<400x128xf32, #tpu.memory_space<hbm>>
          %dma_wait3A_91 = arith.constant 9600 : i32
          %dma_wait3A_92 = arith.constant 0 : i32
          %dma_wait3A_93 = tpu.memref_slice %arg14[%dma_wait3A_91, %dma_wait3A_92] : memref<10000x128xf32, #tpu.memory_space<vmem_shared>> -> memref<400x128xf32, #tpu.memory_space<vmem_shared>>
          tpu.wait_dma2 semaphore(%run_scoped3A_82 : memref<!tpu.dma_semaphore, #tpu.memory_space<semaphore_mem>>) src(%dma_wait3A_93 : memref<400x128xf32, #tpu.memory_space<vmem_shared>>) dst(%dma_wait3A_90 : memref<400x128xf32, #tpu.memory_space<hbm>>)
          tpu.yield
        }) : () -> ()
      } else {
      }
    } else {
    }
    return
  }
}

module attributes {stable_mosaic.version = 14 : i64} {
  func.func @_k0_body(%arg0: i32, %arg1: memref<1000x256xf32, #tpu.memory_space<vmem>>, %arg2: memref<256x256xf32, #tpu.memory_space<vmem>>, %arg3: memref<1x256xf32, #tpu.memory_space<vmem>>, %arg4: memref<256x256xf32, #tpu.memory_space<vmem>>, %arg5: memref<1000x1xf32, #tpu.memory_space<vmem>>, %arg6: memref<1000x1xf32, #tpu.memory_space<vmem>>, %arg7: memref<1000x256xbf16, #tpu.memory_space<vmem>>, %arg8: memref<1000x128xf32, #tpu.memory_space<vmem>>, %arg9: memref<1000x128xf32, #tpu.memory_space<vmem>>) attributes {dimension_semantics = [#tpu.dimension_semantics<arbitrary>], iteration_bounds = array<i64: 10>, scalar_prefetch = 0 : i64, scratch_operands = 0 : i64, tpu.core_type = #tpu.core_type<tc>, window_params = [{transform_indices = @transform_0, window_bounds = array<i64: 1000, 256>}, {pipeline_mode = #tpu.pipeline_mode<synchronous>, transform_indices = @transform_1, window_bounds = array<i64: 256, 256>}, {pipeline_mode = #tpu.pipeline_mode<synchronous>, transform_indices = @transform_2, window_bounds = array<i64: 1, 256>}, {pipeline_mode = #tpu.pipeline_mode<synchronous>, transform_indices = @transform_3, window_bounds = array<i64: 256, 256>}, {transform_indices = @transform_4, window_bounds = array<i64: 1000, 1>}, {transform_indices = @transform_5, window_bounds = array<i64: 1000, 1>}, {transform_indices = @transform_6, window_bounds = array<i64: 1000, 256>}, {transform_indices = @transform_7, window_bounds = array<i64: 1000, 128>}, {transform_indices = @transform_8, window_bounds = array<i64: 1000, 128>}]} {
    %get3A = arith.constant 0 : index
    %get3A_0 = arith.constant 0 : index
    %get3A_1 = vector.load %arg1[%get3A, %get3A_0] : memref<1000x256xf32, #tpu.memory_space<vmem>>, vector<1000x256xf32>
    %get3A_2 = arith.constant 0 : index
    %get3A_3 = arith.constant 0 : index
    %get3A_4 = vector.load %arg2[%get3A_2, %get3A_3] : memref<256x256xf32, #tpu.memory_space<vmem>>, vector<256x256xf32>
    %dot_general3A = arith.constant dense<0.000000e+00> : vector<1000x256xf32>
    %dot_general3A_5 = tpu.matmul %get3A_1, %get3A_4, %dot_general3A {dimension_numbers = #tpu.dot_dimension_numbers<[1], [0], [0], [1], [0, 0, 1, 1], [], []>, transpose_lhs_hint = false} : vector<1000x256xf32>, vector<256x256xf32>, vector<1000x256xf32> -> vector<1000x256xf32>
    %get3A_6 = arith.constant 0 : index
    %get3A_7 = arith.constant 0 : index
    %get3A_8 = vector.load %arg3[%get3A_6, %get3A_7] : memref<1x256xf32, #tpu.memory_space<vmem>>, vector<1x256xf32>
    %add3A = vector.broadcast %get3A_8 : vector<1x256xf32> to vector<1000x256xf32>
    %add3A_9 = arith.addf %dot_general3A_5, %add3A : vector<1000x256xf32>
    %max3A = arith.constant 0.000000e+00 : f32
    %max3A_10 = vector.broadcast %max3A : f32 to vector<1000x256xf32>
    %max3A_11 = arith.maximumf %add3A_9, %max3A_10 : vector<1000x256xf32>
    %convert_element_type3A = arith.truncf %max3A_11 : vector<1000x256xf32> to vector<1000x256xbf16>
    %swap3A = arith.constant 0 : index
    %swap3A_12 = arith.constant 0 : index
    %swap3A_13 = vector.load %arg7[%swap3A, %swap3A_12] : memref<1000x256xbf16, #tpu.memory_space<vmem>>, vector<1000x256xbf16>
    tpu.vector_store %arg7[%swap3A, %swap3A_12], %convert_element_type3A {strides = array<i32>} : memref<1000x256xbf16, #tpu.memory_space<vmem>>, vector<1000x256xbf16>,
    %get3A_14 = arith.constant 0 : index
    %get3A_15 = arith.constant 0 : index
    %get3A_16 = vector.load %arg5[%get3A_14, %get3A_15] : memref<1000x1xf32, #tpu.memory_space<vmem>>, vector<1000x1xf32>
    %get3A_17 = arith.constant 0 : index
    %get3A_18 = arith.constant 0 : index
    %get3A_19 = vector.load %arg6[%get3A_17, %get3A_18] : memref<1000x1xf32, #tpu.memory_space<vmem>>, vector<1000x1xf32>
    %add3A_20 = arith.addf %get3A_16, %get3A_19 : vector<1000x1xf32>
    %rsqrt3A = math.rsqrt %add3A_20 : vector<1000x1xf32>
    %get3A_21 = arith.constant 0 : index
    %get3A_22 = arith.constant 0 : index
    %get3A_23 = vector.load %arg4[%get3A_21, %get3A_22] : memref<256x256xf32, #tpu.memory_space<vmem>>, vector<256x256xf32>
    %dot_general3A_24 = arith.constant dense<0.000000e+00> : vector<1000x256xf32>
    %dot_general3A_25 = tpu.matmul %max3A_11, %get3A_23, %dot_general3A_24 {dimension_numbers = #tpu.dot_dimension_numbers<[1], [0], [0], [1], [0, 0, 1, 1], [], []>, transpose_lhs_hint = false} : vector<1000x256xf32>, vector<256x256xf32>, vector<1000x256xf32> -> vector<1000x256xf32>
    %mul3A = vector.broadcast %rsqrt3A : vector<1000x1xf32> to vector<1000x256xf32>
    %mul3A_26 = arith.mulf %dot_general3A_25, %mul3A : vector<1000x256xf32>
    %slice3A = vector.extract_strided_slice %mul3A_26 {offsets = [0, 0], sizes = [1000, 128], strides = [1, 1]} : vector<1000x256xf32> to vector<1000x128xf32>
    %swap3A_27 = arith.constant 0 : index
    %swap3A_28 = arith.constant 0 : index
    %swap3A_29 = vector.load %arg8[%swap3A_27, %swap3A_28] : memref<1000x128xf32, #tpu.memory_space<vmem>>, vector<1000x128xf32>
    tpu.vector_store %arg8[%swap3A_27, %swap3A_28], %slice3A {strides = array<i32>} : memref<1000x128xf32, #tpu.memory_space<vmem>>, vector<1000x128xf32>,
    %slice3A_30 = vector.extract_strided_slice %mul3A_26 {offsets = [0, 128], sizes = [1000, 128], strides = [1, 1]} : vector<1000x256xf32> to vector<1000x128xf32>
    %swap3A_31 = arith.constant 0 : index
    %swap3A_32 = arith.constant 0 : index
    %swap3A_33 = vector.load %arg9[%swap3A_31, %swap3A_32] : memref<1000x128xf32, #tpu.memory_space<vmem>>, vector<1000x128xf32>
    tpu.vector_store %arg9[%swap3A_31, %swap3A_32], %slice3A_30 {strides = array<i32>} : memref<1000x128xf32, #tpu.memory_space<vmem>>, vector<1000x128xf32>,
    return
  }
  func.func @transform_0(%arg0: i32) -> (i32, i32) {
    %c0_i32 = arith.constant 0 : i32
    %c0_i32_0 = arith.constant 0 : i32
    return %arg0, %c0_i32 : i32, i32
  }
  func.func @transform_1(%arg0: i32) -> (i32, i32) {
    %c0_i32 = arith.constant 0 : i32
    %c0_i32_0 = arith.constant 0 : i32
    %c0_i32_1 = arith.constant 0 : i32
    return %c0_i32, %c0_i32_0 : i32, i32
  }
  func.func @transform_2(%arg0: i32) -> (i32, i32) {
    %c0_i32 = arith.constant 0 : i32
    %c0_i32_0 = arith.constant 0 : i32
    %c0_i32_1 = arith.constant 0 : i32
    return %c0_i32, %c0_i32_0 : i32, i32
  }
  func.func @transform_3(%arg0: i32) -> (i32, i32) {
    %c0_i32 = arith.constant 0 : i32
    %c0_i32_0 = arith.constant 0 : i32
    %c0_i32_1 = arith.constant 0 : i32
    return %c0_i32, %c0_i32_0 : i32, i32
  }
  func.func @transform_4(%arg0: i32) -> (i32, i32) {
    %c0_i32 = arith.constant 0 : i32
    %c0_i32_0 = arith.constant 0 : i32
    return %arg0, %c0_i32 : i32, i32
  }
  func.func @transform_5(%arg0: i32) -> (i32, i32) {
    %c0_i32 = arith.constant 0 : i32
    %c0_i32_0 = arith.constant 0 : i32
    return %arg0, %c0_i32 : i32, i32
  }
  func.func @transform_6(%arg0: i32) -> (i32, i32) {
    %c0_i32 = arith.constant 0 : i32
    %c0_i32_0 = arith.constant 0 : i32
    return %arg0, %c0_i32 : i32, i32
  }
  func.func @transform_7(%arg0: i32) -> (i32, i32) {
    %c0_i32 = arith.constant 0 : i32
    %c0_i32_0 = arith.constant 0 : i32
    return %arg0, %c0_i32 : i32, i32
  }
  func.func @transform_8(%arg0: i32) -> (i32, i32) {
    %c0_i32 = arith.constant 0 : i32
    %c0_i32_0 = arith.constant 0 : i32
    return %arg0, %c0_i32 : i32, i32
  }
}

module attributes {stable_mosaic.version = 14 : i64} {
  func.func @_layer_body(%arg0: i32, %arg1: memref<1000x128xf32, #tpu.memory_space<vmem>>, %arg2: memref<1000x128xf32, #tpu.memory_space<vmem>>, %arg3: memref<1000x1xf32, #tpu.memory_space<vmem>>, %arg4: memref<1000x1xf32, #tpu.memory_space<vmem>>, %arg5: memref<1x256xf32, #tpu.memory_space<vmem>>, %arg6: memref<256x256xf32, #tpu.memory_space<vmem>>, %arg7: memref<1000x256xbf16, #tpu.memory_space<vmem>>, %arg8: memref<1000x256xbf16, #tpu.memory_space<vmem>>, %arg9: memref<1000x128xf32, #tpu.memory_space<vmem>>, %arg10: memref<1000x128xf32, #tpu.memory_space<vmem>>) attributes {dimension_semantics = [#tpu.dimension_semantics<arbitrary>], iteration_bounds = array<i64: 10>, scalar_prefetch = 0 : i64, scratch_operands = 0 : i64, tpu.core_type = #tpu.core_type<tc>, window_params = [{transform_indices = @transform_0, window_bounds = array<i64: 1000, 128>}, {transform_indices = @transform_1, window_bounds = array<i64: 1000, 128>}, {transform_indices = @transform_2, window_bounds = array<i64: 1000, 1>}, {transform_indices = @transform_3, window_bounds = array<i64: 1000, 1>}, {pipeline_mode = #tpu.pipeline_mode<synchronous>, transform_indices = @transform_4, window_bounds = array<i64: 1, 256>}, {pipeline_mode = #tpu.pipeline_mode<synchronous>, transform_indices = @transform_5, window_bounds = array<i64: 256, 256>}, {transform_indices = @transform_6, window_bounds = array<i64: 1000, 256>}, {transform_indices = @transform_7, window_bounds = array<i64: 1000, 256>}, {transform_indices = @transform_8, window_bounds = array<i64: 1000, 128>}, {transform_indices = @transform_9, window_bounds = array<i64: 1000, 128>}]} {
    %get3A = arith.constant 0 : index
    %get3A_0 = arith.constant 0 : index
    %get3A_1 = vector.load %arg3[%get3A, %get3A_0] : memref<1000x1xf32, #tpu.memory_space<vmem>>, vector<1000x1xf32>
    %get3A_2 = arith.constant 0 : index
    %get3A_3 = arith.constant 0 : index
    %get3A_4 = vector.load %arg4[%get3A_2, %get3A_3] : memref<1000x1xf32, #tpu.memory_space<vmem>>, vector<1000x1xf32>
    %add3A = arith.addf %get3A_1, %get3A_4 : vector<1000x1xf32>
    %rsqrt3A = math.rsqrt %add3A : vector<1000x1xf32>
    %get3A_5 = arith.constant 0 : index
    %get3A_6 = arith.constant 0 : index
    %get3A_7 = vector.load %arg1[%get3A_5, %get3A_6] : memref<1000x128xf32, #tpu.memory_space<vmem>>, vector<1000x128xf32>
    %get3A_8 = arith.constant 0 : index
    %get3A_9 = arith.constant 0 : index
    %get3A_10 = vector.load %arg2[%get3A_8, %get3A_9] : memref<1000x128xf32, #tpu.memory_space<vmem>>, vector<1000x128xf32>
    %concatenate3A = tpu.concatenate %get3A_7, %get3A_10 in 1 : vector<1000x128xf32>, vector<1000x128xf32> -> vector<1000x256xf32>
    %mul3A = vector.broadcast %rsqrt3A : vector<1000x1xf32> to vector<1000x256xf32>
    %mul3A_11 = arith.mulf %concatenate3A, %mul3A : vector<1000x256xf32>
    %get3A_12 = arith.constant 0 : index
    %get3A_13 = arith.constant 0 : index
    %get3A_14 = vector.load %arg5[%get3A_12, %get3A_13] : memref<1x256xf32, #tpu.memory_space<vmem>>, vector<1x256xf32>
    %add3A_15 = vector.broadcast %get3A_14 : vector<1x256xf32> to vector<1000x256xf32>
    %add3A_16 = arith.addf %mul3A_11, %add3A_15 : vector<1000x256xf32>
    %max3A = arith.constant 0.000000e+00 : f32
    %max3A_17 = vector.broadcast %max3A : f32 to vector<1000x256xf32>
    %max3A_18 = arith.maximumf %add3A_16, %max3A_17 : vector<1000x256xf32>
    %get3A_19 = arith.constant 0 : index
    %get3A_20 = arith.constant 0 : index
    %get3A_21 = vector.load %arg7[%get3A_19, %get3A_20] : memref<1000x256xbf16, #tpu.memory_space<vmem>>, vector<1000x256xbf16>
    %convert_element_type3A = arith.extf %get3A_21 : vector<1000x256xbf16> to vector<1000x256xf32>
    %max3A_22 = arith.maximumf %convert_element_type3A, %max3A_18 : vector<1000x256xf32>
    %convert_element_type3A_23 = arith.truncf %max3A_22 : vector<1000x256xf32> to vector<1000x256xbf16>
    %swap3A = arith.constant 0 : index
    %swap3A_24 = arith.constant 0 : index
    %swap3A_25 = vector.load %arg8[%swap3A, %swap3A_24] : memref<1000x256xbf16, #tpu.memory_space<vmem>>, vector<1000x256xbf16>
    tpu.vector_store %arg8[%swap3A, %swap3A_24], %convert_element_type3A_23 {strides = array<i32>} : memref<1000x256xbf16, #tpu.memory_space<vmem>>, vector<1000x256xbf16>,
    %get3A_26 = arith.constant 0 : index
    %get3A_27 = arith.constant 0 : index
    %get3A_28 = vector.load %arg6[%get3A_26, %get3A_27] : memref<256x256xf32, #tpu.memory_space<vmem>>, vector<256x256xf32>
    %dot_general3A = arith.constant dense<0.000000e+00> : vector<1000x256xf32>
    %dot_general3A_29 = tpu.matmul %max3A_18, %get3A_28, %dot_general3A {dimension_numbers = #tpu.dot_dimension_numbers<[1], [0], [0], [1], [0, 0, 1, 1], [], []>, transpose_lhs_hint = false} : vector<1000x256xf32>, vector<256x256xf32>, vector<1000x256xf32> -> vector<1000x256xf32>
    %mul3A_30 = vector.broadcast %rsqrt3A : vector<1000x1xf32> to vector<1000x256xf32>
    %mul3A_31 = arith.mulf %dot_general3A_29, %mul3A_30 : vector<1000x256xf32>
    %slice3A = vector.extract_strided_slice %mul3A_31 {offsets = [0, 0], sizes = [1000, 128], strides = [1, 1]} : vector<1000x256xf32> to vector<1000x128xf32>
    %swap3A_32 = arith.constant 0 : index
    %swap3A_33 = arith.constant 0 : index
    %swap3A_34 = vector.load %arg9[%swap3A_32, %swap3A_33] : memref<1000x128xf32, #tpu.memory_space<vmem>>, vector<1000x128xf32>
    tpu.vector_store %arg9[%swap3A_32, %swap3A_33], %slice3A {strides = array<i32>} : memref<1000x128xf32, #tpu.memory_space<vmem>>, vector<1000x128xf32>,
    %slice3A_35 = vector.extract_strided_slice %mul3A_31 {offsets = [0, 128], sizes = [1000, 128], strides = [1, 1]} : vector<1000x256xf32> to vector<1000x128xf32>
    %swap3A_36 = arith.constant 0 : index
    %swap3A_37 = arith.constant 0 : index
    %swap3A_38 = vector.load %arg10[%swap3A_36, %swap3A_37] : memref<1000x128xf32, #tpu.memory_space<vmem>>, vector<1000x128xf32>
    tpu.vector_store %arg10[%swap3A_36, %swap3A_37], %slice3A_35 {strides = array<i32>} : memref<1000x128xf32, #tpu.memory_space<vmem>>, vector<1000x128xf32>,
    return
  }
  func.func @transform_0(%arg0: i32) -> (i32, i32) {
    %c0_i32 = arith.constant 0 : i32
    %c0_i32_0 = arith.constant 0 : i32
    return %arg0, %c0_i32 : i32, i32
  }
  func.func @transform_1(%arg0: i32) -> (i32, i32) {
    %c0_i32 = arith.constant 0 : i32
    %c0_i32_0 = arith.constant 0 : i32
    return %arg0, %c0_i32 : i32, i32
  }
  func.func @transform_2(%arg0: i32) -> (i32, i32) {
    %c0_i32 = arith.constant 0 : i32
    %c0_i32_0 = arith.constant 0 : i32
    return %arg0, %c0_i32 : i32, i32
  }
  func.func @transform_3(%arg0: i32) -> (i32, i32) {
    %c0_i32 = arith.constant 0 : i32
    %c0_i32_0 = arith.constant 0 : i32
    return %arg0, %c0_i32 : i32, i32
  }
  func.func @transform_4(%arg0: i32) -> (i32, i32) {
    %c0_i32 = arith.constant 0 : i32
    %c0_i32_0 = arith.constant 0 : i32
    %c0_i32_1 = arith.constant 0 : i32
    return %c0_i32, %c0_i32_0 : i32, i32
  }
  func.func @transform_5(%arg0: i32) -> (i32, i32) {
    %c0_i32 = arith.constant 0 : i32
    %c0_i32_0 = arith.constant 0 : i32
    %c0_i32_1 = arith.constant 0 : i32
    return %c0_i32, %c0_i32_0 : i32, i32
  }
  func.func @transform_6(%arg0: i32) -> (i32, i32) {
    %c0_i32 = arith.constant 0 : i32
    %c0_i32_0 = arith.constant 0 : i32
    return %arg0, %c0_i32 : i32, i32
  }
  func.func @transform_7(%arg0: i32) -> (i32, i32) {
    %c0_i32 = arith.constant 0 : i32
    %c0_i32_0 = arith.constant 0 : i32
    return %arg0, %c0_i32 : i32, i32
  }
  func.func @transform_8(%arg0: i32) -> (i32, i32) {
    %c0_i32 = arith.constant 0 : i32
    %c0_i32_0 = arith.constant 0 : i32
    return %arg0, %c0_i32 : i32, i32
  }
  func.func @transform_9(%arg0: i32) -> (i32, i32) {
    %c0_i32 = arith.constant 0 : i32
    %c0_i32_0 = arith.constant 0 : i32
    return %arg0, %c0_i32 : i32, i32
  }
}

module attributes {stable_mosaic.version = 14 : i64} {
  func.func @_final_body(%arg0: i32, %arg1: memref<1000x128xf32, #tpu.memory_space<vmem>>, %arg2: memref<1000x128xf32, #tpu.memory_space<vmem>>, %arg3: memref<1000x1xf32, #tpu.memory_space<vmem>>, %arg4: memref<1000x1xf32, #tpu.memory_space<vmem>>, %arg5: memref<1x256xf32, #tpu.memory_space<vmem>>, %arg6: memref<1000x256xbf16, #tpu.memory_space<vmem>>, %arg7: memref<1000x256xf32, #tpu.memory_space<vmem>>) attributes {dimension_semantics = [#tpu.dimension_semantics<arbitrary>], iteration_bounds = array<i64: 10>, scalar_prefetch = 0 : i64, scratch_operands = 0 : i64, tpu.core_type = #tpu.core_type<tc>, window_params = [{transform_indices = @transform_0, window_bounds = array<i64: 1000, 128>}, {transform_indices = @transform_1, window_bounds = array<i64: 1000, 128>}, {transform_indices = @transform_2, window_bounds = array<i64: 1000, 1>}, {transform_indices = @transform_3, window_bounds = array<i64: 1000, 1>}, {pipeline_mode = #tpu.pipeline_mode<synchronous>, transform_indices = @transform_4, window_bounds = array<i64: 1, 256>}, {transform_indices = @transform_5, window_bounds = array<i64: 1000, 256>}, {transform_indices = @transform_6, window_bounds = array<i64: 1000, 256>}]} {
    %get3A = arith.constant 0 : index
    %get3A_0 = arith.constant 0 : index
    %get3A_1 = vector.load %arg3[%get3A, %get3A_0] : memref<1000x1xf32, #tpu.memory_space<vmem>>, vector<1000x1xf32>
    %get3A_2 = arith.constant 0 : index
    %get3A_3 = arith.constant 0 : index
    %get3A_4 = vector.load %arg4[%get3A_2, %get3A_3] : memref<1000x1xf32, #tpu.memory_space<vmem>>, vector<1000x1xf32>
    %add3A = arith.addf %get3A_1, %get3A_4 : vector<1000x1xf32>
    %rsqrt3A = math.rsqrt %add3A : vector<1000x1xf32>
    %get3A_5 = arith.constant 0 : index
    %get3A_6 = arith.constant 0 : index
    %get3A_7 = vector.load %arg1[%get3A_5, %get3A_6] : memref<1000x128xf32, #tpu.memory_space<vmem>>, vector<1000x128xf32>
    %get3A_8 = arith.constant 0 : index
    %get3A_9 = arith.constant 0 : index
    %get3A_10 = vector.load %arg2[%get3A_8, %get3A_9] : memref<1000x128xf32, #tpu.memory_space<vmem>>, vector<1000x128xf32>
    %concatenate3A = tpu.concatenate %get3A_7, %get3A_10 in 1 : vector<1000x128xf32>, vector<1000x128xf32> -> vector<1000x256xf32>
    %mul3A = vector.broadcast %rsqrt3A : vector<1000x1xf32> to vector<1000x256xf32>
    %mul3A_11 = arith.mulf %concatenate3A, %mul3A : vector<1000x256xf32>
    %get3A_12 = arith.constant 0 : index
    %get3A_13 = arith.constant 0 : index
    %get3A_14 = vector.load %arg5[%get3A_12, %get3A_13] : memref<1x256xf32, #tpu.memory_space<vmem>>, vector<1x256xf32>
    %add3A_15 = vector.broadcast %get3A_14 : vector<1x256xf32> to vector<1000x256xf32>
    %add3A_16 = arith.addf %mul3A_11, %add3A_15 : vector<1000x256xf32>
    %max3A = arith.constant 0.000000e+00 : f32
    %max3A_17 = vector.broadcast %max3A : f32 to vector<1000x256xf32>
    %max3A_18 = arith.maximumf %add3A_16, %max3A_17 : vector<1000x256xf32>
    %get3A_19 = arith.constant 0 : index
    %get3A_20 = arith.constant 0 : index
    %get3A_21 = vector.load %arg6[%get3A_19, %get3A_20] : memref<1000x256xbf16, #tpu.memory_space<vmem>>, vector<1000x256xbf16>
    %convert_element_type3A = arith.extf %get3A_21 : vector<1000x256xbf16> to vector<1000x256xf32>
    %max3A_22 = arith.maximumf %convert_element_type3A, %max3A_18 : vector<1000x256xf32>
    %swap3A = arith.constant 0 : index
    %swap3A_23 = arith.constant 0 : index
    %swap3A_24 = vector.load %arg7[%swap3A, %swap3A_23] : memref<1000x256xf32, #tpu.memory_space<vmem>>, vector<1000x256xf32>
    tpu.vector_store %arg7[%swap3A, %swap3A_23], %max3A_22 {strides = array<i32>} : memref<1000x256xf32, #tpu.memory_space<vmem>>, vector<1000x256xf32>,
    return
  }
  func.func @transform_0(%arg0: i32) -> (i32, i32) {
    %c0_i32 = arith.constant 0 : i32
    %c0_i32_0 = arith.constant 0 : i32
    return %arg0, %c0_i32 : i32, i32
  }
  func.func @transform_1(%arg0: i32) -> (i32, i32) {
    %c0_i32 = arith.constant 0 : i32
    %c0_i32_0 = arith.constant 0 : i32
    return %arg0, %c0_i32 : i32, i32
  }
  func.func @transform_2(%arg0: i32) -> (i32, i32) {
    %c0_i32 = arith.constant 0 : i32
    %c0_i32_0 = arith.constant 0 : i32
    return %arg0, %c0_i32 : i32, i32
  }
  func.func @transform_3(%arg0: i32) -> (i32, i32) {
    %c0_i32 = arith.constant 0 : i32
    %c0_i32_0 = arith.constant 0 : i32
    return %arg0, %c0_i32 : i32, i32
  }
  func.func @transform_4(%arg0: i32) -> (i32, i32) {
    %c0_i32 = arith.constant 0 : i32
    %c0_i32_0 = arith.constant 0 : i32
    %c0_i32_1 = arith.constant 0 : i32
    return %c0_i32, %c0_i32_0 : i32, i32
  }
  func.func @transform_5(%arg0: i32) -> (i32, i32) {
    %c0_i32 = arith.constant 0 : i32
    %c0_i32_0 = arith.constant 0 : i32
    return %arg0, %c0_i32 : i32, i32
  }
  func.func @transform_6(%arg0: i32) -> (i32, i32) {
    %c0_i32 = arith.constant 0 : i32
    %c0_i32_0 = arith.constant 0 : i32
    return %arg0, %c0_i32 : i32, i32
  }
}

</mosaic_0001>

<sc_bundles>
// kernel: kernel.10.cloned.1.call-start
scs
__scs_entry_jumppad:
0x0: {  	(pc) =	sbr.rel $0x88, $3  }
0x1: {  	(tag) =	ssettag $0x0;
	lr =	simm.s32 $0x1  }
0x2: {  	[smem:$0x3F97] =	sst lr;
	_ =	strace $0xD0000000  }
0x3: {  	_ = 	snop  }
0x4: {  	_ = 	snop  }
0x5: {  	_ = 	snop  }
0x6: {  	_ = 	snop  }
0x7: {  	_ = 	snop  }
__scs_overlays_trampoline_lowered:
0x8: {  	[smem:$0x3FA6] =	sst s0  }
0x9: {  	[smem:$0x3FA7] =	sst s1  }
0xa: {  	[smem:$0x3FA8] =	sst s2  }
0xb: {  	[smem:$0x3FA9] =	sst s3  }
0xc: {  	[smem:$0x3FAA] =	sst s4  }
0xd: {  	[smem:$0x3FAB] =	sst s5  }
0xe: {  	[smem:$0x3FAC] =	sst s6  }
0xf: {  	[smem:$0x3FAD] =	sst s7  }
0x10: {  	[smem:$0x3FAE] =	sst s8  }
0x11: {  	[smem:$0x3FAF] =	sst s9;
	s0 =	simm.s32 @!p0 $0x0  }
0x12: {  	s1 =	sld [smem:$0x3F95];
	s0 =	simm.s32 @p0 $0x1  }
0x13: {  	[smem:$0x3FB0] =	sst s0;
	s0 =	simm.s32 @!p1 $0x0  }
0x14: {  	s2 =	sld [smem:$0x3F94];
	s0 =	simm.s32 @p1 $0x1  }
0x15: {  	[smem:$0x3FB1] =	sst s0;
	s0 =	simm.s32 @!p2 $0x0  }
0x16: {  	s3 =	sld [smem:$0x3FDB];
	s0 =	simm.s32 @p2 $0x1  }
0x17: {  	s4 =	simm.s32 $0x1BF5;
	[smem:$0x3FB3] =	sst s0  }
0x18: {  	s0 =	sld [smem:$0x3F96];
	_ =	swait.ge [sflag:s4], $0x0  }
0x19: {  	s7 =	sld [smem:$0x3F97]  }
0x1a: {  	s8 =	sadd.s32 $0xFFFFE003, lr  }
0x1b: {  	s9 =	sadd.s32 $0xFFFFFEF7, lr;
	s5 =	simm.s32 $0xFFFFFFFF;
	p2 =	slt.u32 s8, $0xFFFFF086  }
0x1c: {  	p1 =	slt.u32 s9, $0xF7A;
	s5 =	simm.s32 @!p2 $0x0  }
0x1d: {  	s5 =	simm.s32 @p1 $0x1;
	p0 =	seq.s32 s7, s2  }
0x1e: {  	s7 =	smul.u32 @!p0 $0xF7A, s2;
	p2 =	seq.s32 @!p0 s5, $0x0  }
0x1f: {  	s9 =	smul.u32 $0xF7A, s1;
	s8 =	simm.s32 @!p0 $0x1BF5;
	p2 =	por !p2, p0  }
0x20: {  	[sflag:s8] =	ssyncset.s32 @!p0 $0xFFFFF086;
	s6 =	sadd.s32 @!p0 s3, s7;
	s7 =	simm.s32 @!p0 $0x108  }
0x21: {  	s3 =	sadd.s32 s3, s9;
	s6 =	sadd.s32 @!p0 $0x88, s6;
	s7 =	simm.s32 @p2 $0x1082  }
0x22: {  	[simem:s7], [sflag:s8] =	dma.local @!p0 [hbm:s6], $0xF7A  }
0x23: {  	s9 =	sor.u32 $0xD0000000, s2;
	s6 =	simm.s32 $0x108;
	_ =	swait.ge @!p0 [sflag:s8], $0x0  }
0x24: {  	s3 =	sadd.s32 $0x88, s3;
	s6 =	simm.s32 @!p1 $0x1082;
	[sflag:s4] =	ssyncset.s32 $0xFFFFF086  }
0x25: {  	[simem:s6], [sflag:s4] =	dma.local [hbm:s3], $0xF7A  }
0x26: {  	[smem:$0x3F97] =	sst s1;
	(tag) =	ssettag s2;
	_ =	strace s9  }
0x27: {  	s1 =	sld [smem:$0x3FA7]  }
0x28: {  	s2 =	sld [smem:$0x3FA8]  }
0x29: {  	s4 =	sld [smem:$0x3FAA]  }
0x2a: {  	p0 =	seq.s32 s5, $0x0;
	s5 =	sld [smem:$0x3FAB]  }
0x2b: {  	s6 =	sld [smem:$0x3FAC]  }
0x2c: {  	s7 =	sld [smem:$0x3FAD]  }
0x2d: {  	s3 =	simm.s32 $0x108;
	s8 =	sld [smem:$0x3FAE]  }
0x2e: {  	s3 =	simm.s32 @!p0 $0x1082;
	s9 =	sld [smem:$0x3FAF]  }
0x2f: {  	lr =	sadd.s32 s0, s3;
	s0 =	sld [smem:$0x3FA6]  }
0x30: {  	s3 =	sld [smem:$0x3FA9]  }
0x31: {  	[smem:$0x3FB2] =	sst s10  }
0x32: {  	s10 =	sld [smem:$0x3FB0];
	_ =	sdelay $0x3  }
0x33: {  	p0 =	seq.s32 s10, $0x1;
	s10 =	sld [smem:$0x3FB2];
	_ =	sdelay $0x3  }
0x34: {  	[smem:$0x3FB2] =	sst s10  }
0x35: {  	s10 =	sld [smem:$0x3FB1];
	_ =	sdelay $0x3  }
0x36: {  	p1 =	seq.s32 s10, $0x1;
	s10 =	sld [smem:$0x3FB2];
	_ =	sdelay $0x3  }
0x37: {  	[smem:$0x3FB2] =	sst s10  }
0x38: {  	s10 =	sld [smem:$0x3FB3]  }
0x39: {  	_ = 	snop;
	(pc) =	sbr.ind lr, $3  }
0x3a: {  	_ = 	snop  }
0x3b: {  	_ = 	snop  }
0x3c: {  	p2 =	seq.s32 s10, $0x1;
	s10 =	sld [smem:$0x3FB2]  }
0x3d: {  	_ =	shalt  }
0x3e: {  	_ =	shalt  }
0x3f: {  	_ =	shalt  }
0x40: {  	_ =	shalt  }
0x41: {  	_ =	shalt  }
0x42: {  	_ =	shalt  }
0x43: {  	_ =	shalt  }
0x44: {  	_ =	shalt  }
0x45: {  	_ =	shalt  }
0x46: {  	_ =	shalt  }
0x47: {  	_ =	shalt  }
0x48: {  	_ =	shalt  }
0x49: {  	_ =	shalt  }
0x4a: {  	_ =	shalt  }
0x4b: {  	_ =	shalt  }
0x4c: {  	_ =	shalt  }
0x4d: {  	_ =	shalt  }
0x4e: {  	_ =	shalt  }
0x4f: {  	_ =	shalt  }
0x50: {  	_ =	shalt  }
0x51: {  	_ =	shalt  }
0x52: {  	_ =	shalt  }
0x53: {  	_ =	shalt  }
0x54: {  	_ =	shalt  }
0x55: {  	_ =	shalt  }
0x56: {  	_ =	shalt  }
0x57: {  	_ =	shalt  }
0x58: {  	_ =	shalt  }
0x59: {  	_ =	shalt  }
0x5a: {  	_ =	shalt  }
0x5b: {  	_ =	shalt  }
0x5c: {  	_ =	shalt  }
0x5d: {  	_ =	shalt  }
0x5e: {  	_ =	shalt  }
0x5f: {  	_ =	shalt  }
0x60: {  	_ =	shalt  }
0x61: {  	_ =	shalt  }
0x62: {  	_ =	shalt  }
0x63: {  	_ =	shalt  }
0x64: {  	_ =	shalt  }
0x65: {  	_ =	shalt  }
0x66: {  	_ =	shalt  }
0x67: {  	_ =	shalt  }
0x68: {  	_ =	shalt  }
0x69: {  	_ =	shalt  }
0x6a: {  	_ =	shalt  }
0x6b: {  	_ =	shalt  }
0x6c: {  	_ =	shalt  }
0x6d: {  	_ =	shalt  }
0x6e: {  	_ =	shalt  }
0x6f: {  	_ =	shalt  }
0x70: {  	_ =	shalt  }
0x71: {  	_ =	shalt  }
0x72: {  	_ =	shalt  }
0x73: {  	_ =	shalt  }
0x74: {  	_ =	shalt  }
0x75: {  	_ =	shalt  }
0x76: {  	_ =	shalt  }
0x77: {  	_ =	shalt  }
0x78: {  	_ =	shalt  }
0x79: {  	_ =	shalt  }
0x7a: {  	_ =	shalt  }
0x7b: {  	_ =	shalt  }
0x7c: {  	_ =	shalt  }
0x7d: {  	_ =	shalt  }
0x7e: {  	_ =	shalt  }
0x7f: {  	_ =	shalt  }
0x80: {  	_ =	shalt  }
0x81: {  	_ =	shalt  }
0x82: {  	_ =	shalt  }
0x83: {  	_ =	shalt  }
0x84: {  	_ =	shalt  }
0x85: {  	_ =	shalt  }
0x86: {  	_ =	shalt  }
0x87: {  	_ =	shalt  }
.Lfunc_end0:
.L_simem_size_0:
called_computation_lowered:
.L_overlay_start_0:
0x88: {  	s2 =	sld [smem:$0x3FD9]  }
0x89: {  	s3 =	sld [smem:$0x3FFE];
	_ =	sdelay $0x1  }
0x8a: {  	s1 =	srdreg.scid  }
0x8b: {  	s0 =	sand.u32 $0x1, s1  }
0x8c: {  	s17 =	sshll.u32 s0, $0xA;
	s2 =	sadd.s32 s3, s2  }
0x8d: {  	s2 =	sadd.s32 s2, s17  }
0x8e: {  	[smem:$0x3FBE] =	sst s2  }
0x8f: {  	_ = 	snop  }
0x90: {  	s2 =	sld [smem:$0x3FD0];
	(tm) =	ssettm $0x1  }
0x91: {  	s18 =	sld [smem:$0x3FFB];
	_ =	sdelay $0x3  }
0x92: {  	_ =	strace s18  }
0x93: {  	s3 =	sld [smem:$0x3FFC];
	_ =	sdelay $0x3  }
0x94: {  	_ =	strace s3  }
0x95: {  	s3 =	sld [smem:$0x3FFD];
	_ =	sdelay $0x3  }
0x96: {  	_ =	strace s3  }
0x97: {  	_ =	strace $0x8FFFFFFF  }
0x98: {  	s19 =	sld [smem:$0x3FDB];
	_ =	sdelay $0x1  }
0x99: {  	s4 =	simm.s32 $_scs_section_size  }
0x9a: {  	s5 =	simm.s32 $_size__tile_overlayer_lowered;
	s6 =	simm.s32 $_tile_overlayer_lowered  }
0x9b: {  	s22 =	simm.s32 $0x1BFF;
	s21 =	sshll.u32 s6, $0x1;
	s3 =	sadd.s32 s4, s19  }
0x9c: {  	s7 =	simm.s32 $0x0;
	s20 =	sshll.u32 s5, $0x1;
	s5 =	sadd.s32 s21, s3  }
0x9d: {  	[timem:s7], [sflag:s22] =	dma.local [hbm:s5], s20  }
0x9e: {  	_ =	swait.ge [sflag:s22], s20  }
0x9f: {  	s4 =	ssub.s32 $0x0, s20;
	[sflag:s22] =	ssyncset.done $0x0  }
0xa0: {  	[sflag:s22] =	ssyncadd.s32 s4;
	_ =	sdelay $0x1  }
0xa1: {  	s23 =	simm.s32 $0x1B8B  }
0xa2: {  	_ =	swait.ge [sflag:s23], $0x1  }
0xa3: {  	[sflag:s23] =	ssyncset.done $0x0  }
0xa4: {  	s25 =	simm.s32 $0x1B8E;
	s24 =	sld [smem:$0x3FFE];
	[sflag:s23] =	ssyncadd.s32 $0xFFFFFFFF  }
0xa5: {  	s26 =	simm.s32 $execute0_lowered;
	[smem:$0x3FD2] =	sst s25  }
0xa6: {  	s5 =	sshll.u32 s26, $0x1;
	_ =	strace $0x80000046;
	[dreg:$0x1] =	wrdreg $0xFFFFFFFF  }
0xa7: {  	s28 =	simm.s32 $_size_execute0_lowered;
	s3 =	sadd.s32 s3, s5;
	[dreg:$0x0] =	wrdreg $0x0  }
0xa8: {  	s5 =	sshll.u32 s28, $0x1;
	[dreg:$0x2] =	wrdreg s3  }
0xa9: {  	[dreg:$0x3] =	wrdreg s5  }
0xaa: {  	[dreg:$0x4] =	wrdreg $0xC0  }
0xab: {  	_ =	task [dreg:s7], $0x5FFFF  }
0xac: {  	[dreg:$0x1] =	wrdreg $0xFFFFFFFF  }
0xad: {  	[dreg:$0x0] =	wrdreg $0x60  }
0xae: {  	[dreg:$0x2] =	wrdreg s24  }
0xaf: {  	[dreg:$0x3] =	wrdreg s2  }
0xb0: {  	[dreg:$0x4] =	wrdreg $0x16800  }
0xb1: {  	[dreg:$0x5] =	wrdreg $0x9  }
0xb2: {  	_ =	task.clear_ibuf [dreg:s7], $0x6FFFF;
	_ =	strace $0x90000046  }
0xb3: {  	s29 =	simm.s32 $0x9;
	_ =	strace $0x80000048  }
0xb4: {  	_ =	swait.ge [sflag:s29], $0x1  }
0xb5: {  	[sflag:s29] =	ssyncadd.s32 $0xFFFFFFFF  }
0xb6: {  	_ =	strace $0x90000048  }
0xb7: {  	_ =	sfence  }
0xb8: {  	s30 =	sld [smem:$0x0];
	_ =	sdelay $0x2  }
0xb9: {  	s31 =	sshll.u32 s1, $0xD;
	s1 =	sshrl.u32 s1, $0x2  }
0xba: {  	s3 =	sand.u32 $0x4000, s31;
	s1 =	sadd.s32 s1, s30  }
0xbb: {  	s0 =	sor.u32 s3, s0;
	s1 =	sshll.u32 s1, $0x11  }
0xbc: {  	s0 =	sor.u32 s1, s0  }
0xbd: {  	s0 =	sadd.s32 $0x8F2B, s0  }
0xbe: {  	[sflag:s0] =	ssyncadd.remote.s32 $0x1  }
0xbf: {  	_ =	sfence.sel $0xFFFF  }
0xc0: {  	[dreg:$0x0] =	wrdreg $0xFFFFFFFF;
	(pc) =	sbr.abs _section_cstart, $3  }
0xc1: {  	[dreg:$0x1] =	wrdreg $0xFFFFFFFF  }
0xc2: {  	_ =	task.clear_ibuf [dreg:s7], $0x2FFFF;
	_ =	strace $0x9FFFFFFF  }
0xc3: {  	(tm) =	ssettm $0x7FFFFFFF  }
tec
execute0_lowered:
.L_overlay_start_1:
0x0: {  	(tag) =	ssettag $0x1  }
0x1: {  	s5 =	rddreg [dreg:$0x0]  }
0x2: {  	s2 =	rddreg [dreg:$0x1]  }
0x3: {  	s3 =	rddreg [dreg:$0x2]  }
0x4: {  	s0 =	rddreg [dreg:$0x3]  }
0x5: {  	s4 =	simm.s32 $0x0;
	s1 =	stileid.u32;
	s6 =	srdreg.scid  }
0x6: {  	s13 =	simm.s32 $0x7D;
	[smem:$0x7FF] =	sst s4;
	s7 =	smul.u32 $0x2800, s1  }
0x7: {  	s6 =	sand.u32 $0x1, s6;
	s10 =	smul.u32 $0x280, s1;
	s14 =	sshll.u32 s1, $0x6  }
0x8: {  	_ =	strace $0x80000047;
	s8 =	ssub.s32 $0x2, s6;
	p0 =	seq.s32 s6, $0x1  }
.Ltmp0:
0x9: {  	s14 =	sor.u32 $0x1C01, s14;
	s7 =	sshrl.u32 s7, $0x3;
	(pc) =	sbr.rel .LBB2_1-.Ltmp0, $4  }
0xa: {  	s9 =	sshrl.u32 s8, $0x1;
	s6 =	sadd.s32 s10, s3;
	s11 =	sadd.s32 s7, s5  }
0xb: {  	s5 =	sadd.s32 $0xFA00, s5;
	s12 =	ssub.s32 s8, s9;
	s8 =	sshrl.u32 s10, $0x3  }
0xc: {  	s15 =	sshrl.u32 s6, $0x3;
	s7 =	sadd.s32 $0xAA00, s11;
	s9 =	sadd.s32 $0xAC80, s11  }
0xd: {  	v0 =	vimm.f32 $0.0e+00;
	v1 =	vimm.f32 $1.000000000e+00;
	s10 =	smax.u32 s12, $0x1;
	s11 =	simm.s32 $0x1400;
	s12 =	simm.s32 $0x1  }
.LBB2_7:
0xe: {  	[sflag:s12] =	ssyncadd.s32 $0xFFFFFF83;
	s16 =	smov.u32 s5  }
.LBB2_8:
0xf: {  	s4 =	sadd.s32 $0x1, s4  }
0x10: {  	p1 =	sne.s32 s4, s10  }
.Ltmp1:
0x11: {  	s16 =	sadd.s32 s16, s8;
	[bflag:$0x0] =	sbarrier.arrive $0xFFFF;
	(pc) =	sbr.rel @!p1 .LBB2_9-.Ltmp1, $4  }
0x12: {  	[hbm:s16], [sflag:s14] =	dma.local [spmem:s15], $0x50  }
0x13: {  	_ =	swait.ge [sflag:s12], $0x50  }
0x14: {  	[sflag:s12] =	ssyncset.done $0x0  }
0x15: {  	[sflag:s12] =	ssyncadd.s32 $0xFFFFFFB0  }
.LBB2_1:
.Ltmp2:
0x16: {  	(pc) =	sbr.rel @!p0 .LBB2_2-.Ltmp2, $1  }
0x17: {  	_ =	sdelay $0x3  }
0x18: {  	[tilespmem:$0x1400] =	vst v0  }
0x19: {  	[tilespmem:$0x1410] =	vst v0  }
0x1a: {  	[tilespmem:$0x1420] =	vst v0  }
0x1b: {  	[tilespmem:$0x1430] =	vst v0  }
0x1c: {  	[tilespmem:$0x1440] =	vst v0  }
0x1d: {  	[tilespmem:$0x1450] =	vst v0  }
0x1e: {  	[tilespmem:$0x1460] =	vst v0  }
0x1f: {  	[tilespmem:$0x1470] =	vst v0  }
0x20: {  	[tilespmem:$0x1480] =	vst v0  }
0x21: {  	[tilespmem:$0x1490] =	vst v0  }
0x22: {  	[tilespmem:$0x14A0] =	vst v0  }
0x23: {  	[tilespmem:$0x14B0] =	vst v0  }
0x24: {  	[tilespmem:$0x14C0] =	vst v0  }
0x25: {  	[tilespmem:$0x14D0] =	vst v0  }
0x26: {  	[tilespmem:$0x14E0] =	vst v0  }
0x27: {  	[tilespmem:$0x14F0] =	vst v0  }
0x28: {  	[tilespmem:$0x1500] =	vst v0  }
0x29: {  	[tilespmem:$0x1510] =	vst v0  }
0x2a: {  	[tilespmem:$0x1520] =	vst v0  }
0x2b: {  	[tilespmem:$0x1530] =	vst v0  }
0x2c: {  	[tilespmem:$0x1540] =	vst v0  }
0x2d: {  	[tilespmem:$0x1550] =	vst v0  }
0x2e: {  	[tilespmem:$0x1560] =	vst v0  }
0x2f: {  	[tilespmem:$0x1570] =	vst v0  }
0x30: {  	[tilespmem:$0x1580] =	vst v0  }
0x31: {  	[tilespmem:$0x1590] =	vst v0  }
0x32: {  	[tilespmem:$0x15A0] =	vst v0  }
0x33: {  	[tilespmem:$0x15B0] =	vst v0  }
0x34: {  	[tilespmem:$0x15C0] =	vst v0  }
0x35: {  	[tilespmem:$0x15D0] =	vst v0  }
0x36: {  	[tilespmem:$0x15E0] =	vst v0  }
0x37: {  	[tilespmem:$0x15F0] =	vst v0  }
0x38: {  	[tilespmem:$0x1600] =	vst v0  }
0x39: {  	[tilespmem:$0x1610] =	vst v0  }
0x3a: {  	[tilespmem:$0x1620] =	vst v0  }
0x3b: {  	[tilespmem:$0x1630] =	vst v0  }
0x3c: {  	[tilespmem:$0x1640] =	vst v0  }
0x3d: {  	[tilespmem:$0x1650] =	vst v0  }
0x3e: {  	[tilespmem:$0x1660] =	vst v0  }
0x3f: {  	[tilespmem:$0x1670] =	vst v0  }
0x40: {  	[spmem:s6] =	stream.linear.scatter [tilespmem:s11], [sflag:$0x1], $0x280, $0x38;
	[tilespmem:$0x1900] =	vst v63  }
0x41: {  	_ =	swait.ge [sflag:s12], $0x280  }
0x42: {  	[sflag:s12] =	ssyncset.done $0x0  }
0x43: {  	[sflag:s12] =	ssyncadd.s32 $0xFFFFFD80  }
0x44: {  	[tilespmem:$0x1400] =	vst v1  }
0x45: {  	[tilespmem:$0x1410] =	vst v1  }
0x46: {  	[tilespmem:$0x1420] =	vst v1  }
0x47: {  	[tilespmem:$0x1430] =	vst v1  }
0x48: {  	[tilespmem:$0x1440] =	vst v1  }
0x49: {  	[tilespmem:$0x1450] =	vst v1  }
0x4a: {  	[tilespmem:$0x1460] =	vst v1  }
0x4b: {  	[tilespmem:$0x1470] =	vst v1  }
0x4c: {  	[tilespmem:$0x1480] =	vst v1  }
0x4d: {  	[tilespmem:$0x1490] =	vst v1  }
0x4e: {  	[tilespmem:$0x14A0] =	vst v1  }
0x4f: {  	[tilespmem:$0x14B0] =	vst v1  }
0x50: {  	[tilespmem:$0x14C0] =	vst v1  }
0x51: {  	[tilespmem:$0x14D0] =	vst v1  }
0x52: {  	[tilespmem:$0x14E0] =	vst v1  }
0x53: {  	[tilespmem:$0x14F0] =	vst v1  }
0x54: {  	[tilespmem:$0x1500] =	vst v1  }
0x55: {  	[tilespmem:$0x1510] =	vst v1  }
0x56: {  	[tilespmem:$0x1520] =	vst v1  }
0x57: {  	[tilespmem:$0x1530] =	vst v1  }
0x58: {  	[tilespmem:$0x1540] =	vst v1  }
0x59: {  	[tilespmem:$0x1550] =	vst v1  }
0x5a: {  	[tilespmem:$0x1560] =	vst v1  }
0x5b: {  	[tilespmem:$0x1570] =	vst v1  }
0x5c: {  	[tilespmem:$0x1580] =	vst v1  }
0x5d: {  	[tilespmem:$0x1590] =	vst v1  }
0x5e: {  	[tilespmem:$0x15A0] =	vst v1  }
0x5f: {  	[tilespmem:$0x15B0] =	vst v1  }
0x60: {  	[tilespmem:$0x15C0] =	vst v1  }
0x61: {  	[tilespmem:$0x15D0] =	vst v1  }
0x62: {  	[tilespmem:$0x15E0] =	vst v1  }
0x63: {  	[tilespmem:$0x15F0] =	vst v1  }
0x64: {  	[tilespmem:$0x1600] =	vst v1  }
0x65: {  	[tilespmem:$0x1610] =	vst v1  }
0x66: {  	[tilespmem:$0x1620] =	vst v1  }
0x67: {  	[tilespmem:$0x1630] =	vst v1  }
0x68: {  	[tilespmem:$0x1640] =	vst v1  }
0x69: {  	[tilespmem:$0x1650] =	vst v1  }
0x6a: {  	[tilespmem:$0x1660] =	vst v1  }
0x6b: {  	s16 =	simm.s32 $0x0;
	[tilespmem:$0x1670] =	vst v1  }
0x6c: {  	[tilespmem:s16], [sflag:$0x1] =	stream.linear.gather [hbm4b:s9+s16], $0x1400, $0x38;
	[tilespmem:$0x1900] =	vst v63  }
0x6d: {  	_ =	swait.ge [sflag:s12], $0x1400  }
0x6e: {  	[sflag:s12] =	ssyncset.done $0x0  }
0x6f: {  	[sflag:s12] =	ssyncadd.s32 $0xFFFFEC00  }
0x70: {  	s31 =	simm.s32 $0x0;
	[bflag:$0x0] =	sbarrier.arrive $0xFFFF  }
0x71: {  	[spmem:s3] =	stream.indirect.scatter.add.f32 [tilespmem:s11], [sflag:$0x1], $0x1, s31, s13, $0xb8;
	[tilespmem:$0x1900] =	vst v63  }
0x72: {  	_ =	swait.ge [sflag:s12], $0x7D  }
0x73: {  	s16 =	simm.s32 $0x200;
	[sflag:s12] =	ssyncset.done $0x0  }
.LBB2_6:
0x74: {  	s17 =	sshra.s32 s16, $0x2;
	[sflag:s12] =	ssyncadd.s32 $0xFFFFFF83;
	p1 =	sne.s32 s16, $0x4E00  }
0x75: {  	[spmem:s3] =	stream.indirect.scatter.add.f32 [tilespmem:s11], [sflag:$0x1], $0x1, s17, s13, $0xb8;
	[tilespmem:$0x1900] =	vst v63  }
.Ltmp3:
0x76: {  	_ = 	snop;
	(pc) =	sbr.rel @p1 .LBB2_6-.Ltmp3, $4  }
0x77: {  	_ = 	snop  }
0x78: {  	s16 =	sadd.s32 $0x200, s16  }
0x79: {  	_ =	swait.ge [sflag:s12], $0x7D  }
0x7a: {  	[sflag:s12] =	ssyncset.done $0x0  }
.Ltmp4:
0x7b: {  	_ = 	snop;
	(pc) =	sbr.rel .LBB2_7-.Ltmp4, $1  }
0x7c: {  	_ =	sdelay $0x3  }
.LBB2_2:
0x7d: {  	[tilespmem:$0x1400] =	vst v1  }
0x7e: {  	[tilespmem:$0x1410] =	vst v1  }
0x7f: {  	[tilespmem:$0x1420] =	vst v1  }
0x80: {  	[tilespmem:$0x1430] =	vst v1  }
0x81: {  	[tilespmem:$0x1440] =	vst v1  }
0x82: {  	[tilespmem:$0x1450] =	vst v1  }
0x83: {  	[tilespmem:$0x1460] =	vst v1  }
0x84: {  	[tilespmem:$0x1470] =	vst v1  }
0x85: {  	[tilespmem:$0x1480] =	vst v1  }
0x86: {  	[tilespmem:$0x1490] =	vst v1  }
0x87: {  	[tilespmem:$0x14A0] =	vst v1  }
0x88: {  	[tilespmem:$0x14B0] =	vst v1  }
0x89: {  	[tilespmem:$0x14C0] =	vst v1  }
0x8a: {  	[tilespmem:$0x14D0] =	vst v1  }
0x8b: {  	[tilespmem:$0x14E0] =	vst v1  }
0x8c: {  	[tilespmem:$0x14F0] =	vst v1  }
0x8d: {  	[tilespmem:$0x1500] =	vst v1  }
0x8e: {  	[tilespmem:$0x1510] =	vst v1  }
0x8f: {  	[tilespmem:$0x1520] =	vst v1  }
0x90: {  	[tilespmem:$0x1530] =	vst v1  }
0x91: {  	[tilespmem:$0x1540] =	vst v1  }
0x92: {  	[tilespmem:$0x1550] =	vst v1  }
0x93: {  	[tilespmem:$0x1560] =	vst v1  }
0x94: {  	[tilespmem:$0x1570] =	vst v1  }
0x95: {  	[tilespmem:$0x1580] =	vst v1  }
0x96: {  	[tilespmem:$0x1590] =	vst v1  }
0x97: {  	[tilespmem:$0x15A0] =	vst v1  }
0x98: {  	[tilespmem:$0x15B0] =	vst v1  }
0x99: {  	[tilespmem:$0x15C0] =	vst v1  }
0x9a: {  	[tilespmem:$0x15D0] =	vst v1  }
0x9b: {  	[tilespmem:$0x15E0] =	vst v1  }
0x9c: {  	[tilespmem:$0x15F0] =	vst v1  }
0x9d: {  	[tilespmem:$0x1600] =	vst v1  }
0x9e: {  	[tilespmem:$0x1610] =	vst v1  }
0x9f: {  	[tilespmem:$0x1620] =	vst v1  }
0xa0: {  	[tilespmem:$0x1630] =	vst v1  }
0xa1: {  	[tilespmem:$0x1640] =	vst v1  }
0xa2: {  	[tilespmem:$0x1650] =	vst v1  }
0xa3: {  	[tilespmem:$0x1660] =	vst v1  }
0xa4: {  	[tilespmem:$0x1670] =	vst v1  }
0xa5: {  	[spmem:s6] =	stream.linear.scatter [tilespmem:s11], [sflag:$0x1], $0x280, $0x38;
	[tilespmem:$0x1900] =	vst v63  }
0xa6: {  	_ =	swait.ge [sflag:s12], $0x280  }
0xa7: {  	[sflag:s12] =	ssyncset.done $0x0  }
0xa8: {  	s16 =	simm.s32 $0x0;
	[sflag:s12] =	ssyncadd.s32 $0xFFFFFD80  }
0xa9: {  	[tilespmem:s16], [sflag:$0x1] =	stream.linear.gather [hbm4b:s7+s16], $0x1400, $0x38;
	[tilespmem:$0x1900] =	vst v63  }
0xaa: {  	_ =	swait.ge [sflag:s12], $0x1400  }
0xab: {  	[sflag:s12] =	ssyncset.done $0x0  }
0xac: {  	[sflag:s12] =	ssyncadd.s32 $0xFFFFEC00  }
0xad: {  	s31 =	simm.s32 $0x0;
	[bflag:$0x0] =	sbarrier.arrive $0xFFFF  }
0xae: {  	[spmem:s3] =	stream.indirect.scatter.add.f32 [tilespmem:s11], [sflag:$0x1], $0x1, s31, s13, $0xb8;
	[tilespmem:$0x1900] =	vst v63  }
0xaf: {  	_ =	swait.ge [sflag:s12], $0x7D  }
0xb0: {  	s16 =	simm.s32 $0x200;
	[sflag:s12] =	ssyncset.done $0x0  }
.LBB2_3:
0xb1: {  	s17 =	sshra.s32 s16, $0x2;
	[sflag:s12] =	ssyncadd.s32 $0xFFFFFF83;
	p1 =	seq.s32 s16, $0x4E00  }
0xb2: {  	[spmem:s3] =	stream.indirect.scatter.add.f32 [tilespmem:s11], [sflag:$0x1], $0x1, s17, s13, $0xb8;
	[tilespmem:$0x1900] =	vst v63  }
.Ltmp5:
0xb3: {  	_ = 	snop;
	(pc) =	sbr.rel @!p1 .LBB2_3-.Ltmp5, $4  }
0xb4: {  	_ = 	snop  }
0xb5: {  	s16 =	sadd.s32 $0x200, s16  }
0xb6: {  	_ =	swait.ge [sflag:s12], $0x7D  }
0xb7: {  	[sflag:s12] =	ssyncset.done $0x0  }
.Ltmp6:
0xb8: {  	(pc) =	sbr.rel .LBB2_8-.Ltmp6, $2  }
0xb9: {  	_ =	sdelay $0x2  }
0xba: {  	[sflag:s12] =	ssyncadd.s32 $0xFFFFFF83;
	s16 =	smov.u32 s2  }
.LBB2_9:
0xbb: {  	_ =	sfence.sel $0x180000  }
0xbc: {  	[bflag:$0x0] =	sbarrier.arrive $0xFFFF  }
0xbd: {  	p0 =	sne.s32 s1, $0x0;
	_ =	strace $0x90000047  }
0xbe: {  	s0 =	sadd.s32 @!p0 $0x100000, s0;
	[bflag:$0x2] =	sbarrier.arrive $0xFFFF  }
0xbf: {  	[sflag:s0] =	ssyncadd.tile.s32 @!p0 $0x1;
	_ =	shalt  }
.Lfunc_end2:
_tile_overlayer_lowered:
.L_overlay_start_2:
0xc0: {  	(tag) =	ssettag $0x2  }
0xc1: {  	s0 =	rddreg [dreg:$0x0];
	s2 =	stileid.u32  }
0xc2: {  	s1 =	rddreg [dreg:$0x1];
	p0 =	sne.s32 s2, $0x0  }
0xc3: {  	s3 =	rddreg [dreg:$0x2];
	[bflag:$0x3] =	sbarrier.arrive $0xFFFF;
	s2 =	simm.s32 @!p0 $0x1C01  }
0xc4: {  	[timem:s3], [sflag:s2] =	dma.local @!p0 [hbm:s0], s1  }
0xc5: {  	s0 =	simm.s32 @!p0 $0x1  }
0xc6: {  	_ =	swait.ge @!p0 [sflag:s0], s1  }
0xc7: {  	s1 =	ssub.s32 @!p0 $0x0, s1;
	[sflag:s0] =	ssyncset.done @!p0 $0x0  }
0xc8: {  	[sflag:s0] =	ssyncadd.s32 @!p0 s1  }
0xc9: {  	[bflag:$0x3] =	sbarrier.arrive $0xFFFF  }
0xca: {  	_ =	shalt  }

// kernel: kernel.13.cloned.1.call-start
scs
__scs_entry_jumppad:
0x0: {  	(pc) =	sbr.rel $0x88, $3  }
0x1: {  	(tag) =	ssettag $0x0;
	lr =	simm.s32 $0x1  }
0x2: {  	[smem:$0x3F97] =	sst lr;
	_ =	strace $0xD0000000  }
0x3: {  	_ = 	snop  }
0x4: {  	_ = 	snop  }
0x5: {  	_ = 	snop  }
0x6: {  	_ = 	snop  }
0x7: {  	_ = 	snop  }
__scs_overlays_trampoline_lowered:
0x8: {  	[smem:$0x3FA6] =	sst s0  }
0x9: {  	[smem:$0x3FA7] =	sst s1  }
0xa: {  	[smem:$0x3FA8] =	sst s2  }
0xb: {  	[smem:$0x3FA9] =	sst s3  }
0xc: {  	[smem:$0x3FAA] =	sst s4  }
0xd: {  	[smem:$0x3FAB] =	sst s5  }
0xe: {  	[smem:$0x3FAC] =	sst s6  }
0xf: {  	[smem:$0x3FAD] =	sst s7  }
0x10: {  	[smem:$0x3FAE] =	sst s8  }
0x11: {  	[smem:$0x3FAF] =	sst s9;
	s0 =	simm.s32 @!p0 $0x0  }
0x12: {  	s1 =	sld [smem:$0x3F95];
	s0 =	simm.s32 @p0 $0x1  }
0x13: {  	[smem:$0x3FB0] =	sst s0;
	s0 =	simm.s32 @!p1 $0x0  }
0x14: {  	s2 =	sld [smem:$0x3F94];
	s0 =	simm.s32 @p1 $0x1  }
0x15: {  	[smem:$0x3FB1] =	sst s0;
	s0 =	simm.s32 @!p2 $0x0  }
0x16: {  	s3 =	sld [smem:$0x3FDB];
	s0 =	simm.s32 @p2 $0x1  }
0x17: {  	s4 =	simm.s32 $0x1BF5;
	[smem:$0x3FB3] =	sst s0  }
0x18: {  	s0 =	sld [smem:$0x3F96];
	_ =	swait.ge [sflag:s4], $0x0  }
0x19: {  	s7 =	sld [smem:$0x3F97]  }
0x1a: {  	s8 =	sadd.s32 $0xFFFFE003, lr  }
0x1b: {  	s9 =	sadd.s32 $0xFFFFFEF7, lr;
	s5 =	simm.s32 $0xFFFFFFFF;
	p2 =	slt.u32 s8, $0xFFFFF086  }
0x1c: {  	p1 =	slt.u32 s9, $0xF7A;
	s5 =	simm.s32 @!p2 $0x0  }
0x1d: {  	s5 =	simm.s32 @p1 $0x1;
	p0 =	seq.s32 s7, s2  }
0x1e: {  	s7 =	smul.u32 @!p0 $0xF7A, s2;
	p2 =	seq.s32 @!p0 s5, $0x0  }
0x1f: {  	s9 =	smul.u32 $0xF7A, s1;
	s8 =	simm.s32 @!p0 $0x1BF5;
	p2 =	por !p2, p0  }
0x20: {  	[sflag:s8] =	ssyncset.s32 @!p0 $0xFFFFF086;
	s6 =	sadd.s32 @!p0 s3, s7;
	s7 =	simm.s32 @!p0 $0x108  }
0x21: {  	s3 =	sadd.s32 s3, s9;
	s6 =	sadd.s32 @!p0 $0x88, s6;
	s7 =	simm.s32 @p2 $0x1082  }
0x22: {  	[simem:s7], [sflag:s8] =	dma.local @!p0 [hbm:s6], $0xF7A  }
0x23: {  	s9 =	sor.u32 $0xD0000000, s2;
	s6 =	simm.s32 $0x108;
	_ =	swait.ge @!p0 [sflag:s8], $0x0  }
0x24: {  	s3 =	sadd.s32 $0x88, s3;
	s6 =	simm.s32 @!p1 $0x1082;
	[sflag:s4] =	ssyncset.s32 $0xFFFFF086  }
0x25: {  	[simem:s6], [sflag:s4] =	dma.local [hbm:s3], $0xF7A  }
0x26: {  	[smem:$0x3F97] =	sst s1;
	(tag) =	ssettag s2;
	_ =	strace s9  }
0x27: {  	s1 =	sld [smem:$0x3FA7]  }
0x28: {  	s2 =	sld [smem:$0x3FA8]  }
0x29: {  	s4 =	sld [smem:$0x3FAA]  }
0x2a: {  	p0 =	seq.s32 s5, $0x0;
	s5 =	sld [smem:$0x3FAB]  }
0x2b: {  	s6 =	sld [smem:$0x3FAC]  }
0x2c: {  	s7 =	sld [smem:$0x3FAD]  }
0x2d: {  	s3 =	simm.s32 $0x108;
	s8 =	sld [smem:$0x3FAE]  }
0x2e: {  	s3 =	simm.s32 @!p0 $0x1082;
	s9 =	sld [smem:$0x3FAF]  }
0x2f: {  	lr =	sadd.s32 s0, s3;
	s0 =	sld [smem:$0x3FA6]  }
0x30: {  	s3 =	sld [smem:$0x3FA9]  }
0x31: {  	[smem:$0x3FB2] =	sst s10  }
0x32: {  	s10 =	sld [smem:$0x3FB0];
	_ =	sdelay $0x3  }
0x33: {  	p0 =	seq.s32 s10, $0x1;
	s10 =	sld [smem:$0x3FB2];
	_ =	sdelay $0x3  }
0x34: {  	[smem:$0x3FB2] =	sst s10  }
0x35: {  	s10 =	sld [smem:$0x3FB1];
	_ =	sdelay $0x3  }
0x36: {  	p1 =	seq.s32 s10, $0x1;
	s10 =	sld [smem:$0x3FB2];
	_ =	sdelay $0x3  }
0x37: {  	[smem:$0x3FB2] =	sst s10  }
0x38: {  	s10 =	sld [smem:$0x3FB3]  }
0x39: {  	_ = 	snop;
	(pc) =	sbr.ind lr, $3  }
0x3a: {  	_ = 	snop  }
0x3b: {  	_ = 	snop  }
0x3c: {  	p2 =	seq.s32 s10, $0x1;
	s10 =	sld [smem:$0x3FB2]  }
0x3d: {  	_ =	shalt  }
0x3e: {  	_ =	shalt  }
0x3f: {  	_ =	shalt  }
0x40: {  	_ =	shalt  }
0x41: {  	_ =	shalt  }
0x42: {  	_ =	shalt  }
0x43: {  	_ =	shalt  }
0x44: {  	_ =	shalt  }
0x45: {  	_ =	shalt  }
0x46: {  	_ =	shalt  }
0x47: {  	_ =	shalt  }
0x48: {  	_ =	shalt  }
0x49: {  	_ =	shalt  }
0x4a: {  	_ =	shalt  }
0x4b: {  	_ =	shalt  }
0x4c: {  	_ =	shalt  }
0x4d: {  	_ =	shalt  }
0x4e: {  	_ =	shalt  }
0x4f: {  	_ =	shalt  }
0x50: {  	_ =	shalt  }
0x51: {  	_ =	shalt  }
0x52: {  	_ =	shalt  }
0x53: {  	_ =	shalt  }
0x54: {  	_ =	shalt  }
0x55: {  	_ =	shalt  }
0x56: {  	_ =	shalt  }
0x57: {  	_ =	shalt  }
0x58: {  	_ =	shalt  }
0x59: {  	_ =	shalt  }
0x5a: {  	_ =	shalt  }
0x5b: {  	_ =	shalt  }
0x5c: {  	_ =	shalt  }
0x5d: {  	_ =	shalt  }
0x5e: {  	_ =	shalt  }
0x5f: {  	_ =	shalt  }
0x60: {  	_ =	shalt  }
0x61: {  	_ =	shalt  }
0x62: {  	_ =	shalt  }
0x63: {  	_ =	shalt  }
0x64: {  	_ =	shalt  }
0x65: {  	_ =	shalt  }
0x66: {  	_ =	shalt  }
0x67: {  	_ =	shalt  }
0x68: {  	_ =	shalt  }
0x69: {  	_ =	shalt  }
0x6a: {  	_ =	shalt  }
0x6b: {  	_ =	shalt  }
0x6c: {  	_ =	shalt  }
0x6d: {  	_ =	shalt  }
0x6e: {  	_ =	shalt  }
0x6f: {  	_ =	shalt  }
0x70: {  	_ =	shalt  }
0x71: {  	_ =	shalt  }
0x72: {  	_ =	shalt  }
0x73: {  	_ =	shalt  }
0x74: {  	_ =	shalt  }
0x75: {  	_ =	shalt  }
0x76: {  	_ =	shalt  }
0x77: {  	_ =	shalt  }
0x78: {  	_ =	shalt  }
0x79: {  	_ =	shalt  }
0x7a: {  	_ =	shalt  }
0x7b: {  	_ =	shalt  }
0x7c: {  	_ =	shalt  }
0x7d: {  	_ =	shalt  }
0x7e: {  	_ =	shalt  }
0x7f: {  	_ =	shalt  }
0x80: {  	_ =	shalt  }
0x81: {  	_ =	shalt  }
0x82: {  	_ =	shalt  }
0x83: {  	_ =	shalt  }
0x84: {  	_ =	shalt  }
0x85: {  	_ =	shalt  }
0x86: {  	_ =	shalt  }
0x87: {  	_ =	shalt  }
.Lfunc_end0:
.L_simem_size_0:
called_computation.1_lowered:
.L_overlay_start_0:
0x88: {  	s2 =	sld [smem:$0x3FD9]  }
0x89: {  	s3 =	sld [smem:$0x3FFE];
	_ =	sdelay $0x1  }
0x8a: {  	s1 =	srdreg.scid  }
0x8b: {  	s0 =	sand.u32 $0x1, s1  }
0x8c: {  	s16 =	sshll.u32 s0, $0xA;
	s2 =	sadd.s32 s3, s2  }
0x8d: {  	s2 =	sadd.s32 s2, s16  }
0x8e: {  	[smem:$0x3FBE] =	sst s2  }
0x8f: {  	_ = 	snop  }
0x90: {  	(tm) =	ssettm $0x1  }
0x91: {  	s17 =	sld [smem:$0x3FFB];
	_ =	sdelay $0x3  }
0x92: {  	_ =	strace s17  }
0x93: {  	s2 =	sld [smem:$0x3FFC];
	_ =	sdelay $0x3  }
0x94: {  	_ =	strace s2  }
0x95: {  	s2 =	sld [smem:$0x3FFD];
	_ =	sdelay $0x3  }
0x96: {  	_ =	strace s2  }
0x97: {  	_ =	strace $0x8FFFFFFF  }
0x98: {  	s18 =	sld [smem:$0x3FDB];
	_ =	sdelay $0x1  }
0x99: {  	s19 =	simm.s32 $_scs_section_size  }
0x9a: {  	s4 =	simm.s32 $_size__tile_overlayer_lowered;
	s5 =	simm.s32 $_tile_overlayer_lowered  }
0x9b: {  	s22 =	simm.s32 $0x1BFF;
	s21 =	sshll.u32 s5, $0x1;
	s2 =	sadd.s32 s19, s18  }
0x9c: {  	s6 =	simm.s32 $0x0;
	s20 =	sshll.u32 s4, $0x1;
	s4 =	sadd.s32 s21, s2  }
0x9d: {  	[timem:s6], [sflag:s22] =	dma.local [hbm:s4], s20  }
0x9e: {  	_ =	swait.ge [sflag:s22], s20  }
0x9f: {  	s3 =	ssub.s32 $0x0, s20;
	[sflag:s22] =	ssyncset.done $0x0  }
0xa0: {  	[sflag:s22] =	ssyncadd.s32 s3;
	_ =	sdelay $0x1  }
0xa1: {  	s23 =	simm.s32 $0x1B8B  }
0xa2: {  	_ =	swait.ge [sflag:s23], $0x1  }
0xa3: {  	[sflag:s23] =	ssyncset.done $0x0  }
0xa4: {  	s25 =	simm.s32 $0x1B8E;
	s24 =	sld [smem:$0x3FFE];
	[sflag:s23] =	ssyncadd.s32 $0xFFFFFFFF  }
0xa5: {  	s26 =	simm.s32 $execute0_lowered;
	[smem:$0x3FD2] =	sst s25  }
0xa6: {  	s4 =	sshll.u32 s26, $0x1;
	_ =	strace $0x80000049;
	[dreg:$0x1] =	wrdreg $0xFFFFFFFF  }
0xa7: {  	s28 =	simm.s32 $_size_execute0_lowered;
	s2 =	sadd.s32 s2, s4;
	[dreg:$0x0] =	wrdreg $0x0  }
0xa8: {  	s4 =	sshll.u32 s28, $0x1;
	[dreg:$0x2] =	wrdreg s2  }
0xa9: {  	[dreg:$0x3] =	wrdreg s4  }
0xaa: {  	[dreg:$0x4] =	wrdreg $0xC0  }
0xab: {  	_ =	task [dreg:s6], $0x5FFFF  }
0xac: {  	[dreg:$0x1] =	wrdreg $0xFFFFFFFF  }
0xad: {  	[dreg:$0x0] =	wrdreg $0x60  }
0xae: {  	[dreg:$0x2] =	wrdreg s24  }
0xaf: {  	[dreg:$0x3] =	wrdreg $0xA8000  }
0xb0: {  	[dreg:$0x4] =	wrdreg $0x9  }
0xb1: {  	_ =	task.clear_ibuf [dreg:s6], $0x5FFFF;
	_ =	strace $0x90000049  }
0xb2: {  	s29 =	simm.s32 $0x9;
	_ =	strace $0x8000004B  }
0xb3: {  	_ =	swait.ge [sflag:s29], $0x1  }
0xb4: {  	[sflag:s29] =	ssyncadd.s32 $0xFFFFFFFF  }
0xb5: {  	_ =	strace $0x9000004B  }
0xb6: {  	_ =	sfence  }
0xb7: {  	s30 =	sld [smem:$0x0];
	_ =	sdelay $0x2  }
0xb8: {  	s31 =	sshll.u32 s1, $0xD;
	s1 =	sshrl.u32 s1, $0x2  }
0xb9: {  	s3 =	sand.u32 $0x4000, s31;
	s1 =	sadd.s32 s1, s30  }
0xba: {  	s0 =	sor.u32 s3, s0;
	s1 =	sshll.u32 s1, $0x11  }
0xbb: {  	s0 =	sor.u32 s1, s0  }
0xbc: {  	s0 =	sadd.s32 $0x8F2B, s0  }
0xbd: {  	[sflag:s0] =	ssyncadd.remote.s32 $0x1  }
0xbe: {  	_ =	sfence.sel $0xFFFF  }
0xbf: {  	[dreg:$0x0] =	wrdreg $0xFFFFFFFF;
	(pc) =	sbr.abs _section_cstart, $3  }
0xc0: {  	[dreg:$0x1] =	wrdreg $0xFFFFFFFF  }
0xc1: {  	_ =	task.clear_ibuf [dreg:s6], $0x2FFFF;
	_ =	strace $0x9FFFFFFF  }
0xc2: {  	(tm) =	ssettm $0x7FFFFFFF  }
0xc3: {  	_ =	shalt  }
tec
execute0_lowered:
.L_overlay_start_1:
0x0: {  	(tag) =	ssettag $0x1  }
0x1: {  	s0 =	rddreg [dreg:$0x0]  }
0x2: {  	s2 =	rddreg [dreg:$0x1];
	s3 =	simm.s32 $0x0  }
0x3: {  	s14 =	stileid.u32;
	s5 =	srdreg.scid;
	s28 =	simm.s32 $0x80  }
0x4: {  	s29 =	simm.s32 $0x6800;
	s30 =	simm.s32 $0x1;
	s31 =	simm.s32 $0x2  }
0x5: {  	[smem:$0x7FF] =	sst s3;
	s1 =	smul.u32 $0x2800, s14;
	s4 =	sadd.s32 $0x38000, s0  }
0x6: {  	s7 =	sand.u32 $0x1, s5;
	s8 =	smul.u32 $0x50000, s14;
	s5 =	sadd.s32 $0x5F200, s0  }
0x7: {  	s20 =	sadd.s32 $0x12C000, s2;
	s24 =	sadd.s32 $0x5D800, s0;
	s26 =	sadd.s32 $0xD2E00, s0  }
0x8: {  	s15 =	sadd.s32 $0x84A00, s0;
	p1 =	seq.s32 s14, $0xF;
	s17 =	sadd.s32 $0xFA000, s0  }
0x9: {  	_ =	strace $0x8000004A;
	s9 =	ssub.s32 $0x2, s7;
	[dreg:$0x4] =	wrdreg s24  }
0xa: {  	p0 =	seq.s32 s7, $0x1;
	[dreg:$0x6] =	wrdreg s26;
	s18 =	sshll.u32 @!p1 s14, $0x6  }
0xb: {  	s20 =	sshrl.u32 @p1 s20, $0x3;
	s24 =	simm.s32 $0x1400;
	s26 =	simm.s32 $0x2800  }
0xc: {  	s6 =	sshrl.u32 s1, $0x3;
	s12 =	sadd.s32 s1, s0;
	s10 =	sshrl.u32 s9, $0x1  }
0xd: {  	s8 =	sshrl.u32 s8, $0x2;
	s23 =	sadd.s32 s4, s1;
	s1 =	sadd.s32 s5, s1  }
0xe: {  	s21 =	sor.u32 @!p1 $0x1C03, s18;
	s6 =	sadd.s32 s6, s0;
	s13 =	ssub.s32 s9, s10  }
0xf: {  	s7 =	sadd.s32 s8, s2;
	[dreg:$0x3] =	wrdreg s23;
	s25 =	sadd.s32 $0xAD600, s12  }
.Ltmp0:
0x10: {  	[dreg:$0x7] =	wrdreg s1;
	s16 =	sadd.s32 $0xD4800, s12;
	(pc) =	sbr.rel .LBB2_1-.Ltmp0, $4  }
0x11: {  	s23 =	simm.s32 $0x4;
	s0 =	simm.s32 $0x2700;
	s1 =	simm.s32 $0x2780  }
0x12: {  	s8 =	sadd.s32 $0x5A00, s6;
	s9 =	sadd.s32 $0xAA00, s6;
	s10 =	sadd.s32 $0x5C80, s6  }
0x13: {  	s11 =	sadd.s32 $0xAC80, s6;
	[dreg:$0x5] =	wrdreg s25;
	s19 =	smax.u32 s13, $0x1  }
0x14: {  	s22 =	sshrl.u32 @!p1 s7, $0x3;
	s25 =	simm.s32 $0x7D;
	s6 =	simm.s32 $0x0  }
.LBB2_11:
0x15: {  	[tilespmem:s29], [sflag:$0x2] =	stream.indirect.gather [hbm4b:s5+s25], $0x80, s13, s25, $0xb8;
	[tilespmem:$0x1E080] =	vst v63  }
0x16: {  	_ =	swait.ge [sflag:s30], $0x3E80  }
0x17: {  	[sflag:s30] =	ssyncset.done $0x0  }
0x18: {  	[sflag:s30] =	ssyncadd.s32 $0xFFFFC180  }
0x19: {  	[spmem:s2] =	stream.indirect.scatter.add.f32 [tilespmem:s26], [sflag:$0x4], $0x80, s0, s25, $0xb8;
	[tilespmem:$0x1E080] =	vst v63  }
0x1a: {  	_ =	swait.ge [sflag:s23], $0x3E80  }
0x1b: {  	[sflag:s23] =	ssyncset.done $0x0  }
0x1c: {  	[sflag:s23] =	ssyncadd.s32 $0xFFFFC180  }
0x1d: {  	_ =	swait.ge [sflag:s31], $0x3E80  }
0x1e: {  	[sflag:s31] =	ssyncset.done $0x0  }
0x1f: {  	[sflag:s31] =	ssyncadd.s32 $0xFFFFC180  }
0x20: {  	[spmem:s2] =	stream.indirect.scatter.add.f32 [tilespmem:s29], [sflag:$0x4], $0x80, s1, s25, $0xb8;
	[tilespmem:$0x1E080] =	vst v63  }
0x21: {  	_ =	swait.ge [sflag:s23], $0x3E80  }
0x22: {  	[sflag:s23] =	ssyncset.done $0x0  }
0x23: {  	[sflag:s23] =	ssyncadd.s32 $0xFFFFC180  }
0x24: {  	s12 =	simm.s32 @p1 $0x1FC4;
	[bflag:$0x0] =	sbarrier.arrive $0xFFFF  }
0x25: {  	[hbm:s17], [sflag:s12] =	dma.local @p1 [spmem:s20], $0x1900  }
0x26: {  	s12 =	simm.s32 @p1 $0x4  }
0x27: {  	_ =	swait.ge @p1 [sflag:s12], $0x1900  }
0x28: {  	[sflag:s12] =	ssyncset.done @p1 $0x0  }
0x29: {  	[sflag:s12] =	ssyncadd.s32 @p1 $0xFFFFE700  }
0x2a: {  	[hbm:s16], [sflag:s7] =	dma.local @!p1 [spmem:s22], $0x2800  }
0x2b: {  	s7 =	simm.s32 @!p1 $0x4  }
0x2c: {  	_ =	swait.ge @!p1 [sflag:s7], $0x2800  }
0x2d: {  	[sflag:s7] =	ssyncset.done @!p1 $0x0  }
0x2e: {  	[sflag:s7] =	ssyncadd.s32 @!p1 $0xFFFFD800  }
.LBB2_12:
0x2f: {  	s6 =	sadd.s32 $0x1, s6  }
0x30: {  	p2 =	sne.s32 s6, s19  }
.Ltmp1:
0x31: {  	_ = 	snop;
	(pc) =	sbr.rel @!p2 .LBB2_13-.Ltmp1, $1  }
0x32: {  	_ =	sdelay $0x3  }
.LBB2_1:
.Ltmp2:
0x33: {  	(pc) =	sbr.rel @!p0 .LBB2_2-.Ltmp2, $2  }
0x34: {  	_ =	sdelay $0x2  }
0x35: {  	s7 =	sor.u32 @!p1 $0x1C04, s18  }
0x36: {  	s12 =	simm.s32 @p1 $0x1FC3  }
0x37: {  	[spmem:s20], [sflag:s12] =	dma.local @p1 [hbm:s15], $0x1900  }
0x38: {  	s12 =	rddreg [dreg:$0x7]  }
0x39: {  	[spmem:s22], [sflag:s21] =	dma.local @!p1 [hbm:s12], $0x2800  }
0x3a: {  	[tilespmem:s3], [sflag:$0x4] =	stream.linear.gather [hbm4b:s8+s3], $0x1400, $0x38;
	[tilespmem:$0x1E080] =	vst v63  }
0x3b: {  	_ =	swait.ge [sflag:s23], $0x1400  }
0x3c: {  	[sflag:s23] =	ssyncset.done $0x0  }
0x3d: {  	[sflag:s23] =	ssyncadd.s32 $0xFFFFEC00  }
0x3e: {  	[tilespmem:s24], [sflag:$0x4] =	stream.linear.gather [hbm4b:s9+s3], $0x1400, $0x38;
	[tilespmem:$0x1E080] =	vst v63  }
0x3f: {  	_ =	swait.ge [sflag:s23], $0x1400  }
0x40: {  	[sflag:s23] =	ssyncset.done $0x0  }
0x41: {  	[sflag:s23] =	ssyncadd.s32 $0xFFFFEC00  }
0x42: {  	[tilespmem:s26], [sflag:$0x1] =	stream.indirect.gather [hbm4b:s5+s25], $0x80, s3, s25, $0xb8;
	[tilespmem:$0x1E080] =	vst v63  }
0x43: {  	s12 =	simm.s32 @p1 $0x3  }
0x44: {  	[tilespmem:s29], [sflag:$0x2] =	stream.indirect.gather [hbm4b:s5+s25], $0x80, s28, s25, $0xb8;
	[tilespmem:$0x1E080] =	vst v63  }
0x45: {  	_ =	swait.ge @p1 [sflag:s12], $0x1900  }
0x46: {  	[sflag:s12] =	ssyncset.done @p1 $0x0  }
0x47: {  	[sflag:s12] =	ssyncadd.s32 @p1 $0xFFFFE700;
	s12 =	simm.s32 @!p1 $0x3  }
0x48: {  	_ =	swait.ge @!p1 [sflag:s12], $0x2800  }
0x49: {  	[sflag:s12] =	ssyncset.done @!p1 $0x0  }
0x4a: {  	[sflag:s12] =	ssyncadd.s32 @!p1 $0xFFFFD800  }
0x4b: {  	[bflag:$0x0] =	sbarrier.arrive $0xFFFF  }
0x4c: {  	_ =	swait.ge [sflag:s30], $0x3E80  }
0x4d: {  	[sflag:s30] =	ssyncset.done $0x0  }
0x4e: {  	s14 =	simm.s32 $0x1400;
	[sflag:s30] =	ssyncadd.s32 $0xFFFFC180  }
0x4f: {  	[spmem:s2] =	stream.indirect.scatter.add.f32 [tilespmem:s26], [sflag:$0x4], $0x80, s14, s25, $0xb8;
	[tilespmem:$0x1E080] =	vst v63  }
0x50: {  	_ =	swait.ge [sflag:s23], $0x3E80  }
0x51: {  	[sflag:s23] =	ssyncset.done $0x0  }
0x52: {  	s13 =	simm.s32 $0x100;
	[sflag:s23] =	ssyncadd.s32 $0xFFFFC180  }
0x53: {  	[tilespmem:s26], [sflag:$0x1] =	stream.indirect.gather [hbm4b:s5+s25], $0x80, s13, s25, $0xb8;
	[tilespmem:$0x1E080] =	vst v63  }
0x54: {  	_ =	swait.ge [sflag:s31], $0x3E80  }
0x55: {  	[sflag:s31] =	ssyncset.done $0x0  }
0x56: {  	s14 =	simm.s32 $0x1480;
	[sflag:s31] =	ssyncadd.s32 $0xFFFFC180  }
0x57: {  	[spmem:s2] =	stream.indirect.scatter.add.f32 [tilespmem:s29], [sflag:$0x4], $0x80, s14, s25, $0xb8;
	[tilespmem:$0x1E080] =	vst v63  }
0x58: {  	_ =	swait.ge [sflag:s23], $0x3E80  }
0x59: {  	[sflag:s23] =	ssyncset.done $0x0  }
0x5a: {  	s12 =	simm.s32 $0x400;
	s13 =	simm.s32 $0x180;
	[sflag:s23] =	ssyncadd.s32 $0xFFFFC180  }
.LBB2_8:
0x5b: {  	[tilespmem:s29], [sflag:$0x2] =	stream.indirect.gather [hbm4b:s5+s25], $0x80, s13, s25, $0xb8;
	[tilespmem:$0x1E080] =	vst v63  }
0x5c: {  	s13 =	smov.u32 s12  }
0x5d: {  	p2 =	sne.s32 s12, $0x4800;
	s12 =	sadd.s32 $0x400, s12;
	_ =	swait.ge [sflag:s30], $0x3E80  }
0x5e: {  	s13 =	sshra.s32 s13, $0x2;
	[sflag:s30] =	ssyncset.done $0x0  }
0x5f: {  	s14 =	sadd.s32 $0x1400, s13;
	[sflag:s30] =	ssyncadd.s32 $0xFFFFC180  }
0x60: {  	[spmem:s2] =	stream.indirect.scatter.add.f32 [tilespmem:s26], [sflag:$0x4], $0x80, s14, s25, $0xb8;
	[tilespmem:$0x1E080] =	vst v63  }
0x61: {  	_ =	swait.ge [sflag:s23], $0x3E80  }
0x62: {  	[sflag:s23] =	ssyncset.done $0x0  }
0x63: {  	s14 =	sadd.s32 $0x100, s13;
	[sflag:s23] =	ssyncadd.s32 $0xFFFFC180  }
0x64: {  	[tilespmem:s26], [sflag:$0x1] =	stream.indirect.gather [hbm4b:s5+s25], $0x80, s14, s25, $0xb8;
	[tilespmem:$0x1E080] =	vst v63  }
0x65: {  	_ =	swait.ge [sflag:s31], $0x3E80  }
0x66: {  	[sflag:s31] =	ssyncset.done $0x0  }
.Ltmp3:
0x67: {  	s14 =	sadd.s32 $0x1480, s13;
	[sflag:s31] =	ssyncadd.s32 $0xFFFFC180;
	(pc) =	sbr.rel @p2 .LBB2_8-.Ltmp3, $4  }
0x68: {  	[spmem:s2] =	stream.indirect.scatter.add.f32 [tilespmem:s29], [sflag:$0x4], $0x80, s14, s25, $0xb8;
	[tilespmem:$0x1E080] =	vst v63  }
0x69: {  	_ =	swait.ge [sflag:s23], $0x3E80  }
0x6a: {  	[sflag:s23] =	ssyncset.done $0x0  }
0x6b: {  	s13 =	sadd.s32 $0x180, s13;
	[sflag:s23] =	ssyncadd.s32 $0xFFFFC180  }
0x6c: {  	[tilespmem:s29], [sflag:$0x2] =	stream.indirect.gather [hbm4b:s5+s25], $0x80, s13, s25, $0xb8;
	[tilespmem:$0x1E080] =	vst v63  }
0x6d: {  	_ =	swait.ge [sflag:s30], $0x3E80  }
0x6e: {  	[sflag:s30] =	ssyncset.done $0x0  }
0x6f: {  	[sflag:s30] =	ssyncadd.s32 $0xFFFFC180  }
0x70: {  	[spmem:s2] =	stream.indirect.scatter.add.f32 [tilespmem:s26], [sflag:$0x4], $0x80, s0, s25, $0xb8;
	[tilespmem:$0x1E080] =	vst v63  }
0x71: {  	_ =	swait.ge [sflag:s23], $0x3E80  }
0x72: {  	[sflag:s23] =	ssyncset.done $0x0  }
0x73: {  	[sflag:s23] =	ssyncadd.s32 $0xFFFFC180  }
0x74: {  	_ =	swait.ge [sflag:s31], $0x3E80  }
0x75: {  	[sflag:s31] =	ssyncset.done $0x0  }
0x76: {  	[sflag:s31] =	ssyncadd.s32 $0xFFFFC180  }
0x77: {  	[spmem:s2] =	stream.indirect.scatter.add.f32 [tilespmem:s29], [sflag:$0x4], $0x80, s1, s25, $0xb8;
	[tilespmem:$0x1E080] =	vst v63  }
0x78: {  	_ =	swait.ge [sflag:s23], $0x3E80  }
0x79: {  	[sflag:s23] =	ssyncset.done $0x0  }
0x7a: {  	s12 =	simm.s32 $0x0;
	[sflag:s23] =	ssyncadd.s32 $0xFFFFC180  }
0x7b: {  	[tilespmem:s12], [sflag:$0x4] =	stream.linear.gather [hbm4b:s10+s12], $0x1400, $0x38;
	[tilespmem:$0x1E080] =	vst v63  }
0x7c: {  	_ =	swait.ge [sflag:s23], $0x1400  }
0x7d: {  	[sflag:s23] =	ssyncset.done $0x0  }
0x7e: {  	[sflag:s23] =	ssyncadd.s32 $0xFFFFEC00  }
0x7f: {  	[tilespmem:s24], [sflag:$0x4] =	stream.linear.gather [hbm4b:s11+s12], $0x1400, $0x38;
	[tilespmem:$0x1E080] =	vst v63  }
0x80: {  	_ =	swait.ge [sflag:s23], $0x1400  }
0x81: {  	[sflag:s23] =	ssyncset.done $0x0  }
0x82: {  	[sflag:s23] =	ssyncadd.s32 $0xFFFFEC00  }
0x83: {  	[tilespmem:s26], [sflag:$0x1] =	stream.indirect.gather [hbm4b:s5+s25], $0x80, s12, s25, $0xb8;
	[tilespmem:$0x1E080] =	vst v63  }
0x84: {  	_ = 	snop  }
0x85: {  	[tilespmem:s29], [sflag:$0x2] =	stream.indirect.gather [hbm4b:s5+s25], $0x80, s28, s25, $0xb8;
	[tilespmem:$0x1E080] =	vst v63  }
0x86: {  	_ =	swait.ge [sflag:s30], $0x3E80  }
0x87: {  	[sflag:s30] =	ssyncset.done $0x0  }
0x88: {  	s14 =	simm.s32 $0x1400;
	[sflag:s30] =	ssyncadd.s32 $0xFFFFC180  }
0x89: {  	[spmem:s2] =	stream.indirect.scatter.add.f32 [tilespmem:s26], [sflag:$0x4], $0x80, s14, s25, $0xb8;
	[tilespmem:$0x1E080] =	vst v63  }
0x8a: {  	_ =	swait.ge [sflag:s23], $0x3E80  }
0x8b: {  	[sflag:s23] =	ssyncset.done $0x0  }
0x8c: {  	s13 =	simm.s32 $0x100;
	[sflag:s23] =	ssyncadd.s32 $0xFFFFC180  }
0x8d: {  	[tilespmem:s26], [sflag:$0x1] =	stream.indirect.gather [hbm4b:s5+s25], $0x80, s13, s25, $0xb8;
	[tilespmem:$0x1E080] =	vst v63  }
0x8e: {  	_ =	swait.ge [sflag:s31], $0x3E80  }
0x8f: {  	[sflag:s31] =	ssyncset.done $0x0  }
0x90: {  	s14 =	simm.s32 $0x1480;
	[sflag:s31] =	ssyncadd.s32 $0xFFFFC180  }
0x91: {  	[spmem:s2] =	stream.indirect.scatter.add.f32 [tilespmem:s29], [sflag:$0x4], $0x80, s14, s25, $0xb8;
	[tilespmem:$0x1E080] =	vst v63  }
0x92: {  	_ =	swait.ge [sflag:s23], $0x3E80  }
0x93: {  	[sflag:s23] =	ssyncset.done $0x0  }
0x94: {  	s12 =	simm.s32 $0x400;
	s13 =	simm.s32 $0x180;
	[sflag:s23] =	ssyncadd.s32 $0xFFFFC180  }
.LBB2_10:
0x95: {  	[tilespmem:s29], [sflag:$0x2] =	stream.indirect.gather [hbm4b:s5+s25], $0x80, s13, s25, $0xb8;
	[tilespmem:$0x1E080] =	vst v63  }
0x96: {  	s13 =	smov.u32 s12  }
0x97: {  	p2 =	sne.s32 s12, $0x4800;
	s12 =	sadd.s32 $0x400, s12;
	_ =	swait.ge [sflag:s30], $0x3E80  }
0x98: {  	s13 =	sshra.s32 s13, $0x2;
	[sflag:s30] =	ssyncset.done $0x0  }
0x99: {  	s14 =	sadd.s32 $0x1400, s13;
	[sflag:s30] =	ssyncadd.s32 $0xFFFFC180  }
0x9a: {  	[spmem:s2] =	stream.indirect.scatter.add.f32 [tilespmem:s26], [sflag:$0x4], $0x80, s14, s25, $0xb8;
	[tilespmem:$0x1E080] =	vst v63  }
0x9b: {  	_ =	swait.ge [sflag:s23], $0x3E80  }
0x9c: {  	[sflag:s23] =	ssyncset.done $0x0  }
0x9d: {  	s14 =	sadd.s32 $0x100, s13;
	[sflag:s23] =	ssyncadd.s32 $0xFFFFC180  }
0x9e: {  	[tilespmem:s26], [sflag:$0x1] =	stream.indirect.gather [hbm4b:s5+s25], $0x80, s14, s25, $0xb8;
	[tilespmem:$0x1E080] =	vst v63  }
0x9f: {  	_ =	swait.ge [sflag:s31], $0x3E80  }
0xa0: {  	[sflag:s31] =	ssyncset.done $0x0  }
.Ltmp4:
0xa1: {  	s14 =	sadd.s32 $0x1480, s13;
	[sflag:s31] =	ssyncadd.s32 $0xFFFFC180;
	(pc) =	sbr.rel @p2 .LBB2_10-.Ltmp4, $4  }
0xa2: {  	[spmem:s2] =	stream.indirect.scatter.add.f32 [tilespmem:s29], [sflag:$0x4], $0x80, s14, s25, $0xb8;
	[tilespmem:$0x1E080] =	vst v63  }
0xa3: {  	_ =	swait.ge [sflag:s23], $0x3E80  }
0xa4: {  	[sflag:s23] =	ssyncset.done $0x0  }
0xa5: {  	s13 =	sadd.s32 $0x180, s13;
	[sflag:s23] =	ssyncadd.s32 $0xFFFFC180  }
.Ltmp5:
0xa6: {  	_ = 	snop;
	(pc) =	sbr.rel .LBB2_11-.Ltmp5, $1  }
0xa7: {  	_ =	sdelay $0x3  }
.LBB2_2:
0xa8: {  	s12 =	simm.s32 @p1 $0x1FC3;
	s13 =	rddreg [dreg:$0x4]  }
0xa9: {  	[spmem:s20], [sflag:s12] =	dma.local @p1 [hbm:s13], $0x1900  }
0xaa: {  	s12 =	rddreg [dreg:$0x3]  }
0xab: {  	[spmem:s22], [sflag:s21] =	dma.local @!p1 [hbm:s12], $0x2800  }
0xac: {  	[tilespmem:s3], [sflag:$0x4] =	stream.linear.gather [hbm4b:s8+s3], $0x1400, $0x38;
	[tilespmem:$0x1E080] =	vst v63  }
0xad: {  	_ =	swait.ge [sflag:s23], $0x1400  }
0xae: {  	[sflag:s23] =	ssyncset.done $0x0  }
0xaf: {  	[sflag:s23] =	ssyncadd.s32 $0xFFFFEC00  }
0xb0: {  	[tilespmem:s24], [sflag:$0x4] =	stream.linear.gather [hbm4b:s9+s3], $0x1400, $0x38;
	[tilespmem:$0x1E080] =	vst v63  }
0xb1: {  	_ =	swait.ge [sflag:s23], $0x1400  }
0xb2: {  	[sflag:s23] =	ssyncset.done $0x0  }
0xb3: {  	[sflag:s23] =	ssyncadd.s32 $0xFFFFEC00  }
0xb4: {  	[tilespmem:s26], [sflag:$0x1] =	stream.indirect.gather [hbm4b:s4+s25], $0x80, s3, s25, $0xb8;
	[tilespmem:$0x1E080] =	vst v63  }
0xb5: {  	s12 =	simm.s32 @p1 $0x3  }
0xb6: {  	[tilespmem:s29], [sflag:$0x2] =	stream.indirect.gather [hbm4b:s4+s25], $0x80, s28, s25, $0xb8;
	[tilespmem:$0x1E080] =	vst v63  }
0xb7: {  	_ =	swait.ge @p1 [sflag:s12], $0x1900  }
0xb8: {  	[sflag:s12] =	ssyncset.done @p1 $0x0  }
0xb9: {  	[sflag:s12] =	ssyncadd.s32 @p1 $0xFFFFE700;
	s12 =	simm.s32 @!p1 $0x3  }
0xba: {  	_ =	swait.ge @!p1 [sflag:s12], $0x2800  }
0xbb: {  	[sflag:s12] =	ssyncset.done @!p1 $0x0  }
0xbc: {  	[sflag:s12] =	ssyncadd.s32 @!p1 $0xFFFFD800  }
0xbd: {  	[bflag:$0x0] =	sbarrier.arrive $0xFFFF  }
0xbe: {  	_ =	swait.ge [sflag:s30], $0x3E80  }
0xbf: {  	[sflag:s30] =	ssyncset.done $0x0  }
0xc0: {  	s14 =	simm.s32 $0x1400;
	[sflag:s30] =	ssyncadd.s32 $0xFFFFC180  }
0xc1: {  	[spmem:s2] =	stream.indirect.scatter.add.f32 [tilespmem:s26], [sflag:$0x4], $0x80, s14, s25, $0xb8;
	[tilespmem:$0x1E080] =	vst v63  }
0xc2: {  	_ =	swait.ge [sflag:s23], $0x3E80  }
0xc3: {  	[sflag:s23] =	ssyncset.done $0x0  }
0xc4: {  	s13 =	simm.s32 $0x100;
	[sflag:s23] =	ssyncadd.s32 $0xFFFFC180  }
0xc5: {  	[tilespmem:s26], [sflag:$0x1] =	stream.indirect.gather [hbm4b:s4+s25], $0x80, s13, s25, $0xb8;
	[tilespmem:$0x1E080] =	vst v63  }
0xc6: {  	_ =	swait.ge [sflag:s31], $0x3E80  }
0xc7: {  	[sflag:s31] =	ssyncset.done $0x0  }
0xc8: {  	s14 =	simm.s32 $0x1480;
	[sflag:s31] =	ssyncadd.s32 $0xFFFFC180  }
0xc9: {  	[spmem:s2] =	stream.indirect.scatter.add.f32 [tilespmem:s29], [sflag:$0x4], $0x80, s14, s25, $0xb8;
	[tilespmem:$0x1E080] =	vst v63  }
0xca: {  	_ =	swait.ge [sflag:s23], $0x3E80  }
0xcb: {  	[sflag:s23] =	ssyncset.done $0x0  }
0xcc: {  	s12 =	simm.s32 $0x400;
	s13 =	simm.s32 $0x180;
	[sflag:s23] =	ssyncadd.s32 $0xFFFFC180  }
.LBB2_3:
0xcd: {  	[tilespmem:s29], [sflag:$0x2] =	stream.indirect.gather [hbm4b:s4+s25], $0x80, s13, s25, $0xb8;
	[tilespmem:$0x1E080] =	vst v63  }
0xce: {  	s13 =	smov.u32 s12  }
0xcf: {  	p2 =	sne.s32 s12, $0x4800;
	s12 =	sadd.s32 $0x400, s12;
	_ =	swait.ge [sflag:s30], $0x3E80  }
0xd0: {  	s13 =	sshra.s32 s13, $0x2;
	[sflag:s30] =	ssyncset.done $0x0  }
0xd1: {  	s14 =	sadd.s32 $0x1400, s13;
	[sflag:s30] =	ssyncadd.s32 $0xFFFFC180  }
0xd2: {  	[spmem:s2] =	stream.indirect.scatter.add.f32 [tilespmem:s26], [sflag:$0x4], $0x80, s14, s25, $0xb8;
	[tilespmem:$0x1E080] =	vst v63  }
0xd3: {  	_ =	swait.ge [sflag:s23], $0x3E80  }
0xd4: {  	[sflag:s23] =	ssyncset.done $0x0  }
0xd5: {  	s14 =	sadd.s32 $0x100, s13;
	[sflag:s23] =	ssyncadd.s32 $0xFFFFC180  }
0xd6: {  	[tilespmem:s26], [sflag:$0x1] =	stream.indirect.gather [hbm4b:s4+s25], $0x80, s14, s25, $0xb8;
	[tilespmem:$0x1E080] =	vst v63  }
0xd7: {  	_ =	swait.ge [sflag:s31], $0x3E80  }
0xd8: {  	[sflag:s31] =	ssyncset.done $0x0  }
.Ltmp6:
0xd9: {  	s14 =	sadd.s32 $0x1480, s13;
	[sflag:s31] =	ssyncadd.s32 $0xFFFFC180;
	(pc) =	sbr.rel @p2 .LBB2_3-.Ltmp6, $4  }
0xda: {  	[spmem:s2] =	stream.indirect.scatter.add.f32 [tilespmem:s29], [sflag:$0x4], $0x80, s14, s25, $0xb8;
	[tilespmem:$0x1E080] =	vst v63  }
0xdb: {  	_ =	swait.ge [sflag:s23], $0x3E80  }
0xdc: {  	[sflag:s23] =	ssyncset.done $0x0  }
0xdd: {  	s13 =	sadd.s32 $0x180, s13;
	[sflag:s23] =	ssyncadd.s32 $0xFFFFC180  }
0xde: {  	[tilespmem:s29], [sflag:$0x2] =	stream.indirect.gather [hbm4b:s4+s25], $0x80, s13, s25, $0xb8;
	[tilespmem:$0x1E080] =	vst v63  }
0xdf: {  	_ =	swait.ge [sflag:s30], $0x3E80  }
0xe0: {  	[sflag:s30] =	ssyncset.done $0x0  }
0xe1: {  	[sflag:s30] =	ssyncadd.s32 $0xFFFFC180  }
0xe2: {  	[spmem:s2] =	stream.indirect.scatter.add.f32 [tilespmem:s26], [sflag:$0x4], $0x80, s0, s25, $0xb8;
	[tilespmem:$0x1E080] =	vst v63  }
0xe3: {  	_ =	swait.ge [sflag:s23], $0x3E80  }
0xe4: {  	[sflag:s23] =	ssyncset.done $0x0  }
0xe5: {  	[sflag:s23] =	ssyncadd.s32 $0xFFFFC180  }
0xe6: {  	_ =	swait.ge [sflag:s31], $0x3E80  }
0xe7: {  	[sflag:s31] =	ssyncset.done $0x0  }
0xe8: {  	[sflag:s31] =	ssyncadd.s32 $0xFFFFC180  }
0xe9: {  	[spmem:s2] =	stream.indirect.scatter.add.f32 [tilespmem:s29], [sflag:$0x4], $0x80, s1, s25, $0xb8;
	[tilespmem:$0x1E080] =	vst v63  }
0xea: {  	_ =	swait.ge [sflag:s23], $0x3E80  }
0xeb: {  	[sflag:s23] =	ssyncset.done $0x0  }
0xec: {  	s12 =	simm.s32 $0x0;
	[sflag:s23] =	ssyncadd.s32 $0xFFFFC180  }
0xed: {  	[tilespmem:s12], [sflag:$0x4] =	stream.linear.gather [hbm4b:s10+s12], $0x1400, $0x38;
	[tilespmem:$0x1E080] =	vst v63  }
0xee: {  	_ =	swait.ge [sflag:s23], $0x1400  }
0xef: {  	[sflag:s23] =	ssyncset.done $0x0  }
0xf0: {  	[sflag:s23] =	ssyncadd.s32 $0xFFFFEC00  }
0xf1: {  	[tilespmem:s24], [sflag:$0x4] =	stream.linear.gather [hbm4b:s11+s12], $0x1400, $0x38;
	[tilespmem:$0x1E080] =	vst v63  }
0xf2: {  	_ =	swait.ge [sflag:s23], $0x1400  }
0xf3: {  	[sflag:s23] =	ssyncset.done $0x0  }
0xf4: {  	[sflag:s23] =	ssyncadd.s32 $0xFFFFEC00  }
0xf5: {  	[tilespmem:s26], [sflag:$0x1] =	stream.indirect.gather [hbm4b:s4+s25], $0x80, s12, s25, $0xb8;
	[tilespmem:$0x1E080] =	vst v63  }
0xf6: {  	_ = 	snop  }
0xf7: {  	[tilespmem:s29], [sflag:$0x2] =	stream.indirect.gather [hbm4b:s4+s25], $0x80, s28, s25, $0xb8;
	[tilespmem:$0x1E080] =	vst v63  }
0xf8: {  	_ =	swait.ge [sflag:s30], $0x3E80  }
0xf9: {  	[sflag:s30] =	ssyncset.done $0x0  }
0xfa: {  	s14 =	simm.s32 $0x1400;
	[sflag:s30] =	ssyncadd.s32 $0xFFFFC180  }
0xfb: {  	[spmem:s2] =	stream.indirect.scatter.add.f32 [tilespmem:s26], [sflag:$0x4], $0x80, s14, s25, $0xb8;
	[tilespmem:$0x1E080] =	vst v63  }
0xfc: {  	_ =	swait.ge [sflag:s23], $0x3E80  }
0xfd: {  	[sflag:s23] =	ssyncset.done $0x0  }
0xfe: {  	s13 =	simm.s32 $0x100;
	[sflag:s23] =	ssyncadd.s32 $0xFFFFC180  }
0xff: {  	[tilespmem:s26], [sflag:$0x1] =	stream.indirect.gather [hbm4b:s4+s25], $0x80, s13, s25, $0xb8;
	[tilespmem:$0x1E080] =	vst v63  }
0x100: {  	_ =	swait.ge [sflag:s31], $0x3E80  }
0x101: {  	[sflag:s31] =	ssyncset.done $0x0  }
0x102: {  	s14 =	simm.s32 $0x1480;
	[sflag:s31] =	ssyncadd.s32 $0xFFFFC180  }
0x103: {  	[spmem:s2] =	stream.indirect.scatter.add.f32 [tilespmem:s29], [sflag:$0x4], $0x80, s14, s25, $0xb8;
	[tilespmem:$0x1E080] =	vst v63  }
0x104: {  	_ =	swait.ge [sflag:s23], $0x3E80  }
0x105: {  	[sflag:s23] =	ssyncset.done $0x0  }
0x106: {  	s12 =	simm.s32 $0x400;
	s13 =	simm.s32 $0x180;
	[sflag:s23] =	ssyncadd.s32 $0xFFFFC180  }
.LBB2_5:
0x107: {  	[tilespmem:s29], [sflag:$0x2] =	stream.indirect.gather [hbm4b:s4+s25], $0x80, s13, s25, $0xb8;
	[tilespmem:$0x1E080] =	vst v63  }
0x108: {  	s13 =	smov.u32 s12  }
0x109: {  	p2 =	sne.s32 s12, $0x4800;
	s12 =	sadd.s32 $0x400, s12;
	_ =	swait.ge [sflag:s30], $0x3E80  }
0x10a: {  	s13 =	sshra.s32 s13, $0x2;
	[sflag:s30] =	ssyncset.done $0x0  }
0x10b: {  	s14 =	sadd.s32 $0x1400, s13;
	[sflag:s30] =	ssyncadd.s32 $0xFFFFC180  }
0x10c: {  	[spmem:s2] =	stream.indirect.scatter.add.f32 [tilespmem:s26], [sflag:$0x4], $0x80, s14, s25, $0xb8;
	[tilespmem:$0x1E080] =	vst v63  }
0x10d: {  	_ =	swait.ge [sflag:s23], $0x3E80  }
0x10e: {  	[sflag:s23] =	ssyncset.done $0x0  }
0x10f: {  	s14 =	sadd.s32 $0x100, s13;
	[sflag:s23] =	ssyncadd.s32 $0xFFFFC180  }
0x110: {  	[tilespmem:s26], [sflag:$0x1] =	stream.indirect.gather [hbm4b:s4+s25], $0x80, s14, s25, $0xb8;
	[tilespmem:$0x1E080] =	vst v63  }
0x111: {  	_ =	swait.ge [sflag:s31], $0x3E80  }
0x112: {  	[sflag:s31] =	ssyncset.done $0x0  }
.Ltmp7:
0x113: {  	s14 =	sadd.s32 $0x1480, s13;
	[sflag:s31] =	ssyncadd.s32 $0xFFFFC180;
	(pc) =	sbr.rel @p2 .LBB2_5-.Ltmp7, $4  }
0x114: {  	[spmem:s2] =	stream.indirect.scatter.add.f32 [tilespmem:s29], [sflag:$0x4], $0x80, s14, s25, $0xb8;
	[tilespmem:$0x1E080] =	vst v63  }
0x115: {  	_ =	swait.ge [sflag:s23], $0x3E80  }
0x116: {  	[sflag:s23] =	ssyncset.done $0x0  }
0x117: {  	s13 =	sadd.s32 $0x180, s13;
	[sflag:s23] =	ssyncadd.s32 $0xFFFFC180  }
0x118: {  	[tilespmem:s29], [sflag:$0x2] =	stream.indirect.gather [hbm4b:s4+s25], $0x80, s13, s25, $0xb8;
	[tilespmem:$0x1E080] =	vst v63  }
0x119: {  	_ =	swait.ge [sflag:s30], $0x3E80  }
0x11a: {  	[sflag:s30] =	ssyncset.done $0x0  }
0x11b: {  	[sflag:s30] =	ssyncadd.s32 $0xFFFFC180  }
0x11c: {  	[spmem:s2] =	stream.indirect.scatter.add.f32 [tilespmem:s26], [sflag:$0x4], $0x80, s0, s25, $0xb8;
	[tilespmem:$0x1E080] =	vst v63  }
0x11d: {  	_ =	swait.ge [sflag:s23], $0x3E80  }
0x11e: {  	[sflag:s23] =	ssyncset.done $0x0  }
0x11f: {  	[sflag:s23] =	ssyncadd.s32 $0xFFFFC180  }
0x120: {  	_ =	swait.ge [sflag:s31], $0x3E80  }
0x121: {  	[sflag:s31] =	ssyncset.done $0x0  }
0x122: {  	[sflag:s31] =	ssyncadd.s32 $0xFFFFC180  }
0x123: {  	[spmem:s2] =	stream.indirect.scatter.add.f32 [tilespmem:s29], [sflag:$0x4], $0x80, s1, s25, $0xb8;
	[tilespmem:$0x1E080] =	vst v63  }
0x124: {  	_ =	swait.ge [sflag:s23], $0x3E80  }
0x125: {  	[sflag:s23] =	ssyncset.done $0x0  }
0x126: {  	[sflag:s23] =	ssyncadd.s32 $0xFFFFC180  }
0x127: {  	[bflag:$0x0] =	sbarrier.arrive $0xFFFF  }
0x128: {  	s12 =	simm.s32 @p1 $0x1FC4;
	s13 =	rddreg [dreg:$0x6]  }
0x129: {  	[hbm:s13], [sflag:s12] =	dma.local @p1 [spmem:s20], $0x1900  }
0x12a: {  	s12 =	simm.s32 @p1 $0x4  }
0x12b: {  	_ =	swait.ge @p1 [sflag:s12], $0x1900  }
0x12c: {  	[sflag:s12] =	ssyncset.done @p1 $0x0  }
0x12d: {  	[sflag:s12] =	ssyncadd.s32 @p1 $0xFFFFE700;
	s12 =	rddreg [dreg:$0x5]  }
0x12e: {  	[hbm:s12], [sflag:s7] =	dma.local @!p1 [spmem:s22], $0x2800  }
.Ltmp8:
0x12f: {  	_ = 	snop;
	(pc) =	sbr.rel .LBB2_12-.Ltmp8, $4  }
0x130: {  	s7 =	simm.s32 @!p1 $0x4  }
0x131: {  	_ =	swait.ge @!p1 [sflag:s7], $0x2800  }
0x132: {  	[sflag:s7] =	ssyncset.done @!p1 $0x0  }
0x133: {  	[sflag:s7] =	ssyncadd.s32 @!p1 $0xFFFFD800  }
.LBB2_13:
0x134: {  	_ =	sfence.sel $0x180000  }
0x135: {  	[bflag:$0x0] =	sbarrier.arrive $0xFFFF  }
0x136: {  	_ =	strace $0x9000004A  }
0x137: {  	s0 =	stileid.u32;
	[bflag:$0x2] =	sbarrier.arrive $0xFFFF  }
0x138: {  	p0 =	sne.s32 s0, $0x0;
	s0 =	rddreg [dreg:$0x2]  }
0x139: {  	s0 =	sadd.s32 @!p0 $0x100000, s0  }
0x13a: {  	[sflag:s0] =	ssyncadd.tile.s32 @!p0 $0x1;
	_ =	shalt  }
.Lfunc_end2:
_tile_overlayer_lowered:
.L_overlay_start_2:
0x13b: {  	(tag) =	ssettag $0x2  }
0x13c: {  	s0 =	rddreg [dreg:$0x0];
	s2 =	stileid.u32  }
0x13d: {  	s1 =	rddreg [dreg:$0x1];
	p0 =	sne.s32 s2, $0x0  }
0x13e: {  	s3 =	rddreg [dreg:$0x2];
	[bflag:$0x3] =	sbarrier.arrive $0xFFFF;
	s2 =	simm.s32 @!p0 $0x1C04  }
0x13f: {  	[timem:s3], [sflag:s2] =	dma.local @!p0 [hbm:s0], s1  }
0x140: {  	s0 =	simm.s32 @!p0 $0x4  }
0x141: {  	_ =	swait.ge @!p0 [sflag:s0], s1  }
0x142: {  	s1 =	ssub.s32 @!p0 $0x0, s1;
	[sflag:s0] =	ssyncset.done @!p0 $0x0  }
0x143: {  	[sflag:s0] =	ssyncadd.s32 @!p0 s1  }
0x144: {  	[bflag:$0x3] =	sbarrier.arrive $0xFFFF  }
0x145: {  	_ =	shalt  }

// kernel: kernel.16.cloned.1.call-start
scs
__scs_entry_jumppad:
0x0: {  	(pc) =	sbr.rel $0x88, $3  }
0x1: {  	(tag) =	ssettag $0x0;
	lr =	simm.s32 $0x1  }
0x2: {  	[smem:$0x3F97] =	sst lr;
	_ =	strace $0xD0000000  }
0x3: {  	_ = 	snop  }
0x4: {  	_ = 	snop  }
0x5: {  	_ = 	snop  }
0x6: {  	_ = 	snop  }
0x7: {  	_ = 	snop  }
__scs_overlays_trampoline_lowered:
0x8: {  	[smem:$0x3FA6] =	sst s0  }
0x9: {  	[smem:$0x3FA7] =	sst s1  }
0xa: {  	[smem:$0x3FA8] =	sst s2  }
0xb: {  	[smem:$0x3FA9] =	sst s3  }
0xc: {  	[smem:$0x3FAA] =	sst s4  }
0xd: {  	[smem:$0x3FAB] =	sst s5  }
0xe: {  	[smem:$0x3FAC] =	sst s6  }
0xf: {  	[smem:$0x3FAD] =	sst s7  }
0x10: {  	[smem:$0x3FAE] =	sst s8  }
0x11: {  	[smem:$0x3FAF] =	sst s9;
	s0 =	simm.s32 @!p0 $0x0  }
0x12: {  	s1 =	sld [smem:$0x3F95];
	s0 =	simm.s32 @p0 $0x1  }
0x13: {  	[smem:$0x3FB0] =	sst s0;
	s0 =	simm.s32 @!p1 $0x0  }
0x14: {  	s2 =	sld [smem:$0x3F94];
	s0 =	simm.s32 @p1 $0x1  }
0x15: {  	[smem:$0x3FB1] =	sst s0;
	s0 =	simm.s32 @!p2 $0x0  }
0x16: {  	s3 =	sld [smem:$0x3FDB];
	s0 =	simm.s32 @p2 $0x1  }
0x17: {  	s4 =	simm.s32 $0x1BF5;
	[smem:$0x3FB3] =	sst s0  }
0x18: {  	s0 =	sld [smem:$0x3F96];
	_ =	swait.ge [sflag:s4], $0x0  }
0x19: {  	s7 =	sld [smem:$0x3F97]  }
0x1a: {  	s8 =	sadd.s32 $0xFFFFE003, lr  }
0x1b: {  	s9 =	sadd.s32 $0xFFFFFEF7, lr;
	s5 =	simm.s32 $0xFFFFFFFF;
	p2 =	slt.u32 s8, $0xFFFFF086  }
0x1c: {  	p1 =	slt.u32 s9, $0xF7A;
	s5 =	simm.s32 @!p2 $0x0  }
0x1d: {  	s5 =	simm.s32 @p1 $0x1;
	p0 =	seq.s32 s7, s2  }
0x1e: {  	s7 =	smul.u32 @!p0 $0xF7A, s2;
	p2 =	seq.s32 @!p0 s5, $0x0  }
0x1f: {  	s9 =	smul.u32 $0xF7A, s1;
	s8 =	simm.s32 @!p0 $0x1BF5;
	p2 =	por !p2, p0  }
0x20: {  	[sflag:s8] =	ssyncset.s32 @!p0 $0xFFFFF086;
	s6 =	sadd.s32 @!p0 s3, s7;
	s7 =	simm.s32 @!p0 $0x108  }
0x21: {  	s3 =	sadd.s32 s3, s9;
	s6 =	sadd.s32 @!p0 $0x88, s6;
	s7 =	simm.s32 @p2 $0x1082  }
0x22: {  	[simem:s7], [sflag:s8] =	dma.local @!p0 [hbm:s6], $0xF7A  }
0x23: {  	s9 =	sor.u32 $0xD0000000, s2;
	s6 =	simm.s32 $0x108;
	_ =	swait.ge @!p0 [sflag:s8], $0x0  }
0x24: {  	s3 =	sadd.s32 $0x88, s3;
	s6 =	simm.s32 @!p1 $0x1082;
	[sflag:s4] =	ssyncset.s32 $0xFFFFF086  }
0x25: {  	[simem:s6], [sflag:s4] =	dma.local [hbm:s3], $0xF7A  }
0x26: {  	[smem:$0x3F97] =	sst s1;
	(tag) =	ssettag s2;
	_ =	strace s9  }
0x27: {  	s1 =	sld [smem:$0x3FA7]  }
0x28: {  	s2 =	sld [smem:$0x3FA8]  }
0x29: {  	s4 =	sld [smem:$0x3FAA]  }
0x2a: {  	p0 =	seq.s32 s5, $0x0;
	s5 =	sld [smem:$0x3FAB]  }
0x2b: {  	s6 =	sld [smem:$0x3FAC]  }
0x2c: {  	s7 =	sld [smem:$0x3FAD]  }
0x2d: {  	s3 =	simm.s32 $0x108;
	s8 =	sld [smem:$0x3FAE]  }
0x2e: {  	s3 =	simm.s32 @!p0 $0x1082;
	s9 =	sld [smem:$0x3FAF]  }
0x2f: {  	lr =	sadd.s32 s0, s3;
	s0 =	sld [smem:$0x3FA6]  }
0x30: {  	s3 =	sld [smem:$0x3FA9]  }
0x31: {  	[smem:$0x3FB2] =	sst s10  }
0x32: {  	s10 =	sld [smem:$0x3FB0];
	_ =	sdelay $0x3  }
0x33: {  	p0 =	seq.s32 s10, $0x1;
	s10 =	sld [smem:$0x3FB2];
	_ =	sdelay $0x3  }
0x34: {  	[smem:$0x3FB2] =	sst s10  }
0x35: {  	s10 =	sld [smem:$0x3FB1];
	_ =	sdelay $0x3  }
0x36: {  	p1 =	seq.s32 s10, $0x1;
	s10 =	sld [smem:$0x3FB2];
	_ =	sdelay $0x3  }
0x37: {  	[smem:$0x3FB2] =	sst s10  }
0x38: {  	s10 =	sld [smem:$0x3FB3]  }
0x39: {  	_ = 	snop;
	(pc) =	sbr.ind lr, $3  }
0x3a: {  	_ = 	snop  }
0x3b: {  	_ = 	snop  }
0x3c: {  	p2 =	seq.s32 s10, $0x1;
	s10 =	sld [smem:$0x3FB2]  }
0x3d: {  	_ =	shalt  }
0x3e: {  	_ =	shalt  }
0x3f: {  	_ =	shalt  }
0x40: {  	_ =	shalt  }
0x41: {  	_ =	shalt  }
0x42: {  	_ =	shalt  }
0x43: {  	_ =	shalt  }
0x44: {  	_ =	shalt  }
0x45: {  	_ =	shalt  }
0x46: {  	_ =	shalt  }
0x47: {  	_ =	shalt  }
0x48: {  	_ =	shalt  }
0x49: {  	_ =	shalt  }
0x4a: {  	_ =	shalt  }
0x4b: {  	_ =	shalt  }
0x4c: {  	_ =	shalt  }
0x4d: {  	_ =	shalt  }
0x4e: {  	_ =	shalt  }
0x4f: {  	_ =	shalt  }
0x50: {  	_ =	shalt  }
0x51: {  	_ =	shalt  }
0x52: {  	_ =	shalt  }
0x53: {  	_ =	shalt  }
0x54: {  	_ =	shalt  }
0x55: {  	_ =	shalt  }
0x56: {  	_ =	shalt  }
0x57: {  	_ =	shalt  }
0x58: {  	_ =	shalt  }
0x59: {  	_ =	shalt  }
0x5a: {  	_ =	shalt  }
0x5b: {  	_ =	shalt  }
0x5c: {  	_ =	shalt  }
0x5d: {  	_ =	shalt  }
0x5e: {  	_ =	shalt  }
0x5f: {  	_ =	shalt  }
0x60: {  	_ =	shalt  }
0x61: {  	_ =	shalt  }
0x62: {  	_ =	shalt  }
0x63: {  	_ =	shalt  }
0x64: {  	_ =	shalt  }
0x65: {  	_ =	shalt  }
0x66: {  	_ =	shalt  }
0x67: {  	_ =	shalt  }
0x68: {  	_ =	shalt  }
0x69: {  	_ =	shalt  }
0x6a: {  	_ =	shalt  }
0x6b: {  	_ =	shalt  }
0x6c: {  	_ =	shalt  }
0x6d: {  	_ =	shalt  }
0x6e: {  	_ =	shalt  }
0x6f: {  	_ =	shalt  }
0x70: {  	_ =	shalt  }
0x71: {  	_ =	shalt  }
0x72: {  	_ =	shalt  }
0x73: {  	_ =	shalt  }
0x74: {  	_ =	shalt  }
0x75: {  	_ =	shalt  }
0x76: {  	_ =	shalt  }
0x77: {  	_ =	shalt  }
0x78: {  	_ =	shalt  }
0x79: {  	_ =	shalt  }
0x7a: {  	_ =	shalt  }
0x7b: {  	_ =	shalt  }
0x7c: {  	_ =	shalt  }
0x7d: {  	_ =	shalt  }
0x7e: {  	_ =	shalt  }
0x7f: {  	_ =	shalt  }
0x80: {  	_ =	shalt  }
0x81: {  	_ =	shalt  }
0x82: {  	_ =	shalt  }
0x83: {  	_ =	shalt  }
0x84: {  	_ =	shalt  }
0x85: {  	_ =	shalt  }
0x86: {  	_ =	shalt  }
0x87: {  	_ =	shalt  }
.Lfunc_end0:
.L_simem_size_0:
called_computation.2_lowered:
.L_overlay_start_0:
0x88: {  	s2 =	sld [smem:$0x3FD9]  }
0x89: {  	s3 =	sld [smem:$0x3FFE];
	_ =	sdelay $0x1  }
0x8a: {  	s1 =	srdreg.scid  }
0x8b: {  	s0 =	sand.u32 $0x1, s1  }
0x8c: {  	s16 =	sshll.u32 s0, $0xA;
	s2 =	sadd.s32 s3, s2  }
0x8d: {  	s2 =	sadd.s32 s2, s16  }
0x8e: {  	[smem:$0x3FBE] =	sst s2  }
0x8f: {  	_ = 	snop  }
0x90: {  	(tm) =	ssettm $0x1  }
0x91: {  	s17 =	sld [smem:$0x3FFB];
	_ =	sdelay $0x3  }
0x92: {  	_ =	strace s17  }
0x93: {  	s2 =	sld [smem:$0x3FFC];
	_ =	sdelay $0x3  }
0x94: {  	_ =	strace s2  }
0x95: {  	s2 =	sld [smem:$0x3FFD];
	_ =	sdelay $0x3  }
0x96: {  	_ =	strace s2  }
0x97: {  	_ =	strace $0x8FFFFFFF  }
0x98: {  	s18 =	sld [smem:$0x3FDB];
	_ =	sdelay $0x1  }
0x99: {  	s19 =	simm.s32 $_scs_section_size  }
0x9a: {  	s4 =	simm.s32 $_size__tile_overlayer_lowered;
	s5 =	simm.s32 $_tile_overlayer_lowered  }
0x9b: {  	s22 =	simm.s32 $0x1BFF;
	s21 =	sshll.u32 s5, $0x1;
	s2 =	sadd.s32 s19, s18  }
0x9c: {  	s6 =	simm.s32 $0x0;
	s20 =	sshll.u32 s4, $0x1;
	s4 =	sadd.s32 s21, s2  }
0x9d: {  	[timem:s6], [sflag:s22] =	dma.local [hbm:s4], s20  }
0x9e: {  	_ =	swait.ge [sflag:s22], s20  }
0x9f: {  	s3 =	ssub.s32 $0x0, s20;
	[sflag:s22] =	ssyncset.done $0x0  }
0xa0: {  	[sflag:s22] =	ssyncadd.s32 s3;
	_ =	sdelay $0x1  }
0xa1: {  	s23 =	simm.s32 $0x1B8B  }
0xa2: {  	_ =	swait.ge [sflag:s23], $0x1  }
0xa3: {  	[sflag:s23] =	ssyncset.done $0x0  }
0xa4: {  	s25 =	simm.s32 $0x1B8E;
	s24 =	sld [smem:$0x3FFE];
	[sflag:s23] =	ssyncadd.s32 $0xFFFFFFFF  }
0xa5: {  	s26 =	simm.s32 $execute0_lowered;
	[smem:$0x3FD2] =	sst s25  }
0xa6: {  	s4 =	sshll.u32 s26, $0x1;
	_ =	strace $0x8000004C;
	[dreg:$0x1] =	wrdreg $0xFFFFFFFF  }
0xa7: {  	s28 =	simm.s32 $_size_execute0_lowered;
	s2 =	sadd.s32 s2, s4;
	[dreg:$0x0] =	wrdreg $0x0  }
0xa8: {  	s4 =	sshll.u32 s28, $0x1;
	[dreg:$0x2] =	wrdreg s2  }
0xa9: {  	[dreg:$0x3] =	wrdreg s4  }
0xaa: {  	[dreg:$0x4] =	wrdreg $0xC0  }
0xab: {  	_ =	task [dreg:s6], $0x5FFFF  }
0xac: {  	[dreg:$0x1] =	wrdreg $0xFFFFFFFF  }
0xad: {  	[dreg:$0x0] =	wrdreg $0x60  }
0xae: {  	[dreg:$0x2] =	wrdreg s24  }
0xaf: {  	[dreg:$0x3] =	wrdreg $0xA8000  }
0xb0: {  	[dreg:$0x4] =	wrdreg $0x9  }
0xb1: {  	_ =	task.clear_ibuf [dreg:s6], $0x5FFFF;
	_ =	strace $0x9000004C  }
0xb2: {  	s29 =	simm.s32 $0x9;
	_ =	strace $0x8000004E  }
0xb3: {  	_ =	swait.ge [sflag:s29], $0x1  }
0xb4: {  	[sflag:s29] =	ssyncadd.s32 $0xFFFFFFFF  }
0xb5: {  	_ =	strace $0x9000004E  }
0xb6: {  	_ =	sfence  }
0xb7: {  	s30 =	sld [smem:$0x0];
	_ =	sdelay $0x2  }
0xb8: {  	s31 =	sshll.u32 s1, $0xD;
	s1 =	sshrl.u32 s1, $0x2  }
0xb9: {  	s3 =	sand.u32 $0x4000, s31;
	s1 =	sadd.s32 s1, s30  }
0xba: {  	s0 =	sor.u32 s3, s0;
	s1 =	sshll.u32 s1, $0x11  }
0xbb: {  	s0 =	sor.u32 s1, s0  }
0xbc: {  	s0 =	sadd.s32 $0x8F2B, s0  }
0xbd: {  	[sflag:s0] =	ssyncadd.remote.s32 $0x1  }
0xbe: {  	_ =	sfence.sel $0xFFFF  }
0xbf: {  	[dreg:$0x0] =	wrdreg $0xFFFFFFFF;
	(pc) =	sbr.abs _section_cstart, $3  }
0xc0: {  	[dreg:$0x1] =	wrdreg $0xFFFFFFFF  }
0xc1: {  	_ =	task.clear_ibuf [dreg:s6], $0x2FFFF;
	_ =	strace $0x9FFFFFFF  }
0xc2: {  	(tm) =	ssettm $0x7FFFFFFF  }
0xc3: {  	_ =	shalt  }
tec
execute0_lowered:
.L_overlay_start_1:
0x0: {  	(tag) =	ssettag $0x1  }
0x1: {  	s0 =	rddreg [dreg:$0x0]  }
0x2: {  	s2 =	rddreg [dreg:$0x1];
	s3 =	simm.s32 $0x0  }
0x3: {  	s14 =	stileid.u32;
	s5 =	srdreg.scid;
	s28 =	simm.s32 $0x80  }
0x4: {  	s29 =	simm.s32 $0x6800;
	s30 =	simm.s32 $0x1;
	s31 =	simm.s32 $0x2  }
0x5: {  	[smem:$0x7FF] =	sst s3;
	s1 =	smul.u32 $0x2800, s14;
	s4 =	sadd.s32 $0x38000, s0  }
0x6: {  	s7 =	sand.u32 $0x1, s5;
	s8 =	smul.u32 $0x50000, s14;
	s5 =	sadd.s32 $0x5F200, s0  }
0x7: {  	s20 =	sadd.s32 $0x12C000, s2;
	s24 =	sadd.s32 $0x5D800, s0;
	s26 =	sadd.s32 $0xD2E00, s0  }
0x8: {  	s15 =	sadd.s32 $0x84A00, s0;
	p1 =	seq.s32 s14, $0xF;
	s17 =	sadd.s32 $0xFA000, s0  }
0x9: {  	_ =	strace $0x8000004D;
	s9 =	ssub.s32 $0x2, s7;
	[dreg:$0x4] =	wrdreg s24  }
0xa: {  	p0 =	seq.s32 s7, $0x1;
	[dreg:$0x6] =	wrdreg s26;
	s18 =	sshll.u32 @!p1 s14, $0x6  }
0xb: {  	s20 =	sshrl.u32 @p1 s20, $0x3;
	s24 =	simm.s32 $0x1400;
	s26 =	simm.s32 $0x2800  }
0xc: {  	s6 =	sshrl.u32 s1, $0x3;
	s12 =	sadd.s32 s1, s0;
	s10 =	sshrl.u32 s9, $0x1  }
0xd: {  	s8 =	sshrl.u32 s8, $0x2;
	s23 =	sadd.s32 s4, s1;
	s1 =	sadd.s32 s5, s1  }
0xe: {  	s21 =	sor.u32 @!p1 $0x1C03, s18;
	s6 =	sadd.s32 s6, s0;
	s13 =	ssub.s32 s9, s10  }
0xf: {  	s7 =	sadd.s32 s8, s2;
	[dreg:$0x3] =	wrdreg s23;
	s25 =	sadd.s32 $0xAD600, s12  }
.Ltmp0:
0x10: {  	[dreg:$0x7] =	wrdreg s1;
	s16 =	sadd.s32 $0xD4800, s12;
	(pc) =	sbr.rel .LBB2_1-.Ltmp0, $4  }
0x11: {  	s23 =	simm.s32 $0x4;
	s0 =	simm.s32 $0x2700;
	s1 =	simm.s32 $0x2780  }
0x12: {  	s8 =	sadd.s32 $0x5A00, s6;
	s9 =	sadd.s32 $0xAA00, s6;
	s10 =	sadd.s32 $0x5C80, s6  }
0x13: {  	s11 =	sadd.s32 $0xAC80, s6;
	[dreg:$0x5] =	wrdreg s25;
	s19 =	smax.u32 s13, $0x1  }
0x14: {  	s22 =	sshrl.u32 @!p1 s7, $0x3;
	s25 =	simm.s32 $0x7D;
	s6 =	simm.s32 $0x0  }
.LBB2_11:
0x15: {  	[tilespmem:s29], [sflag:$0x2] =	stream.indirect.gather [hbm4b:s5+s25], $0x80, s13, s25, $0xb8;
	[tilespmem:$0x1E080] =	vst v63  }
0x16: {  	_ =	swait.ge [sflag:s30], $0x3E80  }
0x17: {  	[sflag:s30] =	ssyncset.done $0x0  }
0x18: {  	[sflag:s30] =	ssyncadd.s32 $0xFFFFC180  }
0x19: {  	[spmem:s2] =	stream.indirect.scatter.add.f32 [tilespmem:s26], [sflag:$0x4], $0x80, s0, s25, $0xb8;
	[tilespmem:$0x1E080] =	vst v63  }
0x1a: {  	_ =	swait.ge [sflag:s23], $0x3E80  }
0x1b: {  	[sflag:s23] =	ssyncset.done $0x0  }
0x1c: {  	[sflag:s23] =	ssyncadd.s32 $0xFFFFC180  }
0x1d: {  	_ =	swait.ge [sflag:s31], $0x3E80  }
0x1e: {  	[sflag:s31] =	ssyncset.done $0x0  }
0x1f: {  	[sflag:s31] =	ssyncadd.s32 $0xFFFFC180  }
0x20: {  	[spmem:s2] =	stream.indirect.scatter.add.f32 [tilespmem:s29], [sflag:$0x4], $0x80, s1, s25, $0xb8;
	[tilespmem:$0x1E080] =	vst v63  }
0x21: {  	_ =	swait.ge [sflag:s23], $0x3E80  }
0x22: {  	[sflag:s23] =	ssyncset.done $0x0  }
0x23: {  	[sflag:s23] =	ssyncadd.s32 $0xFFFFC180  }
0x24: {  	s12 =	simm.s32 @p1 $0x1FC4;
	[bflag:$0x0] =	sbarrier.arrive $0xFFFF  }
0x25: {  	[hbm:s17], [sflag:s12] =	dma.local @p1 [spmem:s20], $0x1900  }
0x26: {  	s12 =	simm.s32 @p1 $0x4  }
0x27: {  	_ =	swait.ge @p1 [sflag:s12], $0x1900  }
0x28: {  	[sflag:s12] =	ssyncset.done @p1 $0x0  }
0x29: {  	[sflag:s12] =	ssyncadd.s32 @p1 $0xFFFFE700  }
0x2a: {  	[hbm:s16], [sflag:s7] =	dma.local @!p1 [spmem:s22], $0x2800  }
0x2b: {  	s7 =	simm.s32 @!p1 $0x4  }
0x2c: {  	_ =	swait.ge @!p1 [sflag:s7], $0x2800  }
0x2d: {  	[sflag:s7] =	ssyncset.done @!p1 $0x0  }
0x2e: {  	[sflag:s7] =	ssyncadd.s32 @!p1 $0xFFFFD800  }
.LBB2_12:
0x2f: {  	s6 =	sadd.s32 $0x1, s6  }
0x30: {  	p2 =	sne.s32 s6, s19  }
.Ltmp1:
0x31: {  	_ = 	snop;
	(pc) =	sbr.rel @!p2 .LBB2_13-.Ltmp1, $1  }
0x32: {  	_ =	sdelay $0x3  }
.LBB2_1:
.Ltmp2:
0x33: {  	(pc) =	sbr.rel @!p0 .LBB2_2-.Ltmp2, $2  }
0x34: {  	_ =	sdelay $0x2  }
0x35: {  	s7 =	sor.u32 @!p1 $0x1C04, s18  }
0x36: {  	s12 =	simm.s32 @p1 $0x1FC3  }
0x37: {  	[spmem:s20], [sflag:s12] =	dma.local @p1 [hbm:s15], $0x1900  }
0x38: {  	s12 =	rddreg [dreg:$0x7]  }
0x39: {  	[spmem:s22], [sflag:s21] =	dma.local @!p1 [hbm:s12], $0x2800  }
0x3a: {  	[tilespmem:s3], [sflag:$0x4] =	stream.linear.gather [hbm4b:s8+s3], $0x1400, $0x38;
	[tilespmem:$0x1E080] =	vst v63  }
0x3b: {  	_ =	swait.ge [sflag:s23], $0x1400  }
0x3c: {  	[sflag:s23] =	ssyncset.done $0x0  }
0x3d: {  	[sflag:s23] =	ssyncadd.s32 $0xFFFFEC00  }
0x3e: {  	[tilespmem:s24], [sflag:$0x4] =	stream.linear.gather [hbm4b:s9+s3], $0x1400, $0x38;
	[tilespmem:$0x1E080] =	vst v63  }
0x3f: {  	_ =	swait.ge [sflag:s23], $0x1400  }
0x40: {  	[sflag:s23] =	ssyncset.done $0x0  }
0x41: {  	[sflag:s23] =	ssyncadd.s32 $0xFFFFEC00  }
0x42: {  	[tilespmem:s26], [sflag:$0x1] =	stream.indirect.gather [hbm4b:s5+s25], $0x80, s3, s25, $0xb8;
	[tilespmem:$0x1E080] =	vst v63  }
0x43: {  	s12 =	simm.s32 @p1 $0x3  }
0x44: {  	[tilespmem:s29], [sflag:$0x2] =	stream.indirect.gather [hbm4b:s5+s25], $0x80, s28, s25, $0xb8;
	[tilespmem:$0x1E080] =	vst v63  }
0x45: {  	_ =	swait.ge @p1 [sflag:s12], $0x1900  }
0x46: {  	[sflag:s12] =	ssyncset.done @p1 $0x0  }
0x47: {  	[sflag:s12] =	ssyncadd.s32 @p1 $0xFFFFE700;
	s12 =	simm.s32 @!p1 $0x3  }
0x48: {  	_ =	swait.ge @!p1 [sflag:s12], $0x2800  }
0x49: {  	[sflag:s12] =	ssyncset.done @!p1 $0x0  }
0x4a: {  	[sflag:s12] =	ssyncadd.s32 @!p1 $0xFFFFD800  }
0x4b: {  	[bflag:$0x0] =	sbarrier.arrive $0xFFFF  }
0x4c: {  	_ =	swait.ge [sflag:s30], $0x3E80  }
0x4d: {  	[sflag:s30] =	ssyncset.done $0x0  }
0x4e: {  	s14 =	simm.s32 $0x1400;
	[sflag:s30] =	ssyncadd.s32 $0xFFFFC180  }
0x4f: {  	[spmem:s2] =	stream.indirect.scatter.add.f32 [tilespmem:s26], [sflag:$0x4], $0x80, s14, s25, $0xb8;
	[tilespmem:$0x1E080] =	vst v63  }
0x50: {  	_ =	swait.ge [sflag:s23], $0x3E80  }
0x51: {  	[sflag:s23] =	ssyncset.done $0x0  }
0x52: {  	s13 =	simm.s32 $0x100;
	[sflag:s23] =	ssyncadd.s32 $0xFFFFC180  }
0x53: {  	[tilespmem:s26], [sflag:$0x1] =	stream.indirect.gather [hbm4b:s5+s25], $0x80, s13, s25, $0xb8;
	[tilespmem:$0x1E080] =	vst v63  }
0x54: {  	_ =	swait.ge [sflag:s31], $0x3E80  }
0x55: {  	[sflag:s31] =	ssyncset.done $0x0  }
0x56: {  	s14 =	simm.s32 $0x1480;
	[sflag:s31] =	ssyncadd.s32 $0xFFFFC180  }
0x57: {  	[spmem:s2] =	stream.indirect.scatter.add.f32 [tilespmem:s29], [sflag:$0x4], $0x80, s14, s25, $0xb8;
	[tilespmem:$0x1E080] =	vst v63  }
0x58: {  	_ =	swait.ge [sflag:s23], $0x3E80  }
0x59: {  	[sflag:s23] =	ssyncset.done $0x0  }
0x5a: {  	s12 =	simm.s32 $0x400;
	s13 =	simm.s32 $0x180;
	[sflag:s23] =	ssyncadd.s32 $0xFFFFC180  }
.LBB2_8:
0x5b: {  	[tilespmem:s29], [sflag:$0x2] =	stream.indirect.gather [hbm4b:s5+s25], $0x80, s13, s25, $0xb8;
	[tilespmem:$0x1E080] =	vst v63  }
0x5c: {  	s13 =	smov.u32 s12  }
0x5d: {  	p2 =	sne.s32 s12, $0x4800;
	s12 =	sadd.s32 $0x400, s12;
	_ =	swait.ge [sflag:s30], $0x3E80  }
0x5e: {  	s13 =	sshra.s32 s13, $0x2;
	[sflag:s30] =	ssyncset.done $0x0  }
0x5f: {  	s14 =	sadd.s32 $0x1400, s13;
	[sflag:s30] =	ssyncadd.s32 $0xFFFFC180  }
0x60: {  	[spmem:s2] =	stream.indirect.scatter.add.f32 [tilespmem:s26], [sflag:$0x4], $0x80, s14, s25, $0xb8;
	[tilespmem:$0x1E080] =	vst v63  }
0x61: {  	_ =	swait.ge [sflag:s23], $0x3E80  }
0x62: {  	[sflag:s23] =	ssyncset.done $0x0  }
0x63: {  	s14 =	sadd.s32 $0x100, s13;
	[sflag:s23] =	ssyncadd.s32 $0xFFFFC180  }
0x64: {  	[tilespmem:s26], [sflag:$0x1] =	stream.indirect.gather [hbm4b:s5+s25], $0x80, s14, s25, $0xb8;
	[tilespmem:$0x1E080] =	vst v63  }
0x65: {  	_ =	swait.ge [sflag:s31], $0x3E80  }
0x66: {  	[sflag:s31] =	ssyncset.done $0x0  }
.Ltmp3:
0x67: {  	s14 =	sadd.s32 $0x1480, s13;
	[sflag:s31] =	ssyncadd.s32 $0xFFFFC180;
	(pc) =	sbr.rel @p2 .LBB2_8-.Ltmp3, $4  }
0x68: {  	[spmem:s2] =	stream.indirect.scatter.add.f32 [tilespmem:s29], [sflag:$0x4], $0x80, s14, s25, $0xb8;
	[tilespmem:$0x1E080] =	vst v63  }
0x69: {  	_ =	swait.ge [sflag:s23], $0x3E80  }
0x6a: {  	[sflag:s23] =	ssyncset.done $0x0  }
0x6b: {  	s13 =	sadd.s32 $0x180, s13;
	[sflag:s23] =	ssyncadd.s32 $0xFFFFC180  }
0x6c: {  	[tilespmem:s29], [sflag:$0x2] =	stream.indirect.gather [hbm4b:s5+s25], $0x80, s13, s25, $0xb8;
	[tilespmem:$0x1E080] =	vst v63  }
0x6d: {  	_ =	swait.ge [sflag:s30], $0x3E80  }
0x6e: {  	[sflag:s30] =	ssyncset.done $0x0  }
0x6f: {  	[sflag:s30] =	ssyncadd.s32 $0xFFFFC180  }
0x70: {  	[spmem:s2] =	stream.indirect.scatter.add.f32 [tilespmem:s26], [sflag:$0x4], $0x80, s0, s25, $0xb8;
	[tilespmem:$0x1E080] =	vst v63  }
0x71: {  	_ =	swait.ge [sflag:s23], $0x3E80  }
0x72: {  	[sflag:s23] =	ssyncset.done $0x0  }
0x73: {  	[sflag:s23] =	ssyncadd.s32 $0xFFFFC180  }
0x74: {  	_ =	swait.ge [sflag:s31], $0x3E80  }
0x75: {  	[sflag:s31] =	ssyncset.done $0x0  }
0x76: {  	[sflag:s31] =	ssyncadd.s32 $0xFFFFC180  }
0x77: {  	[spmem:s2] =	stream.indirect.scatter.add.f32 [tilespmem:s29], [sflag:$0x4], $0x80, s1, s25, $0xb8;
	[tilespmem:$0x1E080] =	vst v63  }
0x78: {  	_ =	swait.ge [sflag:s23], $0x3E80  }
0x79: {  	[sflag:s23] =	ssyncset.done $0x0  }
0x7a: {  	s12 =	simm.s32 $0x0;
	[sflag:s23] =	ssyncadd.s32 $0xFFFFC180  }
0x7b: {  	[tilespmem:s12], [sflag:$0x4] =	stream.linear.gather [hbm4b:s10+s12], $0x1400, $0x38;
	[tilespmem:$0x1E080] =	vst v63  }
0x7c: {  	_ =	swait.ge [sflag:s23], $0x1400  }
0x7d: {  	[sflag:s23] =	ssyncset.done $0x0  }
0x7e: {  	[sflag:s23] =	ssyncadd.s32 $0xFFFFEC00  }
0x7f: {  	[tilespmem:s24], [sflag:$0x4] =	stream.linear.gather [hbm4b:s11+s12], $0x1400, $0x38;
	[tilespmem:$0x1E080] =	vst v63  }
0x80: {  	_ =	swait.ge [sflag:s23], $0x1400  }
0x81: {  	[sflag:s23] =	ssyncset.done $0x0  }
0x82: {  	[sflag:s23] =	ssyncadd.s32 $0xFFFFEC00  }
0x83: {  	[tilespmem:s26], [sflag:$0x1] =	stream.indirect.gather [hbm4b:s5+s25], $0x80, s12, s25, $0xb8;
	[tilespmem:$0x1E080] =	vst v63  }
0x84: {  	_ = 	snop  }
0x85: {  	[tilespmem:s29], [sflag:$0x2] =	stream.indirect.gather [hbm4b:s5+s25], $0x80, s28, s25, $0xb8;
	[tilespmem:$0x1E080] =	vst v63  }
0x86: {  	_ =	swait.ge [sflag:s30], $0x3E80  }
0x87: {  	[sflag:s30] =	ssyncset.done $0x0  }
0x88: {  	s14 =	simm.s32 $0x1400;
	[sflag:s30] =	ssyncadd.s32 $0xFFFFC180  }
0x89: {  	[spmem:s2] =	stream.indirect.scatter.add.f32 [tilespmem:s26], [sflag:$0x4], $0x80, s14, s25, $0xb8;
	[tilespmem:$0x1E080] =	vst v63  }
0x8a: {  	_ =	swait.ge [sflag:s23], $0x3E80  }
0x8b: {  	[sflag:s23] =	ssyncset.done $0x0  }
0x8c: {  	s13 =	simm.s32 $0x100;
	[sflag:s23] =	ssyncadd.s32 $0xFFFFC180  }
0x8d: {  	[tilespmem:s26], [sflag:$0x1] =	stream.indirect.gather [hbm4b:s5+s25], $0x80, s13, s25, $0xb8;
	[tilespmem:$0x1E080] =	vst v63  }
0x8e: {  	_ =	swait.ge [sflag:s31], $0x3E80  }
0x8f: {  	[sflag:s31] =	ssyncset.done $0x0  }
0x90: {  	s14 =	simm.s32 $0x1480;
	[sflag:s31] =	ssyncadd.s32 $0xFFFFC180  }
0x91: {  	[spmem:s2] =	stream.indirect.scatter.add.f32 [tilespmem:s29], [sflag:$0x4], $0x80, s14, s25, $0xb8;
	[tilespmem:$0x1E080] =	vst v63  }
0x92: {  	_ =	swait.ge [sflag:s23], $0x3E80  }
0x93: {  	[sflag:s23] =	ssyncset.done $0x0  }
0x94: {  	s12 =	simm.s32 $0x400;
	s13 =	simm.s32 $0x180;
	[sflag:s23] =	ssyncadd.s32 $0xFFFFC180  }
.LBB2_10:
0x95: {  	[tilespmem:s29], [sflag:$0x2] =	stream.indirect.gather [hbm4b:s5+s25], $0x80, s13, s25, $0xb8;
	[tilespmem:$0x1E080] =	vst v63  }
0x96: {  	s13 =	smov.u32 s12  }
0x97: {  	p2 =	sne.s32 s12, $0x4800;
	s12 =	sadd.s32 $0x400, s12;
	_ =	swait.ge [sflag:s30], $0x3E80  }
0x98: {  	s13 =	sshra.s32 s13, $0x2;
	[sflag:s30] =	ssyncset.done $0x0  }
0x99: {  	s14 =	sadd.s32 $0x1400, s13;
	[sflag:s30] =	ssyncadd.s32 $0xFFFFC180  }
0x9a: {  	[spmem:s2] =	stream.indirect.scatter.add.f32 [tilespmem:s26], [sflag:$0x4], $0x80, s14, s25, $0xb8;
	[tilespmem:$0x1E080] =	vst v63  }
0x9b: {  	_ =	swait.ge [sflag:s23], $0x3E80  }
0x9c: {  	[sflag:s23] =	ssyncset.done $0x0  }
0x9d: {  	s14 =	sadd.s32 $0x100, s13;
	[sflag:s23] =	ssyncadd.s32 $0xFFFFC180  }
0x9e: {  	[tilespmem:s26], [sflag:$0x1] =	stream.indirect.gather [hbm4b:s5+s25], $0x80, s14, s25, $0xb8;
	[tilespmem:$0x1E080] =	vst v63  }
0x9f: {  	_ =	swait.ge [sflag:s31], $0x3E80  }
0xa0: {  	[sflag:s31] =	ssyncset.done $0x0  }
.Ltmp4:
0xa1: {  	s14 =	sadd.s32 $0x1480, s13;
	[sflag:s31] =	ssyncadd.s32 $0xFFFFC180;
	(pc) =	sbr.rel @p2 .LBB2_10-.Ltmp4, $4  }
0xa2: {  	[spmem:s2] =	stream.indirect.scatter.add.f32 [tilespmem:s29], [sflag:$0x4], $0x80, s14, s25, $0xb8;
	[tilespmem:$0x1E080] =	vst v63  }
0xa3: {  	_ =	swait.ge [sflag:s23], $0x3E80  }
0xa4: {  	[sflag:s23] =	ssyncset.done $0x0  }
0xa5: {  	s13 =	sadd.s32 $0x180, s13;
	[sflag:s23] =	ssyncadd.s32 $0xFFFFC180  }
.Ltmp5:
0xa6: {  	_ = 	snop;
	(pc) =	sbr.rel .LBB2_11-.Ltmp5, $1  }
0xa7: {  	_ =	sdelay $0x3  }
.LBB2_2:
0xa8: {  	s12 =	simm.s32 @p1 $0x1FC3;
	s13 =	rddreg [dreg:$0x4]  }
0xa9: {  	[spmem:s20], [sflag:s12] =	dma.local @p1 [hbm:s13], $0x1900  }
0xaa: {  	s12 =	rddreg [dreg:$0x3]  }
0xab: {  	[spmem:s22], [sflag:s21] =	dma.local @!p1 [hbm:s12], $0x2800  }
0xac: {  	[tilespmem:s3], [sflag:$0x4] =	stream.linear.gather [hbm4b:s8+s3], $0x1400, $0x38;
	[tilespmem:$0x1E080] =	vst v63  }
0xad: {  	_ =	swait.ge [sflag:s23], $0x1400  }
0xae: {  	[sflag:s23] =	ssyncset.done $0x0  }
0xaf: {  	[sflag:s23] =	ssyncadd.s32 $0xFFFFEC00  }
0xb0: {  	[tilespmem:s24], [sflag:$0x4] =	stream.linear.gather [hbm4b:s9+s3], $0x1400, $0x38;
	[tilespmem:$0x1E080] =	vst v63  }
0xb1: {  	_ =	swait.ge [sflag:s23], $0x1400  }
0xb2: {  	[sflag:s23] =	ssyncset.done $0x0  }
0xb3: {  	[sflag:s23] =	ssyncadd.s32 $0xFFFFEC00  }
0xb4: {  	[tilespmem:s26], [sflag:$0x1] =	stream.indirect.gather [hbm4b:s4+s25], $0x80, s3, s25, $0xb8;
	[tilespmem:$0x1E080] =	vst v63  }
0xb5: {  	s12 =	simm.s32 @p1 $0x3  }
0xb6: {  	[tilespmem:s29], [sflag:$0x2] =	stream.indirect.gather [hbm4b:s4+s25], $0x80, s28, s25, $0xb8;
	[tilespmem:$0x1E080] =	vst v63  }
0xb7: {  	_ =	swait.ge @p1 [sflag:s12], $0x1900  }
0xb8: {  	[sflag:s12] =	ssyncset.done @p1 $0x0  }
0xb9: {  	[sflag:s12] =	ssyncadd.s32 @p1 $0xFFFFE700;
	s12 =	simm.s32 @!p1 $0x3  }
0xba: {  	_ =	swait.ge @!p1 [sflag:s12], $0x2800  }
0xbb: {  	[sflag:s12] =	ssyncset.done @!p1 $0x0  }
0xbc: {  	[sflag:s12] =	ssyncadd.s32 @!p1 $0xFFFFD800  }
0xbd: {  	[bflag:$0x0] =	sbarrier.arrive $0xFFFF  }
0xbe: {  	_ =	swait.ge [sflag:s30], $0x3E80  }
0xbf: {  	[sflag:s30] =	ssyncset.done $0x0  }
0xc0: {  	s14 =	simm.s32 $0x1400;
	[sflag:s30] =	ssyncadd.s32 $0xFFFFC180  }
0xc1: {  	[spmem:s2] =	stream.indirect.scatter.add.f32 [tilespmem:s26], [sflag:$0x4], $0x80, s14, s25, $0xb8;
	[tilespmem:$0x1E080] =	vst v63  }
0xc2: {  	_ =	swait.ge [sflag:s23], $0x3E80  }
0xc3: {  	[sflag:s23] =	ssyncset.done $0x0  }
0xc4: {  	s13 =	simm.s32 $0x100;
	[sflag:s23] =	ssyncadd.s32 $0xFFFFC180  }
0xc5: {  	[tilespmem:s26], [sflag:$0x1] =	stream.indirect.gather [hbm4b:s4+s25], $0x80, s13, s25, $0xb8;
	[tilespmem:$0x1E080] =	vst v63  }
0xc6: {  	_ =	swait.ge [sflag:s31], $0x3E80  }
0xc7: {  	[sflag:s31] =	ssyncset.done $0x0  }
0xc8: {  	s14 =	simm.s32 $0x1480;
	[sflag:s31] =	ssyncadd.s32 $0xFFFFC180  }
0xc9: {  	[spmem:s2] =	stream.indirect.scatter.add.f32 [tilespmem:s29], [sflag:$0x4], $0x80, s14, s25, $0xb8;
	[tilespmem:$0x1E080] =	vst v63  }
0xca: {  	_ =	swait.ge [sflag:s23], $0x3E80  }
0xcb: {  	[sflag:s23] =	ssyncset.done $0x0  }
0xcc: {  	s12 =	simm.s32 $0x400;
	s13 =	simm.s32 $0x180;
	[sflag:s23] =	ssyncadd.s32 $0xFFFFC180  }
.LBB2_3:
0xcd: {  	[tilespmem:s29], [sflag:$0x2] =	stream.indirect.gather [hbm4b:s4+s25], $0x80, s13, s25, $0xb8;
	[tilespmem:$0x1E080] =	vst v63  }
0xce: {  	s13 =	smov.u32 s12  }
0xcf: {  	p2 =	sne.s32 s12, $0x4800;
	s12 =	sadd.s32 $0x400, s12;
	_ =	swait.ge [sflag:s30], $0x3E80  }
0xd0: {  	s13 =	sshra.s32 s13, $0x2;
	[sflag:s30] =	ssyncset.done $0x0  }
0xd1: {  	s14 =	sadd.s32 $0x1400, s13;
	[sflag:s30] =	ssyncadd.s32 $0xFFFFC180  }
0xd2: {  	[spmem:s2] =	stream.indirect.scatter.add.f32 [tilespmem:s26], [sflag:$0x4], $0x80, s14, s25, $0xb8;
	[tilespmem:$0x1E080] =	vst v63  }
0xd3: {  	_ =	swait.ge [sflag:s23], $0x3E80  }
0xd4: {  	[sflag:s23] =	ssyncset.done $0x0  }
0xd5: {  	s14 =	sadd.s32 $0x100, s13;
	[sflag:s23] =	ssyncadd.s32 $0xFFFFC180  }
0xd6: {  	[tilespmem:s26], [sflag:$0x1] =	stream.indirect.gather [hbm4b:s4+s25], $0x80, s14, s25, $0xb8;
	[tilespmem:$0x1E080] =	vst v63  }
0xd7: {  	_ =	swait.ge [sflag:s31], $0x3E80  }
0xd8: {  	[sflag:s31] =	ssyncset.done $0x0  }
.Ltmp6:
0xd9: {  	s14 =	sadd.s32 $0x1480, s13;
	[sflag:s31] =	ssyncadd.s32 $0xFFFFC180;
	(pc) =	sbr.rel @p2 .LBB2_3-.Ltmp6, $4  }
0xda: {  	[spmem:s2] =	stream.indirect.scatter.add.f32 [tilespmem:s29], [sflag:$0x4], $0x80, s14, s25, $0xb8;
	[tilespmem:$0x1E080] =	vst v63  }
0xdb: {  	_ =	swait.ge [sflag:s23], $0x3E80  }
0xdc: {  	[sflag:s23] =	ssyncset.done $0x0  }
0xdd: {  	s13 =	sadd.s32 $0x180, s13;
	[sflag:s23] =	ssyncadd.s32 $0xFFFFC180  }
0xde: {  	[tilespmem:s29], [sflag:$0x2] =	stream.indirect.gather [hbm4b:s4+s25], $0x80, s13, s25, $0xb8;
	[tilespmem:$0x1E080] =	vst v63  }
0xdf: {  	_ =	swait.ge [sflag:s30], $0x3E80  }
0xe0: {  	[sflag:s30] =	ssyncset.done $0x0  }
0xe1: {  	[sflag:s30] =	ssyncadd.s32 $0xFFFFC180  }
0xe2: {  	[spmem:s2] =	stream.indirect.scatter.add.f32 [tilespmem:s26], [sflag:$0x4], $0x80, s0, s25, $0xb8;
	[tilespmem:$0x1E080] =	vst v63  }
0xe3: {  	_ =	swait.ge [sflag:s23], $0x3E80  }
0xe4: {  	[sflag:s23] =	ssyncset.done $0x0  }
0xe5: {  	[sflag:s23] =	ssyncadd.s32 $0xFFFFC180  }
0xe6: {  	_ =	swait.ge [sflag:s31], $0x3E80  }
0xe7: {  	[sflag:s31] =	ssyncset.done $0x0  }
0xe8: {  	[sflag:s31] =	ssyncadd.s32 $0xFFFFC180  }
0xe9: {  	[spmem:s2] =	stream.indirect.scatter.add.f32 [tilespmem:s29], [sflag:$0x4], $0x80, s1, s25, $0xb8;
	[tilespmem:$0x1E080] =	vst v63  }
0xea: {  	_ =	swait.ge [sflag:s23], $0x3E80  }
0xeb: {  	[sflag:s23] =	ssyncset.done $0x0  }
0xec: {  	s12 =	simm.s32 $0x0;
	[sflag:s23] =	ssyncadd.s32 $0xFFFFC180  }
0xed: {  	[tilespmem:s12], [sflag:$0x4] =	stream.linear.gather [hbm4b:s10+s12], $0x1400, $0x38;
	[tilespmem:$0x1E080] =	vst v63  }
0xee: {  	_ =	swait.ge [sflag:s23], $0x1400  }
0xef: {  	[sflag:s23] =	ssyncset.done $0x0  }
0xf0: {  	[sflag:s23] =	ssyncadd.s32 $0xFFFFEC00  }
0xf1: {  	[tilespmem:s24], [sflag:$0x4] =	stream.linear.gather [hbm4b:s11+s12], $0x1400, $0x38;
	[tilespmem:$0x1E080] =	vst v63  }
0xf2: {  	_ =	swait.ge [sflag:s23], $0x1400  }
0xf3: {  	[sflag:s23] =	ssyncset.done $0x0  }
0xf4: {  	[sflag:s23] =	ssyncadd.s32 $0xFFFFEC00  }
0xf5: {  	[tilespmem:s26], [sflag:$0x1] =	stream.indirect.gather [hbm4b:s4+s25], $0x80, s12, s25, $0xb8;
	[tilespmem:$0x1E080] =	vst v63  }
0xf6: {  	_ = 	snop  }
0xf7: {  	[tilespmem:s29], [sflag:$0x2] =	stream.indirect.gather [hbm4b:s4+s25], $0x80, s28, s25, $0xb8;
	[tilespmem:$0x1E080] =	vst v63  }
0xf8: {  	_ =	swait.ge [sflag:s30], $0x3E80  }
0xf9: {  	[sflag:s30] =	ssyncset.done $0x0  }
0xfa: {  	s14 =	simm.s32 $0x1400;
	[sflag:s30] =	ssyncadd.s32 $0xFFFFC180  }
0xfb: {  	[spmem:s2] =	stream.indirect.scatter.add.f32 [tilespmem:s26], [sflag:$0x4], $0x80, s14, s25, $0xb8;
	[tilespmem:$0x1E080] =	vst v63  }
0xfc: {  	_ =	swait.ge [sflag:s23], $0x3E80  }
0xfd: {  	[sflag:s23] =	ssyncset.done $0x0  }
0xfe: {  	s13 =	simm.s32 $0x100;
	[sflag:s23] =	ssyncadd.s32 $0xFFFFC180  }
0xff: {  	[tilespmem:s26], [sflag:$0x1] =	stream.indirect.gather [hbm4b:s4+s25], $0x80, s13, s25, $0xb8;
	[tilespmem:$0x1E080] =	vst v63  }
0x100: {  	_ =	swait.ge [sflag:s31], $0x3E80  }
0x101: {  	[sflag:s31] =	ssyncset.done $0x0  }
0x102: {  	s14 =	simm.s32 $0x1480;
	[sflag:s31] =	ssyncadd.s32 $0xFFFFC180  }
0x103: {  	[spmem:s2] =	stream.indirect.scatter.add.f32 [tilespmem:s29], [sflag:$0x4], $0x80, s14, s25, $0xb8;
	[tilespmem:$0x1E080] =	vst v63  }
0x104: {  	_ =	swait.ge [sflag:s23], $0x3E80  }
0x105: {  	[sflag:s23] =	ssyncset.done $0x0  }
0x106: {  	s12 =	simm.s32 $0x400;
	s13 =	simm.s32 $0x180;
	[sflag:s23] =	ssyncadd.s32 $0xFFFFC180  }
.LBB2_5:
0x107: {  	[tilespmem:s29], [sflag:$0x2] =	stream.indirect.gather [hbm4b:s4+s25], $0x80, s13, s25, $0xb8;
	[tilespmem:$0x1E080] =	vst v63  }
0x108: {  	s13 =	smov.u32 s12  }
0x109: {  	p2 =	sne.s32 s12, $0x4800;
	s12 =	sadd.s32 $0x400, s12;
	_ =	swait.ge [sflag:s30], $0x3E80  }
0x10a: {  	s13 =	sshra.s32 s13, $0x2;
	[sflag:s30] =	ssyncset.done $0x0  }
0x10b: {  	s14 =	sadd.s32 $0x1400, s13;
	[sflag:s30] =	ssyncadd.s32 $0xFFFFC180  }
0x10c: {  	[spmem:s2] =	stream.indirect.scatter.add.f32 [tilespmem:s26], [sflag:$0x4], $0x80, s14, s25, $0xb8;
	[tilespmem:$0x1E080] =	vst v63  }
0x10d: {  	_ =	swait.ge [sflag:s23], $0x3E80  }
0x10e: {  	[sflag:s23] =	ssyncset.done $0x0  }
0x10f: {  	s14 =	sadd.s32 $0x100, s13;
	[sflag:s23] =	ssyncadd.s32 $0xFFFFC180  }
0x110: {  	[tilespmem:s26], [sflag:$0x1] =	stream.indirect.gather [hbm4b:s4+s25], $0x80, s14, s25, $0xb8;
	[tilespmem:$0x1E080] =	vst v63  }
0x111: {  	_ =	swait.ge [sflag:s31], $0x3E80  }
0x112: {  	[sflag:s31] =	ssyncset.done $0x0  }
.Ltmp7:
0x113: {  	s14 =	sadd.s32 $0x1480, s13;
	[sflag:s31] =	ssyncadd.s32 $0xFFFFC180;
	(pc) =	sbr.rel @p2 .LBB2_5-.Ltmp7, $4  }
0x114: {  	[spmem:s2] =	stream.indirect.scatter.add.f32 [tilespmem:s29], [sflag:$0x4], $0x80, s14, s25, $0xb8;
	[tilespmem:$0x1E080] =	vst v63  }
0x115: {  	_ =	swait.ge [sflag:s23], $0x3E80  }
0x116: {  	[sflag:s23] =	ssyncset.done $0x0  }
0x117: {  	s13 =	sadd.s32 $0x180, s13;
	[sflag:s23] =	ssyncadd.s32 $0xFFFFC180  }
0x118: {  	[tilespmem:s29], [sflag:$0x2] =	stream.indirect.gather [hbm4b:s4+s25], $0x80, s13, s25, $0xb8;
	[tilespmem:$0x1E080] =	vst v63  }
0x119: {  	_ =	swait.ge [sflag:s30], $0x3E80  }
0x11a: {  	[sflag:s30] =	ssyncset.done $0x0  }
0x11b: {  	[sflag:s30] =	ssyncadd.s32 $0xFFFFC180  }
0x11c: {  	[spmem:s2] =	stream.indirect.scatter.add.f32 [tilespmem:s26], [sflag:$0x4], $0x80, s0, s25, $0xb8;
	[tilespmem:$0x1E080] =	vst v63  }
0x11d: {  	_ =	swait.ge [sflag:s23], $0x3E80  }
0x11e: {  	[sflag:s23] =	ssyncset.done $0x0  }
0x11f: {  	[sflag:s23] =	ssyncadd.s32 $0xFFFFC180  }
0x120: {  	_ =	swait.ge [sflag:s31], $0x3E80  }
0x121: {  	[sflag:s31] =	ssyncset.done $0x0  }
0x122: {  	[sflag:s31] =	ssyncadd.s32 $0xFFFFC180  }
0x123: {  	[spmem:s2] =	stream.indirect.scatter.add.f32 [tilespmem:s29], [sflag:$0x4], $0x80, s1, s25, $0xb8;
	[tilespmem:$0x1E080] =	vst v63  }
0x124: {  	_ =	swait.ge [sflag:s23], $0x3E80  }
0x125: {  	[sflag:s23] =	ssyncset.done $0x0  }
0x126: {  	[sflag:s23] =	ssyncadd.s32 $0xFFFFC180  }
0x127: {  	[bflag:$0x0] =	sbarrier.arrive $0xFFFF  }
0x128: {  	s12 =	simm.s32 @p1 $0x1FC4;
	s13 =	rddreg [dreg:$0x6]  }
0x129: {  	[hbm:s13], [sflag:s12] =	dma.local @p1 [spmem:s20], $0x1900  }
0x12a: {  	s12 =	simm.s32 @p1 $0x4  }
0x12b: {  	_ =	swait.ge @p1 [sflag:s12], $0x1900  }
0x12c: {  	[sflag:s12] =	ssyncset.done @p1 $0x0  }
0x12d: {  	[sflag:s12] =	ssyncadd.s32 @p1 $0xFFFFE700;
	s12 =	rddreg [dreg:$0x5]  }
0x12e: {  	[hbm:s12], [sflag:s7] =	dma.local @!p1 [spmem:s22], $0x2800  }
.Ltmp8:
0x12f: {  	_ = 	snop;
	(pc) =	sbr.rel .LBB2_12-.Ltmp8, $4  }
0x130: {  	s7 =	simm.s32 @!p1 $0x4  }
0x131: {  	_ =	swait.ge @!p1 [sflag:s7], $0x2800  }
0x132: {  	[sflag:s7] =	ssyncset.done @!p1 $0x0  }
0x133: {  	[sflag:s7] =	ssyncadd.s32 @!p1 $0xFFFFD800  }
.LBB2_13:
0x134: {  	_ =	sfence.sel $0x180000  }
0x135: {  	[bflag:$0x0] =	sbarrier.arrive $0xFFFF  }
0x136: {  	_ =	strace $0x9000004D  }
0x137: {  	s0 =	stileid.u32;
	[bflag:$0x2] =	sbarrier.arrive $0xFFFF  }
0x138: {  	p0 =	sne.s32 s0, $0x0;
	s0 =	rddreg [dreg:$0x2]  }
0x139: {  	s0 =	sadd.s32 @!p0 $0x100000, s0  }
0x13a: {  	[sflag:s0] =	ssyncadd.tile.s32 @!p0 $0x1;
	_ =	shalt  }
.Lfunc_end2:
_tile_overlayer_lowered:
.L_overlay_start_2:
0x13b: {  	(tag) =	ssettag $0x2  }
0x13c: {  	s0 =	rddreg [dreg:$0x0];
	s2 =	stileid.u32  }
0x13d: {  	s1 =	rddreg [dreg:$0x1];
	p0 =	sne.s32 s2, $0x0  }
0x13e: {  	s3 =	rddreg [dreg:$0x2];
	[bflag:$0x3] =	sbarrier.arrive $0xFFFF;
	s2 =	simm.s32 @!p0 $0x1C04  }
0x13f: {  	[timem:s3], [sflag:s2] =	dma.local @!p0 [hbm:s0], s1  }
0x140: {  	s0 =	simm.s32 @!p0 $0x4  }
0x141: {  	_ =	swait.ge @!p0 [sflag:s0], s1  }
0x142: {  	s1 =	ssub.s32 @!p0 $0x0, s1;
	[sflag:s0] =	ssyncset.done @!p0 $0x0  }
0x143: {  	[sflag:s0] =	ssyncadd.s32 @!p0 s1  }
0x144: {  	[bflag:$0x3] =	sbarrier.arrive $0xFFFF  }
0x145: {  	_ =	shalt  }

// kernel: kernel.19.cloned.1.call-start
scs
__scs_entry_jumppad:
0x0: {  	(pc) =	sbr.rel $0x88, $3  }
0x1: {  	(tag) =	ssettag $0x0;
	lr =	simm.s32 $0x1  }
0x2: {  	[smem:$0x3F97] =	sst lr;
	_ =	strace $0xD0000000  }
0x3: {  	_ = 	snop  }
0x4: {  	_ = 	snop  }
0x5: {  	_ = 	snop  }
0x6: {  	_ = 	snop  }
0x7: {  	_ = 	snop  }
__scs_overlays_trampoline_lowered:
0x8: {  	[smem:$0x3FA6] =	sst s0  }
0x9: {  	[smem:$0x3FA7] =	sst s1  }
0xa: {  	[smem:$0x3FA8] =	sst s2  }
0xb: {  	[smem:$0x3FA9] =	sst s3  }
0xc: {  	[smem:$0x3FAA] =	sst s4  }
0xd: {  	[smem:$0x3FAB] =	sst s5  }
0xe: {  	[smem:$0x3FAC] =	sst s6  }
0xf: {  	[smem:$0x3FAD] =	sst s7  }
0x10: {  	[smem:$0x3FAE] =	sst s8  }
0x11: {  	[smem:$0x3FAF] =	sst s9;
	s0 =	simm.s32 @!p0 $0x0  }
0x12: {  	s1 =	sld [smem:$0x3F95];
	s0 =	simm.s32 @p0 $0x1  }
0x13: {  	[smem:$0x3FB0] =	sst s0;
	s0 =	simm.s32 @!p1 $0x0  }
0x14: {  	s2 =	sld [smem:$0x3F94];
	s0 =	simm.s32 @p1 $0x1  }
0x15: {  	[smem:$0x3FB1] =	sst s0;
	s0 =	simm.s32 @!p2 $0x0  }
0x16: {  	s3 =	sld [smem:$0x3FDB];
	s0 =	simm.s32 @p2 $0x1  }
0x17: {  	s4 =	simm.s32 $0x1BF5;
	[smem:$0x3FB3] =	sst s0  }
0x18: {  	s0 =	sld [smem:$0x3F96];
	_ =	swait.ge [sflag:s4], $0x0  }
0x19: {  	s7 =	sld [smem:$0x3F97]  }
0x1a: {  	s8 =	sadd.s32 $0xFFFFE003, lr  }
0x1b: {  	s9 =	sadd.s32 $0xFFFFFEF7, lr;
	s5 =	simm.s32 $0xFFFFFFFF;
	p2 =	slt.u32 s8, $0xFFFFF086  }
0x1c: {  	p1 =	slt.u32 s9, $0xF7A;
	s5 =	simm.s32 @!p2 $0x0  }
0x1d: {  	s5 =	simm.s32 @p1 $0x1;
	p0 =	seq.s32 s7, s2  }
0x1e: {  	s7 =	smul.u32 @!p0 $0xF7A, s2;
	p2 =	seq.s32 @!p0 s5, $0x0  }
0x1f: {  	s9 =	smul.u32 $0xF7A, s1;
	s8 =	simm.s32 @!p0 $0x1BF5;
	p2 =	por !p2, p0  }
0x20: {  	[sflag:s8] =	ssyncset.s32 @!p0 $0xFFFFF086;
	s6 =	sadd.s32 @!p0 s3, s7;
	s7 =	simm.s32 @!p0 $0x108  }
0x21: {  	s3 =	sadd.s32 s3, s9;
	s6 =	sadd.s32 @!p0 $0x88, s6;
	s7 =	simm.s32 @p2 $0x1082  }
0x22: {  	[simem:s7], [sflag:s8] =	dma.local @!p0 [hbm:s6], $0xF7A  }
0x23: {  	s9 =	sor.u32 $0xD0000000, s2;
	s6 =	simm.s32 $0x108;
	_ =	swait.ge @!p0 [sflag:s8], $0x0  }
0x24: {  	s3 =	sadd.s32 $0x88, s3;
	s6 =	simm.s32 @!p1 $0x1082;
	[sflag:s4] =	ssyncset.s32 $0xFFFFF086  }
0x25: {  	[simem:s6], [sflag:s4] =	dma.local [hbm:s3], $0xF7A  }
0x26: {  	[smem:$0x3F97] =	sst s1;
	(tag) =	ssettag s2;
	_ =	strace s9  }
0x27: {  	s1 =	sld [smem:$0x3FA7]  }
0x28: {  	s2 =	sld [smem:$0x3FA8]  }
0x29: {  	s4 =	sld [smem:$0x3FAA]  }
0x2a: {  	p0 =	seq.s32 s5, $0x0;
	s5 =	sld [smem:$0x3FAB]  }
0x2b: {  	s6 =	sld [smem:$0x3FAC]  }
0x2c: {  	s7 =	sld [smem:$0x3FAD]  }
0x2d: {  	s3 =	simm.s32 $0x108;
	s8 =	sld [smem:$0x3FAE]  }
0x2e: {  	s3 =	simm.s32 @!p0 $0x1082;
	s9 =	sld [smem:$0x3FAF]  }
0x2f: {  	lr =	sadd.s32 s0, s3;
	s0 =	sld [smem:$0x3FA6]  }
0x30: {  	s3 =	sld [smem:$0x3FA9]  }
0x31: {  	[smem:$0x3FB2] =	sst s10  }
0x32: {  	s10 =	sld [smem:$0x3FB0];
	_ =	sdelay $0x3  }
0x33: {  	p0 =	seq.s32 s10, $0x1;
	s10 =	sld [smem:$0x3FB2];
	_ =	sdelay $0x3  }
0x34: {  	[smem:$0x3FB2] =	sst s10  }
0x35: {  	s10 =	sld [smem:$0x3FB1];
	_ =	sdelay $0x3  }
0x36: {  	p1 =	seq.s32 s10, $0x1;
	s10 =	sld [smem:$0x3FB2];
	_ =	sdelay $0x3  }
0x37: {  	[smem:$0x3FB2] =	sst s10  }
0x38: {  	s10 =	sld [smem:$0x3FB3]  }
0x39: {  	_ = 	snop;
	(pc) =	sbr.ind lr, $3  }
0x3a: {  	_ = 	snop  }
0x3b: {  	_ = 	snop  }
0x3c: {  	p2 =	seq.s32 s10, $0x1;
	s10 =	sld [smem:$0x3FB2]  }
0x3d: {  	_ =	shalt  }
0x3e: {  	_ =	shalt  }
0x3f: {  	_ =	shalt  }
0x40: {  	_ =	shalt  }
0x41: {  	_ =	shalt  }
0x42: {  	_ =	shalt  }
0x43: {  	_ =	shalt  }
0x44: {  	_ =	shalt  }
0x45: {  	_ =	shalt  }
0x46: {  	_ =	shalt  }
0x47: {  	_ =	shalt  }
0x48: {  	_ =	shalt  }
0x49: {  	_ =	shalt  }
0x4a: {  	_ =	shalt  }
0x4b: {  	_ =	shalt  }
0x4c: {  	_ =	shalt  }
0x4d: {  	_ =	shalt  }
0x4e: {  	_ =	shalt  }
0x4f: {  	_ =	shalt  }
0x50: {  	_ =	shalt  }
0x51: {  	_ =	shalt  }
0x52: {  	_ =	shalt  }
0x53: {  	_ =	shalt  }
0x54: {  	_ =	shalt  }
0x55: {  	_ =	shalt  }
0x56: {  	_ =	shalt  }
0x57: {  	_ =	shalt  }
0x58: {  	_ =	shalt  }
0x59: {  	_ =	shalt  }
0x5a: {  	_ =	shalt  }
0x5b: {  	_ =	shalt  }
0x5c: {  	_ =	shalt  }
0x5d: {  	_ =	shalt  }
0x5e: {  	_ =	shalt  }
0x5f: {  	_ =	shalt  }
0x60: {  	_ =	shalt  }
0x61: {  	_ =	shalt  }
0x62: {  	_ =	shalt  }
0x63: {  	_ =	shalt  }
0x64: {  	_ =	shalt  }
0x65: {  	_ =	shalt  }
0x66: {  	_ =	shalt  }
0x67: {  	_ =	shalt  }
0x68: {  	_ =	shalt  }
0x69: {  	_ =	shalt  }
0x6a: {  	_ =	shalt  }
0x6b: {  	_ =	shalt  }
0x6c: {  	_ =	shalt  }
0x6d: {  	_ =	shalt  }
0x6e: {  	_ =	shalt  }
0x6f: {  	_ =	shalt  }
0x70: {  	_ =	shalt  }
0x71: {  	_ =	shalt  }
0x72: {  	_ =	shalt  }
0x73: {  	_ =	shalt  }
0x74: {  	_ =	shalt  }
0x75: {  	_ =	shalt  }
0x76: {  	_ =	shalt  }
0x77: {  	_ =	shalt  }
0x78: {  	_ =	shalt  }
0x79: {  	_ =	shalt  }
0x7a: {  	_ =	shalt  }
0x7b: {  	_ =	shalt  }
0x7c: {  	_ =	shalt  }
0x7d: {  	_ =	shalt  }
0x7e: {  	_ =	shalt  }
0x7f: {  	_ =	shalt  }
0x80: {  	_ =	shalt  }
0x81: {  	_ =	shalt  }
0x82: {  	_ =	shalt  }
0x83: {  	_ =	shalt  }
0x84: {  	_ =	shalt  }
0x85: {  	_ =	shalt  }
0x86: {  	_ =	shalt  }
0x87: {  	_ =	shalt  }
.Lfunc_end0:
.L_simem_size_0:
called_computation.3_lowered:
.L_overlay_start_0:
0x88: {  	s2 =	sld [smem:$0x3FD9]  }
0x89: {  	s3 =	sld [smem:$0x3FFE];
	_ =	sdelay $0x1  }
0x8a: {  	s1 =	srdreg.scid  }
0x8b: {  	s0 =	sand.u32 $0x1, s1  }
0x8c: {  	s16 =	sshll.u32 s0, $0xA;
	s2 =	sadd.s32 s3, s2  }
0x8d: {  	s2 =	sadd.s32 s2, s16  }
0x8e: {  	[smem:$0x3FBE] =	sst s2  }
0x8f: {  	_ = 	snop  }
0x90: {  	(tm) =	ssettm $0x1  }
0x91: {  	s17 =	sld [smem:$0x3FFB];
	_ =	sdelay $0x3  }
0x92: {  	_ =	strace s17  }
0x93: {  	s2 =	sld [smem:$0x3FFC];
	_ =	sdelay $0x3  }
0x94: {  	_ =	strace s2  }
0x95: {  	s2 =	sld [smem:$0x3FFD];
	_ =	sdelay $0x3  }
0x96: {  	_ =	strace s2  }
0x97: {  	_ =	strace $0x8FFFFFFF  }
0x98: {  	s18 =	sld [smem:$0x3FDB];
	_ =	sdelay $0x1  }
0x99: {  	s19 =	simm.s32 $_scs_section_size  }
0x9a: {  	s4 =	simm.s32 $_size__tile_overlayer_lowered;
	s5 =	simm.s32 $_tile_overlayer_lowered  }
0x9b: {  	s22 =	simm.s32 $0x1BFF;
	s21 =	sshll.u32 s5, $0x1;
	s2 =	sadd.s32 s19, s18  }
0x9c: {  	s6 =	simm.s32 $0x0;
	s20 =	sshll.u32 s4, $0x1;
	s4 =	sadd.s32 s21, s2  }
0x9d: {  	[timem:s6], [sflag:s22] =	dma.local [hbm:s4], s20  }
0x9e: {  	_ =	swait.ge [sflag:s22], s20  }
0x9f: {  	s3 =	ssub.s32 $0x0, s20;
	[sflag:s22] =	ssyncset.done $0x0  }
0xa0: {  	[sflag:s22] =	ssyncadd.s32 s3;
	_ =	sdelay $0x1  }
0xa1: {  	s23 =	simm.s32 $0x1B8B  }
0xa2: {  	_ =	swait.ge [sflag:s23], $0x1  }
0xa3: {  	[sflag:s23] =	ssyncset.done $0x0  }
0xa4: {  	s25 =	simm.s32 $0x1B8E;
	s24 =	sld [smem:$0x3FFE];
	[sflag:s23] =	ssyncadd.s32 $0xFFFFFFFF  }
0xa5: {  	s26 =	simm.s32 $execute0_lowered;
	[smem:$0x3FD2] =	sst s25  }
0xa6: {  	s4 =	sshll.u32 s26, $0x1;
	_ =	strace $0x8000004F;
	[dreg:$0x1] =	wrdreg $0xFFFFFFFF  }
0xa7: {  	s28 =	simm.s32 $_size_execute0_lowered;
	s2 =	sadd.s32 s2, s4;
	[dreg:$0x0] =	wrdreg $0x0  }
0xa8: {  	s4 =	sshll.u32 s28, $0x1;
	[dreg:$0x2] =	wrdreg s2  }
0xa9: {  	[dreg:$0x3] =	wrdreg s4  }
0xaa: {  	[dreg:$0x4] =	wrdreg $0xC0  }
0xab: {  	_ =	task [dreg:s6], $0x5FFFF  }
0xac: {  	[dreg:$0x1] =	wrdreg $0xFFFFFFFF  }
0xad: {  	[dreg:$0x0] =	wrdreg $0x60  }
0xae: {  	[dreg:$0x2] =	wrdreg s24  }
0xaf: {  	[dreg:$0x3] =	wrdreg $0xA8000  }
0xb0: {  	[dreg:$0x4] =	wrdreg $0x9  }
0xb1: {  	_ =	task.clear_ibuf [dreg:s6], $0x5FFFF;
	_ =	strace $0x9000004F  }
0xb2: {  	s29 =	simm.s32 $0x9;
	_ =	strace $0x80000051  }
0xb3: {  	_ =	swait.ge [sflag:s29], $0x1  }
0xb4: {  	[sflag:s29] =	ssyncadd.s32 $0xFFFFFFFF  }
0xb5: {  	_ =	strace $0x90000051  }
0xb6: {  	_ =	sfence  }
0xb7: {  	s30 =	sld [smem:$0x0];
	_ =	sdelay $0x2  }
0xb8: {  	s31 =	sshll.u32 s1, $0xD;
	s1 =	sshrl.u32 s1, $0x2  }
0xb9: {  	s3 =	sand.u32 $0x4000, s31;
	s1 =	sadd.s32 s1, s30  }
0xba: {  	s0 =	sor.u32 s3, s0;
	s1 =	sshll.u32 s1, $0x11  }
0xbb: {  	s0 =	sor.u32 s1, s0  }
0xbc: {  	s0 =	sadd.s32 $0x8F2B, s0  }
0xbd: {  	[sflag:s0] =	ssyncadd.remote.s32 $0x1  }
0xbe: {  	_ =	sfence.sel $0xFFFF  }
0xbf: {  	[dreg:$0x0] =	wrdreg $0xFFFFFFFF;
	(pc) =	sbr.abs _section_cstart, $3  }
0xc0: {  	[dreg:$0x1] =	wrdreg $0xFFFFFFFF  }
0xc1: {  	_ =	task.clear_ibuf [dreg:s6], $0x2FFFF;
	_ =	strace $0x9FFFFFFF  }
0xc2: {  	(tm) =	ssettm $0x7FFFFFFF  }
0xc3: {  	_ =	shalt  }
tec
execute0_lowered:
.L_overlay_start_1:
0x0: {  	(tag) =	ssettag $0x1  }
0x1: {  	s0 =	rddreg [dreg:$0x0]  }
0x2: {  	s2 =	rddreg [dreg:$0x1];
	s3 =	simm.s32 $0x0  }
0x3: {  	s14 =	stileid.u32;
	s5 =	srdreg.scid;
	s28 =	simm.s32 $0x80  }
0x4: {  	s29 =	simm.s32 $0x6800;
	s30 =	simm.s32 $0x1;
	s31 =	simm.s32 $0x2  }
0x5: {  	[smem:$0x7FF] =	sst s3;
	s1 =	smul.u32 $0x2800, s14;
	s4 =	sadd.s32 $0x38000, s0  }
0x6: {  	s7 =	sand.u32 $0x1, s5;
	s8 =	smul.u32 $0x50000, s14;
	s5 =	sadd.s32 $0x5F200, s0  }
0x7: {  	s20 =	sadd.s32 $0x12C000, s2;
	s24 =	sadd.s32 $0x5D800, s0;
	s26 =	sadd.s32 $0xABC00, s0  }
0x8: {  	s15 =	sadd.s32 $0x84A00, s0;
	p1 =	seq.s32 s14, $0xF;
	s17 =	sadd.s32 $0xD2E00, s0  }
0x9: {  	_ =	strace $0x80000050;
	s9 =	ssub.s32 $0x2, s7;
	[dreg:$0x4] =	wrdreg s24  }
0xa: {  	p0 =	seq.s32 s7, $0x1;
	[dreg:$0x6] =	wrdreg s26;
	s18 =	sshll.u32 @!p1 s14, $0x6  }
0xb: {  	s20 =	sshrl.u32 @p1 s20, $0x3;
	s24 =	simm.s32 $0x1400;
	s26 =	simm.s32 $0x2800  }
0xc: {  	s6 =	sshrl.u32 s1, $0x3;
	s12 =	sadd.s32 s1, s0;
	s10 =	sshrl.u32 s9, $0x1  }
0xd: {  	s8 =	sshrl.u32 s8, $0x2;
	s23 =	sadd.s32 s4, s1;
	s1 =	sadd.s32 s5, s1  }
0xe: {  	s21 =	sor.u32 @!p1 $0x1C03, s18;
	s6 =	sadd.s32 s6, s0;
	s13 =	ssub.s32 s9, s10  }
0xf: {  	s7 =	sadd.s32 s8, s2;
	[dreg:$0x3] =	wrdreg s23;
	s25 =	sadd.s32 $0x86400, s12  }
.Ltmp0:
0x10: {  	[dreg:$0x7] =	wrdreg s1;
	s16 =	sadd.s32 $0xAD600, s12;
	(pc) =	sbr.rel .LBB2_1-.Ltmp0, $4  }
0x11: {  	s23 =	simm.s32 $0x4;
	s0 =	simm.s32 $0x2700;
	s1 =	simm.s32 $0x2780  }
0x12: {  	s8 =	sadd.s32 $0x5A00, s6;
	s9 =	sadd.s32 $0xAA00, s6;
	s10 =	sadd.s32 $0x5C80, s6  }
0x13: {  	s11 =	sadd.s32 $0xAC80, s6;
	[dreg:$0x5] =	wrdreg s25;
	s19 =	smax.u32 s13, $0x1  }
0x14: {  	s22 =	sshrl.u32 @!p1 s7, $0x3;
	s25 =	simm.s32 $0x7D;
	s6 =	simm.s32 $0x0  }
.LBB2_11:
0x15: {  	[tilespmem:s29], [sflag:$0x2] =	stream.indirect.gather [hbm4b:s5+s25], $0x80, s13, s25, $0xb8;
	[tilespmem:$0x1E080] =	vst v63  }
0x16: {  	_ =	swait.ge [sflag:s30], $0x3E80  }
0x17: {  	[sflag:s30] =	ssyncset.done $0x0  }
0x18: {  	[sflag:s30] =	ssyncadd.s32 $0xFFFFC180  }
0x19: {  	[spmem:s2] =	stream.indirect.scatter.add.f32 [tilespmem:s26], [sflag:$0x4], $0x80, s0, s25, $0xb8;
	[tilespmem:$0x1E080] =	vst v63  }
0x1a: {  	_ =	swait.ge [sflag:s23], $0x3E80  }
0x1b: {  	[sflag:s23] =	ssyncset.done $0x0  }
0x1c: {  	[sflag:s23] =	ssyncadd.s32 $0xFFFFC180  }
0x1d: {  	_ =	swait.ge [sflag:s31], $0x3E80  }
0x1e: {  	[sflag:s31] =	ssyncset.done $0x0  }
0x1f: {  	[sflag:s31] =	ssyncadd.s32 $0xFFFFC180  }
0x20: {  	[spmem:s2] =	stream.indirect.scatter.add.f32 [tilespmem:s29], [sflag:$0x4], $0x80, s1, s25, $0xb8;
	[tilespmem:$0x1E080] =	vst v63  }
0x21: {  	_ =	swait.ge [sflag:s23], $0x3E80  }
0x22: {  	[sflag:s23] =	ssyncset.done $0x0  }
0x23: {  	[sflag:s23] =	ssyncadd.s32 $0xFFFFC180  }
0x24: {  	s12 =	simm.s32 @p1 $0x1FC4;
	[bflag:$0x0] =	sbarrier.arrive $0xFFFF  }
0x25: {  	[hbm:s17], [sflag:s12] =	dma.local @p1 [spmem:s20], $0x1900  }
0x26: {  	s12 =	simm.s32 @p1 $0x4  }
0x27: {  	_ =	swait.ge @p1 [sflag:s12], $0x1900  }
0x28: {  	[sflag:s12] =	ssyncset.done @p1 $0x0  }
0x29: {  	[sflag:s12] =	ssyncadd.s32 @p1 $0xFFFFE700  }
0x2a: {  	[hbm:s16], [sflag:s7] =	dma.local @!p1 [spmem:s22], $0x2800  }
0x2b: {  	s7 =	simm.s32 @!p1 $0x4  }
0x2c: {  	_ =	swait.ge @!p1 [sflag:s7], $0x2800  }
0x2d: {  	[sflag:s7] =	ssyncset.done @!p1 $0x0  }
0x2e: {  	[sflag:s7] =	ssyncadd.s32 @!p1 $0xFFFFD800  }
.LBB2_12:
0x2f: {  	s6 =	sadd.s32 $0x1, s6  }
0x30: {  	p2 =	sne.s32 s6, s19  }
.Ltmp1:
0x31: {  	_ = 	snop;
	(pc) =	sbr.rel @!p2 .LBB2_13-.Ltmp1, $1  }
0x32: {  	_ =	sdelay $0x3  }
.LBB2_1:
.Ltmp2:
0x33: {  	(pc) =	sbr.rel @!p0 .LBB2_2-.Ltmp2, $2  }
0x34: {  	_ =	sdelay $0x2  }
0x35: {  	s7 =	sor.u32 @!p1 $0x1C04, s18  }
0x36: {  	s12 =	simm.s32 @p1 $0x1FC3  }
0x37: {  	[spmem:s20], [sflag:s12] =	dma.local @p1 [hbm:s15], $0x1900  }
0x38: {  	s12 =	rddreg [dreg:$0x7]  }
0x39: {  	[spmem:s22], [sflag:s21] =	dma.local @!p1 [hbm:s12], $0x2800  }
0x3a: {  	[tilespmem:s3], [sflag:$0x4] =	stream.linear.gather [hbm4b:s8+s3], $0x1400, $0x38;
	[tilespmem:$0x1E080] =	vst v63  }
0x3b: {  	_ =	swait.ge [sflag:s23], $0x1400  }
0x3c: {  	[sflag:s23] =	ssyncset.done $0x0  }
0x3d: {  	[sflag:s23] =	ssyncadd.s32 $0xFFFFEC00  }
0x3e: {  	[tilespmem:s24], [sflag:$0x4] =	stream.linear.gather [hbm4b:s9+s3], $0x1400, $0x38;
	[tilespmem:$0x1E080] =	vst v63  }
0x3f: {  	_ =	swait.ge [sflag:s23], $0x1400  }
0x40: {  	[sflag:s23] =	ssyncset.done $0x0  }
0x41: {  	[sflag:s23] =	ssyncadd.s32 $0xFFFFEC00  }
0x42: {  	[tilespmem:s26], [sflag:$0x1] =	stream.indirect.gather [hbm4b:s5+s25], $0x80, s3, s25, $0xb8;
	[tilespmem:$0x1E080] =	vst v63  }
0x43: {  	s12 =	simm.s32 @p1 $0x3  }
0x44: {  	[tilespmem:s29], [sflag:$0x2] =	stream.indirect.gather [hbm4b:s5+s25], $0x80, s28, s25, $0xb8;
	[tilespmem:$0x1E080] =	vst v63  }
0x45: {  	_ =	swait.ge @p1 [sflag:s12], $0x1900  }
0x46: {  	[sflag:s12] =	ssyncset.done @p1 $0x0  }
0x47: {  	[sflag:s12] =	ssyncadd.s32 @p1 $0xFFFFE700;
	s12 =	simm.s32 @!p1 $0x3  }
0x48: {  	_ =	swait.ge @!p1 [sflag:s12], $0x2800  }
0x49: {  	[sflag:s12] =	ssyncset.done @!p1 $0x0  }
0x4a: {  	[sflag:s12] =	ssyncadd.s32 @!p1 $0xFFFFD800  }
0x4b: {  	[bflag:$0x0] =	sbarrier.arrive $0xFFFF  }
0x4c: {  	_ =	swait.ge [sflag:s30], $0x3E80  }
0x4d: {  	[sflag:s30] =	ssyncset.done $0x0  }
0x4e: {  	s14 =	simm.s32 $0x1400;
	[sflag:s30] =	ssyncadd.s32 $0xFFFFC180  }
0x4f: {  	[spmem:s2] =	stream.indirect.scatter.add.f32 [tilespmem:s26], [sflag:$0x4], $0x80, s14, s25, $0xb8;
	[tilespmem:$0x1E080] =	vst v63  }
0x50: {  	_ =	swait.ge [sflag:s23], $0x3E80  }
0x51: {  	[sflag:s23] =	ssyncset.done $0x0  }
0x52: {  	s13 =	simm.s32 $0x100;
	[sflag:s23] =	ssyncadd.s32 $0xFFFFC180  }
0x53: {  	[tilespmem:s26], [sflag:$0x1] =	stream.indirect.gather [hbm4b:s5+s25], $0x80, s13, s25, $0xb8;
	[tilespmem:$0x1E080] =	vst v63  }
0x54: {  	_ =	swait.ge [sflag:s31], $0x3E80  }
0x55: {  	[sflag:s31] =	ssyncset.done $0x0  }
0x56: {  	s14 =	simm.s32 $0x1480;
	[sflag:s31] =	ssyncadd.s32 $0xFFFFC180  }
0x57: {  	[spmem:s2] =	stream.indirect.scatter.add.f32 [tilespmem:s29], [sflag:$0x4], $0x80, s14, s25, $0xb8;
	[tilespmem:$0x1E080] =	vst v63  }
0x58: {  	_ =	swait.ge [sflag:s23], $0x3E80  }
0x59: {  	[sflag:s23] =	ssyncset.done $0x0  }
0x5a: {  	s12 =	simm.s32 $0x400;
	s13 =	simm.s32 $0x180;
	[sflag:s23] =	ssyncadd.s32 $0xFFFFC180  }
.LBB2_8:
0x5b: {  	[tilespmem:s29], [sflag:$0x2] =	stream.indirect.gather [hbm4b:s5+s25], $0x80, s13, s25, $0xb8;
	[tilespmem:$0x1E080] =	vst v63  }
0x5c: {  	s13 =	smov.u32 s12  }
0x5d: {  	p2 =	sne.s32 s12, $0x4800;
	s12 =	sadd.s32 $0x400, s12;
	_ =	swait.ge [sflag:s30], $0x3E80  }
0x5e: {  	s13 =	sshra.s32 s13, $0x2;
	[sflag:s30] =	ssyncset.done $0x0  }
0x5f: {  	s14 =	sadd.s32 $0x1400, s13;
	[sflag:s30] =	ssyncadd.s32 $0xFFFFC180  }
0x60: {  	[spmem:s2] =	stream.indirect.scatter.add.f32 [tilespmem:s26], [sflag:$0x4], $0x80, s14, s25, $0xb8;
	[tilespmem:$0x1E080] =	vst v63  }
0x61: {  	_ =	swait.ge [sflag:s23], $0x3E80  }
0x62: {  	[sflag:s23] =	ssyncset.done $0x0  }
0x63: {  	s14 =	sadd.s32 $0x100, s13;
	[sflag:s23] =	ssyncadd.s32 $0xFFFFC180  }
0x64: {  	[tilespmem:s26], [sflag:$0x1] =	stream.indirect.gather [hbm4b:s5+s25], $0x80, s14, s25, $0xb8;
	[tilespmem:$0x1E080] =	vst v63  }
0x65: {  	_ =	swait.ge [sflag:s31], $0x3E80  }
0x66: {  	[sflag:s31] =	ssyncset.done $0x0  }
.Ltmp3:
0x67: {  	s14 =	sadd.s32 $0x1480, s13;
	[sflag:s31] =	ssyncadd.s32 $0xFFFFC180;
	(pc) =	sbr.rel @p2 .LBB2_8-.Ltmp3, $4  }
0x68: {  	[spmem:s2] =	stream.indirect.scatter.add.f32 [tilespmem:s29], [sflag:$0x4], $0x80, s14, s25, $0xb8;
	[tilespmem:$0x1E080] =	vst v63  }
0x69: {  	_ =	swait.ge [sflag:s23], $0x3E80  }
0x6a: {  	[sflag:s23] =	ssyncset.done $0x0  }
0x6b: {  	s13 =	sadd.s32 $0x180, s13;
	[sflag:s23] =	ssyncadd.s32 $0xFFFFC180  }
0x6c: {  	[tilespmem:s29], [sflag:$0x2] =	stream.indirect.gather [hbm4b:s5+s25], $0x80, s13, s25, $0xb8;
	[tilespmem:$0x1E080] =	vst v63  }
0x6d: {  	_ =	swait.ge [sflag:s30], $0x3E80  }
0x6e: {  	[sflag:s30] =	ssyncset.done $0x0  }
0x6f: {  	[sflag:s30] =	ssyncadd.s32 $0xFFFFC180  }
0x70: {  	[spmem:s2] =	stream.indirect.scatter.add.f32 [tilespmem:s26], [sflag:$0x4], $0x80, s0, s25, $0xb8;
	[tilespmem:$0x1E080] =	vst v63  }
0x71: {  	_ =	swait.ge [sflag:s23], $0x3E80  }
0x72: {  	[sflag:s23] =	ssyncset.done $0x0  }
0x73: {  	[sflag:s23] =	ssyncadd.s32 $0xFFFFC180  }
0x74: {  	_ =	swait.ge [sflag:s31], $0x3E80  }
0x75: {  	[sflag:s31] =	ssyncset.done $0x0  }
0x76: {  	[sflag:s31] =	ssyncadd.s32 $0xFFFFC180  }
0x77: {  	[spmem:s2] =	stream.indirect.scatter.add.f32 [tilespmem:s29], [sflag:$0x4], $0x80, s1, s25, $0xb8;
	[tilespmem:$0x1E080] =	vst v63  }
0x78: {  	_ =	swait.ge [sflag:s23], $0x3E80  }
0x79: {  	[sflag:s23] =	ssyncset.done $0x0  }
0x7a: {  	s12 =	simm.s32 $0x0;
	[sflag:s23] =	ssyncadd.s32 $0xFFFFC180  }
0x7b: {  	[tilespmem:s12], [sflag:$0x4] =	stream.linear.gather [hbm4b:s10+s12], $0x1400, $0x38;
	[tilespmem:$0x1E080] =	vst v63  }
0x7c: {  	_ =	swait.ge [sflag:s23], $0x1400  }
0x7d: {  	[sflag:s23] =	ssyncset.done $0x0  }
0x7e: {  	[sflag:s23] =	ssyncadd.s32 $0xFFFFEC00  }
0x7f: {  	[tilespmem:s24], [sflag:$0x4] =	stream.linear.gather [hbm4b:s11+s12], $0x1400, $0x38;
	[tilespmem:$0x1E080] =	vst v63  }
0x80: {  	_ =	swait.ge [sflag:s23], $0x1400  }
0x81: {  	[sflag:s23] =	ssyncset.done $0x0  }
0x82: {  	[sflag:s23] =	ssyncadd.s32 $0xFFFFEC00  }
0x83: {  	[tilespmem:s26], [sflag:$0x1] =	stream.indirect.gather [hbm4b:s5+s25], $0x80, s12, s25, $0xb8;
	[tilespmem:$0x1E080] =	vst v63  }
0x84: {  	_ = 	snop  }
0x85: {  	[tilespmem:s29], [sflag:$0x2] =	stream.indirect.gather [hbm4b:s5+s25], $0x80, s28, s25, $0xb8;
	[tilespmem:$0x1E080] =	vst v63  }
0x86: {  	_ =	swait.ge [sflag:s30], $0x3E80  }
0x87: {  	[sflag:s30] =	ssyncset.done $0x0  }
0x88: {  	s14 =	simm.s32 $0x1400;
	[sflag:s30] =	ssyncadd.s32 $0xFFFFC180  }
0x89: {  	[spmem:s2] =	stream.indirect.scatter.add.f32 [tilespmem:s26], [sflag:$0x4], $0x80, s14, s25, $0xb8;
	[tilespmem:$0x1E080] =	vst v63  }
0x8a: {  	_ =	swait.ge [sflag:s23], $0x3E80  }
0x8b: {  	[sflag:s23] =	ssyncset.done $0x0  }
0x8c: {  	s13 =	simm.s32 $0x100;
	[sflag:s23] =	ssyncadd.s32 $0xFFFFC180  }
0x8d: {  	[tilespmem:s26], [sflag:$0x1] =	stream.indirect.gather [hbm4b:s5+s25], $0x80, s13, s25, $0xb8;
	[tilespmem:$0x1E080] =	vst v63  }
0x8e: {  	_ =	swait.ge [sflag:s31], $0x3E80  }
0x8f: {  	[sflag:s31] =	ssyncset.done $0x0  }
0x90: {  	s14 =	simm.s32 $0x1480;
	[sflag:s31] =	ssyncadd.s32 $0xFFFFC180  }
0x91: {  	[spmem:s2] =	stream.indirect.scatter.add.f32 [tilespmem:s29], [sflag:$0x4], $0x80, s14, s25, $0xb8;
	[tilespmem:$0x1E080] =	vst v63  }
0x92: {  	_ =	swait.ge [sflag:s23], $0x3E80  }
0x93: {  	[sflag:s23] =	ssyncset.done $0x0  }
0x94: {  	s12 =	simm.s32 $0x400;
	s13 =	simm.s32 $0x180;
	[sflag:s23] =	ssyncadd.s32 $0xFFFFC180  }
.LBB2_10:
0x95: {  	[tilespmem:s29], [sflag:$0x2] =	stream.indirect.gather [hbm4b:s5+s25], $0x80, s13, s25, $0xb8;
	[tilespmem:$0x1E080] =	vst v63  }
0x96: {  	s13 =	smov.u32 s12  }
0x97: {  	p2 =	sne.s32 s12, $0x4800;
	s12 =	sadd.s32 $0x400, s12;
	_ =	swait.ge [sflag:s30], $0x3E80  }
0x98: {  	s13 =	sshra.s32 s13, $0x2;
	[sflag:s30] =	ssyncset.done $0x0  }
0x99: {  	s14 =	sadd.s32 $0x1400, s13;
	[sflag:s30] =	ssyncadd.s32 $0xFFFFC180  }
0x9a: {  	[spmem:s2] =	stream.indirect.scatter.add.f32 [tilespmem:s26], [sflag:$0x4], $0x80, s14, s25, $0xb8;
	[tilespmem:$0x1E080] =	vst v63  }
0x9b: {  	_ =	swait.ge [sflag:s23], $0x3E80  }
0x9c: {  	[sflag:s23] =	ssyncset.done $0x0  }
0x9d: {  	s14 =	sadd.s32 $0x100, s13;
	[sflag:s23] =	ssyncadd.s32 $0xFFFFC180  }
0x9e: {  	[tilespmem:s26], [sflag:$0x1] =	stream.indirect.gather [hbm4b:s5+s25], $0x80, s14, s25, $0xb8;
	[tilespmem:$0x1E080] =	vst v63  }
0x9f: {  	_ =	swait.ge [sflag:s31], $0x3E80  }
0xa0: {  	[sflag:s31] =	ssyncset.done $0x0  }
.Ltmp4:
0xa1: {  	s14 =	sadd.s32 $0x1480, s13;
	[sflag:s31] =	ssyncadd.s32 $0xFFFFC180;
	(pc) =	sbr.rel @p2 .LBB2_10-.Ltmp4, $4  }
0xa2: {  	[spmem:s2] =	stream.indirect.scatter.add.f32 [tilespmem:s29], [sflag:$0x4], $0x80, s14, s25, $0xb8;
	[tilespmem:$0x1E080] =	vst v63  }
0xa3: {  	_ =	swait.ge [sflag:s23], $0x3E80  }
0xa4: {  	[sflag:s23] =	ssyncset.done $0x0  }
0xa5: {  	s13 =	sadd.s32 $0x180, s13;
	[sflag:s23] =	ssyncadd.s32 $0xFFFFC180  }
.Ltmp5:
0xa6: {  	_ = 	snop;
	(pc) =	sbr.rel .LBB2_11-.Ltmp5, $1  }
0xa7: {  	_ =	sdelay $0x3  }
.LBB2_2:
0xa8: {  	s12 =	simm.s32 @p1 $0x1FC3;
	s13 =	rddreg [dreg:$0x4]  }
0xa9: {  	[spmem:s20], [sflag:s12] =	dma.local @p1 [hbm:s13], $0x1900  }
0xaa: {  	s12 =	rddreg [dreg:$0x3]  }
0xab: {  	[spmem:s22], [sflag:s21] =	dma.local @!p1 [hbm:s12], $0x2800  }
0xac: {  	[tilespmem:s3], [sflag:$0x4] =	stream.linear.gather [hbm4b:s8+s3], $0x1400, $0x38;
	[tilespmem:$0x1E080] =	vst v63  }
0xad: {  	_ =	swait.ge [sflag:s23], $0x1400  }
0xae: {  	[sflag:s23] =	ssyncset.done $0x0  }
0xaf: {  	[sflag:s23] =	ssyncadd.s32 $0xFFFFEC00  }
0xb0: {  	[tilespmem:s24], [sflag:$0x4] =	stream.linear.gather [hbm4b:s9+s3], $0x1400, $0x38;
	[tilespmem:$0x1E080] =	vst v63  }
0xb1: {  	_ =	swait.ge [sflag:s23], $0x1400  }
0xb2: {  	[sflag:s23] =	ssyncset.done $0x0  }
0xb3: {  	[sflag:s23] =	ssyncadd.s32 $0xFFFFEC00  }
0xb4: {  	[tilespmem:s26], [sflag:$0x1] =	stream.indirect.gather [hbm4b:s4+s25], $0x80, s3, s25, $0xb8;
	[tilespmem:$0x1E080] =	vst v63  }
0xb5: {  	s12 =	simm.s32 @p1 $0x3  }
0xb6: {  	[tilespmem:s29], [sflag:$0x2] =	stream.indirect.gather [hbm4b:s4+s25], $0x80, s28, s25, $0xb8;
	[tilespmem:$0x1E080] =	vst v63  }
0xb7: {  	_ =	swait.ge @p1 [sflag:s12], $0x1900  }
0xb8: {  	[sflag:s12] =	ssyncset.done @p1 $0x0  }
0xb9: {  	[sflag:s12] =	ssyncadd.s32 @p1 $0xFFFFE700;
	s12 =	simm.s32 @!p1 $0x3  }
0xba: {  	_ =	swait.ge @!p1 [sflag:s12], $0x2800  }
0xbb: {  	[sflag:s12] =	ssyncset.done @!p1 $0x0  }
0xbc: {  	[sflag:s12] =	ssyncadd.s32 @!p1 $0xFFFFD800  }
0xbd: {  	[bflag:$0x0] =	sbarrier.arrive $0xFFFF  }
0xbe: {  	_ =	swait.ge [sflag:s30], $0x3E80  }
0xbf: {  	[sflag:s30] =	ssyncset.done $0x0  }
0xc0: {  	s14 =	simm.s32 $0x1400;
	[sflag:s30] =	ssyncadd.s32 $0xFFFFC180  }
0xc1: {  	[spmem:s2] =	stream.indirect.scatter.add.f32 [tilespmem:s26], [sflag:$0x4], $0x80, s14, s25, $0xb8;
	[tilespmem:$0x1E080] =	vst v63  }
0xc2: {  	_ =	swait.ge [sflag:s23], $0x3E80  }
0xc3: {  	[sflag:s23] =	ssyncset.done $0x0  }
0xc4: {  	s13 =	simm.s32 $0x100;
	[sflag:s23] =	ssyncadd.s32 $0xFFFFC180  }
0xc5: {  	[tilespmem:s26], [sflag:$0x1] =	stream.indirect.gather [hbm4b:s4+s25], $0x80, s13, s25, $0xb8;
	[tilespmem:$0x1E080] =	vst v63  }
0xc6: {  	_ =	swait.ge [sflag:s31], $0x3E80  }
0xc7: {  	[sflag:s31] =	ssyncset.done $0x0  }
0xc8: {  	s14 =	simm.s32 $0x1480;
	[sflag:s31] =	ssyncadd.s32 $0xFFFFC180  }
0xc9: {  	[spmem:s2] =	stream.indirect.scatter.add.f32 [tilespmem:s29], [sflag:$0x4], $0x80, s14, s25, $0xb8;
	[tilespmem:$0x1E080] =	vst v63  }
0xca: {  	_ =	swait.ge [sflag:s23], $0x3E80  }
0xcb: {  	[sflag:s23] =	ssyncset.done $0x0  }
0xcc: {  	s12 =	simm.s32 $0x400;
	s13 =	simm.s32 $0x180;
	[sflag:s23] =	ssyncadd.s32 $0xFFFFC180  }
.LBB2_3:
0xcd: {  	[tilespmem:s29], [sflag:$0x2] =	stream.indirect.gather [hbm4b:s4+s25], $0x80, s13, s25, $0xb8;
	[tilespmem:$0x1E080] =	vst v63  }
0xce: {  	s13 =	smov.u32 s12  }
0xcf: {  	p2 =	sne.s32 s12, $0x4800;
	s12 =	sadd.s32 $0x400, s12;
	_ =	swait.ge [sflag:s30], $0x3E80  }
0xd0: {  	s13 =	sshra.s32 s13, $0x2;
	[sflag:s30] =	ssyncset.done $0x0  }
0xd1: {  	s14 =	sadd.s32 $0x1400, s13;
	[sflag:s30] =	ssyncadd.s32 $0xFFFFC180  }
0xd2: {  	[spmem:s2] =	stream.indirect.scatter.add.f32 [tilespmem:s26], [sflag:$0x4], $0x80, s14, s25, $0xb8;
	[tilespmem:$0x1E080] =	vst v63  }
0xd3: {  	_ =	swait.ge [sflag:s23], $0x3E80  }
0xd4: {  	[sflag:s23] =	ssyncset.done $0x0  }
0xd5: {  	s14 =	sadd.s32 $0x100, s13;
	[sflag:s23] =	ssyncadd.s32 $0xFFFFC180  }
0xd6: {  	[tilespmem:s26], [sflag:$0x1] =	stream.indirect.gather [hbm4b:s4+s25], $0x80, s14, s25, $0xb8;
	[tilespmem:$0x1E080] =	vst v63  }
0xd7: {  	_ =	swait.ge [sflag:s31], $0x3E80  }
0xd8: {  	[sflag:s31] =	ssyncset.done $0x0  }
.Ltmp6:
0xd9: {  	s14 =	sadd.s32 $0x1480, s13;
	[sflag:s31] =	ssyncadd.s32 $0xFFFFC180;
	(pc) =	sbr.rel @p2 .LBB2_3-.Ltmp6, $4  }
0xda: {  	[spmem:s2] =	stream.indirect.scatter.add.f32 [tilespmem:s29], [sflag:$0x4], $0x80, s14, s25, $0xb8;
	[tilespmem:$0x1E080] =	vst v63  }
0xdb: {  	_ =	swait.ge [sflag:s23], $0x3E80  }
0xdc: {  	[sflag:s23] =	ssyncset.done $0x0  }
0xdd: {  	s13 =	sadd.s32 $0x180, s13;
	[sflag:s23] =	ssyncadd.s32 $0xFFFFC180  }
0xde: {  	[tilespmem:s29], [sflag:$0x2] =	stream.indirect.gather [hbm4b:s4+s25], $0x80, s13, s25, $0xb8;
	[tilespmem:$0x1E080] =	vst v63  }
0xdf: {  	_ =	swait.ge [sflag:s30], $0x3E80  }
0xe0: {  	[sflag:s30] =	ssyncset.done $0x0  }
0xe1: {  	[sflag:s30] =	ssyncadd.s32 $0xFFFFC180  }
0xe2: {  	[spmem:s2] =	stream.indirect.scatter.add.f32 [tilespmem:s26], [sflag:$0x4], $0x80, s0, s25, $0xb8;
	[tilespmem:$0x1E080] =	vst v63  }
0xe3: {  	_ =	swait.ge [sflag:s23], $0x3E80  }
0xe4: {  	[sflag:s23] =	ssyncset.done $0x0  }
0xe5: {  	[sflag:s23] =	ssyncadd.s32 $0xFFFFC180  }
0xe6: {  	_ =	swait.ge [sflag:s31], $0x3E80  }
0xe7: {  	[sflag:s31] =	ssyncset.done $0x0  }
0xe8: {  	[sflag:s31] =	ssyncadd.s32 $0xFFFFC180  }
0xe9: {  	[spmem:s2] =	stream.indirect.scatter.add.f32 [tilespmem:s29], [sflag:$0x4], $0x80, s1, s25, $0xb8;
	[tilespmem:$0x1E080] =	vst v63  }
0xea: {  	_ =	swait.ge [sflag:s23], $0x3E80  }
0xeb: {  	[sflag:s23] =	ssyncset.done $0x0  }
0xec: {  	s12 =	simm.s32 $0x0;
	[sflag:s23] =	ssyncadd.s32 $0xFFFFC180  }
0xed: {  	[tilespmem:s12], [sflag:$0x4] =	stream.linear.gather [hbm4b:s10+s12], $0x1400, $0x38;
	[tilespmem:$0x1E080] =	vst v63  }
0xee: {  	_ =	swait.ge [sflag:s23], $0x1400  }
0xef: {  	[sflag:s23] =	ssyncset.done $0x0  }
0xf0: {  	[sflag:s23] =	ssyncadd.s32 $0xFFFFEC00  }
0xf1: {  	[tilespmem:s24], [sflag:$0x4] =	stream.linear.gather [hbm4b:s11+s12], $0x1400, $0x38;
	[tilespmem:$0x1E080] =	vst v63  }
0xf2: {  	_ =	swait.ge [sflag:s23], $0x1400  }
0xf3: {  	[sflag:s23] =	ssyncset.done $0x0  }
0xf4: {  	[sflag:s23] =	ssyncadd.s32 $0xFFFFEC00  }
0xf5: {  	[tilespmem:s26], [sflag:$0x1] =	stream.indirect.gather [hbm4b:s4+s25], $0x80, s12, s25, $0xb8;
	[tilespmem:$0x1E080] =	vst v63  }
0xf6: {  	_ = 	snop  }
0xf7: {  	[tilespmem:s29], [sflag:$0x2] =	stream.indirect.gather [hbm4b:s4+s25], $0x80, s28, s25, $0xb8;
	[tilespmem:$0x1E080] =	vst v63  }
0xf8: {  	_ =	swait.ge [sflag:s30], $0x3E80  }
0xf9: {  	[sflag:s30] =	ssyncset.done $0x0  }
0xfa: {  	s14 =	simm.s32 $0x1400;
	[sflag:s30] =	ssyncadd.s32 $0xFFFFC180  }
0xfb: {  	[spmem:s2] =	stream.indirect.scatter.add.f32 [tilespmem:s26], [sflag:$0x4], $0x80, s14, s25, $0xb8;
	[tilespmem:$0x1E080] =	vst v63  }
0xfc: {  	_ =	swait.ge [sflag:s23], $0x3E80  }
0xfd: {  	[sflag:s23] =	ssyncset.done $0x0  }
0xfe: {  	s13 =	simm.s32 $0x100;
	[sflag:s23] =	ssyncadd.s32 $0xFFFFC180  }
0xff: {  	[tilespmem:s26], [sflag:$0x1] =	stream.indirect.gather [hbm4b:s4+s25], $0x80, s13, s25, $0xb8;
	[tilespmem:$0x1E080] =	vst v63  }
0x100: {  	_ =	swait.ge [sflag:s31], $0x3E80  }
0x101: {  	[sflag:s31] =	ssyncset.done $0x0  }
0x102: {  	s14 =	simm.s32 $0x1480;
	[sflag:s31] =	ssyncadd.s32 $0xFFFFC180  }
0x103: {  	[spmem:s2] =	stream.indirect.scatter.add.f32 [tilespmem:s29], [sflag:$0x4], $0x80, s14, s25, $0xb8;
	[tilespmem:$0x1E080] =	vst v63  }
0x104: {  	_ =	swait.ge [sflag:s23], $0x3E80  }
0x105: {  	[sflag:s23] =	ssyncset.done $0x0  }
0x106: {  	s12 =	simm.s32 $0x400;
	s13 =	simm.s32 $0x180;
	[sflag:s23] =	ssyncadd.s32 $0xFFFFC180  }
.LBB2_5:
0x107: {  	[tilespmem:s29], [sflag:$0x2] =	stream.indirect.gather [hbm4b:s4+s25], $0x80, s13, s25, $0xb8;
	[tilespmem:$0x1E080] =	vst v63  }
0x108: {  	s13 =	smov.u32 s12  }
0x109: {  	p2 =	sne.s32 s12, $0x4800;
	s12 =	sadd.s32 $0x400, s12;
	_ =	swait.ge [sflag:s30], $0x3E80  }
0x10a: {  	s13 =	sshra.s32 s13, $0x2;
	[sflag:s30] =	ssyncset.done $0x0  }
0x10b: {  	s14 =	sadd.s32 $0x1400, s13;
	[sflag:s30] =	ssyncadd.s32 $0xFFFFC180  }
0x10c: {  	[spmem:s2] =	stream.indirect.scatter.add.f32 [tilespmem:s26], [sflag:$0x4], $0x80, s14, s25, $0xb8;
	[tilespmem:$0x1E080] =	vst v63  }
0x10d: {  	_ =	swait.ge [sflag:s23], $0x3E80  }
0x10e: {  	[sflag:s23] =	ssyncset.done $0x0  }
0x10f: {  	s14 =	sadd.s32 $0x100, s13;
	[sflag:s23] =	ssyncadd.s32 $0xFFFFC180  }
0x110: {  	[tilespmem:s26], [sflag:$0x1] =	stream.indirect.gather [hbm4b:s4+s25], $0x80, s14, s25, $0xb8;
	[tilespmem:$0x1E080] =	vst v63  }
0x111: {  	_ =	swait.ge [sflag:s31], $0x3E80  }
0x112: {  	[sflag:s31] =	ssyncset.done $0x0  }
.Ltmp7:
0x113: {  	s14 =	sadd.s32 $0x1480, s13;
	[sflag:s31] =	ssyncadd.s32 $0xFFFFC180;
	(pc) =	sbr.rel @p2 .LBB2_5-.Ltmp7, $4  }
0x114: {  	[spmem:s2] =	stream.indirect.scatter.add.f32 [tilespmem:s29], [sflag:$0x4], $0x80, s14, s25, $0xb8;
	[tilespmem:$0x1E080] =	vst v63  }
0x115: {  	_ =	swait.ge [sflag:s23], $0x3E80  }
0x116: {  	[sflag:s23] =	ssyncset.done $0x0  }
0x117: {  	s13 =	sadd.s32 $0x180, s13;
	[sflag:s23] =	ssyncadd.s32 $0xFFFFC180  }
0x118: {  	[tilespmem:s29], [sflag:$0x2] =	stream.indirect.gather [hbm4b:s4+s25], $0x80, s13, s25, $0xb8;
	[tilespmem:$0x1E080] =	vst v63  }
0x119: {  	_ =	swait.ge [sflag:s30], $0x3E80  }
0x11a: {  	[sflag:s30] =	ssyncset.done $0x0  }
0x11b: {  	[sflag:s30] =	ssyncadd.s32 $0xFFFFC180  }
0x11c: {  	[spmem:s2] =	stream.indirect.scatter.add.f32 [tilespmem:s26], [sflag:$0x4], $0x80, s0, s25, $0xb8;
	[tilespmem:$0x1E080] =	vst v63  }
0x11d: {  	_ =	swait.ge [sflag:s23], $0x3E80  }
0x11e: {  	[sflag:s23] =	ssyncset.done $0x0  }
0x11f: {  	[sflag:s23] =	ssyncadd.s32 $0xFFFFC180  }
0x120: {  	_ =	swait.ge [sflag:s31], $0x3E80  }
0x121: {  	[sflag:s31] =	ssyncset.done $0x0  }
0x122: {  	[sflag:s31] =	ssyncadd.s32 $0xFFFFC180  }
0x123: {  	[spmem:s2] =	stream.indirect.scatter.add.f32 [tilespmem:s29], [sflag:$0x4], $0x80, s1, s25, $0xb8;
	[tilespmem:$0x1E080] =	vst v63  }
0x124: {  	_ =	swait.ge [sflag:s23], $0x3E80  }
0x125: {  	[sflag:s23] =	ssyncset.done $0x0  }
0x126: {  	[sflag:s23] =	ssyncadd.s32 $0xFFFFC180  }
0x127: {  	[bflag:$0x0] =	sbarrier.arrive $0xFFFF  }
0x128: {  	s12 =	simm.s32 @p1 $0x1FC4;
	s13 =	rddreg [dreg:$0x6]  }
0x129: {  	[hbm:s13], [sflag:s12] =	dma.local @p1 [spmem:s20], $0x1900  }
0x12a: {  	s12 =	simm.s32 @p1 $0x4  }
0x12b: {  	_ =	swait.ge @p1 [sflag:s12], $0x1900  }
0x12c: {  	[sflag:s12] =	ssyncset.done @p1 $0x0  }
0x12d: {  	[sflag:s12] =	ssyncadd.s32 @p1 $0xFFFFE700;
	s12 =	rddreg [dreg:$0x5]  }
0x12e: {  	[hbm:s12], [sflag:s7] =	dma.local @!p1 [spmem:s22], $0x2800  }
.Ltmp8:
0x12f: {  	_ = 	snop;
	(pc) =	sbr.rel .LBB2_12-.Ltmp8, $4  }
0x130: {  	s7 =	simm.s32 @!p1 $0x4  }
0x131: {  	_ =	swait.ge @!p1 [sflag:s7], $0x2800  }
0x132: {  	[sflag:s7] =	ssyncset.done @!p1 $0x0  }
0x133: {  	[sflag:s7] =	ssyncadd.s32 @!p1 $0xFFFFD800  }
.LBB2_13:
0x134: {  	_ =	sfence.sel $0x180000  }
0x135: {  	[bflag:$0x0] =	sbarrier.arrive $0xFFFF  }
0x136: {  	_ =	strace $0x90000050  }
0x137: {  	s0 =	stileid.u32;
	[bflag:$0x2] =	sbarrier.arrive $0xFFFF  }
0x138: {  	p0 =	sne.s32 s0, $0x0;
	s0 =	rddreg [dreg:$0x2]  }
0x139: {  	s0 =	sadd.s32 @!p0 $0x100000, s0  }
0x13a: {  	[sflag:s0] =	ssyncadd.tile.s32 @!p0 $0x1;
	_ =	shalt  }
.Lfunc_end2:
_tile_overlayer_lowered:
.L_overlay_start_2:
0x13b: {  	(tag) =	ssettag $0x2  }
0x13c: {  	s0 =	rddreg [dreg:$0x0];
	s2 =	stileid.u32  }
0x13d: {  	s1 =	rddreg [dreg:$0x1];
	p0 =	sne.s32 s2, $0x0  }
0x13e: {  	s3 =	rddreg [dreg:$0x2];
	[bflag:$0x3] =	sbarrier.arrive $0xFFFF;
	s2 =	simm.s32 @!p0 $0x1C04  }
0x13f: {  	[timem:s3], [sflag:s2] =	dma.local @!p0 [hbm:s0], s1  }
0x140: {  	s0 =	simm.s32 @!p0 $0x4  }
0x141: {  	_ =	swait.ge @!p0 [sflag:s0], s1  }
0x142: {  	s1 =	ssub.s32 @!p0 $0x0, s1;
	[sflag:s0] =	ssyncset.done @!p0 $0x0  }
0x143: {  	[sflag:s0] =	ssyncadd.s32 @!p0 s1  }
0x144: {  	[bflag:$0x3] =	sbarrier.arrive $0xFFFF  }
0x145: {  	_ =	shalt  }

</sc_bundles>
